<compile_context>
chip_gen: v7x
topology: tpu7x:2x2x1
jax: 0.10.2.dev20260603
libtpu: 0.0.44.dev20260713+nightly
codegen_flags: <defaults>
</compile_context>

<pallas_src>
import jax
import jax.numpy as jnp
from jax import lax
from jax.experimental import pallas as pl
from jax.experimental.pallas import tpu as pltpu
from jax.experimental.pallas import tpu_sc as plsc

P = 16
D = 1024
N_CTX = 8192
VOCAB = 258
PAD_ID = 257
NB = 4

_info = plsc.get_sparse_core_info()
NC, NS, L = _info.num_cores, _info.num_subcores, _info.num_lanes
NW = NC * NS

JSLAB = N_CTX // NW
CHUNK = P
STEPS = (JSLAB // CHUNK) * NB
NRB = 3


def _sc_body(ids_hbm, byte_hbm, pos_hbm, out_hbm,
             idx_v, rows_v, pos_v, outb_v, gsem, psem, osem):
    sid = lax.axis_index("s")
    wid = sid * NC + lax.axis_index("c")
    jbase = wid * JSLAB
    kbase = jbase // P

    def gather(t):
        b = lax.rem(t, NB)
        c = lax.div(t, NB)
        idx = idx_v.at[pl.ds(b * JSLAB + c * CHUNK, CHUNK)]
        pltpu.async_copy(byte_hbm.at[idx], rows_v.at[lax.rem(t, NRB)], gsem)

    for b in range(NB):
        pltpu.sync_copy(ids_hbm.at[pl.ds(b * N_CTX + jbase, JSLAB)],
                        idx_v.at[pl.ds(b * JSLAB, JSLAB)])

    pltpu.async_copy(pos_hbm.at[pl.ds(jbase, CHUNK)], pos_v.at[0], psem)
    gather(0)

    def step(t, _):
        b = lax.rem(t, NB)
        c = lax.div(t, NB)
        rbuf = lax.rem(t, NRB)
        obuf = lax.rem(t, 2)
        pbuf = lax.rem(c, 2)

        @pl.when(t < STEPS - 1)
        def _():
            gather(t + 1)

        @pl.when(b == 0)
        def _():
            pltpu.make_async_copy(pos_hbm.at[pl.ds(0, CHUNK)], pos_v.at[0],
                                  psem).wait()

        @pl.when(jnp.logical_and(b == NB - 1, t < STEPS - 1))
        def _():
            pltpu.async_copy(pos_hbm.at[pl.ds(jbase + (c + 1) * CHUNK, CHUNK)],
                             pos_v.at[lax.rem(c + 1, 2)], psem)

        @pl.when(t >= 2)
        def _():
            pltpu.make_async_copy(outb_v.at[0],
                                  out_hbm.at[0, pl.ds(0, 1)], osem).wait()

        pltpu.make_async_copy(byte_hbm.at[idx_v.at[pl.ds(0, CHUNK)]],
                              rows_v.at[0], gsem).wait()
        rv = rows_v.at[rbuf]
        pv = pos_v.at[pbuf]
        ov = outb_v.at[obuf]

        @plsc.parallel_loop(0, CHUNK, unroll=2)
        def add_row(i):
            for k in range(D // L):
                col = k * L
                ov[0, pl.ds(i * D + col, L)] = (
                    rv[i, pl.ds(col, L)] + pv[i, pl.ds(col, L)]
                )

        pltpu.async_copy(ov, out_hbm.at[b, pl.ds(kbase + c, 1)], osem)
        return 0

    lax.fori_loop(0, STEPS, step, 0)
    for _ in range(2):
        pltpu.make_async_copy(outb_v.at[0], out_hbm.at[0, pl.ds(0, 1)],
                              osem).wait()


@jax.jit
def kernel(x_bytes, byte_embed, global_pos_embed):
    B, T = x_bytes.shape
    K = T // P
    pad = jnp.full((B, P), PAD_ID, dtype=jnp.int32)
    ids = jnp.concatenate([pad, x_bytes[:, : T - P].astype(jnp.int32)], axis=1)
    ids_flat = ids.reshape(B * T)

    mesh = plsc.VectorSubcoreMesh(core_axis_name="c", subcore_axis_name="s")
    run = pl.kernel(
        _sc_body,
        mesh=mesh,
        out_type=jax.ShapeDtypeStruct((B, K, P * D), jnp.float32),
        scratch_types=[
            pltpu.VMEM((NB * JSLAB,), jnp.int32),
            pltpu.VMEM((NRB, CHUNK, D), jnp.float32),
            pltpu.VMEM((2, CHUNK, D), jnp.float32),
            pltpu.VMEM((2, 1, P * D), jnp.float32),
            pltpu.SemaphoreType.DMA,
            pltpu.SemaphoreType.DMA,
            pltpu.SemaphoreType.DMA,
        ],
    )
    return run(ids_flat, byte_embed, global_pos_embed)

# --- scband reference (transcript-rebuilt; emitter-appended) ---
"""Pipeline reference for scband-patch-embed-43748536877264 (READ-ONLY COPY).

The authoritative reference and input builder live on the scoring server;
editing this copy changes nothing except your own understanding.
"""

import jax, jax.numpy as jnp
import numpy as np

P = 16
D_G = 1024
VOCAB = 258
N_CTX = 8192
PAD_ID = 257
B = 4
T = 8192


def setup_inputs(seed: int = 0) -> dict:
    key = jax.random.key(seed)
    k1, k2, k3 = jax.random.split(key, 3)
    x_bytes = jax.random.randint(k1, (B, T), 0, 256)
    byte_embed = jax.random.normal(k2, (VOCAB, D_G), dtype=jnp.float32)
    global_pos_embed = jax.random.normal(k3, (N_CTX, D_G), dtype=jnp.float32)
    return {"x_bytes": x_bytes, "byte_embed": byte_embed, "global_pos_embed": global_pos_embed}


def reference(x_bytes, byte_embed, global_pos_embed):
    Bz, Tz = x_bytes.shape
    K = Tz // P
    # pad one patch-row of pad_id at the front along the patch axis
    g_pad_ids = jnp.pad(x_bytes.reshape(Bz, K, P), ((0, 0), (1, 0), (0, 0)), constant_values=PAD_ID)
    ids = g_pad_ids.reshape(Bz, -1)  # [B, (K+1)*P]
    g_pad_embed = jnp.take(byte_embed, ids, axis=0)  # [B, (K+1)*P, D_G]
    positions = (jnp.arange(ids.shape[1]) % N_CTX)[None, :]
    g_pad_embed = g_pad_embed + jnp.take(global_pos_embed, positions, axis=0)
    global_in = g_pad_embed.reshape(Bz, K + 1, P * D_G)
    x = global_in[:, :-1]
    return x

if __name__ == "__main__":
    import jax
    _d = setup_inputs()
    print(jax.jit(kernel)(*tuple(_d.values())))

</pallas_src>

<mosaic_0001>
#map = affine_map<(d0, d1) -> (0)>
#map1 = affine_map<(d0, d1) -> (0, 0)>
#map2 = affine_map<(d0, d1) -> (0, 0, 0)>
module attributes {stable_mosaic.version = 14 : i64} {
  func.func @_sc_body(%arg0: i32, %arg1: i32, %arg2: memref<32768xi32, #tpu.memory_space<hbm>>, %arg3: memref<258x1024xf32, #tpu.memory_space<hbm>>, %arg4: memref<8192x1024xf32, #tpu.memory_space<hbm>>, %arg5: memref<4x512x16384xf32, #tpu.memory_space<hbm>>, %arg6: memref<1024xi32, #tpu.memory_space<vmem>>, %arg7: memref<3x16x1024xf32, #tpu.memory_space<vmem>>, %arg8: memref<2x16x1024xf32, #tpu.memory_space<vmem>>, %arg9: memref<2x1x16384xf32, #tpu.memory_space<vmem>>, %arg10: memref<!tpu.dma_semaphore, #tpu.memory_space<semaphore_mem>>, %arg11: memref<!tpu.dma_semaphore, #tpu.memory_space<semaphore_mem>>, %arg12: memref<!tpu.dma_semaphore, #tpu.memory_space<semaphore_mem>>) attributes {dimension_semantics = [#tpu.dimension_semantics<core_parallel>, #tpu.dimension_semantics<subcore_parallel>], iteration_bounds = array<i64: 2, 16>, scalar_prefetch = 0 : i64, scratch_operands = 7 : i64, tpu.core_type = #tpu.core_type<sc_vector_subcore>, window_params = [{transform_indices = #map}, {transform_indices = #map1}, {transform_indices = #map1}, {transform_indices = #map2}]} {
    %mul3A = arith.constant 2 : i32
    %mul3A_0 = arith.muli %arg1, %mul3A : i32
    %add3A = arith.addi %mul3A_0, %arg0 : i32
    %mul3A_1 = arith.constant 256 : i32
    %mul3A_2 = arith.muli %add3A, %mul3A_1 : i32
    %jit3A = arith.constant 16 : i32
    %div3A = arith.divsi %mul3A_2, %jit3A : i32
    %sign3A = arith.constant 0 : i32
    %sign3A_3 = arith.cmpi sgt, %mul3A_2, %sign3A : i32
    %sign3A_4 = arith.extui %sign3A_3 : i1 to i32
    %sign3A_5 = arith.constant 0 : i32
    %sign3A_6 = arith.cmpi slt, %mul3A_2, %sign3A_5 : i32
    %sign3A_7 = arith.extui %sign3A_6 : i1 to i32
    %sign3A_8 = arith.subi %sign3A_4, %sign3A_7 : i32
    %sign3A_9 = arith.constant 0 : i32
    %sign3A_10 = arith.cmpi sgt, %jit3A, %sign3A_9 : i32
    %sign3A_11 = arith.extui %sign3A_10 : i1 to i32
    %sign3A_12 = arith.constant 0 : i32
    %sign3A_13 = arith.cmpi slt, %jit3A, %sign3A_12 : i32
    %sign3A_14 = arith.extui %sign3A_13 : i1 to i32
    %sign3A_15 = arith.subi %sign3A_11, %sign3A_14 : i32
    %ne3A = arith.cmpi ne, %sign3A_8, %sign3A_15 : i32
    %rem3A = arith.remsi %mul3A_2, %jit3A : i32
    %ne3A_16 = arith.constant 0 : i32
    %ne3A_17 = arith.cmpi ne, %rem3A, %ne3A_16 : i32
    %and3A = arith.andi %ne3A, %ne3A_17 : i1
    %sub3A = arith.constant 1 : i32
    %sub3A_18 = arith.subi %div3A, %sub3A : i32
    %select_n3A = arith.select %and3A, %sub3A_18, %div3A : i32
    %add3A_19 = arith.constant 0 : i32
    %add3A_20 = arith.addi %add3A_19, %mul3A_2 : i32
    "tpu.region"() ({
      %run_scoped3A = tpu.sem_alloc : memref<!tpu.dma_semaphore, #tpu.memory_space<semaphore_mem>>
      %dma_start3A_102 = arith.constant 0 : i32
      %dma_start3A_103 = tpu.memref_slice %arg6[%dma_start3A_102] : memref<1024xi32, #tpu.memory_space<vmem>> -> memref<256xi32, #tpu.memory_space<vmem>>
      %dma_start3A_104 = tpu.memref_slice %arg2[%add3A_20] : memref<32768xi32, #tpu.memory_space<hbm>> -> memref<256xi32, #tpu.memory_space<hbm>>
      %dma_start3A_105 = arith.constant 0 : i32
      %dma_start3A_106 = tpu.memref_slice %arg6[%dma_start3A_105] : memref<1024xi32, #tpu.memory_space<vmem>> -> memref<256xi32, #tpu.memory_space<vmem>>
      %dma_start3A_107 = tpu.memref_slice %arg2[%add3A_20] : memref<32768xi32, #tpu.memory_space<hbm>> -> memref<256xi32, #tpu.memory_space<hbm>>
      tpu.enqueue_dma source(%dma_start3A_107 : memref<256xi32, #tpu.memory_space<hbm>>) target(%dma_start3A_106 : memref<256xi32, #tpu.memory_space<vmem>>) target_semaphore(%run_scoped3A : memref<!tpu.dma_semaphore, #tpu.memory_space<semaphore_mem>>)
      %dma_wait3A_108 = arith.constant 0 : i32
      %dma_wait3A_109 = tpu.memref_slice %arg6[%dma_wait3A_108] : memref<1024xi32, #tpu.memory_space<vmem>> -> memref<256xi32, #tpu.memory_space<vmem>>
      %dma_wait3A_110 = tpu.memref_slice %arg2[%add3A_20] : memref<32768xi32, #tpu.memory_space<hbm>> -> memref<256xi32, #tpu.memory_space<hbm>>
      %dma_wait3A_111 = arith.constant 0 : i32
      %dma_wait3A_112 = tpu.memref_slice %arg6[%dma_wait3A_111] : memref<1024xi32, #tpu.memory_space<vmem>> -> memref<256xi32, #tpu.memory_space<vmem>>
      %dma_wait3A_113 = tpu.memref_slice %arg2[%add3A_20] : memref<32768xi32, #tpu.memory_space<hbm>> -> memref<256xi32, #tpu.memory_space<hbm>>
      tpu.wait_dma2 semaphore(%run_scoped3A : memref<!tpu.dma_semaphore, #tpu.memory_space<semaphore_mem>>) src(%dma_wait3A_113 : memref<256xi32, #tpu.memory_space<hbm>>) dst(%dma_wait3A_112 : memref<256xi32, #tpu.memory_space<vmem>>)
      tpu.yield
    }) : () -> ()
    %add3A_21 = arith.constant 8192 : i32
    %add3A_22 = arith.addi %add3A_21, %mul3A_2 : i32
    "tpu.region"() ({
      %run_scoped3A = tpu.sem_alloc : memref<!tpu.dma_semaphore, #tpu.memory_space<semaphore_mem>>
      %dma_start3A_102 = arith.constant 256 : i32
      %dma_start3A_103 = tpu.memref_slice %arg6[%dma_start3A_102] : memref<1024xi32, #tpu.memory_space<vmem>> -> memref<256xi32, #tpu.memory_space<vmem>>
      %dma_start3A_104 = tpu.memref_slice %arg2[%add3A_22] : memref<32768xi32, #tpu.memory_space<hbm>> -> memref<256xi32, #tpu.memory_space<hbm>>
      %dma_start3A_105 = arith.constant 256 : i32
      %dma_start3A_106 = tpu.memref_slice %arg6[%dma_start3A_105] : memref<1024xi32, #tpu.memory_space<vmem>> -> memref<256xi32, #tpu.memory_space<vmem>>
      %dma_start3A_107 = tpu.memref_slice %arg2[%add3A_22] : memref<32768xi32, #tpu.memory_space<hbm>> -> memref<256xi32, #tpu.memory_space<hbm>>
      tpu.enqueue_dma source(%dma_start3A_107 : memref<256xi32, #tpu.memory_space<hbm>>) target(%dma_start3A_106 : memref<256xi32, #tpu.memory_space<vmem>>) target_semaphore(%run_scoped3A : memref<!tpu.dma_semaphore, #tpu.memory_space<semaphore_mem>>)
      %dma_wait3A_108 = arith.constant 256 : i32
      %dma_wait3A_109 = tpu.memref_slice %arg6[%dma_wait3A_108] : memref<1024xi32, #tpu.memory_space<vmem>> -> memref<256xi32, #tpu.memory_space<vmem>>
      %dma_wait3A_110 = tpu.memref_slice %arg2[%add3A_22] : memref<32768xi32, #tpu.memory_space<hbm>> -> memref<256xi32, #tpu.memory_space<hbm>>
      %dma_wait3A_111 = arith.constant 256 : i32
      %dma_wait3A_112 = tpu.memref_slice %arg6[%dma_wait3A_111] : memref<1024xi32, #tpu.memory_space<vmem>> -> memref<256xi32, #tpu.memory_space<vmem>>
      %dma_wait3A_113 = tpu.memref_slice %arg2[%add3A_22] : memref<32768xi32, #tpu.memory_space<hbm>> -> memref<256xi32, #tpu.memory_space<hbm>>
      tpu.wait_dma2 semaphore(%run_scoped3A : memref<!tpu.dma_semaphore, #tpu.memory_space<semaphore_mem>>) src(%dma_wait3A_113 : memref<256xi32, #tpu.memory_space<hbm>>) dst(%dma_wait3A_112 : memref<256xi32, #tpu.memory_space<vmem>>)
      tpu.yield
    }) : () -> ()
    %add3A_23 = arith.constant 16384 : i32
    %add3A_24 = arith.addi %add3A_23, %mul3A_2 : i32
    "tpu.region"() ({
      %run_scoped3A = tpu.sem_alloc : memref<!tpu.dma_semaphore, #tpu.memory_space<semaphore_mem>>
      %dma_start3A_102 = arith.constant 512 : i32
      %dma_start3A_103 = tpu.memref_slice %arg6[%dma_start3A_102] : memref<1024xi32, #tpu.memory_space<vmem>> -> memref<256xi32, #tpu.memory_space<vmem>>
      %dma_start3A_104 = tpu.memref_slice %arg2[%add3A_24] : memref<32768xi32, #tpu.memory_space<hbm>> -> memref<256xi32, #tpu.memory_space<hbm>>
      %dma_start3A_105 = arith.constant 512 : i32
      %dma_start3A_106 = tpu.memref_slice %arg6[%dma_start3A_105] : memref<1024xi32, #tpu.memory_space<vmem>> -> memref<256xi32, #tpu.memory_space<vmem>>
      %dma_start3A_107 = tpu.memref_slice %arg2[%add3A_24] : memref<32768xi32, #tpu.memory_space<hbm>> -> memref<256xi32, #tpu.memory_space<hbm>>
      tpu.enqueue_dma source(%dma_start3A_107 : memref<256xi32, #tpu.memory_space<hbm>>) target(%dma_start3A_106 : memref<256xi32, #tpu.memory_space<vmem>>) target_semaphore(%run_scoped3A : memref<!tpu.dma_semaphore, #tpu.memory_space<semaphore_mem>>)
      %dma_wait3A_108 = arith.constant 512 : i32
      %dma_wait3A_109 = tpu.memref_slice %arg6[%dma_wait3A_108] : memref<1024xi32, #tpu.memory_space<vmem>> -> memref<256xi32, #tpu.memory_space<vmem>>
      %dma_wait3A_110 = tpu.memref_slice %arg2[%add3A_24] : memref<32768xi32, #tpu.memory_space<hbm>> -> memref<256xi32, #tpu.memory_space<hbm>>
      %dma_wait3A_111 = arith.constant 512 : i32
      %dma_wait3A_112 = tpu.memref_slice %arg6[%dma_wait3A_111] : memref<1024xi32, #tpu.memory_space<vmem>> -> memref<256xi32, #tpu.memory_space<vmem>>
      %dma_wait3A_113 = tpu.memref_slice %arg2[%add3A_24] : memref<32768xi32, #tpu.memory_space<hbm>> -> memref<256xi32, #tpu.memory_space<hbm>>
      tpu.wait_dma2 semaphore(%run_scoped3A : memref<!tpu.dma_semaphore, #tpu.memory_space<semaphore_mem>>) src(%dma_wait3A_113 : memref<256xi32, #tpu.memory_space<hbm>>) dst(%dma_wait3A_112 : memref<256xi32, #tpu.memory_space<vmem>>)
      tpu.yield
    }) : () -> ()
    %add3A_25 = arith.constant 24576 : i32
    %add3A_26 = arith.addi %add3A_25, %mul3A_2 : i32
    "tpu.region"() ({
      %run_scoped3A = tpu.sem_alloc : memref<!tpu.dma_semaphore, #tpu.memory_space<semaphore_mem>>
      %dma_start3A_102 = arith.constant 768 : i32
      %dma_start3A_103 = tpu.memref_slice %arg6[%dma_start3A_102] : memref<1024xi32, #tpu.memory_space<vmem>> -> memref<256xi32, #tpu.memory_space<vmem>>
      %dma_start3A_104 = tpu.memref_slice %arg2[%add3A_26] : memref<32768xi32, #tpu.memory_space<hbm>> -> memref<256xi32, #tpu.memory_space<hbm>>
      %dma_start3A_105 = arith.constant 768 : i32
      %dma_start3A_106 = tpu.memref_slice %arg6[%dma_start3A_105] : memref<1024xi32, #tpu.memory_space<vmem>> -> memref<256xi32, #tpu.memory_space<vmem>>
      %dma_start3A_107 = tpu.memref_slice %arg2[%add3A_26] : memref<32768xi32, #tpu.memory_space<hbm>> -> memref<256xi32, #tpu.memory_space<hbm>>
      tpu.enqueue_dma source(%dma_start3A_107 : memref<256xi32, #tpu.memory_space<hbm>>) target(%dma_start3A_106 : memref<256xi32, #tpu.memory_space<vmem>>) target_semaphore(%run_scoped3A : memref<!tpu.dma_semaphore, #tpu.memory_space<semaphore_mem>>)
      %dma_wait3A_108 = arith.constant 768 : i32
      %dma_wait3A_109 = tpu.memref_slice %arg6[%dma_wait3A_108] : memref<1024xi32, #tpu.memory_space<vmem>> -> memref<256xi32, #tpu.memory_space<vmem>>
      %dma_wait3A_110 = tpu.memref_slice %arg2[%add3A_26] : memref<32768xi32, #tpu.memory_space<hbm>> -> memref<256xi32, #tpu.memory_space<hbm>>
      %dma_wait3A_111 = arith.constant 768 : i32
      %dma_wait3A_112 = tpu.memref_slice %arg6[%dma_wait3A_111] : memref<1024xi32, #tpu.memory_space<vmem>> -> memref<256xi32, #tpu.memory_space<vmem>>
      %dma_wait3A_113 = tpu.memref_slice %arg2[%add3A_26] : memref<32768xi32, #tpu.memory_space<hbm>> -> memref<256xi32, #tpu.memory_space<hbm>>
      tpu.wait_dma2 semaphore(%run_scoped3A : memref<!tpu.dma_semaphore, #tpu.memory_space<semaphore_mem>>) src(%dma_wait3A_113 : memref<256xi32, #tpu.memory_space<hbm>>) dst(%dma_wait3A_112 : memref<256xi32, #tpu.memory_space<vmem>>)
      tpu.yield
    }) : () -> ()
    %dma_start3A = arith.constant 0 : i32
    %dma_start3A_27 = arith.constant 0 : i32
    %dma_start3A_28 = arith.constant 0 : i32
    %dma_start3A_29 = tpu.memref_slice %arg8[%dma_start3A, %dma_start3A_27, %dma_start3A_28] : memref<2x16x1024xf32, #tpu.memory_space<vmem>> -> memref<1x16x1024xf32, #tpu.memory_space<vmem>>
    %dma_start3A_30 = tpu.memref_squeeze %dma_start3A_29 : memref<1x16x1024xf32, #tpu.memory_space<vmem>> -> memref<16x1024xf32, #tpu.memory_space<vmem>>
    %dma_start3A_31 = arith.constant 0 : i32
    %dma_start3A_32 = tpu.memref_slice %arg4[%mul3A_2, %dma_start3A_31] : memref<8192x1024xf32, #tpu.memory_space<hbm>> -> memref<16x1024xf32, #tpu.memory_space<hbm>>
    %dma_start3A_33 = arith.constant 0 : i32
    %dma_start3A_34 = arith.constant 0 : i32
    %dma_start3A_35 = tpu.memref_slice %arg8[%dma_start3A, %dma_start3A_33, %dma_start3A_34] : memref<2x16x1024xf32, #tpu.memory_space<vmem>> -> memref<1x16x1024xf32, #tpu.memory_space<vmem>>
    %dma_start3A_36 = tpu.memref_squeeze %dma_start3A_35 : memref<1x16x1024xf32, #tpu.memory_space<vmem>> -> memref<16x1024xf32, #tpu.memory_space<vmem>>
    %dma_start3A_37 = arith.constant 0 : i32
    %dma_start3A_38 = tpu.memref_slice %arg4[%mul3A_2, %dma_start3A_37] : memref<8192x1024xf32, #tpu.memory_space<hbm>> -> memref<16x1024xf32, #tpu.memory_space<hbm>>
    tpu.enqueue_dma source(%dma_start3A_38 : memref<16x1024xf32, #tpu.memory_space<hbm>>) target(%dma_start3A_36 : memref<16x1024xf32, #tpu.memory_space<vmem>>) target_semaphore(%arg11 : memref<!tpu.dma_semaphore, #tpu.memory_space<semaphore_mem>>)
    %rem3A_39 = arith.constant 0 : i32
    %rem3A_40 = arith.constant 4 : i32
    %rem3A_41 = arith.remsi %rem3A_39, %rem3A_40 : i32
    %div3A_42 = arith.constant 0 : i32
    %div3A_43 = arith.constant 4 : i32
    %div3A_44 = arith.divsi %div3A_42, %div3A_43 : i32
    %mul3A_45 = arith.constant 256 : i32
    %mul3A_46 = arith.muli %rem3A_41, %mul3A_45 : i32
    %mul3A_47 = arith.constant 16 : i32
    %mul3A_48 = arith.muli %div3A_44, %mul3A_47 : i32
    %add3A_49 = arith.addi %mul3A_46, %mul3A_48 : i32
    %rem3A_50 = arith.constant 0 : i32
    %rem3A_51 = arith.constant 3 : i32
    %rem3A_52 = arith.remsi %rem3A_50, %rem3A_51 : i32
    %dma_start3A_53 = arith.constant 0 : i32
    %dma_start3A_54 = arith.constant 0 : i32
    %dma_start3A_55 = tpu.memref_slice %arg7[%rem3A_52, %dma_start3A_53, %dma_start3A_54] : memref<3x16x1024xf32, #tpu.memory_space<vmem>> -> memref<1x16x1024xf32, #tpu.memory_space<vmem>>
    %dma_start3A_56 = tpu.memref_squeeze %dma_start3A_55 : memref<1x16x1024xf32, #tpu.memory_space<vmem>> -> memref<16x1024xf32, #tpu.memory_space<vmem>>
    %dma_start3A_57 = tpu.memref_slice %arg6[%add3A_49] : memref<1024xi32, #tpu.memory_space<vmem>> -> memref<16xi32, #tpu.memory_space<vmem>>
    %dma_start3A_58 = arith.constant 0 : i32
    %dma_start3A_59 = arith.constant 0 : i32
    %dma_start3A_60 = tpu.memref_slice %arg3[%dma_start3A_58, %dma_start3A_59] : memref<258x1024xf32, #tpu.memory_space<hbm>> -> memref<258x1024xf32, #tpu.memory_space<hbm>>
    tpu.enqueue_indirect_dma source(%dma_start3A_60 : memref<258x1024xf32, #tpu.memory_space<hbm>>) target(%dma_start3A_56 : memref<16x1024xf32, #tpu.memory_space<vmem>>) offsets(%dma_start3A_57 : memref<16xi32, #tpu.memory_space<vmem>>) semaphore(%arg10 : memref<!tpu.dma_semaphore, #tpu.memory_space<semaphore_mem>>)
    %scan3A = arith.constant 0 : i32
    %scan3A_61 = arith.constant 0 : i32
    %scan3A_62 = arith.constant 64 : i32
    %scan3A_63 = arith.addi %scan3A_61, %scan3A_62 : i32
    %scan3A_64 = arith.constant 1 : i32
    %scan3A_65 = scf.for %scan3A_102 = %scan3A_61 to %scan3A_63 step %scan3A_64 iter_args(%scan3A_103 = %scan3A) -> (i32)  : i32 {
      %rem3A_104 = arith.constant 4 : i32
      %rem3A_105 = arith.remsi %scan3A_102, %rem3A_104 : i32
      %div3A_106 = arith.constant 4 : i32
      %div3A_107 = arith.divsi %scan3A_102, %div3A_106 : i32
      %rem3A_108 = arith.constant 3 : i32
      %rem3A_109 = arith.remsi %scan3A_102, %rem3A_108 : i32
      %rem3A_110 = arith.constant 2 : i32
      %rem3A_111 = arith.remsi %scan3A_102, %rem3A_110 : i32
      %rem3A_112 = arith.constant 2 : i32
      %rem3A_113 = arith.remsi %div3A_107, %rem3A_112 : i32
      %lt3A = arith.constant 63 : i32
      %lt3A_114 = arith.cmpi slt, %scan3A_102, %lt3A : i32
      %convert_element_type3A = arith.extui %lt3A_114 : i1 to i32
      %cond3A = arith.constant 0 : i32
      %cond3A_115 = arith.cmpi ne, %convert_element_type3A, %cond3A : i32
      scf.if %cond3A_115 {
        %add3A_160 = arith.constant 1 : i32
        %add3A_161 = arith.addi %scan3A_102, %add3A_160 : i32
        %rem3A_162 = arith.constant 4 : i32
        %rem3A_163 = arith.remsi %add3A_161, %rem3A_162 : i32
        %div3A_164 = arith.constant 4 : i32
        %div3A_165 = arith.divsi %add3A_161, %div3A_164 : i32
        %mul3A_166 = arith.constant 256 : i32
        %mul3A_167 = arith.muli %rem3A_163, %mul3A_166 : i32
        %mul3A_168 = arith.constant 16 : i32
        %mul3A_169 = arith.muli %div3A_165, %mul3A_168 : i32
        %add3A_170 = arith.addi %mul3A_167, %mul3A_169 : i32
        %rem3A_171 = arith.constant 3 : i32
        %rem3A_172 = arith.remsi %add3A_161, %rem3A_171 : i32
        %dma_start3A_173 = arith.constant 0 : i32
        %dma_start3A_174 = arith.constant 0 : i32
        %dma_start3A_175 = tpu.memref_slice %arg7[%rem3A_172, %dma_start3A_173, %dma_start3A_174] : memref<3x16x1024xf32, #tpu.memory_space<vmem>> -> memref<1x16x1024xf32, #tpu.memory_space<vmem>>
        %dma_start3A_176 = tpu.memref_squeeze %dma_start3A_175 : memref<1x16x1024xf32, #tpu.memory_space<vmem>> -> memref<16x1024xf32, #tpu.memory_space<vmem>>
        %dma_start3A_177 = tpu.memref_slice %arg6[%add3A_170] : memref<1024xi32, #tpu.memory_space<vmem>> -> memref<16xi32, #tpu.memory_space<vmem>>
        %dma_start3A_178 = arith.constant 0 : i32
        %dma_start3A_179 = arith.constant 0 : i32
        %dma_start3A_180 = tpu.memref_slice %arg3[%dma_start3A_178, %dma_start3A_179] : memref<258x1024xf32, #tpu.memory_space<hbm>> -> memref<258x1024xf32, #tpu.memory_space<hbm>>
        tpu.enqueue_indirect_dma source(%dma_start3A_180 : memref<258x1024xf32, #tpu.memory_space<hbm>>) target(%dma_start3A_176 : memref<16x1024xf32, #tpu.memory_space<vmem>>) offsets(%dma_start3A_177 : memref<16xi32, #tpu.memory_space<vmem>>) semaphore(%arg10 : memref<!tpu.dma_semaphore, #tpu.memory_space<semaphore_mem>>)
      } else {
      }
      %eq3A = arith.constant 0 : i32
      %eq3A_116 = arith.cmpi eq, %rem3A_105, %eq3A : i32
      %convert_element_type3A_117 = arith.extui %eq3A_116 : i1 to i32
      %cond3A_118 = arith.constant 0 : i32
      %cond3A_119 = arith.cmpi ne, %convert_element_type3A_117, %cond3A_118 : i32
      scf.if %cond3A_119 {
        %dma_wait3A_160 = arith.constant 0 : i32
        %dma_wait3A_161 = arith.constant 0 : i32
        %dma_wait3A_162 = arith.constant 0 : i32
        %dma_wait3A_163 = tpu.memref_slice %arg8[%dma_wait3A_160, %dma_wait3A_161, %dma_wait3A_162] : memref<2x16x1024xf32, #tpu.memory_space<vmem>> -> memref<1x16x1024xf32, #tpu.memory_space<vmem>>
        %dma_wait3A_164 = tpu.memref_squeeze %dma_wait3A_163 : memref<1x16x1024xf32, #tpu.memory_space<vmem>> -> memref<16x1024xf32, #tpu.memory_space<vmem>>
        %dma_wait3A_165 = arith.constant 0 : i32
        %dma_wait3A_166 = arith.constant 0 : i32
        %dma_wait3A_167 = tpu.memref_slice %arg4[%dma_wait3A_165, %dma_wait3A_166] : memref<8192x1024xf32, #tpu.memory_space<hbm>> -> memref<16x1024xf32, #tpu.memory_space<hbm>>
        %dma_wait3A_168 = arith.constant 0 : i32
        %dma_wait3A_169 = arith.constant 0 : i32
        %dma_wait3A_170 = tpu.memref_slice %arg8[%dma_wait3A_160, %dma_wait3A_168, %dma_wait3A_169] : memref<2x16x1024xf32, #tpu.memory_space<vmem>> -> memref<1x16x1024xf32, #tpu.memory_space<vmem>>
        %dma_wait3A_171 = tpu.memref_squeeze %dma_wait3A_170 : memref<1x16x1024xf32, #tpu.memory_space<vmem>> -> memref<16x1024xf32, #tpu.memory_space<vmem>>
        %dma_wait3A_172 = arith.constant 0 : i32
        %dma_wait3A_173 = arith.constant 0 : i32
        %dma_wait3A_174 = tpu.memref_slice %arg4[%dma_wait3A_172, %dma_wait3A_173] : memref<8192x1024xf32, #tpu.memory_space<hbm>> -> memref<16x1024xf32, #tpu.memory_space<hbm>>
        tpu.wait_dma2 semaphore(%arg11 : memref<!tpu.dma_semaphore, #tpu.memory_space<semaphore_mem>>) src(%dma_wait3A_174 : memref<16x1024xf32, #tpu.memory_space<hbm>>) dst(%dma_wait3A_171 : memref<16x1024xf32, #tpu.memory_space<vmem>>)
      } else {
      }
      %eq3A_120 = arith.constant 3 : i32
      %eq3A_121 = arith.cmpi eq, %rem3A_105, %eq3A_120 : i32
      %lt3A_122 = arith.constant 63 : i32
      %lt3A_123 = arith.cmpi slt, %scan3A_102, %lt3A_122 : i32
      %and3A_124 = arith.andi %eq3A_121, %lt3A_123 : i1
      %convert_element_type3A_125 = arith.extui %and3A_124 : i1 to i32
      %cond3A_126 = arith.constant 0 : i32
      %cond3A_127 = arith.cmpi ne, %convert_element_type3A_125, %cond3A_126 : i32
      scf.if %cond3A_127 {
        %add3A_160 = arith.constant 1 : i32
        %add3A_161 = arith.addi %div3A_107, %add3A_160 : i32
        %mul3A_162 = arith.constant 16 : i32
        %mul3A_163 = arith.muli %add3A_161, %mul3A_162 : i32
        %add3A_164 = arith.addi %mul3A_2, %mul3A_163 : i32
        %add3A_165 = arith.constant 1 : i32
        %add3A_166 = arith.addi %div3A_107, %add3A_165 : i32
        %rem3A_167 = arith.constant 2 : i32
        %rem3A_168 = arith.remsi %add3A_166, %rem3A_167 : i32
        %dma_start3A_169 = arith.constant 0 : i32
        %dma_start3A_170 = arith.constant 0 : i32
        %dma_start3A_171 = tpu.memref_slice %arg8[%rem3A_168, %dma_start3A_169, %dma_start3A_170] : memref<2x16x1024xf32, #tpu.memory_space<vmem>> -> memref<1x16x1024xf32, #tpu.memory_space<vmem>>
        %dma_start3A_172 = tpu.memref_squeeze %dma_start3A_171 : memref<1x16x1024xf32, #tpu.memory_space<vmem>> -> memref<16x1024xf32, #tpu.memory_space<vmem>>
        %dma_start3A_173 = arith.constant 0 : i32
        %dma_start3A_174 = tpu.memref_slice %arg4[%add3A_164, %dma_start3A_173] : memref<8192x1024xf32, #tpu.memory_space<hbm>> -> memref<16x1024xf32, #tpu.memory_space<hbm>>
        %dma_start3A_175 = arith.constant 0 : i32
        %dma_start3A_176 = arith.constant 0 : i32
        %dma_start3A_177 = tpu.memref_slice %arg8[%rem3A_168, %dma_start3A_175, %dma_start3A_176] : memref<2x16x1024xf32, #tpu.memory_space<vmem>> -> memref<1x16x1024xf32, #tpu.memory_space<vmem>>
        %dma_start3A_178 = tpu.memref_squeeze %dma_start3A_177 : memref<1x16x1024xf32, #tpu.memory_space<vmem>> -> memref<16x1024xf32, #tpu.memory_space<vmem>>
        %dma_start3A_179 = arith.constant 0 : i32
        %dma_start3A_180 = tpu.memref_slice %arg4[%add3A_164, %dma_start3A_179] : memref<8192x1024xf32, #tpu.memory_space<hbm>> -> memref<16x1024xf32, #tpu.memory_space<hbm>>
        tpu.enqueue_dma source(%dma_start3A_180 : memref<16x1024xf32, #tpu.memory_space<hbm>>) target(%dma_start3A_178 : memref<16x1024xf32, #tpu.memory_space<vmem>>) target_semaphore(%arg11 : memref<!tpu.dma_semaphore, #tpu.memory_space<semaphore_mem>>)
      } else {
      }
      %ge3A = arith.constant 2 : i32
      %ge3A_128 = arith.cmpi sge, %scan3A_102, %ge3A : i32
      %convert_element_type3A_129 = arith.extui %ge3A_128 : i1 to i32
      %cond3A_130 = arith.constant 0 : i32
      %cond3A_131 = arith.cmpi ne, %convert_element_type3A_129, %cond3A_130 : i32
      scf.if %cond3A_131 {
        %dma_wait3A_160 = arith.constant 0 : i32
        %dma_wait3A_161 = arith.constant 0 : i32
        %dma_wait3A_162 = arith.constant 0 : i32
        %dma_wait3A_163 = arith.constant 0 : i32
        %dma_wait3A_164 = tpu.memref_slice %arg9[%dma_wait3A_160, %dma_wait3A_162, %dma_wait3A_163] : memref<2x1x16384xf32, #tpu.memory_space<vmem>> -> memref<1x1x16384xf32, #tpu.memory_space<vmem>>
        %dma_wait3A_165 = tpu.memref_squeeze %dma_wait3A_164 : memref<1x1x16384xf32, #tpu.memory_space<vmem>> -> memref<1x16384xf32, #tpu.memory_space<vmem>>
        %dma_wait3A_166 = arith.constant 0 : i32
        %dma_wait3A_167 = arith.constant 0 : i32
        %dma_wait3A_168 = tpu.memref_slice %arg5[%dma_wait3A_161, %dma_wait3A_166, %dma_wait3A_167] : memref<4x512x16384xf32, #tpu.memory_space<hbm>> -> memref<1x1x16384xf32, #tpu.memory_space<hbm>>
        %dma_wait3A_169 = tpu.memref_squeeze %dma_wait3A_168 : memref<1x1x16384xf32, #tpu.memory_space<hbm>> -> memref<1x16384xf32, #tpu.memory_space<hbm>>
        %dma_wait3A_170 = arith.constant 0 : i32
        %dma_wait3A_171 = arith.constant 0 : i32
        %dma_wait3A_172 = tpu.memref_slice %arg5[%dma_wait3A_161, %dma_wait3A_170, %dma_wait3A_171] : memref<4x512x16384xf32, #tpu.memory_space<hbm>> -> memref<1x1x16384xf32, #tpu.memory_space<hbm>>
        %dma_wait3A_173 = tpu.memref_squeeze %dma_wait3A_172 : memref<1x1x16384xf32, #tpu.memory_space<hbm>> -> memref<1x16384xf32, #tpu.memory_space<hbm>>
        %dma_wait3A_174 = arith.constant 0 : i32
        %dma_wait3A_175 = arith.constant 0 : i32
        %dma_wait3A_176 = tpu.memref_slice %arg9[%dma_wait3A_160, %dma_wait3A_174, %dma_wait3A_175] : memref<2x1x16384xf32, #tpu.memory_space<vmem>> -> memref<1x1x16384xf32, #tpu.memory_space<vmem>>
        %dma_wait3A_177 = tpu.memref_squeeze %dma_wait3A_176 : memref<1x1x16384xf32, #tpu.memory_space<vmem>> -> memref<1x16384xf32, #tpu.memory_space<vmem>>
        tpu.wait_dma2 semaphore(%arg12 : memref<!tpu.dma_semaphore, #tpu.memory_space<semaphore_mem>>) src(%dma_wait3A_177 : memref<1x16384xf32, #tpu.memory_space<vmem>>) dst(%dma_wait3A_173 : memref<1x16384xf32, #tpu.memory_space<hbm>>)
      } else {
      }
      %dma_wait3A_132 = arith.constant 0 : i32
      %dma_wait3A_133 = arith.constant 0 : i32
      %dma_wait3A_134 = arith.constant 0 : i32
      %dma_wait3A_135 = tpu.memref_slice %arg7[%dma_wait3A_132, %dma_wait3A_133, %dma_wait3A_134] : memref<3x16x1024xf32, #tpu.memory_space<vmem>> -> memref<1x16x1024xf32, #tpu.memory_space<vmem>>
      %dma_wait3A_136 = tpu.memref_squeeze %dma_wait3A_135 : memref<1x16x1024xf32, #tpu.memory_space<vmem>> -> memref<16x1024xf32, #tpu.memory_space<vmem>>
      %dma_wait3A_137 = arith.constant 0 : i32
      %dma_wait3A_138 = tpu.memref_slice %arg6[%dma_wait3A_137] : memref<1024xi32, #tpu.memory_space<vmem>> -> memref<16xi32, #tpu.memory_space<vmem>>
      %dma_wait3A_139 = arith.constant 0 : i32
      %dma_wait3A_140 = arith.constant 0 : i32
      %dma_wait3A_141 = tpu.memref_slice %arg3[%dma_wait3A_139, %dma_wait3A_140] : memref<258x1024xf32, #tpu.memory_space<hbm>> -> memref<258x1024xf32, #tpu.memory_space<hbm>>
      tpu.wait_indirect_dma semaphore(%arg10 : memref<!tpu.dma_semaphore, #tpu.memory_space<semaphore_mem>>) src(%dma_wait3A_141 : memref<258x1024xf32, #tpu.memory_space<hbm>>) dst(%dma_wait3A_136 : memref<16x1024xf32, #tpu.memory_space<vmem>>)
      %parallel_loop3A = arith.constant 0 : i32
      %parallel_loop3A_142 = arith.constant 16 : i32
      %parallel_loop3A_143 = arith.constant 1 : i32
      scf.for %parallel_loop3A_160 = %parallel_loop3A to %parallel_loop3A_142 step %parallel_loop3A_143  : i32 {
        %parallel_loop3A_161 = arith.constant 0 : i32
        %parallel_loop3A_162 = arith.constant 0 : i32
        %parallel_loop3A_163 = tpu.memref_slice %arg7[%rem3A_109, %parallel_loop3A_161, %parallel_loop3A_162] : memref<3x16x1024xf32, #tpu.memory_space<vmem>> -> memref<1x16x1024xf32, #tpu.memory_space<vmem>>
        %parallel_loop3A_164 = tpu.memref_squeeze %parallel_loop3A_163 : memref<1x16x1024xf32, #tpu.memory_space<vmem>> -> memref<16x1024xf32, #tpu.memory_space<vmem>>
        %parallel_loop3A_165 = arith.index_cast %parallel_loop3A_160 : i32 to index
        %parallel_loop3A_166 = arith.constant 0 : index
        %parallel_loop3A_167 = tpu.vector_load %parallel_loop3A_164[%parallel_loop3A_165, %parallel_loop3A_166] {strides = array<i32>} : memref<16x1024xf32, #tpu.memory_space<vmem>>, vector<1x16xf32>,
        %parallel_loop3A_168 = vector.shape_cast %parallel_loop3A_167 : vector<1x16xf32> to vector<16xf32>
        %parallel_loop3A_169 = arith.constant 0 : i32
        %parallel_loop3A_170 = arith.constant 0 : i32
        %parallel_loop3A_171 = tpu.memref_slice %arg8[%rem3A_113, %parallel_loop3A_169, %parallel_loop3A_170] : memref<2x16x1024xf32, #tpu.memory_space<vmem>> -> memref<1x16x1024xf32, #tpu.memory_space<vmem>>
        %parallel_loop3A_172 = tpu.memref_squeeze %parallel_loop3A_171 : memref<1x16x1024xf32, #tpu.memory_space<vmem>> -> memref<16x1024xf32, #tpu.memory_space<vmem>>
        %parallel_loop3A_173 = arith.index_cast %parallel_loop3A_160 : i32 to index
        %parallel_loop3A_174 = arith.constant 0 : index
        %parallel_loop3A_175 = tpu.vector_load %parallel_loop3A_172[%parallel_loop3A_173, %parallel_loop3A_174] {strides = array<i32>} : memref<16x1024xf32, #tpu.memory_space<vmem>>, vector<1x16xf32>,
        %parallel_loop3A_176 = vector.shape_cast %parallel_loop3A_175 : vector<1x16xf32> to vector<16xf32>
        %parallel_loop3A_177 = arith.addf %parallel_loop3A_168, %parallel_loop3A_176 : vector<16xf32>
        %parallel_loop3A_178 = arith.constant 1024 : i32
        %parallel_loop3A_179 = arith.muli %parallel_loop3A_160, %parallel_loop3A_178 : i32
        %parallel_loop3A_180 = arith.constant 0 : i32
        %parallel_loop3A_181 = arith.addi %parallel_loop3A_179, %parallel_loop3A_180 : i32
        %parallel_loop3A_182 = arith.constant 0 : i32
        %parallel_loop3A_183 = arith.constant 0 : i32
        %parallel_loop3A_184 = arith.constant 0 : i32
        %parallel_loop3A_185 = tpu.memref_slice %arg9[%rem3A_111, %parallel_loop3A_183, %parallel_loop3A_184] : memref<2x1x16384xf32, #tpu.memory_space<vmem>> -> memref<1x1x16384xf32, #tpu.memory_space<vmem>>
        %parallel_loop3A_186 = tpu.memref_squeeze %parallel_loop3A_185 : memref<1x1x16384xf32, #tpu.memory_space<vmem>> -> memref<1x16384xf32, #tpu.memory_space<vmem>>
        %parallel_loop3A_187 = arith.index_cast %parallel_loop3A_182 : i32 to index
        %parallel_loop3A_188 = arith.index_cast %parallel_loop3A_181 : i32 to index
        %parallel_loop3A_189 = tpu.vector_load %parallel_loop3A_186[%parallel_loop3A_187, %parallel_loop3A_188] {strides = array<i32>} : memref<1x16384xf32, #tpu.memory_space<vmem>>, vector<1x16xf32>,
        %parallel_loop3A_190 = vector.shape_cast %parallel_loop3A_189 : vector<1x16xf32> to vector<16xf32>
        %parallel_loop3A_191 = vector.shape_cast %parallel_loop3A_177 : vector<16xf32> to vector<1x16xf32>
        tpu.vector_store %parallel_loop3A_186[%parallel_loop3A_187, %parallel_loop3A_188], %parallel_loop3A_191 {strides = array<i32>} : memref<1x16384xf32, #tpu.memory_space<vmem>>, vector<1x16xf32>,
        %parallel_loop3A_192 = arith.constant 0 : i32
        %parallel_loop3A_193 = arith.constant 0 : i32
        %parallel_loop3A_194 = tpu.memref_slice %arg7[%rem3A_109, %parallel_loop3A_192, %parallel_loop3A_193] : memref<3x16x1024xf32, #tpu.memory_space<vmem>> -> memref<1x16x1024xf32, #tpu.memory_space<vmem>>
        %parallel_loop3A_195 = tpu.memref_squeeze %parallel_loop3A_194 : memref<1x16x1024xf32, #tpu.memory_space<vmem>> -> memref<16x1024xf32, #tpu.memory_space<vmem>>
        %parallel_loop3A_196 = arith.index_cast %parallel_loop3A_160 : i32 to index
        %parallel_loop3A_197 = arith.constant 16 : index
        %parallel_loop3A_198 = tpu.vector_load %parallel_loop3A_195[%parallel_loop3A_196, %parallel_loop3A_197] {strides = array<i32>} : memref<16x1024xf32, #tpu.memory_space<vmem>>, vector<1x16xf32>,
        %parallel_loop3A_199 = vector.shape_cast %parallel_loop3A_198 : vector<1x16xf32> to vector<16xf32>
        %parallel_loop3A_200 = arith.constant 0 : i32
        %parallel_loop3A_201 = arith.constant 0 : i32
        %parallel_loop3A_202 = tpu.memref_slice %arg8[%rem3A_113, %parallel_loop3A_200, %parallel_loop3A_201] : memref<2x16x1024xf32, #tpu.memory_space<vmem>> -> memref<1x16x1024xf32, #tpu.memory_space<vmem>>
        %parallel_loop3A_203 = tpu.memref_squeeze %parallel_loop3A_202 : memref<1x16x1024xf32, #tpu.memory_space<vmem>> -> memref<16x1024xf32, #tpu.memory_space<vmem>>
        %parallel_loop3A_204 = arith.index_cast %parallel_loop3A_160 : i32 to index
        %parallel_loop3A_205 = arith.constant 16 : index
        %parallel_loop3A_206 = tpu.vector_load %parallel_loop3A_203[%parallel_loop3A_204, %parallel_loop3A_205] {strides = array<i32>} : memref<16x1024xf32, #tpu.memory_space<vmem>>, vector<1x16xf32>,
        %parallel_loop3A_207 = vector.shape_cast %parallel_loop3A_206 : vector<1x16xf32> to vector<16xf32>
        %parallel_loop3A_208 = arith.addf %parallel_loop3A_199, %parallel_loop3A_207 : vector<16xf32>
        %parallel_loop3A_209 = arith.constant 1024 : i32
        %parallel_loop3A_210 = arith.muli %parallel_loop3A_160, %parallel_loop3A_209 : i32
        %parallel_loop3A_211 = arith.constant 16 : i32
        %parallel_loop3A_212 = arith.addi %parallel_loop3A_210, %parallel_loop3A_211 : i32
        %parallel_loop3A_213 = arith.constant 0 : i32
        %parallel_loop3A_214 = arith.constant 0 : i32
        %parallel_loop3A_215 = arith.constant 0 : i32
        %parallel_loop3A_216 = tpu.memref_slice %arg9[%rem3A_111, %parallel_loop3A_214, %parallel_loop3A_215] : memref<2x1x16384xf32, #tpu.memory_space<vmem>> -> memref<1x1x16384xf32, #tpu.memory_space<vmem>>
        %parallel_loop3A_217 = tpu.memref_squeeze %parallel_loop3A_216 : memref<1x1x16384xf32, #tpu.memory_space<vmem>> -> memref<1x16384xf32, #tpu.memory_space<vmem>>
        %parallel_loop3A_218 = arith.index_cast %parallel_loop3A_213 : i32 to index
        %parallel_loop3A_219 = arith.index_cast %parallel_loop3A_212 : i32 to index
        %parallel_loop3A_220 = tpu.vector_load %parallel_loop3A_217[%parallel_loop3A_218, %parallel_loop3A_219] {strides = array<i32>} : memref<1x16384xf32, #tpu.memory_space<vmem>>, vector<1x16xf32>,
        %parallel_loop3A_221 = vector.shape_cast %parallel_loop3A_220 : vector<1x16xf32> to vector<16xf32>
        %parallel_loop3A_222 = vector.shape_cast %parallel_loop3A_208 : vector<16xf32> to vector<1x16xf32>
        tpu.vector_store %parallel_loop3A_217[%parallel_loop3A_218, %parallel_loop3A_219], %parallel_loop3A_222 {strides = array<i32>} : memref<1x16384xf32, #tpu.memory_space<vmem>>, vector<1x16xf32>,
        %parallel_loop3A_223 = arith.constant 0 : i32
        %parallel_loop3A_224 = arith.constant 0 : i32
        %parallel_loop3A_225 = tpu.memref_slice %arg7[%rem3A_109, %parallel_loop3A_223, %parallel_loop3A_224] : memref<3x16x1024xf32, #tpu.memory_space<vmem>> -> memref<1x16x1024xf32, #tpu.memory_space<vmem>>
        %parallel_loop3A_226 = tpu.memref_squeeze %parallel_loop3A_225 : memref<1x16x1024xf32, #tpu.memory_space<vmem>> -> memref<16x1024xf32, #tpu.memory_space<vmem>>
        %parallel_loop3A_227 = arith.index_cast %parallel_loop3A_160 : i32 to index
        %parallel_loop3A_228 = arith.constant 32 : index
        %parallel_loop3A_229 = tpu.vector_load %parallel_loop3A_226[%parallel_loop3A_227, %parallel_loop3A_228] {strides = array<i32>} : memref<16x1024xf32, #tpu.memory_space<vmem>>, vector<1x16xf32>,
        %parallel_loop3A_230 = vector.shape_cast %parallel_loop3A_229 : vector<1x16xf32> to vector<16xf32>
        %parallel_loop3A_231 = arith.constant 0 : i32
        %parallel_loop3A_232 = arith.constant 0 : i32
        %parallel_loop3A_233 = tpu.memref_slice %arg8[%rem3A_113, %parallel_loop3A_231, %parallel_loop3A_232] : memref<2x16x1024xf32, #tpu.memory_space<vmem>> -> memref<1x16x1024xf32, #tpu.memory_space<vmem>>
        %parallel_loop3A_234 = tpu.memref_squeeze %parallel_loop3A_233 : memref<1x16x1024xf32, #tpu.memory_space<vmem>> -> memref<16x1024xf32, #tpu.memory_space<vmem>>
        %parallel_loop3A_235 = arith.index_cast %parallel_loop3A_160 : i32 to index
        %parallel_loop3A_236 = arith.constant 32 : index
        %parallel_loop3A_237 = tpu.vector_load %parallel_loop3A_234[%parallel_loop3A_235, %parallel_loop3A_236] {strides = array<i32>} : memref<16x1024xf32, #tpu.memory_space<vmem>>, vector<1x16xf32>,
        %parallel_loop3A_238 = vector.shape_cast %parallel_loop3A_237 : vector<1x16xf32> to vector<16xf32>
        %parallel_loop3A_239 = arith.addf %parallel_loop3A_230, %parallel_loop3A_238 : vector<16xf32>
        %parallel_loop3A_240 = arith.constant 1024 : i32
        %parallel_loop3A_241 = arith.muli %parallel_loop3A_160, %parallel_loop3A_240 : i32
        %parallel_loop3A_242 = arith.constant 32 : i32
        %parallel_loop3A_243 = arith.addi %parallel_loop3A_241, %parallel_loop3A_242 : i32
        %parallel_loop3A_244 = arith.constant 0 : i32
        %parallel_loop3A_245 = arith.constant 0 : i32
        %parallel_loop3A_246 = arith.constant 0 : i32
        %parallel_loop3A_247 = tpu.memref_slice %arg9[%rem3A_111, %parallel_loop3A_245, %parallel_loop3A_246] : memref<2x1x16384xf32, #tpu.memory_space<vmem>> -> memref<1x1x16384xf32, #tpu.memory_space<vmem>>
        %parallel_loop3A_248 = tpu.memref_squeeze %parallel_loop3A_247 : memref<1x1x16384xf32, #tpu.memory_space<vmem>> -> memref<1x16384xf32, #tpu.memory_space<vmem>>
        %parallel_loop3A_249 = arith.index_cast %parallel_loop3A_244 : i32 to index
        %parallel_loop3A_250 = arith.index_cast %parallel_loop3A_243 : i32 to index
        %parallel_loop3A_251 = tpu.vector_load %parallel_loop3A_248[%parallel_loop3A_249, %parallel_loop3A_250] {strides = array<i32>} : memref<1x16384xf32, #tpu.memory_space<vmem>>, vector<1x16xf32>,
        %parallel_loop3A_252 = vector.shape_cast %parallel_loop3A_251 : vector<1x16xf32> to vector<16xf32>
        %parallel_loop3A_253 = vector.shape_cast %parallel_loop3A_239 : vector<16xf32> to vector<1x16xf32>
        tpu.vector_store %parallel_loop3A_248[%parallel_loop3A_249, %parallel_loop3A_250], %parallel_loop3A_253 {strides = array<i32>} : memref<1x16384xf32, #tpu.memory_space<vmem>>, vector<1x16xf32>,
        %parallel_loop3A_254 = arith.constant 0 : i32
        %parallel_loop3A_255 = arith.constant 0 : i32
        %parallel_loop3A_256 = tpu.memref_slice %arg7[%rem3A_109, %parallel_loop3A_254, %parallel_loop3A_255] : memref<3x16x1024xf32, #tpu.memory_space<vmem>> -> memref<1x16x1024xf32, #tpu.memory_space<vmem>>
        %parallel_loop3A_257 = tpu.memref_squeeze %parallel_loop3A_256 : memref<1x16x1024xf32, #tpu.memory_space<vmem>> -> memref<16x1024xf32, #tpu.memory_space<vmem>>
        %parallel_loop3A_258 = arith.index_cast %parallel_loop3A_160 : i32 to index
        %parallel_loop3A_259 = arith.constant 48 : index
        %parallel_loop3A_260 = tpu.vector_load %parallel_loop3A_257[%parallel_loop3A_258, %parallel_loop3A_259] {strides = array<i32>} : memref<16x1024xf32, #tpu.memory_space<vmem>>, vector<1x16xf32>,
        %parallel_loop3A_261 = vector.shape_cast %parallel_loop3A_260 : vector<1x16xf32> to vector<16xf32>
        %parallel_loop3A_262 = arith.constant 0 : i32
        %parallel_loop3A_263 = arith.constant 0 : i32
        %parallel_loop3A_264 = tpu.memref_slice %arg8[%rem3A_113, %parallel_loop3A_262, %parallel_loop3A_263] : memref<2x16x1024xf32, #tpu.memory_space<vmem>> -> memref<1x16x1024xf32, #tpu.memory_space<vmem>>
        %parallel_loop3A_265 = tpu.memref_squeeze %parallel_loop3A_264 : memref<1x16x1024xf32, #tpu.memory_space<vmem>> -> memref<16x1024xf32, #tpu.memory_space<vmem>>
        %parallel_loop3A_266 = arith.index_cast %parallel_loop3A_160 : i32 to index
        %parallel_loop3A_267 = arith.constant 48 : index
        %parallel_loop3A_268 = tpu.vector_load %parallel_loop3A_265[%parallel_loop3A_266, %parallel_loop3A_267] {strides = array<i32>} : memref<16x1024xf32, #tpu.memory_space<vmem>>, vector<1x16xf32>,
        %parallel_loop3A_269 = vector.shape_cast %parallel_loop3A_268 : vector<1x16xf32> to vector<16xf32>
        %parallel_loop3A_270 = arith.addf %parallel_loop3A_261, %parallel_loop3A_269 : vector<16xf32>
        %parallel_loop3A_271 = arith.constant 1024 : i32
        %parallel_loop3A_272 = arith.muli %parallel_loop3A_160, %parallel_loop3A_271 : i32
        %parallel_loop3A_273 = arith.constant 48 : i32
        %parallel_loop3A_274 = arith.addi %parallel_loop3A_272, %parallel_loop3A_273 : i32
        %parallel_loop3A_275 = arith.constant 0 : i32
        %parallel_loop3A_276 = arith.constant 0 : i32
        %parallel_loop3A_277 = arith.constant 0 : i32
        %parallel_loop3A_278 = tpu.memref_slice %arg9[%rem3A_111, %parallel_loop3A_276, %parallel_loop3A_277] : memref<2x1x16384xf32, #tpu.memory_space<vmem>> -> memref<1x1x16384xf32, #tpu.memory_space<vmem>>
        %parallel_loop3A_279 = tpu.memref_squeeze %parallel_loop3A_278 : memref<1x1x16384xf32, #tpu.memory_space<vmem>> -> memref<1x16384xf32, #tpu.memory_space<vmem>>
        %parallel_loop3A_280 = arith.index_cast %parallel_loop3A_275 : i32 to index
        %parallel_loop3A_281 = arith.index_cast %parallel_loop3A_274 : i32 to index
        %parallel_loop3A_282 = tpu.vector_load %parallel_loop3A_279[%parallel_loop3A_280, %parallel_loop3A_281] {strides = array<i32>} : memref<1x16384xf32, #tpu.memory_space<vmem>>, vector<1x16xf32>,
        %parallel_loop3A_283 = vector.shape_cast %parallel_loop3A_282 : vector<1x16xf32> to vector<16xf32>
        %parallel_loop3A_284 = vector.shape_cast %parallel_loop3A_270 : vector<16xf32> to vector<1x16xf32>
        tpu.vector_store %parallel_loop3A_279[%parallel_loop3A_280, %parallel_loop3A_281], %parallel_loop3A_284 {strides = array<i32>} : memref<1x16384xf32, #tpu.memory_space<vmem>>, vector<1x16xf32>,
        %parallel_loop3A_285 = arith.constant 0 : i32
        %parallel_loop3A_286 = arith.constant 0 : i32
        %parallel_loop3A_287 = tpu.memref_slice %arg7[%rem3A_109, %parallel_loop3A_285, %parallel_loop3A_286] : memref<3x16x1024xf32, #tpu.memory_space<vmem>> -> memref<1x16x1024xf32, #tpu.memory_space<vmem>>
        %parallel_loop3A_288 = tpu.memref_squeeze %parallel_loop3A_287 : memref<1x16x1024xf32, #tpu.memory_space<vmem>> -> memref<16x1024xf32, #tpu.memory_space<vmem>>
        %parallel_loop3A_289 = arith.index_cast %parallel_loop3A_160 : i32 to index
        %parallel_loop3A_290 = arith.constant 64 : index
        %parallel_loop3A_291 = tpu.vector_load %parallel_loop3A_288[%parallel_loop3A_289, %parallel_loop3A_290] {strides = array<i32>} : memref<16x1024xf32, #tpu.memory_space<vmem>>, vector<1x16xf32>,
        %parallel_loop3A_292 = vector.shape_cast %parallel_loop3A_291 : vector<1x16xf32> to vector<16xf32>
        %parallel_loop3A_293 = arith.constant 0 : i32
        %parallel_loop3A_294 = arith.constant 0 : i32
        %parallel_loop3A_295 = tpu.memref_slice %arg8[%rem3A_113, %parallel_loop3A_293, %parallel_loop3A_294] : memref<2x16x1024xf32, #tpu.memory_space<vmem>> -> memref<1x16x1024xf32, #tpu.memory_space<vmem>>
        %parallel_loop3A_296 = tpu.memref_squeeze %parallel_loop3A_295 : memref<1x16x1024xf32, #tpu.memory_space<vmem>> -> memref<16x1024xf32, #tpu.memory_space<vmem>>
        %parallel_loop3A_297 = arith.index_cast %parallel_loop3A_160 : i32 to index
        %parallel_loop3A_298 = arith.constant 64 : index
        %parallel_loop3A_299 = tpu.vector_load %parallel_loop3A_296[%parallel_loop3A_297, %parallel_loop3A_298] {strides = array<i32>} : memref<16x1024xf32, #tpu.memory_space<vmem>>, vector<1x16xf32>,
        %parallel_loop3A_300 = vector.shape_cast %parallel_loop3A_299 : vector<1x16xf32> to vector<16xf32>
        %parallel_loop3A_301 = arith.addf %parallel_loop3A_292, %parallel_loop3A_300 : vector<16xf32>
        %parallel_loop3A_302 = arith.constant 1024 : i32
        %parallel_loop3A_303 = arith.muli %parallel_loop3A_160, %parallel_loop3A_302 : i32
        %parallel_loop3A_304 = arith.constant 64 : i32
        %parallel_loop3A_305 = arith.addi %parallel_loop3A_303, %parallel_loop3A_304 : i32
        %parallel_loop3A_306 = arith.constant 0 : i32
        %parallel_loop3A_307 = arith.constant 0 : i32
        %parallel_loop3A_308 = arith.constant 0 : i32
        %parallel_loop3A_309 = tpu.memref_slice %arg9[%rem3A_111, %parallel_loop3A_307, %parallel_loop3A_308] : memref<2x1x16384xf32, #tpu.memory_space<vmem>> -> memref<1x1x16384xf32, #tpu.memory_space<vmem>>
        %parallel_loop3A_310 = tpu.memref_squeeze %parallel_loop3A_309 : memref<1x1x16384xf32, #tpu.memory_space<vmem>> -> memref<1x16384xf32, #tpu.memory_space<vmem>>
        %parallel_loop3A_311 = arith.index_cast %parallel_loop3A_306 : i32 to index
        %parallel_loop3A_312 = arith.index_cast %parallel_loop3A_305 : i32 to index
        %parallel_loop3A_313 = tpu.vector_load %parallel_loop3A_310[%parallel_loop3A_311, %parallel_loop3A_312] {strides = array<i32>} : memref<1x16384xf32, #tpu.memory_space<vmem>>, vector<1x16xf32>,
        %parallel_loop3A_314 = vector.shape_cast %parallel_loop3A_313 : vector<1x16xf32> to vector<16xf32>
        %parallel_loop3A_315 = vector.shape_cast %parallel_loop3A_301 : vector<16xf32> to vector<1x16xf32>
        tpu.vector_store %parallel_loop3A_310[%parallel_loop3A_311, %parallel_loop3A_312], %parallel_loop3A_315 {strides = array<i32>} : memref<1x16384xf32, #tpu.memory_space<vmem>>, vector<1x16xf32>,
        %parallel_loop3A_316 = arith.constant 0 : i32
        %parallel_loop3A_317 = arith.constant 0 : i32
        %parallel_loop3A_318 = tpu.memref_slice %arg7[%rem3A_109, %parallel_loop3A_316, %parallel_loop3A_317] : memref<3x16x1024xf32, #tpu.memory_space<vmem>> -> memref<1x16x1024xf32, #tpu.memory_space<vmem>>
        %parallel_loop3A_319 = tpu.memref_squeeze %parallel_loop3A_318 : memref<1x16x1024xf32, #tpu.memory_space<vmem>> -> memref<16x1024xf32, #tpu.memory_space<vmem>>
        %parallel_loop3A_320 = arith.index_cast %parallel_loop3A_160 : i32 to index
        %parallel_loop3A_321 = arith.constant 80 : index
        %parallel_loop3A_322 = tpu.vector_load %parallel_loop3A_319[%parallel_loop3A_320, %parallel_loop3A_321] {strides = array<i32>} : memref<16x1024xf32, #tpu.memory_space<vmem>>, vector<1x16xf32>,
        %parallel_loop3A_323 = vector.shape_cast %parallel_loop3A_322 : vector<1x16xf32> to vector<16xf32>
        %parallel_loop3A_324 = arith.constant 0 : i32
        %parallel_loop3A_325 = arith.constant 0 : i32
        %parallel_loop3A_326 = tpu.memref_slice %arg8[%rem3A_113, %parallel_loop3A_324, %parallel_loop3A_325] : memref<2x16x1024xf32, #tpu.memory_space<vmem>> -> memref<1x16x1024xf32, #tpu.memory_space<vmem>>
        %parallel_loop3A_327 = tpu.memref_squeeze %parallel_loop3A_326 : memref<1x16x1024xf32, #tpu.memory_space<vmem>> -> memref<16x1024xf32, #tpu.memory_space<vmem>>
        %parallel_loop3A_328 = arith.index_cast %parallel_loop3A_160 : i32 to index
        %parallel_loop3A_329 = arith.constant 80 : index
        %parallel_loop3A_330 = tpu.vector_load %parallel_loop3A_327[%parallel_loop3A_328, %parallel_loop3A_329] {strides = array<i32>} : memref<16x1024xf32, #tpu.memory_space<vmem>>, vector<1x16xf32>,
        %parallel_loop3A_331 = vector.shape_cast %parallel_loop3A_330 : vector<1x16xf32> to vector<16xf32>
        %parallel_loop3A_332 = arith.addf %parallel_loop3A_323, %parallel_loop3A_331 : vector<16xf32>
        %parallel_loop3A_333 = arith.constant 1024 : i32
        %parallel_loop3A_334 = arith.muli %parallel_loop3A_160, %parallel_loop3A_333 : i32
        %parallel_loop3A_335 = arith.constant 80 : i32
        %parallel_loop3A_336 = arith.addi %parallel_loop3A_334, %parallel_loop3A_335 : i32
        %parallel_loop3A_337 = arith.constant 0 : i32
        %parallel_loop3A_338 = arith.constant 0 : i32
        %parallel_loop3A_339 = arith.constant 0 : i32
        %parallel_loop3A_340 = tpu.memref_slice %arg9[%rem3A_111, %parallel_loop3A_338, %parallel_loop3A_339] : memref<2x1x16384xf32, #tpu.memory_space<vmem>> -> memref<1x1x16384xf32, #tpu.memory_space<vmem>>
        %parallel_loop3A_341 = tpu.memref_squeeze %parallel_loop3A_340 : memref<1x1x16384xf32, #tpu.memory_space<vmem>> -> memref<1x16384xf32, #tpu.memory_space<vmem>>
        %parallel_loop3A_342 = arith.index_cast %parallel_loop3A_337 : i32 to index
        %parallel_loop3A_343 = arith.index_cast %parallel_loop3A_336 : i32 to index
        %parallel_loop3A_344 = tpu.vector_load %parallel_loop3A_341[%parallel_loop3A_342, %parallel_loop3A_343] {strides = array<i32>} : memref<1x16384xf32, #tpu.memory_space<vmem>>, vector<1x16xf32>,
        %parallel_loop3A_345 = vector.shape_cast %parallel_loop3A_344 : vector<1x16xf32> to vector<16xf32>
        %parallel_loop3A_346 = vector.shape_cast %parallel_loop3A_332 : vector<16xf32> to vector<1x16xf32>
        tpu.vector_store %parallel_loop3A_341[%parallel_loop3A_342, %parallel_loop3A_343], %parallel_loop3A_346 {strides = array<i32>} : memref<1x16384xf32, #tpu.memory_space<vmem>>, vector<1x16xf32>,
        %parallel_loop3A_347 = arith.constant 0 : i32
        %parallel_loop3A_348 = arith.constant 0 : i32
        %parallel_loop3A_349 = tpu.memref_slice %arg7[%rem3A_109, %parallel_loop3A_347, %parallel_loop3A_348] : memref<3x16x1024xf32, #tpu.memory_space<vmem>> -> memref<1x16x1024xf32, #tpu.memory_space<vmem>>
        %parallel_loop3A_350 = tpu.memref_squeeze %parallel_loop3A_349 : memref<1x16x1024xf32, #tpu.memory_space<vmem>> -> memref<16x1024xf32, #tpu.memory_space<vmem>>
        %parallel_loop3A_351 = arith.index_cast %parallel_loop3A_160 : i32 to index
        %parallel_loop3A_352 = arith.constant 96 : index
        %parallel_loop3A_353 = tpu.vector_load %parallel_loop3A_350[%parallel_loop3A_351, %parallel_loop3A_352] {strides = array<i32>} : memref<16x1024xf32, #tpu.memory_space<vmem>>, vector<1x16xf32>,
        %parallel_loop3A_354 = vector.shape_cast %parallel_loop3A_353 : vector<1x16xf32> to vector<16xf32>
        %parallel_loop3A_355 = arith.constant 0 : i32
        %parallel_loop3A_356 = arith.constant 0 : i32
        %parallel_loop3A_357 = tpu.memref_slice %arg8[%rem3A_113, %parallel_loop3A_355, %parallel_loop3A_356] : memref<2x16x1024xf32, #tpu.memory_space<vmem>> -> memref<1x16x1024xf32, #tpu.memory_space<vmem>>
        %parallel_loop3A_358 = tpu.memref_squeeze %parallel_loop3A_357 : memref<1x16x1024xf32, #tpu.memory_space<vmem>> -> memref<16x1024xf32, #tpu.memory_space<vmem>>
        %parallel_loop3A_359 = arith.index_cast %parallel_loop3A_160 : i32 to index
        %parallel_loop3A_360 = arith.constant 96 : index
        %parallel_loop3A_361 = tpu.vector_load %parallel_loop3A_358[%parallel_loop3A_359, %parallel_loop3A_360] {strides = array<i32>} : memref<16x1024xf32, #tpu.memory_space<vmem>>, vector<1x16xf32>,
        %parallel_loop3A_362 = vector.shape_cast %parallel_loop3A_361 : vector<1x16xf32> to vector<16xf32>
        %parallel_loop3A_363 = arith.addf %parallel_loop3A_354, %parallel_loop3A_362 : vector<16xf32>
        %parallel_loop3A_364 = arith.constant 1024 : i32
        %parallel_loop3A_365 = arith.muli %parallel_loop3A_160, %parallel_loop3A_364 : i32
        %parallel_loop3A_366 = arith.constant 96 : i32
        %parallel_loop3A_367 = arith.addi %parallel_loop3A_365, %parallel_loop3A_366 : i32
        %parallel_loop3A_368 = arith.constant 0 : i32
        %parallel_loop3A_369 = arith.constant 0 : i32
        %parallel_loop3A_370 = arith.constant 0 : i32
        %parallel_loop3A_371 = tpu.memref_slice %arg9[%rem3A_111, %parallel_loop3A_369, %parallel_loop3A_370] : memref<2x1x16384xf32, #tpu.memory_space<vmem>> -> memref<1x1x16384xf32, #tpu.memory_space<vmem>>
        %parallel_loop3A_372 = tpu.memref_squeeze %parallel_loop3A_371 : memref<1x1x16384xf32, #tpu.memory_space<vmem>> -> memref<1x16384xf32, #tpu.memory_space<vmem>>
        %parallel_loop3A_373 = arith.index_cast %parallel_loop3A_368 : i32 to index
        %parallel_loop3A_374 = arith.index_cast %parallel_loop3A_367 : i32 to index
        %parallel_loop3A_375 = tpu.vector_load %parallel_loop3A_372[%parallel_loop3A_373, %parallel_loop3A_374] {strides = array<i32>} : memref<1x16384xf32, #tpu.memory_space<vmem>>, vector<1x16xf32>,
        %parallel_loop3A_376 = vector.shape_cast %parallel_loop3A_375 : vector<1x16xf32> to vector<16xf32>
        %parallel_loop3A_377 = vector.shape_cast %parallel_loop3A_363 : vector<16xf32> to vector<1x16xf32>
        tpu.vector_store %parallel_loop3A_372[%parallel_loop3A_373, %parallel_loop3A_374], %parallel_loop3A_377 {strides = array<i32>} : memref<1x16384xf32, #tpu.memory_space<vmem>>, vector<1x16xf32>,
        %parallel_loop3A_378 = arith.constant 0 : i32
        %parallel_loop3A_379 = arith.constant 0 : i32
        %parallel_loop3A_380 = tpu.memref_slice %arg7[%rem3A_109, %parallel_loop3A_378, %parallel_loop3A_379] : memref<3x16x1024xf32, #tpu.memory_space<vmem>> -> memref<1x16x1024xf32, #tpu.memory_space<vmem>>
        %parallel_loop3A_381 = tpu.memref_squeeze %parallel_loop3A_380 : memref<1x16x1024xf32, #tpu.memory_space<vmem>> -> memref<16x1024xf32, #tpu.memory_space<vmem>>
        %parallel_loop3A_382 = arith.index_cast %parallel_loop3A_160 : i32 to index
        %parallel_loop3A_383 = arith.constant 112 : index
        %parallel_loop3A_384 = tpu.vector_load %parallel_loop3A_381[%parallel_loop3A_382, %parallel_loop3A_383] {strides = array<i32>} : memref<16x1024xf32, #tpu.memory_space<vmem>>, vector<1x16xf32>,
        %parallel_loop3A_385 = vector.shape_cast %parallel_loop3A_384 : vector<1x16xf32> to vector<16xf32>
        %parallel_loop3A_386 = arith.constant 0 : i32
        %parallel_loop3A_387 = arith.constant 0 : i32
        %parallel_loop3A_388 = tpu.memref_slice %arg8[%rem3A_113, %parallel_loop3A_386, %parallel_loop3A_387] : memref<2x16x1024xf32, #tpu.memory_space<vmem>> -> memref<1x16x1024xf32, #tpu.memory_space<vmem>>
        %parallel_loop3A_389 = tpu.memref_squeeze %parallel_loop3A_388 : memref<1x16x1024xf32, #tpu.memory_space<vmem>> -> memref<16x1024xf32, #tpu.memory_space<vmem>>
        %parallel_loop3A_390 = arith.index_cast %parallel_loop3A_160 : i32 to index
        %parallel_loop3A_391 = arith.constant 112 : index
        %parallel_loop3A_392 = tpu.vector_load %parallel_loop3A_389[%parallel_loop3A_390, %parallel_loop3A_391] {strides = array<i32>} : memref<16x1024xf32, #tpu.memory_space<vmem>>, vector<1x16xf32>,
        %parallel_loop3A_393 = vector.shape_cast %parallel_loop3A_392 : vector<1x16xf32> to vector<16xf32>
        %parallel_loop3A_394 = arith.addf %parallel_loop3A_385, %parallel_loop3A_393 : vector<16xf32>
        %parallel_loop3A_395 = arith.constant 1024 : i32
        %parallel_loop3A_396 = arith.muli %parallel_loop3A_160, %parallel_loop3A_395 : i32
        %parallel_loop3A_397 = arith.constant 112 : i32
        %parallel_loop3A_398 = arith.addi %parallel_loop3A_396, %parallel_loop3A_397 : i32
        %parallel_loop3A_399 = arith.constant 0 : i32
        %parallel_loop3A_400 = arith.constant 0 : i32
        %parallel_loop3A_401 = arith.constant 0 : i32
        %parallel_loop3A_402 = tpu.memref_slice %arg9[%rem3A_111, %parallel_loop3A_400, %parallel_loop3A_401] : memref<2x1x16384xf32, #tpu.memory_space<vmem>> -> memref<1x1x16384xf32, #tpu.memory_space<vmem>>
        %parallel_loop3A_403 = tpu.memref_squeeze %parallel_loop3A_402 : memref<1x1x16384xf32, #tpu.memory_space<vmem>> -> memref<1x16384xf32, #tpu.memory_space<vmem>>
        %parallel_loop3A_404 = arith.index_cast %parallel_loop3A_399 : i32 to index
        %parallel_loop3A_405 = arith.index_cast %parallel_loop3A_398 : i32 to index
        %parallel_loop3A_406 = tpu.vector_load %parallel_loop3A_403[%parallel_loop3A_404, %parallel_loop3A_405] {strides = array<i32>} : memref<1x16384xf32, #tpu.memory_space<vmem>>, vector<1x16xf32>,
        %parallel_loop3A_407 = vector.shape_cast %parallel_loop3A_406 : vector<1x16xf32> to vector<16xf32>
        %parallel_loop3A_408 = vector.shape_cast %parallel_loop3A_394 : vector<16xf32> to vector<1x16xf32>
        tpu.vector_store %parallel_loop3A_403[%parallel_loop3A_404, %parallel_loop3A_405], %parallel_loop3A_408 {strides = array<i32>} : memref<1x16384xf32, #tpu.memory_space<vmem>>, vector<1x16xf32>,
        %parallel_loop3A_409 = arith.constant 0 : i32
        %parallel_loop3A_410 = arith.constant 0 : i32
        %parallel_loop3A_411 = tpu.memref_slice %arg7[%rem3A_109, %parallel_loop3A_409, %parallel_loop3A_410] : memref<3x16x1024xf32, #tpu.memory_space<vmem>> -> memref<1x16x1024xf32, #tpu.memory_space<vmem>>
        %parallel_loop3A_412 = tpu.memref_squeeze %parallel_loop3A_411 : memref<1x16x1024xf32, #tpu.memory_space<vmem>> -> memref<16x1024xf32, #tpu.memory_space<vmem>>
        %parallel_loop3A_413 = arith.index_cast %parallel_loop3A_160 : i32 to index
        %parallel_loop3A_414 = arith.constant 128 : index
        %parallel_loop3A_415 = tpu.vector_load %parallel_loop3A_412[%parallel_loop3A_413, %parallel_loop3A_414] {strides = array<i32>} : memref<16x1024xf32, #tpu.memory_space<vmem>>, vector<1x16xf32>,
        %parallel_loop3A_416 = vector.shape_cast %parallel_loop3A_415 : vector<1x16xf32> to vector<16xf32>
        %parallel_loop3A_417 = arith.constant 0 : i32
        %parallel_loop3A_418 = arith.constant 0 : i32
        %parallel_loop3A_419 = tpu.memref_slice %arg8[%rem3A_113, %parallel_loop3A_417, %parallel_loop3A_418] : memref<2x16x1024xf32, #tpu.memory_space<vmem>> -> memref<1x16x1024xf32, #tpu.memory_space<vmem>>
        %parallel_loop3A_420 = tpu.memref_squeeze %parallel_loop3A_419 : memref<1x16x1024xf32, #tpu.memory_space<vmem>> -> memref<16x1024xf32, #tpu.memory_space<vmem>>
        %parallel_loop3A_421 = arith.index_cast %parallel_loop3A_160 : i32 to index
        %parallel_loop3A_422 = arith.constant 128 : index
        %parallel_loop3A_423 = tpu.vector_load %parallel_loop3A_420[%parallel_loop3A_421, %parallel_loop3A_422] {strides = array<i32>} : memref<16x1024xf32, #tpu.memory_space<vmem>>, vector<1x16xf32>,
        %parallel_loop3A_424 = vector.shape_cast %parallel_loop3A_423 : vector<1x16xf32> to vector<16xf32>
        %parallel_loop3A_425 = arith.addf %parallel_loop3A_416, %parallel_loop3A_424 : vector<16xf32>
        %parallel_loop3A_426 = arith.constant 1024 : i32
        %parallel_loop3A_427 = arith.muli %parallel_loop3A_160, %parallel_loop3A_426 : i32
        %parallel_loop3A_428 = arith.constant 128 : i32
        %parallel_loop3A_429 = arith.addi %parallel_loop3A_427, %parallel_loop3A_428 : i32
        %parallel_loop3A_430 = arith.constant 0 : i32
        %parallel_loop3A_431 = arith.constant 0 : i32
        %parallel_loop3A_432 = arith.constant 0 : i32
        %parallel_loop3A_433 = tpu.memref_slice %arg9[%rem3A_111, %parallel_loop3A_431, %parallel_loop3A_432] : memref<2x1x16384xf32, #tpu.memory_space<vmem>> -> memref<1x1x16384xf32, #tpu.memory_space<vmem>>
        %parallel_loop3A_434 = tpu.memref_squeeze %parallel_loop3A_433 : memref<1x1x16384xf32, #tpu.memory_space<vmem>> -> memref<1x16384xf32, #tpu.memory_space<vmem>>
        %parallel_loop3A_435 = arith.index_cast %parallel_loop3A_430 : i32 to index
        %parallel_loop3A_436 = arith.index_cast %parallel_loop3A_429 : i32 to index
        %parallel_loop3A_437 = tpu.vector_load %parallel_loop3A_434[%parallel_loop3A_435, %parallel_loop3A_436] {strides = array<i32>} : memref<1x16384xf32, #tpu.memory_space<vmem>>, vector<1x16xf32>,
        %parallel_loop3A_438 = vector.shape_cast %parallel_loop3A_437 : vector<1x16xf32> to vector<16xf32>
        %parallel_loop3A_439 = vector.shape_cast %parallel_loop3A_425 : vector<16xf32> to vector<1x16xf32>
        tpu.vector_store %parallel_loop3A_434[%parallel_loop3A_435, %parallel_loop3A_436], %parallel_loop3A_439 {strides = array<i32>} : memref<1x16384xf32, #tpu.memory_space<vmem>>, vector<1x16xf32>,
        %parallel_loop3A_440 = arith.constant 0 : i32
        %parallel_loop3A_441 = arith.constant 0 : i32
        %parallel_loop3A_442 = tpu.memref_slice %arg7[%rem3A_109, %parallel_loop3A_440, %parallel_loop3A_441] : memref<3x16x1024xf32, #tpu.memory_space<vmem>> -> memref<1x16x1024xf32, #tpu.memory_space<vmem>>
        %parallel_loop3A_443 = tpu.memref_squeeze %parallel_loop3A_442 : memref<1x16x1024xf32, #tpu.memory_space<vmem>> -> memref<16x1024xf32, #tpu.memory_space<vmem>>
        %parallel_loop3A_444 = arith.index_cast %parallel_loop3A_160 : i32 to index
        %parallel_loop3A_445 = arith.constant 144 : index
        %parallel_loop3A_446 = tpu.vector_load %parallel_loop3A_443[%parallel_loop3A_444, %parallel_loop3A_445] {strides = array<i32>} : memref<16x1024xf32, #tpu.memory_space<vmem>>, vector<1x16xf32>,
        %parallel_loop3A_447 = vector.shape_cast %parallel_loop3A_446 : vector<1x16xf32> to vector<16xf32>
        %parallel_loop3A_448 = arith.constant 0 : i32
        %parallel_loop3A_449 = arith.constant 0 : i32
        %parallel_loop3A_450 = tpu.memref_slice %arg8[%rem3A_113, %parallel_loop3A_448, %parallel_loop3A_449] : memref<2x16x1024xf32, #tpu.memory_space<vmem>> -> memref<1x16x1024xf32, #tpu.memory_space<vmem>>
        %parallel_loop3A_451 = tpu.memref_squeeze %parallel_loop3A_450 : memref<1x16x1024xf32, #tpu.memory_space<vmem>> -> memref<16x1024xf32, #tpu.memory_space<vmem>>
        %parallel_loop3A_452 = arith.index_cast %parallel_loop3A_160 : i32 to index
        %parallel_loop3A_453 = arith.constant 144 : index
        %parallel_loop3A_454 = tpu.vector_load %parallel_loop3A_451[%parallel_loop3A_452, %parallel_loop3A_453] {strides = array<i32>} : memref<16x1024xf32, #tpu.memory_space<vmem>>, vector<1x16xf32>,
        %parallel_loop3A_455 = vector.shape_cast %parallel_loop3A_454 : vector<1x16xf32> to vector<16xf32>
        %parallel_loop3A_456 = arith.addf %parallel_loop3A_447, %parallel_loop3A_455 : vector<16xf32>
        %parallel_loop3A_457 = arith.constant 1024 : i32
        %parallel_loop3A_458 = arith.muli %parallel_loop3A_160, %parallel_loop3A_457 : i32
        %parallel_loop3A_459 = arith.constant 144 : i32
        %parallel_loop3A_460 = arith.addi %parallel_loop3A_458, %parallel_loop3A_459 : i32
        %parallel_loop3A_461 = arith.constant 0 : i32
        %parallel_loop3A_462 = arith.constant 0 : i32
        %parallel_loop3A_463 = arith.constant 0 : i32
        %parallel_loop3A_464 = tpu.memref_slice %arg9[%rem3A_111, %parallel_loop3A_462, %parallel_loop3A_463] : memref<2x1x16384xf32, #tpu.memory_space<vmem>> -> memref<1x1x16384xf32, #tpu.memory_space<vmem>>
        %parallel_loop3A_465 = tpu.memref_squeeze %parallel_loop3A_464 : memref<1x1x16384xf32, #tpu.memory_space<vmem>> -> memref<1x16384xf32, #tpu.memory_space<vmem>>
        %parallel_loop3A_466 = arith.index_cast %parallel_loop3A_461 : i32 to index
        %parallel_loop3A_467 = arith.index_cast %parallel_loop3A_460 : i32 to index
        %parallel_loop3A_468 = tpu.vector_load %parallel_loop3A_465[%parallel_loop3A_466, %parallel_loop3A_467] {strides = array<i32>} : memref<1x16384xf32, #tpu.memory_space<vmem>>, vector<1x16xf32>,
        %parallel_loop3A_469 = vector.shape_cast %parallel_loop3A_468 : vector<1x16xf32> to vector<16xf32>
        %parallel_loop3A_470 = vector.shape_cast %parallel_loop3A_456 : vector<16xf32> to vector<1x16xf32>
        tpu.vector_store %parallel_loop3A_465[%parallel_loop3A_466, %parallel_loop3A_467], %parallel_loop3A_470 {strides = array<i32>} : memref<1x16384xf32, #tpu.memory_space<vmem>>, vector<1x16xf32>,
        %parallel_loop3A_471 = arith.constant 0 : i32
        %parallel_loop3A_472 = arith.constant 0 : i32
        %parallel_loop3A_473 = tpu.memref_slice %arg7[%rem3A_109, %parallel_loop3A_471, %parallel_loop3A_472] : memref<3x16x1024xf32, #tpu.memory_space<vmem>> -> memref<1x16x1024xf32, #tpu.memory_space<vmem>>
        %parallel_loop3A_474 = tpu.memref_squeeze %parallel_loop3A_473 : memref<1x16x1024xf32, #tpu.memory_space<vmem>> -> memref<16x1024xf32, #tpu.memory_space<vmem>>
        %parallel_loop3A_475 = arith.index_cast %parallel_loop3A_160 : i32 to index
        %parallel_loop3A_476 = arith.constant 160 : index
        %parallel_loop3A_477 = tpu.vector_load %parallel_loop3A_474[%parallel_loop3A_475, %parallel_loop3A_476] {strides = array<i32>} : memref<16x1024xf32, #tpu.memory_space<vmem>>, vector<1x16xf32>,
        %parallel_loop3A_478 = vector.shape_cast %parallel_loop3A_477 : vector<1x16xf32> to vector<16xf32>
        %parallel_loop3A_479 = arith.constant 0 : i32
        %parallel_loop3A_480 = arith.constant 0 : i32
        %parallel_loop3A_481 = tpu.memref_slice %arg8[%rem3A_113, %parallel_loop3A_479, %parallel_loop3A_480] : memref<2x16x1024xf32, #tpu.memory_space<vmem>> -> memref<1x16x1024xf32, #tpu.memory_space<vmem>>
        %parallel_loop3A_482 = tpu.memref_squeeze %parallel_loop3A_481 : memref<1x16x1024xf32, #tpu.memory_space<vmem>> -> memref<16x1024xf32, #tpu.memory_space<vmem>>
        %parallel_loop3A_483 = arith.index_cast %parallel_loop3A_160 : i32 to index
        %parallel_loop3A_484 = arith.constant 160 : index
        %parallel_loop3A_485 = tpu.vector_load %parallel_loop3A_482[%parallel_loop3A_483, %parallel_loop3A_484] {strides = array<i32>} : memref<16x1024xf32, #tpu.memory_space<vmem>>, vector<1x16xf32>,
        %parallel_loop3A_486 = vector.shape_cast %parallel_loop3A_485 : vector<1x16xf32> to vector<16xf32>
        %parallel_loop3A_487 = arith.addf %parallel_loop3A_478, %parallel_loop3A_486 : vector<16xf32>
        %parallel_loop3A_488 = arith.constant 1024 : i32
        %parallel_loop3A_489 = arith.muli %parallel_loop3A_160, %parallel_loop3A_488 : i32
        %parallel_loop3A_490 = arith.constant 160 : i32
        %parallel_loop3A_491 = arith.addi %parallel_loop3A_489, %parallel_loop3A_490 : i32
        %parallel_loop3A_492 = arith.constant 0 : i32
        %parallel_loop3A_493 = arith.constant 0 : i32
        %parallel_loop3A_494 = arith.constant 0 : i32
        %parallel_loop3A_495 = tpu.memref_slice %arg9[%rem3A_111, %parallel_loop3A_493, %parallel_loop3A_494] : memref<2x1x16384xf32, #tpu.memory_space<vmem>> -> memref<1x1x16384xf32, #tpu.memory_space<vmem>>
        %parallel_loop3A_496 = tpu.memref_squeeze %parallel_loop3A_495 : memref<1x1x16384xf32, #tpu.memory_space<vmem>> -> memref<1x16384xf32, #tpu.memory_space<vmem>>
        %parallel_loop3A_497 = arith.index_cast %parallel_loop3A_492 : i32 to index
        %parallel_loop3A_498 = arith.index_cast %parallel_loop3A_491 : i32 to index
        %parallel_loop3A_499 = tpu.vector_load %parallel_loop3A_496[%parallel_loop3A_497, %parallel_loop3A_498] {strides = array<i32>} : memref<1x16384xf32, #tpu.memory_space<vmem>>, vector<1x16xf32>,
        %parallel_loop3A_500 = vector.shape_cast %parallel_loop3A_499 : vector<1x16xf32> to vector<16xf32>
        %parallel_loop3A_501 = vector.shape_cast %parallel_loop3A_487 : vector<16xf32> to vector<1x16xf32>
        tpu.vector_store %parallel_loop3A_496[%parallel_loop3A_497, %parallel_loop3A_498], %parallel_loop3A_501 {strides = array<i32>} : memref<1x16384xf32, #tpu.memory_space<vmem>>, vector<1x16xf32>,
        %parallel_loop3A_502 = arith.constant 0 : i32
        %parallel_loop3A_503 = arith.constant 0 : i32
        %parallel_loop3A_504 = tpu.memref_slice %arg7[%rem3A_109, %parallel_loop3A_502, %parallel_loop3A_503] : memref<3x16x1024xf32, #tpu.memory_space<vmem>> -> memref<1x16x1024xf32, #tpu.memory_space<vmem>>
        %parallel_loop3A_505 = tpu.memref_squeeze %parallel_loop3A_504 : memref<1x16x1024xf32, #tpu.memory_space<vmem>> -> memref<16x1024xf32, #tpu.memory_space<vmem>>
        %parallel_loop3A_506 = arith.index_cast %parallel_loop3A_160 : i32 to index
        %parallel_loop3A_507 = arith.constant 176 : index
        %parallel_loop3A_508 = tpu.vector_load %parallel_loop3A_505[%parallel_loop3A_506, %parallel_loop3A_507] {strides = array<i32>} : memref<16x1024xf32, #tpu.memory_space<vmem>>, vector<1x16xf32>,
        %parallel_loop3A_509 = vector.shape_cast %parallel_loop3A_508 : vector<1x16xf32> to vector<16xf32>
        %parallel_loop3A_510 = arith.constant 0 : i32
        %parallel_loop3A_511 = arith.constant 0 : i32
        %parallel_loop3A_512 = tpu.memref_slice %arg8[%rem3A_113, %parallel_loop3A_510, %parallel_loop3A_511] : memref<2x16x1024xf32, #tpu.memory_space<vmem>> -> memref<1x16x1024xf32, #tpu.memory_space<vmem>>
        %parallel_loop3A_513 = tpu.memref_squeeze %parallel_loop3A_512 : memref<1x16x1024xf32, #tpu.memory_space<vmem>> -> memref<16x1024xf32, #tpu.memory_space<vmem>>
        %parallel_loop3A_514 = arith.index_cast %parallel_loop3A_160 : i32 to index
        %parallel_loop3A_515 = arith.constant 176 : index
        %parallel_loop3A_516 = tpu.vector_load %parallel_loop3A_513[%parallel_loop3A_514, %parallel_loop3A_515] {strides = array<i32>} : memref<16x1024xf32, #tpu.memory_space<vmem>>, vector<1x16xf32>,
        %parallel_loop3A_517 = vector.shape_cast %parallel_loop3A_516 : vector<1x16xf32> to vector<16xf32>
        %parallel_loop3A_518 = arith.addf %parallel_loop3A_509, %parallel_loop3A_517 : vector<16xf32>
        %parallel_loop3A_519 = arith.constant 1024 : i32
        %parallel_loop3A_520 = arith.muli %parallel_loop3A_160, %parallel_loop3A_519 : i32
        %parallel_loop3A_521 = arith.constant 176 : i32
        %parallel_loop3A_522 = arith.addi %parallel_loop3A_520, %parallel_loop3A_521 : i32
        %parallel_loop3A_523 = arith.constant 0 : i32
        %parallel_loop3A_524 = arith.constant 0 : i32
        %parallel_loop3A_525 = arith.constant 0 : i32
        %parallel_loop3A_526 = tpu.memref_slice %arg9[%rem3A_111, %parallel_loop3A_524, %parallel_loop3A_525] : memref<2x1x16384xf32, #tpu.memory_space<vmem>> -> memref<1x1x16384xf32, #tpu.memory_space<vmem>>
        %parallel_loop3A_527 = tpu.memref_squeeze %parallel_loop3A_526 : memref<1x1x16384xf32, #tpu.memory_space<vmem>> -> memref<1x16384xf32, #tpu.memory_space<vmem>>
        %parallel_loop3A_528 = arith.index_cast %parallel_loop3A_523 : i32 to index
        %parallel_loop3A_529 = arith.index_cast %parallel_loop3A_522 : i32 to index
        %parallel_loop3A_530 = tpu.vector_load %parallel_loop3A_527[%parallel_loop3A_528, %parallel_loop3A_529] {strides = array<i32>} : memref<1x16384xf32, #tpu.memory_space<vmem>>, vector<1x16xf32>,
        %parallel_loop3A_531 = vector.shape_cast %parallel_loop3A_530 : vector<1x16xf32> to vector<16xf32>
        %parallel_loop3A_532 = vector.shape_cast %parallel_loop3A_518 : vector<16xf32> to vector<1x16xf32>
        tpu.vector_store %parallel_loop3A_527[%parallel_loop3A_528, %parallel_loop3A_529], %parallel_loop3A_532 {strides = array<i32>} : memref<1x16384xf32, #tpu.memory_space<vmem>>, vector<1x16xf32>,
        %parallel_loop3A_533 = arith.constant 0 : i32
        %parallel_loop3A_534 = arith.constant 0 : i32
        %parallel_loop3A_535 = tpu.memref_slice %arg7[%rem3A_109, %parallel_loop3A_533, %parallel_loop3A_534] : memref<3x16x1024xf32, #tpu.memory_space<vmem>> -> memref<1x16x1024xf32, #tpu.memory_space<vmem>>
        %parallel_loop3A_536 = tpu.memref_squeeze %parallel_loop3A_535 : memref<1x16x1024xf32, #tpu.memory_space<vmem>> -> memref<16x1024xf32, #tpu.memory_space<vmem>>
        %parallel_loop3A_537 = arith.index_cast %parallel_loop3A_160 : i32 to index
        %parallel_loop3A_538 = arith.constant 192 : index
        %parallel_loop3A_539 = tpu.vector_load %parallel_loop3A_536[%parallel_loop3A_537, %parallel_loop3A_538] {strides = array<i32>} : memref<16x1024xf32, #tpu.memory_space<vmem>>, vector<1x16xf32>,
        %parallel_loop3A_540 = vector.shape_cast %parallel_loop3A_539 : vector<1x16xf32> to vector<16xf32>
        %parallel_loop3A_541 = arith.constant 0 : i32
        %parallel_loop3A_542 = arith.constant 0 : i32
        %parallel_loop3A_543 = tpu.memref_slice %arg8[%rem3A_113, %parallel_loop3A_541, %parallel_loop3A_542] : memref<2x16x1024xf32, #tpu.memory_space<vmem>> -> memref<1x16x1024xf32, #tpu.memory_space<vmem>>
        %parallel_loop3A_544 = tpu.memref_squeeze %parallel_loop3A_543 : memref<1x16x1024xf32, #tpu.memory_space<vmem>> -> memref<16x1024xf32, #tpu.memory_space<vmem>>
        %parallel_loop3A_545 = arith.index_cast %parallel_loop3A_160 : i32 to index
        %parallel_loop3A_546 = arith.constant 192 : index
        %parallel_loop3A_547 = tpu.vector_load %parallel_loop3A_544[%parallel_loop3A_545, %parallel_loop3A_546] {strides = array<i32>} : memref<16x1024xf32, #tpu.memory_space<vmem>>, vector<1x16xf32>,
        %parallel_loop3A_548 = vector.shape_cast %parallel_loop3A_547 : vector<1x16xf32> to vector<16xf32>
        %parallel_loop3A_549 = arith.addf %parallel_loop3A_540, %parallel_loop3A_548 : vector<16xf32>
        %parallel_loop3A_550 = arith.constant 1024 : i32
        %parallel_loop3A_551 = arith.muli %parallel_loop3A_160, %parallel_loop3A_550 : i32
        %parallel_loop3A_552 = arith.constant 192 : i32
        %parallel_loop3A_553 = arith.addi %parallel_loop3A_551, %parallel_loop3A_552 : i32
        %parallel_loop3A_554 = arith.constant 0 : i32
        %parallel_loop3A_555 = arith.constant 0 : i32
        %parallel_loop3A_556 = arith.constant 0 : i32
        %parallel_loop3A_557 = tpu.memref_slice %arg9[%rem3A_111, %parallel_loop3A_555, %parallel_loop3A_556] : memref<2x1x16384xf32, #tpu.memory_space<vmem>> -> memref<1x1x16384xf32, #tpu.memory_space<vmem>>
        %parallel_loop3A_558 = tpu.memref_squeeze %parallel_loop3A_557 : memref<1x1x16384xf32, #tpu.memory_space<vmem>> -> memref<1x16384xf32, #tpu.memory_space<vmem>>
        %parallel_loop3A_559 = arith.index_cast %parallel_loop3A_554 : i32 to index
        %parallel_loop3A_560 = arith.index_cast %parallel_loop3A_553 : i32 to index
        %parallel_loop3A_561 = tpu.vector_load %parallel_loop3A_558[%parallel_loop3A_559, %parallel_loop3A_560] {strides = array<i32>} : memref<1x16384xf32, #tpu.memory_space<vmem>>, vector<1x16xf32>,
        %parallel_loop3A_562 = vector.shape_cast %parallel_loop3A_561 : vector<1x16xf32> to vector<16xf32>
        %parallel_loop3A_563 = vector.shape_cast %parallel_loop3A_549 : vector<16xf32> to vector<1x16xf32>
        tpu.vector_store %parallel_loop3A_558[%parallel_loop3A_559, %parallel_loop3A_560], %parallel_loop3A_563 {strides = array<i32>} : memref<1x16384xf32, #tpu.memory_space<vmem>>, vector<1x16xf32>,
        %parallel_loop3A_564 = arith.constant 0 : i32
        %parallel_loop3A_565 = arith.constant 0 : i32
        %parallel_loop3A_566 = tpu.memref_slice %arg7[%rem3A_109, %parallel_loop3A_564, %parallel_loop3A_565] : memref<3x16x1024xf32, #tpu.memory_space<vmem>> -> memref<1x16x1024xf32, #tpu.memory_space<vmem>>
        %parallel_loop3A_567 = tpu.memref_squeeze %parallel_loop3A_566 : memref<1x16x1024xf32, #tpu.memory_space<vmem>> -> memref<16x1024xf32, #tpu.memory_space<vmem>>
        %parallel_loop3A_568 = arith.index_cast %parallel_loop3A_160 : i32 to index
        %parallel_loop3A_569 = arith.constant 208 : index
        %parallel_loop3A_570 = tpu.vector_load %parallel_loop3A_567[%parallel_loop3A_568, %parallel_loop3A_569] {strides = array<i32>} : memref<16x1024xf32, #tpu.memory_space<vmem>>, vector<1x16xf32>,
        %parallel_loop3A_571 = vector.shape_cast %parallel_loop3A_570 : vector<1x16xf32> to vector<16xf32>
        %parallel_loop3A_572 = arith.constant 0 : i32
        %parallel_loop3A_573 = arith.constant 0 : i32
        %parallel_loop3A_574 = tpu.memref_slice %arg8[%rem3A_113, %parallel_loop3A_572, %parallel_loop3A_573] : memref<2x16x1024xf32, #tpu.memory_space<vmem>> -> memref<1x16x1024xf32, #tpu.memory_space<vmem>>
        %parallel_loop3A_575 = tpu.memref_squeeze %parallel_loop3A_574 : memref<1x16x1024xf32, #tpu.memory_space<vmem>> -> memref<16x1024xf32, #tpu.memory_space<vmem>>
        %parallel_loop3A_576 = arith.index_cast %parallel_loop3A_160 : i32 to index
        %parallel_loop3A_577 = arith.constant 208 : index
        %parallel_loop3A_578 = tpu.vector_load %parallel_loop3A_575[%parallel_loop3A_576, %parallel_loop3A_577] {strides = array<i32>} : memref<16x1024xf32, #tpu.memory_space<vmem>>, vector<1x16xf32>,
        %parallel_loop3A_579 = vector.shape_cast %parallel_loop3A_578 : vector<1x16xf32> to vector<16xf32>
        %parallel_loop3A_580 = arith.addf %parallel_loop3A_571, %parallel_loop3A_579 : vector<16xf32>
        %parallel_loop3A_581 = arith.constant 1024 : i32
        %parallel_loop3A_582 = arith.muli %parallel_loop3A_160, %parallel_loop3A_581 : i32
        %parallel_loop3A_583 = arith.constant 208 : i32
        %parallel_loop3A_584 = arith.addi %parallel_loop3A_582, %parallel_loop3A_583 : i32
        %parallel_loop3A_585 = arith.constant 0 : i32
        %parallel_loop3A_586 = arith.constant 0 : i32
        %parallel_loop3A_587 = arith.constant 0 : i32
        %parallel_loop3A_588 = tpu.memref_slice %arg9[%rem3A_111, %parallel_loop3A_586, %parallel_loop3A_587] : memref<2x1x16384xf32, #tpu.memory_space<vmem>> -> memref<1x1x16384xf32, #tpu.memory_space<vmem>>
        %parallel_loop3A_589 = tpu.memref_squeeze %parallel_loop3A_588 : memref<1x1x16384xf32, #tpu.memory_space<vmem>> -> memref<1x16384xf32, #tpu.memory_space<vmem>>
        %parallel_loop3A_590 = arith.index_cast %parallel_loop3A_585 : i32 to index
        %parallel_loop3A_591 = arith.index_cast %parallel_loop3A_584 : i32 to index
        %parallel_loop3A_592 = tpu.vector_load %parallel_loop3A_589[%parallel_loop3A_590, %parallel_loop3A_591] {strides = array<i32>} : memref<1x16384xf32, #tpu.memory_space<vmem>>, vector<1x16xf32>,
        %parallel_loop3A_593 = vector.shape_cast %parallel_loop3A_592 : vector<1x16xf32> to vector<16xf32>
        %parallel_loop3A_594 = vector.shape_cast %parallel_loop3A_580 : vector<16xf32> to vector<1x16xf32>
        tpu.vector_store %parallel_loop3A_589[%parallel_loop3A_590, %parallel_loop3A_591], %parallel_loop3A_594 {strides = array<i32>} : memref<1x16384xf32, #tpu.memory_space<vmem>>, vector<1x16xf32>,
        %parallel_loop3A_595 = arith.constant 0 : i32
        %parallel_loop3A_596 = arith.constant 0 : i32
        %parallel_loop3A_597 = tpu.memref_slice %arg7[%rem3A_109, %parallel_loop3A_595, %parallel_loop3A_596] : memref<3x16x1024xf32, #tpu.memory_space<vmem>> -> memref<1x16x1024xf32, #tpu.memory_space<vmem>>
        %parallel_loop3A_598 = tpu.memref_squeeze %parallel_loop3A_597 : memref<1x16x1024xf32, #tpu.memory_space<vmem>> -> memref<16x1024xf32, #tpu.memory_space<vmem>>
        %parallel_loop3A_599 = arith.index_cast %parallel_loop3A_160 : i32 to index
        %parallel_loop3A_600 = arith.constant 224 : index
        %parallel_loop3A_601 = tpu.vector_load %parallel_loop3A_598[%parallel_loop3A_599, %parallel_loop3A_600] {strides = array<i32>} : memref<16x1024xf32, #tpu.memory_space<vmem>>, vector<1x16xf32>,
        %parallel_loop3A_602 = vector.shape_cast %parallel_loop3A_601 : vector<1x16xf32> to vector<16xf32>
        %parallel_loop3A_603 = arith.constant 0 : i32
        %parallel_loop3A_604 = arith.constant 0 : i32
        %parallel_loop3A_605 = tpu.memref_slice %arg8[%rem3A_113, %parallel_loop3A_603, %parallel_loop3A_604] : memref<2x16x1024xf32, #tpu.memory_space<vmem>> -> memref<1x16x1024xf32, #tpu.memory_space<vmem>>
        %parallel_loop3A_606 = tpu.memref_squeeze %parallel_loop3A_605 : memref<1x16x1024xf32, #tpu.memory_space<vmem>> -> memref<16x1024xf32, #tpu.memory_space<vmem>>
        %parallel_loop3A_607 = arith.index_cast %parallel_loop3A_160 : i32 to index
        %parallel_loop3A_608 = arith.constant 224 : index
        %parallel_loop3A_609 = tpu.vector_load %parallel_loop3A_606[%parallel_loop3A_607, %parallel_loop3A_608] {strides = array<i32>} : memref<16x1024xf32, #tpu.memory_space<vmem>>, vector<1x16xf32>,
        %parallel_loop3A_610 = vector.shape_cast %parallel_loop3A_609 : vector<1x16xf32> to vector<16xf32>
        %parallel_loop3A_611 = arith.addf %parallel_loop3A_602, %parallel_loop3A_610 : vector<16xf32>
        %parallel_loop3A_612 = arith.constant 1024 : i32
        %parallel_loop3A_613 = arith.muli %parallel_loop3A_160, %parallel_loop3A_612 : i32
        %parallel_loop3A_614 = arith.constant 224 : i32
        %parallel_loop3A_615 = arith.addi %parallel_loop3A_613, %parallel_loop3A_614 : i32
        %parallel_loop3A_616 = arith.constant 0 : i32
        %parallel_loop3A_617 = arith.constant 0 : i32
        %parallel_loop3A_618 = arith.constant 0 : i32
        %parallel_loop3A_619 = tpu.memref_slice %arg9[%rem3A_111, %parallel_loop3A_617, %parallel_loop3A_618] : memref<2x1x16384xf32, #tpu.memory_space<vmem>> -> memref<1x1x16384xf32, #tpu.memory_space<vmem>>
        %parallel_loop3A_620 = tpu.memref_squeeze %parallel_loop3A_619 : memref<1x1x16384xf32, #tpu.memory_space<vmem>> -> memref<1x16384xf32, #tpu.memory_space<vmem>>
        %parallel_loop3A_621 = arith.index_cast %parallel_loop3A_616 : i32 to index
        %parallel_loop3A_622 = arith.index_cast %parallel_loop3A_615 : i32 to index
        %parallel_loop3A_623 = tpu.vector_load %parallel_loop3A_620[%parallel_loop3A_621, %parallel_loop3A_622] {strides = array<i32>} : memref<1x16384xf32, #tpu.memory_space<vmem>>, vector<1x16xf32>,
        %parallel_loop3A_624 = vector.shape_cast %parallel_loop3A_623 : vector<1x16xf32> to vector<16xf32>
        %parallel_loop3A_625 = vector.shape_cast %parallel_loop3A_611 : vector<16xf32> to vector<1x16xf32>
        tpu.vector_store %parallel_loop3A_620[%parallel_loop3A_621, %parallel_loop3A_622], %parallel_loop3A_625 {strides = array<i32>} : memref<1x16384xf32, #tpu.memory_space<vmem>>, vector<1x16xf32>,
        %parallel_loop3A_626 = arith.constant 0 : i32
        %parallel_loop3A_627 = arith.constant 0 : i32
        %parallel_loop3A_628 = tpu.memref_slice %arg7[%rem3A_109, %parallel_loop3A_626, %parallel_loop3A_627] : memref<3x16x1024xf32, #tpu.memory_space<vmem>> -> memref<1x16x1024xf32, #tpu.memory_space<vmem>>
        %parallel_loop3A_629 = tpu.memref_squeeze %parallel_loop3A_628 : memref<1x16x1024xf32, #tpu.memory_space<vmem>> -> memref<16x1024xf32, #tpu.memory_space<vmem>>
        %parallel_loop3A_630 = arith.index_cast %parallel_loop3A_160 : i32 to index
        %parallel_loop3A_631 = arith.constant 240 : index
        %parallel_loop3A_632 = tpu.vector_load %parallel_loop3A_629[%parallel_loop3A_630, %parallel_loop3A_631] {strides = array<i32>} : memref<16x1024xf32, #tpu.memory_space<vmem>>, vector<1x16xf32>,
        %parallel_loop3A_633 = vector.shape_cast %parallel_loop3A_632 : vector<1x16xf32> to vector<16xf32>
        %parallel_loop3A_634 = arith.constant 0 : i32
        %parallel_loop3A_635 = arith.constant 0 : i32
        %parallel_loop3A_636 = tpu.memref_slice %arg8[%rem3A_113, %parallel_loop3A_634, %parallel_loop3A_635] : memref<2x16x1024xf32, #tpu.memory_space<vmem>> -> memref<1x16x1024xf32, #tpu.memory_space<vmem>>
        %parallel_loop3A_637 = tpu.memref_squeeze %parallel_loop3A_636 : memref<1x16x1024xf32, #tpu.memory_space<vmem>> -> memref<16x1024xf32, #tpu.memory_space<vmem>>
        %parallel_loop3A_638 = arith.index_cast %parallel_loop3A_160 : i32 to index
        %parallel_loop3A_639 = arith.constant 240 : index
        %parallel_loop3A_640 = tpu.vector_load %parallel_loop3A_637[%parallel_loop3A_638, %parallel_loop3A_639] {strides = array<i32>} : memref<16x1024xf32, #tpu.memory_space<vmem>>, vector<1x16xf32>,
        %parallel_loop3A_641 = vector.shape_cast %parallel_loop3A_640 : vector<1x16xf32> to vector<16xf32>
        %parallel_loop3A_642 = arith.addf %parallel_loop3A_633, %parallel_loop3A_641 : vector<16xf32>
        %parallel_loop3A_643 = arith.constant 1024 : i32
        %parallel_loop3A_644 = arith.muli %parallel_loop3A_160, %parallel_loop3A_643 : i32
        %parallel_loop3A_645 = arith.constant 240 : i32
        %parallel_loop3A_646 = arith.addi %parallel_loop3A_644, %parallel_loop3A_645 : i32
        %parallel_loop3A_647 = arith.constant 0 : i32
        %parallel_loop3A_648 = arith.constant 0 : i32
        %parallel_loop3A_649 = arith.constant 0 : i32
        %parallel_loop3A_650 = tpu.memref_slice %arg9[%rem3A_111, %parallel_loop3A_648, %parallel_loop3A_649] : memref<2x1x16384xf32, #tpu.memory_space<vmem>> -> memref<1x1x16384xf32, #tpu.memory_space<vmem>>
        %parallel_loop3A_651 = tpu.memref_squeeze %parallel_loop3A_650 : memref<1x1x16384xf32, #tpu.memory_space<vmem>> -> memref<1x16384xf32, #tpu.memory_space<vmem>>
        %parallel_loop3A_652 = arith.index_cast %parallel_loop3A_647 : i32 to index
        %parallel_loop3A_653 = arith.index_cast %parallel_loop3A_646 : i32 to index
        %parallel_loop3A_654 = tpu.vector_load %parallel_loop3A_651[%parallel_loop3A_652, %parallel_loop3A_653] {strides = array<i32>} : memref<1x16384xf32, #tpu.memory_space<vmem>>, vector<1x16xf32>,
        %parallel_loop3A_655 = vector.shape_cast %parallel_loop3A_654 : vector<1x16xf32> to vector<16xf32>
        %parallel_loop3A_656 = vector.shape_cast %parallel_loop3A_642 : vector<16xf32> to vector<1x16xf32>
        tpu.vector_store %parallel_loop3A_651[%parallel_loop3A_652, %parallel_loop3A_653], %parallel_loop3A_656 {strides = array<i32>} : memref<1x16384xf32, #tpu.memory_space<vmem>>, vector<1x16xf32>,
        %parallel_loop3A_657 = arith.constant 0 : i32
        %parallel_loop3A_658 = arith.constant 0 : i32
        %parallel_loop3A_659 = tpu.memref_slice %arg7[%rem3A_109, %parallel_loop3A_657, %parallel_loop3A_658] : memref<3x16x1024xf32, #tpu.memory_space<vmem>> -> memref<1x16x1024xf32, #tpu.memory_space<vmem>>
        %parallel_loop3A_660 = tpu.memref_squeeze %parallel_loop3A_659 : memref<1x16x1024xf32, #tpu.memory_space<vmem>> -> memref<16x1024xf32, #tpu.memory_space<vmem>>
        %parallel_loop3A_661 = arith.index_cast %parallel_loop3A_160 : i32 to index
        %parallel_loop3A_662 = arith.constant 256 : index
        %parallel_loop3A_663 = tpu.vector_load %parallel_loop3A_660[%parallel_loop3A_661, %parallel_loop3A_662] {strides = array<i32>} : memref<16x1024xf32, #tpu.memory_space<vmem>>, vector<1x16xf32>,
        %parallel_loop3A_664 = vector.shape_cast %parallel_loop3A_663 : vector<1x16xf32> to vector<16xf32>
        %parallel_loop3A_665 = arith.constant 0 : i32
        %parallel_loop3A_666 = arith.constant 0 : i32
        %parallel_loop3A_667 = tpu.memref_slice %arg8[%rem3A_113, %parallel_loop3A_665, %parallel_loop3A_666] : memref<2x16x1024xf32, #tpu.memory_space<vmem>> -> memref<1x16x1024xf32, #tpu.memory_space<vmem>>
        %parallel_loop3A_668 = tpu.memref_squeeze %parallel_loop3A_667 : memref<1x16x1024xf32, #tpu.memory_space<vmem>> -> memref<16x1024xf32, #tpu.memory_space<vmem>>
        %parallel_loop3A_669 = arith.index_cast %parallel_loop3A_160 : i32 to index
        %parallel_loop3A_670 = arith.constant 256 : index
        %parallel_loop3A_671 = tpu.vector_load %parallel_loop3A_668[%parallel_loop3A_669, %parallel_loop3A_670] {strides = array<i32>} : memref<16x1024xf32, #tpu.memory_space<vmem>>, vector<1x16xf32>,
        %parallel_loop3A_672 = vector.shape_cast %parallel_loop3A_671 : vector<1x16xf32> to vector<16xf32>
        %parallel_loop3A_673 = arith.addf %parallel_loop3A_664, %parallel_loop3A_672 : vector<16xf32>
        %parallel_loop3A_674 = arith.constant 1024 : i32
        %parallel_loop3A_675 = arith.muli %parallel_loop3A_160, %parallel_loop3A_674 : i32
        %parallel_loop3A_676 = arith.constant 256 : i32
        %parallel_loop3A_677 = arith.addi %parallel_loop3A_675, %parallel_loop3A_676 : i32
        %parallel_loop3A_678 = arith.constant 0 : i32
        %parallel_loop3A_679 = arith.constant 0 : i32
        %parallel_loop3A_680 = arith.constant 0 : i32
        %parallel_loop3A_681 = tpu.memref_slice %arg9[%rem3A_111, %parallel_loop3A_679, %parallel_loop3A_680] : memref<2x1x16384xf32, #tpu.memory_space<vmem>> -> memref<1x1x16384xf32, #tpu.memory_space<vmem>>
        %parallel_loop3A_682 = tpu.memref_squeeze %parallel_loop3A_681 : memref<1x1x16384xf32, #tpu.memory_space<vmem>> -> memref<1x16384xf32, #tpu.memory_space<vmem>>
        %parallel_loop3A_683 = arith.index_cast %parallel_loop3A_678 : i32 to index
        %parallel_loop3A_684 = arith.index_cast %parallel_loop3A_677 : i32 to index
        %parallel_loop3A_685 = tpu.vector_load %parallel_loop3A_682[%parallel_loop3A_683, %parallel_loop3A_684] {strides = array<i32>} : memref<1x16384xf32, #tpu.memory_space<vmem>>, vector<1x16xf32>,
        %parallel_loop3A_686 = vector.shape_cast %parallel_loop3A_685 : vector<1x16xf32> to vector<16xf32>
        %parallel_loop3A_687 = vector.shape_cast %parallel_loop3A_673 : vector<16xf32> to vector<1x16xf32>
        tpu.vector_store %parallel_loop3A_682[%parallel_loop3A_683, %parallel_loop3A_684], %parallel_loop3A_687 {strides = array<i32>} : memref<1x16384xf32, #tpu.memory_space<vmem>>, vector<1x16xf32>,
        %parallel_loop3A_688 = arith.constant 0 : i32
        %parallel_loop3A_689 = arith.constant 0 : i32
        %parallel_loop3A_690 = tpu.memref_slice %arg7[%rem3A_109, %parallel_loop3A_688, %parallel_loop3A_689] : memref<3x16x1024xf32, #tpu.memory_space<vmem>> -> memref<1x16x1024xf32, #tpu.memory_space<vmem>>
        %parallel_loop3A_691 = tpu.memref_squeeze %parallel_loop3A_690 : memref<1x16x1024xf32, #tpu.memory_space<vmem>> -> memref<16x1024xf32, #tpu.memory_space<vmem>>
        %parallel_loop3A_692 = arith.index_cast %parallel_loop3A_160 : i32 to index
        %parallel_loop3A_693 = arith.constant 272 : index
        %parallel_loop3A_694 = tpu.vector_load %parallel_loop3A_691[%parallel_loop3A_692, %parallel_loop3A_693] {strides = array<i32>} : memref<16x1024xf32, #tpu.memory_space<vmem>>, vector<1x16xf32>,
        %parallel_loop3A_695 = vector.shape_cast %parallel_loop3A_694 : vector<1x16xf32> to vector<16xf32>
        %parallel_loop3A_696 = arith.constant 0 : i32
        %parallel_loop3A_697 = arith.constant 0 : i32
        %parallel_loop3A_698 = tpu.memref_slice %arg8[%rem3A_113, %parallel_loop3A_696, %parallel_loop3A_697] : memref<2x16x1024xf32, #tpu.memory_space<vmem>> -> memref<1x16x1024xf32, #tpu.memory_space<vmem>>
        %parallel_loop3A_699 = tpu.memref_squeeze %parallel_loop3A_698 : memref<1x16x1024xf32, #tpu.memory_space<vmem>> -> memref<16x1024xf32, #tpu.memory_space<vmem>>
        %parallel_loop3A_700 = arith.index_cast %parallel_loop3A_160 : i32 to index
        %parallel_loop3A_701 = arith.constant 272 : index
        %parallel_loop3A_702 = tpu.vector_load %parallel_loop3A_699[%parallel_loop3A_700, %parallel_loop3A_701] {strides = array<i32>} : memref<16x1024xf32, #tpu.memory_space<vmem>>, vector<1x16xf32>,
        %parallel_loop3A_703 = vector.shape_cast %parallel_loop3A_702 : vector<1x16xf32> to vector<16xf32>
        %parallel_loop3A_704 = arith.addf %parallel_loop3A_695, %parallel_loop3A_703 : vector<16xf32>
        %parallel_loop3A_705 = arith.constant 1024 : i32
        %parallel_loop3A_706 = arith.muli %parallel_loop3A_160, %parallel_loop3A_705 : i32
        %parallel_loop3A_707 = arith.constant 272 : i32
        %parallel_loop3A_708 = arith.addi %parallel_loop3A_706, %parallel_loop3A_707 : i32
        %parallel_loop3A_709 = arith.constant 0 : i32
        %parallel_loop3A_710 = arith.constant 0 : i32
        %parallel_loop3A_711 = arith.constant 0 : i32
        %parallel_loop3A_712 = tpu.memref_slice %arg9[%rem3A_111, %parallel_loop3A_710, %parallel_loop3A_711] : memref<2x1x16384xf32, #tpu.memory_space<vmem>> -> memref<1x1x16384xf32, #tpu.memory_space<vmem>>
        %parallel_loop3A_713 = tpu.memref_squeeze %parallel_loop3A_712 : memref<1x1x16384xf32, #tpu.memory_space<vmem>> -> memref<1x16384xf32, #tpu.memory_space<vmem>>
        %parallel_loop3A_714 = arith.index_cast %parallel_loop3A_709 : i32 to index
        %parallel_loop3A_715 = arith.index_cast %parallel_loop3A_708 : i32 to index
        %parallel_loop3A_716 = tpu.vector_load %parallel_loop3A_713[%parallel_loop3A_714, %parallel_loop3A_715] {strides = array<i32>} : memref<1x16384xf32, #tpu.memory_space<vmem>>, vector<1x16xf32>,
        %parallel_loop3A_717 = vector.shape_cast %parallel_loop3A_716 : vector<1x16xf32> to vector<16xf32>
        %parallel_loop3A_718 = vector.shape_cast %parallel_loop3A_704 : vector<16xf32> to vector<1x16xf32>
        tpu.vector_store %parallel_loop3A_713[%parallel_loop3A_714, %parallel_loop3A_715], %parallel_loop3A_718 {strides = array<i32>} : memref<1x16384xf32, #tpu.memory_space<vmem>>, vector<1x16xf32>,
        %parallel_loop3A_719 = arith.constant 0 : i32
        %parallel_loop3A_720 = arith.constant 0 : i32
        %parallel_loop3A_721 = tpu.memref_slice %arg7[%rem3A_109, %parallel_loop3A_719, %parallel_loop3A_720] : memref<3x16x1024xf32, #tpu.memory_space<vmem>> -> memref<1x16x1024xf32, #tpu.memory_space<vmem>>
        %parallel_loop3A_722 = tpu.memref_squeeze %parallel_loop3A_721 : memref<1x16x1024xf32, #tpu.memory_space<vmem>> -> memref<16x1024xf32, #tpu.memory_space<vmem>>
        %parallel_loop3A_723 = arith.index_cast %parallel_loop3A_160 : i32 to index
        %parallel_loop3A_724 = arith.constant 288 : index
        %parallel_loop3A_725 = tpu.vector_load %parallel_loop3A_722[%parallel_loop3A_723, %parallel_loop3A_724] {strides = array<i32>} : memref<16x1024xf32, #tpu.memory_space<vmem>>, vector<1x16xf32>,
        %parallel_loop3A_726 = vector.shape_cast %parallel_loop3A_725 : vector<1x16xf32> to vector<16xf32>
        %parallel_loop3A_727 = arith.constant 0 : i32
        %parallel_loop3A_728 = arith.constant 0 : i32
        %parallel_loop3A_729 = tpu.memref_slice %arg8[%rem3A_113, %parallel_loop3A_727, %parallel_loop3A_728] : memref<2x16x1024xf32, #tpu.memory_space<vmem>> -> memref<1x16x1024xf32, #tpu.memory_space<vmem>>
        %parallel_loop3A_730 = tpu.memref_squeeze %parallel_loop3A_729 : memref<1x16x1024xf32, #tpu.memory_space<vmem>> -> memref<16x1024xf32, #tpu.memory_space<vmem>>
        %parallel_loop3A_731 = arith.index_cast %parallel_loop3A_160 : i32 to index
        %parallel_loop3A_732 = arith.constant 288 : index
        %parallel_loop3A_733 = tpu.vector_load %parallel_loop3A_730[%parallel_loop3A_731, %parallel_loop3A_732] {strides = array<i32>} : memref<16x1024xf32, #tpu.memory_space<vmem>>, vector<1x16xf32>,
        %parallel_loop3A_734 = vector.shape_cast %parallel_loop3A_733 : vector<1x16xf32> to vector<16xf32>
        %parallel_loop3A_735 = arith.addf %parallel_loop3A_726, %parallel_loop3A_734 : vector<16xf32>
        %parallel_loop3A_736 = arith.constant 1024 : i32
        %parallel_loop3A_737 = arith.muli %parallel_loop3A_160, %parallel_loop3A_736 : i32
        %parallel_loop3A_738 = arith.constant 288 : i32
        %parallel_loop3A_739 = arith.addi %parallel_loop3A_737, %parallel_loop3A_738 : i32
        %parallel_loop3A_740 = arith.constant 0 : i32
        %parallel_loop3A_741 = arith.constant 0 : i32
        %parallel_loop3A_742 = arith.constant 0 : i32
        %parallel_loop3A_743 = tpu.memref_slice %arg9[%rem3A_111, %parallel_loop3A_741, %parallel_loop3A_742] : memref<2x1x16384xf32, #tpu.memory_space<vmem>> -> memref<1x1x16384xf32, #tpu.memory_space<vmem>>
        %parallel_loop3A_744 = tpu.memref_squeeze %parallel_loop3A_743 : memref<1x1x16384xf32, #tpu.memory_space<vmem>> -> memref<1x16384xf32, #tpu.memory_space<vmem>>
        %parallel_loop3A_745 = arith.index_cast %parallel_loop3A_740 : i32 to index
        %parallel_loop3A_746 = arith.index_cast %parallel_loop3A_739 : i32 to index
        %parallel_loop3A_747 = tpu.vector_load %parallel_loop3A_744[%parallel_loop3A_745, %parallel_loop3A_746] {strides = array<i32>} : memref<1x16384xf32, #tpu.memory_space<vmem>>, vector<1x16xf32>,
        %parallel_loop3A_748 = vector.shape_cast %parallel_loop3A_747 : vector<1x16xf32> to vector<16xf32>
        %parallel_loop3A_749 = vector.shape_cast %parallel_loop3A_735 : vector<16xf32> to vector<1x16xf32>
        tpu.vector_store %parallel_loop3A_744[%parallel_loop3A_745, %parallel_loop3A_746], %parallel_loop3A_749 {strides = array<i32>} : memref<1x16384xf32, #tpu.memory_space<vmem>>, vector<1x16xf32>,
        %parallel_loop3A_750 = arith.constant 0 : i32
        %parallel_loop3A_751 = arith.constant 0 : i32
        %parallel_loop3A_752 = tpu.memref_slice %arg7[%rem3A_109, %parallel_loop3A_750, %parallel_loop3A_751] : memref<3x16x1024xf32, #tpu.memory_space<vmem>> -> memref<1x16x1024xf32, #tpu.memory_space<vmem>>
        %parallel_loop3A_753 = tpu.memref_squeeze %parallel_loop3A_752 : memref<1x16x1024xf32, #tpu.memory_space<vmem>> -> memref<16x1024xf32, #tpu.memory_space<vmem>>
        %parallel_loop3A_754 = arith.index_cast %parallel_loop3A_160 : i32 to index
        %parallel_loop3A_755 = arith.constant 304 : index
        %parallel_loop3A_756 = tpu.vector_load %parallel_loop3A_753[%parallel_loop3A_754, %parallel_loop3A_755] {strides = array<i32>} : memref<16x1024xf32, #tpu.memory_space<vmem>>, vector<1x16xf32>,
        %parallel_loop3A_757 = vector.shape_cast %parallel_loop3A_756 : vector<1x16xf32> to vector<16xf32>
        %parallel_loop3A_758 = arith.constant 0 : i32
        %parallel_loop3A_759 = arith.constant 0 : i32
        %parallel_loop3A_760 = tpu.memref_slice %arg8[%rem3A_113, %parallel_loop3A_758, %parallel_loop3A_759] : memref<2x16x1024xf32, #tpu.memory_space<vmem>> -> memref<1x16x1024xf32, #tpu.memory_space<vmem>>
        %parallel_loop3A_761 = tpu.memref_squeeze %parallel_loop3A_760 : memref<1x16x1024xf32, #tpu.memory_space<vmem>> -> memref<16x1024xf32, #tpu.memory_space<vmem>>
        %parallel_loop3A_762 = arith.index_cast %parallel_loop3A_160 : i32 to index
        %parallel_loop3A_763 = arith.constant 304 : index
        %parallel_loop3A_764 = tpu.vector_load %parallel_loop3A_761[%parallel_loop3A_762, %parallel_loop3A_763] {strides = array<i32>} : memref<16x1024xf32, #tpu.memory_space<vmem>>, vector<1x16xf32>,
        %parallel_loop3A_765 = vector.shape_cast %parallel_loop3A_764 : vector<1x16xf32> to vector<16xf32>
        %parallel_loop3A_766 = arith.addf %parallel_loop3A_757, %parallel_loop3A_765 : vector<16xf32>
        %parallel_loop3A_767 = arith.constant 1024 : i32
        %parallel_loop3A_768 = arith.muli %parallel_loop3A_160, %parallel_loop3A_767 : i32
        %parallel_loop3A_769 = arith.constant 304 : i32
        %parallel_loop3A_770 = arith.addi %parallel_loop3A_768, %parallel_loop3A_769 : i32
        %parallel_loop3A_771 = arith.constant 0 : i32
        %parallel_loop3A_772 = arith.constant 0 : i32
        %parallel_loop3A_773 = arith.constant 0 : i32
        %parallel_loop3A_774 = tpu.memref_slice %arg9[%rem3A_111, %parallel_loop3A_772, %parallel_loop3A_773] : memref<2x1x16384xf32, #tpu.memory_space<vmem>> -> memref<1x1x16384xf32, #tpu.memory_space<vmem>>
        %parallel_loop3A_775 = tpu.memref_squeeze %parallel_loop3A_774 : memref<1x1x16384xf32, #tpu.memory_space<vmem>> -> memref<1x16384xf32, #tpu.memory_space<vmem>>
        %parallel_loop3A_776 = arith.index_cast %parallel_loop3A_771 : i32 to index
        %parallel_loop3A_777 = arith.index_cast %parallel_loop3A_770 : i32 to index
        %parallel_loop3A_778 = tpu.vector_load %parallel_loop3A_775[%parallel_loop3A_776, %parallel_loop3A_777] {strides = array<i32>} : memref<1x16384xf32, #tpu.memory_space<vmem>>, vector<1x16xf32>,
        %parallel_loop3A_779 = vector.shape_cast %parallel_loop3A_778 : vector<1x16xf32> to vector<16xf32>
        %parallel_loop3A_780 = vector.shape_cast %parallel_loop3A_766 : vector<16xf32> to vector<1x16xf32>
        tpu.vector_store %parallel_loop3A_775[%parallel_loop3A_776, %parallel_loop3A_777], %parallel_loop3A_780 {strides = array<i32>} : memref<1x16384xf32, #tpu.memory_space<vmem>>, vector<1x16xf32>,
        %parallel_loop3A_781 = arith.constant 0 : i32
        %parallel_loop3A_782 = arith.constant 0 : i32
        %parallel_loop3A_783 = tpu.memref_slice %arg7[%rem3A_109, %parallel_loop3A_781, %parallel_loop3A_782] : memref<3x16x1024xf32, #tpu.memory_space<vmem>> -> memref<1x16x1024xf32, #tpu.memory_space<vmem>>
        %parallel_loop3A_784 = tpu.memref_squeeze %parallel_loop3A_783 : memref<1x16x1024xf32, #tpu.memory_space<vmem>> -> memref<16x1024xf32, #tpu.memory_space<vmem>>
        %parallel_loop3A_785 = arith.index_cast %parallel_loop3A_160 : i32 to index
        %parallel_loop3A_786 = arith.constant 320 : index
        %parallel_loop3A_787 = tpu.vector_load %parallel_loop3A_784[%parallel_loop3A_785, %parallel_loop3A_786] {strides = array<i32>} : memref<16x1024xf32, #tpu.memory_space<vmem>>, vector<1x16xf32>,
        %parallel_loop3A_788 = vector.shape_cast %parallel_loop3A_787 : vector<1x16xf32> to vector<16xf32>
        %parallel_loop3A_789 = arith.constant 0 : i32
        %parallel_loop3A_790 = arith.constant 0 : i32
        %parallel_loop3A_791 = tpu.memref_slice %arg8[%rem3A_113, %parallel_loop3A_789, %parallel_loop3A_790] : memref<2x16x1024xf32, #tpu.memory_space<vmem>> -> memref<1x16x1024xf32, #tpu.memory_space<vmem>>
        %parallel_loop3A_792 = tpu.memref_squeeze %parallel_loop3A_791 : memref<1x16x1024xf32, #tpu.memory_space<vmem>> -> memref<16x1024xf32, #tpu.memory_space<vmem>>
        %parallel_loop3A_793 = arith.index_cast %parallel_loop3A_160 : i32 to index
        %parallel_loop3A_794 = arith.constant 320 : index
        %parallel_loop3A_795 = tpu.vector_load %parallel_loop3A_792[%parallel_loop3A_793, %parallel_loop3A_794] {strides = array<i32>} : memref<16x1024xf32, #tpu.memory_space<vmem>>, vector<1x16xf32>,
        %parallel_loop3A_796 = vector.shape_cast %parallel_loop3A_795 : vector<1x16xf32> to vector<16xf32>
        %parallel_loop3A_797 = arith.addf %parallel_loop3A_788, %parallel_loop3A_796 : vector<16xf32>
        %parallel_loop3A_798 = arith.constant 1024 : i32
        %parallel_loop3A_799 = arith.muli %parallel_loop3A_160, %parallel_loop3A_798 : i32
        %parallel_loop3A_800 = arith.constant 320 : i32
        %parallel_loop3A_801 = arith.addi %parallel_loop3A_799, %parallel_loop3A_800 : i32
        %parallel_loop3A_802 = arith.constant 0 : i32
        %parallel_loop3A_803 = arith.constant 0 : i32
        %parallel_loop3A_804 = arith.constant 0 : i32
        %parallel_loop3A_805 = tpu.memref_slice %arg9[%rem3A_111, %parallel_loop3A_803, %parallel_loop3A_804] : memref<2x1x16384xf32, #tpu.memory_space<vmem>> -> memref<1x1x16384xf32, #tpu.memory_space<vmem>>
        %parallel_loop3A_806 = tpu.memref_squeeze %parallel_loop3A_805 : memref<1x1x16384xf32, #tpu.memory_space<vmem>> -> memref<1x16384xf32, #tpu.memory_space<vmem>>
        %parallel_loop3A_807 = arith.index_cast %parallel_loop3A_802 : i32 to index
        %parallel_loop3A_808 = arith.index_cast %parallel_loop3A_801 : i32 to index
        %parallel_loop3A_809 = tpu.vector_load %parallel_loop3A_806[%parallel_loop3A_807, %parallel_loop3A_808] {strides = array<i32>} : memref<1x16384xf32, #tpu.memory_space<vmem>>, vector<1x16xf32>,
        %parallel_loop3A_810 = vector.shape_cast %parallel_loop3A_809 : vector<1x16xf32> to vector<16xf32>
        %parallel_loop3A_811 = vector.shape_cast %parallel_loop3A_797 : vector<16xf32> to vector<1x16xf32>
        tpu.vector_store %parallel_loop3A_806[%parallel_loop3A_807, %parallel_loop3A_808], %parallel_loop3A_811 {strides = array<i32>} : memref<1x16384xf32, #tpu.memory_space<vmem>>, vector<1x16xf32>,
        %parallel_loop3A_812 = arith.constant 0 : i32
        %parallel_loop3A_813 = arith.constant 0 : i32
        %parallel_loop3A_814 = tpu.memref_slice %arg7[%rem3A_109, %parallel_loop3A_812, %parallel_loop3A_813] : memref<3x16x1024xf32, #tpu.memory_space<vmem>> -> memref<1x16x1024xf32, #tpu.memory_space<vmem>>
        %parallel_loop3A_815 = tpu.memref_squeeze %parallel_loop3A_814 : memref<1x16x1024xf32, #tpu.memory_space<vmem>> -> memref<16x1024xf32, #tpu.memory_space<vmem>>
        %parallel_loop3A_816 = arith.index_cast %parallel_loop3A_160 : i32 to index
        %parallel_loop3A_817 = arith.constant 336 : index
        %parallel_loop3A_818 = tpu.vector_load %parallel_loop3A_815[%parallel_loop3A_816, %parallel_loop3A_817] {strides = array<i32>} : memref<16x1024xf32, #tpu.memory_space<vmem>>, vector<1x16xf32>,
        %parallel_loop3A_819 = vector.shape_cast %parallel_loop3A_818 : vector<1x16xf32> to vector<16xf32>
        %parallel_loop3A_820 = arith.constant 0 : i32
        %parallel_loop3A_821 = arith.constant 0 : i32
        %parallel_loop3A_822 = tpu.memref_slice %arg8[%rem3A_113, %parallel_loop3A_820, %parallel_loop3A_821] : memref<2x16x1024xf32, #tpu.memory_space<vmem>> -> memref<1x16x1024xf32, #tpu.memory_space<vmem>>
        %parallel_loop3A_823 = tpu.memref_squeeze %parallel_loop3A_822 : memref<1x16x1024xf32, #tpu.memory_space<vmem>> -> memref<16x1024xf32, #tpu.memory_space<vmem>>
        %parallel_loop3A_824 = arith.index_cast %parallel_loop3A_160 : i32 to index
        %parallel_loop3A_825 = arith.constant 336 : index
        %parallel_loop3A_826 = tpu.vector_load %parallel_loop3A_823[%parallel_loop3A_824, %parallel_loop3A_825] {strides = array<i32>} : memref<16x1024xf32, #tpu.memory_space<vmem>>, vector<1x16xf32>,
        %parallel_loop3A_827 = vector.shape_cast %parallel_loop3A_826 : vector<1x16xf32> to vector<16xf32>
        %parallel_loop3A_828 = arith.addf %parallel_loop3A_819, %parallel_loop3A_827 : vector<16xf32>
        %parallel_loop3A_829 = arith.constant 1024 : i32
        %parallel_loop3A_830 = arith.muli %parallel_loop3A_160, %parallel_loop3A_829 : i32
        %parallel_loop3A_831 = arith.constant 336 : i32
        %parallel_loop3A_832 = arith.addi %parallel_loop3A_830, %parallel_loop3A_831 : i32
        %parallel_loop3A_833 = arith.constant 0 : i32
        %parallel_loop3A_834 = arith.constant 0 : i32
        %parallel_loop3A_835 = arith.constant 0 : i32
        %parallel_loop3A_836 = tpu.memref_slice %arg9[%rem3A_111, %parallel_loop3A_834, %parallel_loop3A_835] : memref<2x1x16384xf32, #tpu.memory_space<vmem>> -> memref<1x1x16384xf32, #tpu.memory_space<vmem>>
        %parallel_loop3A_837 = tpu.memref_squeeze %parallel_loop3A_836 : memref<1x1x16384xf32, #tpu.memory_space<vmem>> -> memref<1x16384xf32, #tpu.memory_space<vmem>>
        %parallel_loop3A_838 = arith.index_cast %parallel_loop3A_833 : i32 to index
        %parallel_loop3A_839 = arith.index_cast %parallel_loop3A_832 : i32 to index
        %parallel_loop3A_840 = tpu.vector_load %parallel_loop3A_837[%parallel_loop3A_838, %parallel_loop3A_839] {strides = array<i32>} : memref<1x16384xf32, #tpu.memory_space<vmem>>, vector<1x16xf32>,
        %parallel_loop3A_841 = vector.shape_cast %parallel_loop3A_840 : vector<1x16xf32> to vector<16xf32>
        %parallel_loop3A_842 = vector.shape_cast %parallel_loop3A_828 : vector<16xf32> to vector<1x16xf32>
        tpu.vector_store %parallel_loop3A_837[%parallel_loop3A_838, %parallel_loop3A_839], %parallel_loop3A_842 {strides = array<i32>} : memref<1x16384xf32, #tpu.memory_space<vmem>>, vector<1x16xf32>,
        %parallel_loop3A_843 = arith.constant 0 : i32
        %parallel_loop3A_844 = arith.constant 0 : i32
        %parallel_loop3A_845 = tpu.memref_slice %arg7[%rem3A_109, %parallel_loop3A_843, %parallel_loop3A_844] : memref<3x16x1024xf32, #tpu.memory_space<vmem>> -> memref<1x16x1024xf32, #tpu.memory_space<vmem>>
        %parallel_loop3A_846 = tpu.memref_squeeze %parallel_loop3A_845 : memref<1x16x1024xf32, #tpu.memory_space<vmem>> -> memref<16x1024xf32, #tpu.memory_space<vmem>>
        %parallel_loop3A_847 = arith.index_cast %parallel_loop3A_160 : i32 to index
        %parallel_loop3A_848 = arith.constant 352 : index
        %parallel_loop3A_849 = tpu.vector_load %parallel_loop3A_846[%parallel_loop3A_847, %parallel_loop3A_848] {strides = array<i32>} : memref<16x1024xf32, #tpu.memory_space<vmem>>, vector<1x16xf32>,
        %parallel_loop3A_850 = vector.shape_cast %parallel_loop3A_849 : vector<1x16xf32> to vector<16xf32>
        %parallel_loop3A_851 = arith.constant 0 : i32
        %parallel_loop3A_852 = arith.constant 0 : i32
        %parallel_loop3A_853 = tpu.memref_slice %arg8[%rem3A_113, %parallel_loop3A_851, %parallel_loop3A_852] : memref<2x16x1024xf32, #tpu.memory_space<vmem>> -> memref<1x16x1024xf32, #tpu.memory_space<vmem>>
        %parallel_loop3A_854 = tpu.memref_squeeze %parallel_loop3A_853 : memref<1x16x1024xf32, #tpu.memory_space<vmem>> -> memref<16x1024xf32, #tpu.memory_space<vmem>>
        %parallel_loop3A_855 = arith.index_cast %parallel_loop3A_160 : i32 to index
        %parallel_loop3A_856 = arith.constant 352 : index
        %parallel_loop3A_857 = tpu.vector_load %parallel_loop3A_854[%parallel_loop3A_855, %parallel_loop3A_856] {strides = array<i32>} : memref<16x1024xf32, #tpu.memory_space<vmem>>, vector<1x16xf32>,
        %parallel_loop3A_858 = vector.shape_cast %parallel_loop3A_857 : vector<1x16xf32> to vector<16xf32>
        %parallel_loop3A_859 = arith.addf %parallel_loop3A_850, %parallel_loop3A_858 : vector<16xf32>
        %parallel_loop3A_860 = arith.constant 1024 : i32
        %parallel_loop3A_861 = arith.muli %parallel_loop3A_160, %parallel_loop3A_860 : i32
        %parallel_loop3A_862 = arith.constant 352 : i32
        %parallel_loop3A_863 = arith.addi %parallel_loop3A_861, %parallel_loop3A_862 : i32
        %parallel_loop3A_864 = arith.constant 0 : i32
        %parallel_loop3A_865 = arith.constant 0 : i32
        %parallel_loop3A_866 = arith.constant 0 : i32
        %parallel_loop3A_867 = tpu.memref_slice %arg9[%rem3A_111, %parallel_loop3A_865, %parallel_loop3A_866] : memref<2x1x16384xf32, #tpu.memory_space<vmem>> -> memref<1x1x16384xf32, #tpu.memory_space<vmem>>
        %parallel_loop3A_868 = tpu.memref_squeeze %parallel_loop3A_867 : memref<1x1x16384xf32, #tpu.memory_space<vmem>> -> memref<1x16384xf32, #tpu.memory_space<vmem>>
        %parallel_loop3A_869 = arith.index_cast %parallel_loop3A_864 : i32 to index
        %parallel_loop3A_870 = arith.index_cast %parallel_loop3A_863 : i32 to index
        %parallel_loop3A_871 = tpu.vector_load %parallel_loop3A_868[%parallel_loop3A_869, %parallel_loop3A_870] {strides = array<i32>} : memref<1x16384xf32, #tpu.memory_space<vmem>>, vector<1x16xf32>,
        %parallel_loop3A_872 = vector.shape_cast %parallel_loop3A_871 : vector<1x16xf32> to vector<16xf32>
        %parallel_loop3A_873 = vector.shape_cast %parallel_loop3A_859 : vector<16xf32> to vector<1x16xf32>
        tpu.vector_store %parallel_loop3A_868[%parallel_loop3A_869, %parallel_loop3A_870], %parallel_loop3A_873 {strides = array<i32>} : memref<1x16384xf32, #tpu.memory_space<vmem>>, vector<1x16xf32>,
        %parallel_loop3A_874 = arith.constant 0 : i32
        %parallel_loop3A_875 = arith.constant 0 : i32
        %parallel_loop3A_876 = tpu.memref_slice %arg7[%rem3A_109, %parallel_loop3A_874, %parallel_loop3A_875] : memref<3x16x1024xf32, #tpu.memory_space<vmem>> -> memref<1x16x1024xf32, #tpu.memory_space<vmem>>
        %parallel_loop3A_877 = tpu.memref_squeeze %parallel_loop3A_876 : memref<1x16x1024xf32, #tpu.memory_space<vmem>> -> memref<16x1024xf32, #tpu.memory_space<vmem>>
        %parallel_loop3A_878 = arith.index_cast %parallel_loop3A_160 : i32 to index
        %parallel_loop3A_879 = arith.constant 368 : index
        %parallel_loop3A_880 = tpu.vector_load %parallel_loop3A_877[%parallel_loop3A_878, %parallel_loop3A_879] {strides = array<i32>} : memref<16x1024xf32, #tpu.memory_space<vmem>>, vector<1x16xf32>,
        %parallel_loop3A_881 = vector.shape_cast %parallel_loop3A_880 : vector<1x16xf32> to vector<16xf32>
        %parallel_loop3A_882 = arith.constant 0 : i32
        %parallel_loop3A_883 = arith.constant 0 : i32
        %parallel_loop3A_884 = tpu.memref_slice %arg8[%rem3A_113, %parallel_loop3A_882, %parallel_loop3A_883] : memref<2x16x1024xf32, #tpu.memory_space<vmem>> -> memref<1x16x1024xf32, #tpu.memory_space<vmem>>
        %parallel_loop3A_885 = tpu.memref_squeeze %parallel_loop3A_884 : memref<1x16x1024xf32, #tpu.memory_space<vmem>> -> memref<16x1024xf32, #tpu.memory_space<vmem>>
        %parallel_loop3A_886 = arith.index_cast %parallel_loop3A_160 : i32 to index
        %parallel_loop3A_887 = arith.constant 368 : index
        %parallel_loop3A_888 = tpu.vector_load %parallel_loop3A_885[%parallel_loop3A_886, %parallel_loop3A_887] {strides = array<i32>} : memref<16x1024xf32, #tpu.memory_space<vmem>>, vector<1x16xf32>,
        %parallel_loop3A_889 = vector.shape_cast %parallel_loop3A_888 : vector<1x16xf32> to vector<16xf32>
        %parallel_loop3A_890 = arith.addf %parallel_loop3A_881, %parallel_loop3A_889 : vector<16xf32>
        %parallel_loop3A_891 = arith.constant 1024 : i32
        %parallel_loop3A_892 = arith.muli %parallel_loop3A_160, %parallel_loop3A_891 : i32
        %parallel_loop3A_893 = arith.constant 368 : i32
        %parallel_loop3A_894 = arith.addi %parallel_loop3A_892, %parallel_loop3A_893 : i32
        %parallel_loop3A_895 = arith.constant 0 : i32
        %parallel_loop3A_896 = arith.constant 0 : i32
        %parallel_loop3A_897 = arith.constant 0 : i32
        %parallel_loop3A_898 = tpu.memref_slice %arg9[%rem3A_111, %parallel_loop3A_896, %parallel_loop3A_897] : memref<2x1x16384xf32, #tpu.memory_space<vmem>> -> memref<1x1x16384xf32, #tpu.memory_space<vmem>>
        %parallel_loop3A_899 = tpu.memref_squeeze %parallel_loop3A_898 : memref<1x1x16384xf32, #tpu.memory_space<vmem>> -> memref<1x16384xf32, #tpu.memory_space<vmem>>
        %parallel_loop3A_900 = arith.index_cast %parallel_loop3A_895 : i32 to index
        %parallel_loop3A_901 = arith.index_cast %parallel_loop3A_894 : i32 to index
        %parallel_loop3A_902 = tpu.vector_load %parallel_loop3A_899[%parallel_loop3A_900, %parallel_loop3A_901] {strides = array<i32>} : memref<1x16384xf32, #tpu.memory_space<vmem>>, vector<1x16xf32>,
        %parallel_loop3A_903 = vector.shape_cast %parallel_loop3A_902 : vector<1x16xf32> to vector<16xf32>
        %parallel_loop3A_904 = vector.shape_cast %parallel_loop3A_890 : vector<16xf32> to vector<1x16xf32>
        tpu.vector_store %parallel_loop3A_899[%parallel_loop3A_900, %parallel_loop3A_901], %parallel_loop3A_904 {strides = array<i32>} : memref<1x16384xf32, #tpu.memory_space<vmem>>, vector<1x16xf32>,
        %parallel_loop3A_905 = arith.constant 0 : i32
        %parallel_loop3A_906 = arith.constant 0 : i32
        %parallel_loop3A_907 = tpu.memref_slice %arg7[%rem3A_109, %parallel_loop3A_905, %parallel_loop3A_906] : memref<3x16x1024xf32, #tpu.memory_space<vmem>> -> memref<1x16x1024xf32, #tpu.memory_space<vmem>>
        %parallel_loop3A_908 = tpu.memref_squeeze %parallel_loop3A_907 : memref<1x16x1024xf32, #tpu.memory_space<vmem>> -> memref<16x1024xf32, #tpu.memory_space<vmem>>
        %parallel_loop3A_909 = arith.index_cast %parallel_loop3A_160 : i32 to index
        %parallel_loop3A_910 = arith.constant 384 : index
        %parallel_loop3A_911 = tpu.vector_load %parallel_loop3A_908[%parallel_loop3A_909, %parallel_loop3A_910] {strides = array<i32>} : memref<16x1024xf32, #tpu.memory_space<vmem>>, vector<1x16xf32>,
        %parallel_loop3A_912 = vector.shape_cast %parallel_loop3A_911 : vector<1x16xf32> to vector<16xf32>
        %parallel_loop3A_913 = arith.constant 0 : i32
        %parallel_loop3A_914 = arith.constant 0 : i32
        %parallel_loop3A_915 = tpu.memref_slice %arg8[%rem3A_113, %parallel_loop3A_913, %parallel_loop3A_914] : memref<2x16x1024xf32, #tpu.memory_space<vmem>> -> memref<1x16x1024xf32, #tpu.memory_space<vmem>>
        %parallel_loop3A_916 = tpu.memref_squeeze %parallel_loop3A_915 : memref<1x16x1024xf32, #tpu.memory_space<vmem>> -> memref<16x1024xf32, #tpu.memory_space<vmem>>
        %parallel_loop3A_917 = arith.index_cast %parallel_loop3A_160 : i32 to index
        %parallel_loop3A_918 = arith.constant 384 : index
        %parallel_loop3A_919 = tpu.vector_load %parallel_loop3A_916[%parallel_loop3A_917, %parallel_loop3A_918] {strides = array<i32>} : memref<16x1024xf32, #tpu.memory_space<vmem>>, vector<1x16xf32>,
        %parallel_loop3A_920 = vector.shape_cast %parallel_loop3A_919 : vector<1x16xf32> to vector<16xf32>
        %parallel_loop3A_921 = arith.addf %parallel_loop3A_912, %parallel_loop3A_920 : vector<16xf32>
        %parallel_loop3A_922 = arith.constant 1024 : i32
        %parallel_loop3A_923 = arith.muli %parallel_loop3A_160, %parallel_loop3A_922 : i32
        %parallel_loop3A_924 = arith.constant 384 : i32
        %parallel_loop3A_925 = arith.addi %parallel_loop3A_923, %parallel_loop3A_924 : i32
        %parallel_loop3A_926 = arith.constant 0 : i32
        %parallel_loop3A_927 = arith.constant 0 : i32
        %parallel_loop3A_928 = arith.constant 0 : i32
        %parallel_loop3A_929 = tpu.memref_slice %arg9[%rem3A_111, %parallel_loop3A_927, %parallel_loop3A_928] : memref<2x1x16384xf32, #tpu.memory_space<vmem>> -> memref<1x1x16384xf32, #tpu.memory_space<vmem>>
        %parallel_loop3A_930 = tpu.memref_squeeze %parallel_loop3A_929 : memref<1x1x16384xf32, #tpu.memory_space<vmem>> -> memref<1x16384xf32, #tpu.memory_space<vmem>>
        %parallel_loop3A_931 = arith.index_cast %parallel_loop3A_926 : i32 to index
        %parallel_loop3A_932 = arith.index_cast %parallel_loop3A_925 : i32 to index
        %parallel_loop3A_933 = tpu.vector_load %parallel_loop3A_930[%parallel_loop3A_931, %parallel_loop3A_932] {strides = array<i32>} : memref<1x16384xf32, #tpu.memory_space<vmem>>, vector<1x16xf32>,
        %parallel_loop3A_934 = vector.shape_cast %parallel_loop3A_933 : vector<1x16xf32> to vector<16xf32>
        %parallel_loop3A_935 = vector.shape_cast %parallel_loop3A_921 : vector<16xf32> to vector<1x16xf32>
        tpu.vector_store %parallel_loop3A_930[%parallel_loop3A_931, %parallel_loop3A_932], %parallel_loop3A_935 {strides = array<i32>} : memref<1x16384xf32, #tpu.memory_space<vmem>>, vector<1x16xf32>,
        %parallel_loop3A_936 = arith.constant 0 : i32
        %parallel_loop3A_937 = arith.constant 0 : i32
        %parallel_loop3A_938 = tpu.memref_slice %arg7[%rem3A_109, %parallel_loop3A_936, %parallel_loop3A_937] : memref<3x16x1024xf32, #tpu.memory_space<vmem>> -> memref<1x16x1024xf32, #tpu.memory_space<vmem>>
        %parallel_loop3A_939 = tpu.memref_squeeze %parallel_loop3A_938 : memref<1x16x1024xf32, #tpu.memory_space<vmem>> -> memref<16x1024xf32, #tpu.memory_space<vmem>>
        %parallel_loop3A_940 = arith.index_cast %parallel_loop3A_160 : i32 to index
        %parallel_loop3A_941 = arith.constant 400 : index
        %parallel_loop3A_942 = tpu.vector_load %parallel_loop3A_939[%parallel_loop3A_940, %parallel_loop3A_941] {strides = array<i32>} : memref<16x1024xf32, #tpu.memory_space<vmem>>, vector<1x16xf32>,
        %parallel_loop3A_943 = vector.shape_cast %parallel_loop3A_942 : vector<1x16xf32> to vector<16xf32>
        %parallel_loop3A_944 = arith.constant 0 : i32
        %parallel_loop3A_945 = arith.constant 0 : i32
        %parallel_loop3A_946 = tpu.memref_slice %arg8[%rem3A_113, %parallel_loop3A_944, %parallel_loop3A_945] : memref<2x16x1024xf32, #tpu.memory_space<vmem>> -> memref<1x16x1024xf32, #tpu.memory_space<vmem>>
        %parallel_loop3A_947 = tpu.memref_squeeze %parallel_loop3A_946 : memref<1x16x1024xf32, #tpu.memory_space<vmem>> -> memref<16x1024xf32, #tpu.memory_space<vmem>>
        %parallel_loop3A_948 = arith.index_cast %parallel_loop3A_160 : i32 to index
        %parallel_loop3A_949 = arith.constant 400 : index
        %parallel_loop3A_950 = tpu.vector_load %parallel_loop3A_947[%parallel_loop3A_948, %parallel_loop3A_949] {strides = array<i32>} : memref<16x1024xf32, #tpu.memory_space<vmem>>, vector<1x16xf32>,
        %parallel_loop3A_951 = vector.shape_cast %parallel_loop3A_950 : vector<1x16xf32> to vector<16xf32>
        %parallel_loop3A_952 = arith.addf %parallel_loop3A_943, %parallel_loop3A_951 : vector<16xf32>
        %parallel_loop3A_953 = arith.constant 1024 : i32
        %parallel_loop3A_954 = arith.muli %parallel_loop3A_160, %parallel_loop3A_953 : i32
        %parallel_loop3A_955 = arith.constant 400 : i32
        %parallel_loop3A_956 = arith.addi %parallel_loop3A_954, %parallel_loop3A_955 : i32
        %parallel_loop3A_957 = arith.constant 0 : i32
        %parallel_loop3A_958 = arith.constant 0 : i32
        %parallel_loop3A_959 = arith.constant 0 : i32
        %parallel_loop3A_960 = tpu.memref_slice %arg9[%rem3A_111, %parallel_loop3A_958, %parallel_loop3A_959] : memref<2x1x16384xf32, #tpu.memory_space<vmem>> -> memref<1x1x16384xf32, #tpu.memory_space<vmem>>
        %parallel_loop3A_961 = tpu.memref_squeeze %parallel_loop3A_960 : memref<1x1x16384xf32, #tpu.memory_space<vmem>> -> memref<1x16384xf32, #tpu.memory_space<vmem>>
        %parallel_loop3A_962 = arith.index_cast %parallel_loop3A_957 : i32 to index
        %parallel_loop3A_963 = arith.index_cast %parallel_loop3A_956 : i32 to index
        %parallel_loop3A_964 = tpu.vector_load %parallel_loop3A_961[%parallel_loop3A_962, %parallel_loop3A_963] {strides = array<i32>} : memref<1x16384xf32, #tpu.memory_space<vmem>>, vector<1x16xf32>,
        %parallel_loop3A_965 = vector.shape_cast %parallel_loop3A_964 : vector<1x16xf32> to vector<16xf32>
        %parallel_loop3A_966 = vector.shape_cast %parallel_loop3A_952 : vector<16xf32> to vector<1x16xf32>
        tpu.vector_store %parallel_loop3A_961[%parallel_loop3A_962, %parallel_loop3A_963], %parallel_loop3A_966 {strides = array<i32>} : memref<1x16384xf32, #tpu.memory_space<vmem>>, vector<1x16xf32>,
        %parallel_loop3A_967 = arith.constant 0 : i32
        %parallel_loop3A_968 = arith.constant 0 : i32
        %parallel_loop3A_969 = tpu.memref_slice %arg7[%rem3A_109, %parallel_loop3A_967, %parallel_loop3A_968] : memref<3x16x1024xf32, #tpu.memory_space<vmem>> -> memref<1x16x1024xf32, #tpu.memory_space<vmem>>
        %parallel_loop3A_970 = tpu.memref_squeeze %parallel_loop3A_969 : memref<1x16x1024xf32, #tpu.memory_space<vmem>> -> memref<16x1024xf32, #tpu.memory_space<vmem>>
        %parallel_loop3A_971 = arith.index_cast %parallel_loop3A_160 : i32 to index
        %parallel_loop3A_972 = arith.constant 416 : index
        %parallel_loop3A_973 = tpu.vector_load %parallel_loop3A_970[%parallel_loop3A_971, %parallel_loop3A_972] {strides = array<i32>} : memref<16x1024xf32, #tpu.memory_space<vmem>>, vector<1x16xf32>,
        %parallel_loop3A_974 = vector.shape_cast %parallel_loop3A_973 : vector<1x16xf32> to vector<16xf32>
        %parallel_loop3A_975 = arith.constant 0 : i32
        %parallel_loop3A_976 = arith.constant 0 : i32
        %parallel_loop3A_977 = tpu.memref_slice %arg8[%rem3A_113, %parallel_loop3A_975, %parallel_loop3A_976] : memref<2x16x1024xf32, #tpu.memory_space<vmem>> -> memref<1x16x1024xf32, #tpu.memory_space<vmem>>
        %parallel_loop3A_978 = tpu.memref_squeeze %parallel_loop3A_977 : memref<1x16x1024xf32, #tpu.memory_space<vmem>> -> memref<16x1024xf32, #tpu.memory_space<vmem>>
        %parallel_loop3A_979 = arith.index_cast %parallel_loop3A_160 : i32 to index
        %parallel_loop3A_980 = arith.constant 416 : index
        %parallel_loop3A_981 = tpu.vector_load %parallel_loop3A_978[%parallel_loop3A_979, %parallel_loop3A_980] {strides = array<i32>} : memref<16x1024xf32, #tpu.memory_space<vmem>>, vector<1x16xf32>,
        %parallel_loop3A_982 = vector.shape_cast %parallel_loop3A_981 : vector<1x16xf32> to vector<16xf32>
        %parallel_loop3A_983 = arith.addf %parallel_loop3A_974, %parallel_loop3A_982 : vector<16xf32>
        %parallel_loop3A_984 = arith.constant 1024 : i32
        %parallel_loop3A_985 = arith.muli %parallel_loop3A_160, %parallel_loop3A_984 : i32
        %parallel_loop3A_986 = arith.constant 416 : i32
        %parallel_loop3A_987 = arith.addi %parallel_loop3A_985, %parallel_loop3A_986 : i32
        %parallel_loop3A_988 = arith.constant 0 : i32
        %parallel_loop3A_989 = arith.constant 0 : i32
        %parallel_loop3A_990 = arith.constant 0 : i32
        %parallel_loop3A_991 = tpu.memref_slice %arg9[%rem3A_111, %parallel_loop3A_989, %parallel_loop3A_990] : memref<2x1x16384xf32, #tpu.memory_space<vmem>> -> memref<1x1x16384xf32, #tpu.memory_space<vmem>>
        %parallel_loop3A_992 = tpu.memref_squeeze %parallel_loop3A_991 : memref<1x1x16384xf32, #tpu.memory_space<vmem>> -> memref<1x16384xf32, #tpu.memory_space<vmem>>
        %parallel_loop3A_993 = arith.index_cast %parallel_loop3A_988 : i32 to index
        %parallel_loop3A_994 = arith.index_cast %parallel_loop3A_987 : i32 to index
        %parallel_loop3A_995 = tpu.vector_load %parallel_loop3A_992[%parallel_loop3A_993, %parallel_loop3A_994] {strides = array<i32>} : memref<1x16384xf32, #tpu.memory_space<vmem>>, vector<1x16xf32>,
        %parallel_loop3A_996 = vector.shape_cast %parallel_loop3A_995 : vector<1x16xf32> to vector<16xf32>
        %parallel_loop3A_997 = vector.shape_cast %parallel_loop3A_983 : vector<16xf32> to vector<1x16xf32>
        tpu.vector_store %parallel_loop3A_992[%parallel_loop3A_993, %parallel_loop3A_994], %parallel_loop3A_997 {strides = array<i32>} : memref<1x16384xf32, #tpu.memory_space<vmem>>, vector<1x16xf32>,
        %parallel_loop3A_998 = arith.constant 0 : i32
        %parallel_loop3A_999 = arith.constant 0 : i32
        %parallel_loop3A_1000 = tpu.memref_slice %arg7[%rem3A_109, %parallel_loop3A_998, %parallel_loop3A_999] : memref<3x16x1024xf32, #tpu.memory_space<vmem>> -> memref<1x16x1024xf32, #tpu.memory_space<vmem>>
        %parallel_loop3A_1001 = tpu.memref_squeeze %parallel_loop3A_1000 : memref<1x16x1024xf32, #tpu.memory_space<vmem>> -> memref<16x1024xf32, #tpu.memory_space<vmem>>
        %parallel_loop3A_1002 = arith.index_cast %parallel_loop3A_160 : i32 to index
        %parallel_loop3A_1003 = arith.constant 432 : index
        %parallel_loop3A_1004 = tpu.vector_load %parallel_loop3A_1001[%parallel_loop3A_1002, %parallel_loop3A_1003] {strides = array<i32>} : memref<16x1024xf32, #tpu.memory_space<vmem>>, vector<1x16xf32>,
        %parallel_loop3A_1005 = vector.shape_cast %parallel_loop3A_1004 : vector<1x16xf32> to vector<16xf32>
        %parallel_loop3A_1006 = arith.constant 0 : i32
        %parallel_loop3A_1007 = arith.constant 0 : i32
        %parallel_loop3A_1008 = tpu.memref_slice %arg8[%rem3A_113, %parallel_loop3A_1006, %parallel_loop3A_1007] : memref<2x16x1024xf32, #tpu.memory_space<vmem>> -> memref<1x16x1024xf32, #tpu.memory_space<vmem>>
        %parallel_loop3A_1009 = tpu.memref_squeeze %parallel_loop3A_1008 : memref<1x16x1024xf32, #tpu.memory_space<vmem>> -> memref<16x1024xf32, #tpu.memory_space<vmem>>
        %parallel_loop3A_1010 = arith.index_cast %parallel_loop3A_160 : i32 to index
        %parallel_loop3A_1011 = arith.constant 432 : index
        %parallel_loop3A_1012 = tpu.vector_load %parallel_loop3A_1009[%parallel_loop3A_1010, %parallel_loop3A_1011] {strides = array<i32>} : memref<16x1024xf32, #tpu.memory_space<vmem>>, vector<1x16xf32>,
        %parallel_loop3A_1013 = vector.shape_cast %parallel_loop3A_1012 : vector<1x16xf32> to vector<16xf32>
        %parallel_loop3A_1014 = arith.addf %parallel_loop3A_1005, %parallel_loop3A_1013 : vector<16xf32>
        %parallel_loop3A_1015 = arith.constant 1024 : i32
        %parallel_loop3A_1016 = arith.muli %parallel_loop3A_160, %parallel_loop3A_1015 : i32
        %parallel_loop3A_1017 = arith.constant 432 : i32
        %parallel_loop3A_1018 = arith.addi %parallel_loop3A_1016, %parallel_loop3A_1017 : i32
        %parallel_loop3A_1019 = arith.constant 0 : i32
        %parallel_loop3A_1020 = arith.constant 0 : i32
        %parallel_loop3A_1021 = arith.constant 0 : i32
        %parallel_loop3A_1022 = tpu.memref_slice %arg9[%rem3A_111, %parallel_loop3A_1020, %parallel_loop3A_1021] : memref<2x1x16384xf32, #tpu.memory_space<vmem>> -> memref<1x1x16384xf32, #tpu.memory_space<vmem>>
        %parallel_loop3A_1023 = tpu.memref_squeeze %parallel_loop3A_1022 : memref<1x1x16384xf32, #tpu.memory_space<vmem>> -> memref<1x16384xf32, #tpu.memory_space<vmem>>
        %parallel_loop3A_1024 = arith.index_cast %parallel_loop3A_1019 : i32 to index
        %parallel_loop3A_1025 = arith.index_cast %parallel_loop3A_1018 : i32 to index
        %parallel_loop3A_1026 = tpu.vector_load %parallel_loop3A_1023[%parallel_loop3A_1024, %parallel_loop3A_1025] {strides = array<i32>} : memref<1x16384xf32, #tpu.memory_space<vmem>>, vector<1x16xf32>,
        %parallel_loop3A_1027 = vector.shape_cast %parallel_loop3A_1026 : vector<1x16xf32> to vector<16xf32>
        %parallel_loop3A_1028 = vector.shape_cast %parallel_loop3A_1014 : vector<16xf32> to vector<1x16xf32>
        tpu.vector_store %parallel_loop3A_1023[%parallel_loop3A_1024, %parallel_loop3A_1025], %parallel_loop3A_1028 {strides = array<i32>} : memref<1x16384xf32, #tpu.memory_space<vmem>>, vector<1x16xf32>,
        %parallel_loop3A_1029 = arith.constant 0 : i32
        %parallel_loop3A_1030 = arith.constant 0 : i32
        %parallel_loop3A_1031 = tpu.memref_slice %arg7[%rem3A_109, %parallel_loop3A_1029, %parallel_loop3A_1030] : memref<3x16x1024xf32, #tpu.memory_space<vmem>> -> memref<1x16x1024xf32, #tpu.memory_space<vmem>>
        %parallel_loop3A_1032 = tpu.memref_squeeze %parallel_loop3A_1031 : memref<1x16x1024xf32, #tpu.memory_space<vmem>> -> memref<16x1024xf32, #tpu.memory_space<vmem>>
        %parallel_loop3A_1033 = arith.index_cast %parallel_loop3A_160 : i32 to index
        %parallel_loop3A_1034 = arith.constant 448 : index
        %parallel_loop3A_1035 = tpu.vector_load %parallel_loop3A_1032[%parallel_loop3A_1033, %parallel_loop3A_1034] {strides = array<i32>} : memref<16x1024xf32, #tpu.memory_space<vmem>>, vector<1x16xf32>,
        %parallel_loop3A_1036 = vector.shape_cast %parallel_loop3A_1035 : vector<1x16xf32> to vector<16xf32>
        %parallel_loop3A_1037 = arith.constant 0 : i32
        %parallel_loop3A_1038 = arith.constant 0 : i32
        %parallel_loop3A_1039 = tpu.memref_slice %arg8[%rem3A_113, %parallel_loop3A_1037, %parallel_loop3A_1038] : memref<2x16x1024xf32, #tpu.memory_space<vmem>> -> memref<1x16x1024xf32, #tpu.memory_space<vmem>>
        %parallel_loop3A_1040 = tpu.memref_squeeze %parallel_loop3A_1039 : memref<1x16x1024xf32, #tpu.memory_space<vmem>> -> memref<16x1024xf32, #tpu.memory_space<vmem>>
        %parallel_loop3A_1041 = arith.index_cast %parallel_loop3A_160 : i32 to index
        %parallel_loop3A_1042 = arith.constant 448 : index
        %parallel_loop3A_1043 = tpu.vector_load %parallel_loop3A_1040[%parallel_loop3A_1041, %parallel_loop3A_1042] {strides = array<i32>} : memref<16x1024xf32, #tpu.memory_space<vmem>>, vector<1x16xf32>,
        %parallel_loop3A_1044 = vector.shape_cast %parallel_loop3A_1043 : vector<1x16xf32> to vector<16xf32>
        %parallel_loop3A_1045 = arith.addf %parallel_loop3A_1036, %parallel_loop3A_1044 : vector<16xf32>
        %parallel_loop3A_1046 = arith.constant 1024 : i32
        %parallel_loop3A_1047 = arith.muli %parallel_loop3A_160, %parallel_loop3A_1046 : i32
        %parallel_loop3A_1048 = arith.constant 448 : i32
        %parallel_loop3A_1049 = arith.addi %parallel_loop3A_1047, %parallel_loop3A_1048 : i32
        %parallel_loop3A_1050 = arith.constant 0 : i32
        %parallel_loop3A_1051 = arith.constant 0 : i32
        %parallel_loop3A_1052 = arith.constant 0 : i32
        %parallel_loop3A_1053 = tpu.memref_slice %arg9[%rem3A_111, %parallel_loop3A_1051, %parallel_loop3A_1052] : memref<2x1x16384xf32, #tpu.memory_space<vmem>> -> memref<1x1x16384xf32, #tpu.memory_space<vmem>>
        %parallel_loop3A_1054 = tpu.memref_squeeze %parallel_loop3A_1053 : memref<1x1x16384xf32, #tpu.memory_space<vmem>> -> memref<1x16384xf32, #tpu.memory_space<vmem>>
        %parallel_loop3A_1055 = arith.index_cast %parallel_loop3A_1050 : i32 to index
        %parallel_loop3A_1056 = arith.index_cast %parallel_loop3A_1049 : i32 to index
        %parallel_loop3A_1057 = tpu.vector_load %parallel_loop3A_1054[%parallel_loop3A_1055, %parallel_loop3A_1056] {strides = array<i32>} : memref<1x16384xf32, #tpu.memory_space<vmem>>, vector<1x16xf32>,
        %parallel_loop3A_1058 = vector.shape_cast %parallel_loop3A_1057 : vector<1x16xf32> to vector<16xf32>
        %parallel_loop3A_1059 = vector.shape_cast %parallel_loop3A_1045 : vector<16xf32> to vector<1x16xf32>
        tpu.vector_store %parallel_loop3A_1054[%parallel_loop3A_1055, %parallel_loop3A_1056], %parallel_loop3A_1059 {strides = array<i32>} : memref<1x16384xf32, #tpu.memory_space<vmem>>, vector<1x16xf32>,
        %parallel_loop3A_1060 = arith.constant 0 : i32
        %parallel_loop3A_1061 = arith.constant 0 : i32
        %parallel_loop3A_1062 = tpu.memref_slice %arg7[%rem3A_109, %parallel_loop3A_1060, %parallel_loop3A_1061] : memref<3x16x1024xf32, #tpu.memory_space<vmem>> -> memref<1x16x1024xf32, #tpu.memory_space<vmem>>
        %parallel_loop3A_1063 = tpu.memref_squeeze %parallel_loop3A_1062 : memref<1x16x1024xf32, #tpu.memory_space<vmem>> -> memref<16x1024xf32, #tpu.memory_space<vmem>>
        %parallel_loop3A_1064 = arith.index_cast %parallel_loop3A_160 : i32 to index
        %parallel_loop3A_1065 = arith.constant 464 : index
        %parallel_loop3A_1066 = tpu.vector_load %parallel_loop3A_1063[%parallel_loop3A_1064, %parallel_loop3A_1065] {strides = array<i32>} : memref<16x1024xf32, #tpu.memory_space<vmem>>, vector<1x16xf32>,
        %parallel_loop3A_1067 = vector.shape_cast %parallel_loop3A_1066 : vector<1x16xf32> to vector<16xf32>
        %parallel_loop3A_1068 = arith.constant 0 : i32
        %parallel_loop3A_1069 = arith.constant 0 : i32
        %parallel_loop3A_1070 = tpu.memref_slice %arg8[%rem3A_113, %parallel_loop3A_1068, %parallel_loop3A_1069] : memref<2x16x1024xf32, #tpu.memory_space<vmem>> -> memref<1x16x1024xf32, #tpu.memory_space<vmem>>
        %parallel_loop3A_1071 = tpu.memref_squeeze %parallel_loop3A_1070 : memref<1x16x1024xf32, #tpu.memory_space<vmem>> -> memref<16x1024xf32, #tpu.memory_space<vmem>>
        %parallel_loop3A_1072 = arith.index_cast %parallel_loop3A_160 : i32 to index
        %parallel_loop3A_1073 = arith.constant 464 : index
        %parallel_loop3A_1074 = tpu.vector_load %parallel_loop3A_1071[%parallel_loop3A_1072, %parallel_loop3A_1073] {strides = array<i32>} : memref<16x1024xf32, #tpu.memory_space<vmem>>, vector<1x16xf32>,
        %parallel_loop3A_1075 = vector.shape_cast %parallel_loop3A_1074 : vector<1x16xf32> to vector<16xf32>
        %parallel_loop3A_1076 = arith.addf %parallel_loop3A_1067, %parallel_loop3A_1075 : vector<16xf32>
        %parallel_loop3A_1077 = arith.constant 1024 : i32
        %parallel_loop3A_1078 = arith.muli %parallel_loop3A_160, %parallel_loop3A_1077 : i32
        %parallel_loop3A_1079 = arith.constant 464 : i32
        %parallel_loop3A_1080 = arith.addi %parallel_loop3A_1078, %parallel_loop3A_1079 : i32
        %parallel_loop3A_1081 = arith.constant 0 : i32
        %parallel_loop3A_1082 = arith.constant 0 : i32
        %parallel_loop3A_1083 = arith.constant 0 : i32
        %parallel_loop3A_1084 = tpu.memref_slice %arg9[%rem3A_111, %parallel_loop3A_1082, %parallel_loop3A_1083] : memref<2x1x16384xf32, #tpu.memory_space<vmem>> -> memref<1x1x16384xf32, #tpu.memory_space<vmem>>
        %parallel_loop3A_1085 = tpu.memref_squeeze %parallel_loop3A_1084 : memref<1x1x16384xf32, #tpu.memory_space<vmem>> -> memref<1x16384xf32, #tpu.memory_space<vmem>>
        %parallel_loop3A_1086 = arith.index_cast %parallel_loop3A_1081 : i32 to index
        %parallel_loop3A_1087 = arith.index_cast %parallel_loop3A_1080 : i32 to index
        %parallel_loop3A_1088 = tpu.vector_load %parallel_loop3A_1085[%parallel_loop3A_1086, %parallel_loop3A_1087] {strides = array<i32>} : memref<1x16384xf32, #tpu.memory_space<vmem>>, vector<1x16xf32>,
        %parallel_loop3A_1089 = vector.shape_cast %parallel_loop3A_1088 : vector<1x16xf32> to vector<16xf32>
        %parallel_loop3A_1090 = vector.shape_cast %parallel_loop3A_1076 : vector<16xf32> to vector<1x16xf32>
        tpu.vector_store %parallel_loop3A_1085[%parallel_loop3A_1086, %parallel_loop3A_1087], %parallel_loop3A_1090 {strides = array<i32>} : memref<1x16384xf32, #tpu.memory_space<vmem>>, vector<1x16xf32>,
        %parallel_loop3A_1091 = arith.constant 0 : i32
        %parallel_loop3A_1092 = arith.constant 0 : i32
        %parallel_loop3A_1093 = tpu.memref_slice %arg7[%rem3A_109, %parallel_loop3A_1091, %parallel_loop3A_1092] : memref<3x16x1024xf32, #tpu.memory_space<vmem>> -> memref<1x16x1024xf32, #tpu.memory_space<vmem>>
        %parallel_loop3A_1094 = tpu.memref_squeeze %parallel_loop3A_1093 : memref<1x16x1024xf32, #tpu.memory_space<vmem>> -> memref<16x1024xf32, #tpu.memory_space<vmem>>
        %parallel_loop3A_1095 = arith.index_cast %parallel_loop3A_160 : i32 to index
        %parallel_loop3A_1096 = arith.constant 480 : index
        %parallel_loop3A_1097 = tpu.vector_load %parallel_loop3A_1094[%parallel_loop3A_1095, %parallel_loop3A_1096] {strides = array<i32>} : memref<16x1024xf32, #tpu.memory_space<vmem>>, vector<1x16xf32>,
        %parallel_loop3A_1098 = vector.shape_cast %parallel_loop3A_1097 : vector<1x16xf32> to vector<16xf32>
        %parallel_loop3A_1099 = arith.constant 0 : i32
        %parallel_loop3A_1100 = arith.constant 0 : i32
        %parallel_loop3A_1101 = tpu.memref_slice %arg8[%rem3A_113, %parallel_loop3A_1099, %parallel_loop3A_1100] : memref<2x16x1024xf32, #tpu.memory_space<vmem>> -> memref<1x16x1024xf32, #tpu.memory_space<vmem>>
        %parallel_loop3A_1102 = tpu.memref_squeeze %parallel_loop3A_1101 : memref<1x16x1024xf32, #tpu.memory_space<vmem>> -> memref<16x1024xf32, #tpu.memory_space<vmem>>
        %parallel_loop3A_1103 = arith.index_cast %parallel_loop3A_160 : i32 to index
        %parallel_loop3A_1104 = arith.constant 480 : index
        %parallel_loop3A_1105 = tpu.vector_load %parallel_loop3A_1102[%parallel_loop3A_1103, %parallel_loop3A_1104] {strides = array<i32>} : memref<16x1024xf32, #tpu.memory_space<vmem>>, vector<1x16xf32>,
        %parallel_loop3A_1106 = vector.shape_cast %parallel_loop3A_1105 : vector<1x16xf32> to vector<16xf32>
        %parallel_loop3A_1107 = arith.addf %parallel_loop3A_1098, %parallel_loop3A_1106 : vector<16xf32>
        %parallel_loop3A_1108 = arith.constant 1024 : i32
        %parallel_loop3A_1109 = arith.muli %parallel_loop3A_160, %parallel_loop3A_1108 : i32
        %parallel_loop3A_1110 = arith.constant 480 : i32
        %parallel_loop3A_1111 = arith.addi %parallel_loop3A_1109, %parallel_loop3A_1110 : i32
        %parallel_loop3A_1112 = arith.constant 0 : i32
        %parallel_loop3A_1113 = arith.constant 0 : i32
        %parallel_loop3A_1114 = arith.constant 0 : i32
        %parallel_loop3A_1115 = tpu.memref_slice %arg9[%rem3A_111, %parallel_loop3A_1113, %parallel_loop3A_1114] : memref<2x1x16384xf32, #tpu.memory_space<vmem>> -> memref<1x1x16384xf32, #tpu.memory_space<vmem>>
        %parallel_loop3A_1116 = tpu.memref_squeeze %parallel_loop3A_1115 : memref<1x1x16384xf32, #tpu.memory_space<vmem>> -> memref<1x16384xf32, #tpu.memory_space<vmem>>
        %parallel_loop3A_1117 = arith.index_cast %parallel_loop3A_1112 : i32 to index
        %parallel_loop3A_1118 = arith.index_cast %parallel_loop3A_1111 : i32 to index
        %parallel_loop3A_1119 = tpu.vector_load %parallel_loop3A_1116[%parallel_loop3A_1117, %parallel_loop3A_1118] {strides = array<i32>} : memref<1x16384xf32, #tpu.memory_space<vmem>>, vector<1x16xf32>,
        %parallel_loop3A_1120 = vector.shape_cast %parallel_loop3A_1119 : vector<1x16xf32> to vector<16xf32>
        %parallel_loop3A_1121 = vector.shape_cast %parallel_loop3A_1107 : vector<16xf32> to vector<1x16xf32>
        tpu.vector_store %parallel_loop3A_1116[%parallel_loop3A_1117, %parallel_loop3A_1118], %parallel_loop3A_1121 {strides = array<i32>} : memref<1x16384xf32, #tpu.memory_space<vmem>>, vector<1x16xf32>,
        %parallel_loop3A_1122 = arith.constant 0 : i32
        %parallel_loop3A_1123 = arith.constant 0 : i32
        %parallel_loop3A_1124 = tpu.memref_slice %arg7[%rem3A_109, %parallel_loop3A_1122, %parallel_loop3A_1123] : memref<3x16x1024xf32, #tpu.memory_space<vmem>> -> memref<1x16x1024xf32, #tpu.memory_space<vmem>>
        %parallel_loop3A_1125 = tpu.memref_squeeze %parallel_loop3A_1124 : memref<1x16x1024xf32, #tpu.memory_space<vmem>> -> memref<16x1024xf32, #tpu.memory_space<vmem>>
        %parallel_loop3A_1126 = arith.index_cast %parallel_loop3A_160 : i32 to index
        %parallel_loop3A_1127 = arith.constant 496 : index
        %parallel_loop3A_1128 = tpu.vector_load %parallel_loop3A_1125[%parallel_loop3A_1126, %parallel_loop3A_1127] {strides = array<i32>} : memref<16x1024xf32, #tpu.memory_space<vmem>>, vector<1x16xf32>,
        %parallel_loop3A_1129 = vector.shape_cast %parallel_loop3A_1128 : vector<1x16xf32> to vector<16xf32>
        %parallel_loop3A_1130 = arith.constant 0 : i32
        %parallel_loop3A_1131 = arith.constant 0 : i32
        %parallel_loop3A_1132 = tpu.memref_slice %arg8[%rem3A_113, %parallel_loop3A_1130, %parallel_loop3A_1131] : memref<2x16x1024xf32, #tpu.memory_space<vmem>> -> memref<1x16x1024xf32, #tpu.memory_space<vmem>>
        %parallel_loop3A_1133 = tpu.memref_squeeze %parallel_loop3A_1132 : memref<1x16x1024xf32, #tpu.memory_space<vmem>> -> memref<16x1024xf32, #tpu.memory_space<vmem>>
        %parallel_loop3A_1134 = arith.index_cast %parallel_loop3A_160 : i32 to index
        %parallel_loop3A_1135 = arith.constant 496 : index
        %parallel_loop3A_1136 = tpu.vector_load %parallel_loop3A_1133[%parallel_loop3A_1134, %parallel_loop3A_1135] {strides = array<i32>} : memref<16x1024xf32, #tpu.memory_space<vmem>>, vector<1x16xf32>,
        %parallel_loop3A_1137 = vector.shape_cast %parallel_loop3A_1136 : vector<1x16xf32> to vector<16xf32>
        %parallel_loop3A_1138 = arith.addf %parallel_loop3A_1129, %parallel_loop3A_1137 : vector<16xf32>
        %parallel_loop3A_1139 = arith.constant 1024 : i32
        %parallel_loop3A_1140 = arith.muli %parallel_loop3A_160, %parallel_loop3A_1139 : i32
        %parallel_loop3A_1141 = arith.constant 496 : i32
        %parallel_loop3A_1142 = arith.addi %parallel_loop3A_1140, %parallel_loop3A_1141 : i32
        %parallel_loop3A_1143 = arith.constant 0 : i32
        %parallel_loop3A_1144 = arith.constant 0 : i32
        %parallel_loop3A_1145 = arith.constant 0 : i32
        %parallel_loop3A_1146 = tpu.memref_slice %arg9[%rem3A_111, %parallel_loop3A_1144, %parallel_loop3A_1145] : memref<2x1x16384xf32, #tpu.memory_space<vmem>> -> memref<1x1x16384xf32, #tpu.memory_space<vmem>>
        %parallel_loop3A_1147 = tpu.memref_squeeze %parallel_loop3A_1146 : memref<1x1x16384xf32, #tpu.memory_space<vmem>> -> memref<1x16384xf32, #tpu.memory_space<vmem>>
        %parallel_loop3A_1148 = arith.index_cast %parallel_loop3A_1143 : i32 to index
        %parallel_loop3A_1149 = arith.index_cast %parallel_loop3A_1142 : i32 to index
        %parallel_loop3A_1150 = tpu.vector_load %parallel_loop3A_1147[%parallel_loop3A_1148, %parallel_loop3A_1149] {strides = array<i32>} : memref<1x16384xf32, #tpu.memory_space<vmem>>, vector<1x16xf32>,
        %parallel_loop3A_1151 = vector.shape_cast %parallel_loop3A_1150 : vector<1x16xf32> to vector<16xf32>
        %parallel_loop3A_1152 = vector.shape_cast %parallel_loop3A_1138 : vector<16xf32> to vector<1x16xf32>
        tpu.vector_store %parallel_loop3A_1147[%parallel_loop3A_1148, %parallel_loop3A_1149], %parallel_loop3A_1152 {strides = array<i32>} : memref<1x16384xf32, #tpu.memory_space<vmem>>, vector<1x16xf32>,
        %parallel_loop3A_1153 = arith.constant 0 : i32
        %parallel_loop3A_1154 = arith.constant 0 : i32
        %parallel_loop3A_1155 = tpu.memref_slice %arg7[%rem3A_109, %parallel_loop3A_1153, %parallel_loop3A_1154] : memref<3x16x1024xf32, #tpu.memory_space<vmem>> -> memref<1x16x1024xf32, #tpu.memory_space<vmem>>
        %parallel_loop3A_1156 = tpu.memref_squeeze %parallel_loop3A_1155 : memref<1x16x1024xf32, #tpu.memory_space<vmem>> -> memref<16x1024xf32, #tpu.memory_space<vmem>>
        %parallel_loop3A_1157 = arith.index_cast %parallel_loop3A_160 : i32 to index
        %parallel_loop3A_1158 = arith.constant 512 : index
        %parallel_loop3A_1159 = tpu.vector_load %parallel_loop3A_1156[%parallel_loop3A_1157, %parallel_loop3A_1158] {strides = array<i32>} : memref<16x1024xf32, #tpu.memory_space<vmem>>, vector<1x16xf32>,
        %parallel_loop3A_1160 = vector.shape_cast %parallel_loop3A_1159 : vector<1x16xf32> to vector<16xf32>
        %parallel_loop3A_1161 = arith.constant 0 : i32
        %parallel_loop3A_1162 = arith.constant 0 : i32
        %parallel_loop3A_1163 = tpu.memref_slice %arg8[%rem3A_113, %parallel_loop3A_1161, %parallel_loop3A_1162] : memref<2x16x1024xf32, #tpu.memory_space<vmem>> -> memref<1x16x1024xf32, #tpu.memory_space<vmem>>
        %parallel_loop3A_1164 = tpu.memref_squeeze %parallel_loop3A_1163 : memref<1x16x1024xf32, #tpu.memory_space<vmem>> -> memref<16x1024xf32, #tpu.memory_space<vmem>>
        %parallel_loop3A_1165 = arith.index_cast %parallel_loop3A_160 : i32 to index
        %parallel_loop3A_1166 = arith.constant 512 : index
        %parallel_loop3A_1167 = tpu.vector_load %parallel_loop3A_1164[%parallel_loop3A_1165, %parallel_loop3A_1166] {strides = array<i32>} : memref<16x1024xf32, #tpu.memory_space<vmem>>, vector<1x16xf32>,
        %parallel_loop3A_1168 = vector.shape_cast %parallel_loop3A_1167 : vector<1x16xf32> to vector<16xf32>
        %parallel_loop3A_1169 = arith.addf %parallel_loop3A_1160, %parallel_loop3A_1168 : vector<16xf32>
        %parallel_loop3A_1170 = arith.constant 1024 : i32
        %parallel_loop3A_1171 = arith.muli %parallel_loop3A_160, %parallel_loop3A_1170 : i32
        %parallel_loop3A_1172 = arith.constant 512 : i32
        %parallel_loop3A_1173 = arith.addi %parallel_loop3A_1171, %parallel_loop3A_1172 : i32
        %parallel_loop3A_1174 = arith.constant 0 : i32
        %parallel_loop3A_1175 = arith.constant 0 : i32
        %parallel_loop3A_1176 = arith.constant 0 : i32
        %parallel_loop3A_1177 = tpu.memref_slice %arg9[%rem3A_111, %parallel_loop3A_1175, %parallel_loop3A_1176] : memref<2x1x16384xf32, #tpu.memory_space<vmem>> -> memref<1x1x16384xf32, #tpu.memory_space<vmem>>
        %parallel_loop3A_1178 = tpu.memref_squeeze %parallel_loop3A_1177 : memref<1x1x16384xf32, #tpu.memory_space<vmem>> -> memref<1x16384xf32, #tpu.memory_space<vmem>>
        %parallel_loop3A_1179 = arith.index_cast %parallel_loop3A_1174 : i32 to index
        %parallel_loop3A_1180 = arith.index_cast %parallel_loop3A_1173 : i32 to index
        %parallel_loop3A_1181 = tpu.vector_load %parallel_loop3A_1178[%parallel_loop3A_1179, %parallel_loop3A_1180] {strides = array<i32>} : memref<1x16384xf32, #tpu.memory_space<vmem>>, vector<1x16xf32>,
        %parallel_loop3A_1182 = vector.shape_cast %parallel_loop3A_1181 : vector<1x16xf32> to vector<16xf32>
        %parallel_loop3A_1183 = vector.shape_cast %parallel_loop3A_1169 : vector<16xf32> to vector<1x16xf32>
        tpu.vector_store %parallel_loop3A_1178[%parallel_loop3A_1179, %parallel_loop3A_1180], %parallel_loop3A_1183 {strides = array<i32>} : memref<1x16384xf32, #tpu.memory_space<vmem>>, vector<1x16xf32>,
        %parallel_loop3A_1184 = arith.constant 0 : i32
        %parallel_loop3A_1185 = arith.constant 0 : i32
        %parallel_loop3A_1186 = tpu.memref_slice %arg7[%rem3A_109, %parallel_loop3A_1184, %parallel_loop3A_1185] : memref<3x16x1024xf32, #tpu.memory_space<vmem>> -> memref<1x16x1024xf32, #tpu.memory_space<vmem>>
        %parallel_loop3A_1187 = tpu.memref_squeeze %parallel_loop3A_1186 : memref<1x16x1024xf32, #tpu.memory_space<vmem>> -> memref<16x1024xf32, #tpu.memory_space<vmem>>
        %parallel_loop3A_1188 = arith.index_cast %parallel_loop3A_160 : i32 to index
        %parallel_loop3A_1189 = arith.constant 528 : index
        %parallel_loop3A_1190 = tpu.vector_load %parallel_loop3A_1187[%parallel_loop3A_1188, %parallel_loop3A_1189] {strides = array<i32>} : memref<16x1024xf32, #tpu.memory_space<vmem>>, vector<1x16xf32>,
        %parallel_loop3A_1191 = vector.shape_cast %parallel_loop3A_1190 : vector<1x16xf32> to vector<16xf32>
        %parallel_loop3A_1192 = arith.constant 0 : i32
        %parallel_loop3A_1193 = arith.constant 0 : i32
        %parallel_loop3A_1194 = tpu.memref_slice %arg8[%rem3A_113, %parallel_loop3A_1192, %parallel_loop3A_1193] : memref<2x16x1024xf32, #tpu.memory_space<vmem>> -> memref<1x16x1024xf32, #tpu.memory_space<vmem>>
        %parallel_loop3A_1195 = tpu.memref_squeeze %parallel_loop3A_1194 : memref<1x16x1024xf32, #tpu.memory_space<vmem>> -> memref<16x1024xf32, #tpu.memory_space<vmem>>
        %parallel_loop3A_1196 = arith.index_cast %parallel_loop3A_160 : i32 to index
        %parallel_loop3A_1197 = arith.constant 528 : index
        %parallel_loop3A_1198 = tpu.vector_load %parallel_loop3A_1195[%parallel_loop3A_1196, %parallel_loop3A_1197] {strides = array<i32>} : memref<16x1024xf32, #tpu.memory_space<vmem>>, vector<1x16xf32>,
        %parallel_loop3A_1199 = vector.shape_cast %parallel_loop3A_1198 : vector<1x16xf32> to vector<16xf32>
        %parallel_loop3A_1200 = arith.addf %parallel_loop3A_1191, %parallel_loop3A_1199 : vector<16xf32>
        %parallel_loop3A_1201 = arith.constant 1024 : i32
        %parallel_loop3A_1202 = arith.muli %parallel_loop3A_160, %parallel_loop3A_1201 : i32
        %parallel_loop3A_1203 = arith.constant 528 : i32
        %parallel_loop3A_1204 = arith.addi %parallel_loop3A_1202, %parallel_loop3A_1203 : i32
        %parallel_loop3A_1205 = arith.constant 0 : i32
        %parallel_loop3A_1206 = arith.constant 0 : i32
        %parallel_loop3A_1207 = arith.constant 0 : i32
        %parallel_loop3A_1208 = tpu.memref_slice %arg9[%rem3A_111, %parallel_loop3A_1206, %parallel_loop3A_1207] : memref<2x1x16384xf32, #tpu.memory_space<vmem>> -> memref<1x1x16384xf32, #tpu.memory_space<vmem>>
        %parallel_loop3A_1209 = tpu.memref_squeeze %parallel_loop3A_1208 : memref<1x1x16384xf32, #tpu.memory_space<vmem>> -> memref<1x16384xf32, #tpu.memory_space<vmem>>
        %parallel_loop3A_1210 = arith.index_cast %parallel_loop3A_1205 : i32 to index
        %parallel_loop3A_1211 = arith.index_cast %parallel_loop3A_1204 : i32 to index
        %parallel_loop3A_1212 = tpu.vector_load %parallel_loop3A_1209[%parallel_loop3A_1210, %parallel_loop3A_1211] {strides = array<i32>} : memref<1x16384xf32, #tpu.memory_space<vmem>>, vector<1x16xf32>,
        %parallel_loop3A_1213 = vector.shape_cast %parallel_loop3A_1212 : vector<1x16xf32> to vector<16xf32>
        %parallel_loop3A_1214 = vector.shape_cast %parallel_loop3A_1200 : vector<16xf32> to vector<1x16xf32>
        tpu.vector_store %parallel_loop3A_1209[%parallel_loop3A_1210, %parallel_loop3A_1211], %parallel_loop3A_1214 {strides = array<i32>} : memref<1x16384xf32, #tpu.memory_space<vmem>>, vector<1x16xf32>,
        %parallel_loop3A_1215 = arith.constant 0 : i32
        %parallel_loop3A_1216 = arith.constant 0 : i32
        %parallel_loop3A_1217 = tpu.memref_slice %arg7[%rem3A_109, %parallel_loop3A_1215, %parallel_loop3A_1216] : memref<3x16x1024xf32, #tpu.memory_space<vmem>> -> memref<1x16x1024xf32, #tpu.memory_space<vmem>>
        %parallel_loop3A_1218 = tpu.memref_squeeze %parallel_loop3A_1217 : memref<1x16x1024xf32, #tpu.memory_space<vmem>> -> memref<16x1024xf32, #tpu.memory_space<vmem>>
        %parallel_loop3A_1219 = arith.index_cast %parallel_loop3A_160 : i32 to index
        %parallel_loop3A_1220 = arith.constant 544 : index
        %parallel_loop3A_1221 = tpu.vector_load %parallel_loop3A_1218[%parallel_loop3A_1219, %parallel_loop3A_1220] {strides = array<i32>} : memref<16x1024xf32, #tpu.memory_space<vmem>>, vector<1x16xf32>,
        %parallel_loop3A_1222 = vector.shape_cast %parallel_loop3A_1221 : vector<1x16xf32> to vector<16xf32>
        %parallel_loop3A_1223 = arith.constant 0 : i32
        %parallel_loop3A_1224 = arith.constant 0 : i32
        %parallel_loop3A_1225 = tpu.memref_slice %arg8[%rem3A_113, %parallel_loop3A_1223, %parallel_loop3A_1224] : memref<2x16x1024xf32, #tpu.memory_space<vmem>> -> memref<1x16x1024xf32, #tpu.memory_space<vmem>>
        %parallel_loop3A_1226 = tpu.memref_squeeze %parallel_loop3A_1225 : memref<1x16x1024xf32, #tpu.memory_space<vmem>> -> memref<16x1024xf32, #tpu.memory_space<vmem>>
        %parallel_loop3A_1227 = arith.index_cast %parallel_loop3A_160 : i32 to index
        %parallel_loop3A_1228 = arith.constant 544 : index
        %parallel_loop3A_1229 = tpu.vector_load %parallel_loop3A_1226[%parallel_loop3A_1227, %parallel_loop3A_1228] {strides = array<i32>} : memref<16x1024xf32, #tpu.memory_space<vmem>>, vector<1x16xf32>,
        %parallel_loop3A_1230 = vector.shape_cast %parallel_loop3A_1229 : vector<1x16xf32> to vector<16xf32>
        %parallel_loop3A_1231 = arith.addf %parallel_loop3A_1222, %parallel_loop3A_1230 : vector<16xf32>
        %parallel_loop3A_1232 = arith.constant 1024 : i32
        %parallel_loop3A_1233 = arith.muli %parallel_loop3A_160, %parallel_loop3A_1232 : i32
        %parallel_loop3A_1234 = arith.constant 544 : i32
        %parallel_loop3A_1235 = arith.addi %parallel_loop3A_1233, %parallel_loop3A_1234 : i32
        %parallel_loop3A_1236 = arith.constant 0 : i32
        %parallel_loop3A_1237 = arith.constant 0 : i32
        %parallel_loop3A_1238 = arith.constant 0 : i32
        %parallel_loop3A_1239 = tpu.memref_slice %arg9[%rem3A_111, %parallel_loop3A_1237, %parallel_loop3A_1238] : memref<2x1x16384xf32, #tpu.memory_space<vmem>> -> memref<1x1x16384xf32, #tpu.memory_space<vmem>>
        %parallel_loop3A_1240 = tpu.memref_squeeze %parallel_loop3A_1239 : memref<1x1x16384xf32, #tpu.memory_space<vmem>> -> memref<1x16384xf32, #tpu.memory_space<vmem>>
        %parallel_loop3A_1241 = arith.index_cast %parallel_loop3A_1236 : i32 to index
        %parallel_loop3A_1242 = arith.index_cast %parallel_loop3A_1235 : i32 to index
        %parallel_loop3A_1243 = tpu.vector_load %parallel_loop3A_1240[%parallel_loop3A_1241, %parallel_loop3A_1242] {strides = array<i32>} : memref<1x16384xf32, #tpu.memory_space<vmem>>, vector<1x16xf32>,
        %parallel_loop3A_1244 = vector.shape_cast %parallel_loop3A_1243 : vector<1x16xf32> to vector<16xf32>
        %parallel_loop3A_1245 = vector.shape_cast %parallel_loop3A_1231 : vector<16xf32> to vector<1x16xf32>
        tpu.vector_store %parallel_loop3A_1240[%parallel_loop3A_1241, %parallel_loop3A_1242], %parallel_loop3A_1245 {strides = array<i32>} : memref<1x16384xf32, #tpu.memory_space<vmem>>, vector<1x16xf32>,
        %parallel_loop3A_1246 = arith.constant 0 : i32
        %parallel_loop3A_1247 = arith.constant 0 : i32
        %parallel_loop3A_1248 = tpu.memref_slice %arg7[%rem3A_109, %parallel_loop3A_1246, %parallel_loop3A_1247] : memref<3x16x1024xf32, #tpu.memory_space<vmem>> -> memref<1x16x1024xf32, #tpu.memory_space<vmem>>
        %parallel_loop3A_1249 = tpu.memref_squeeze %parallel_loop3A_1248 : memref<1x16x1024xf32, #tpu.memory_space<vmem>> -> memref<16x1024xf32, #tpu.memory_space<vmem>>
        %parallel_loop3A_1250 = arith.index_cast %parallel_loop3A_160 : i32 to index
        %parallel_loop3A_1251 = arith.constant 560 : index
        %parallel_loop3A_1252 = tpu.vector_load %parallel_loop3A_1249[%parallel_loop3A_1250, %parallel_loop3A_1251] {strides = array<i32>} : memref<16x1024xf32, #tpu.memory_space<vmem>>, vector<1x16xf32>,
        %parallel_loop3A_1253 = vector.shape_cast %parallel_loop3A_1252 : vector<1x16xf32> to vector<16xf32>
        %parallel_loop3A_1254 = arith.constant 0 : i32
        %parallel_loop3A_1255 = arith.constant 0 : i32
        %parallel_loop3A_1256 = tpu.memref_slice %arg8[%rem3A_113, %parallel_loop3A_1254, %parallel_loop3A_1255] : memref<2x16x1024xf32, #tpu.memory_space<vmem>> -> memref<1x16x1024xf32, #tpu.memory_space<vmem>>
        %parallel_loop3A_1257 = tpu.memref_squeeze %parallel_loop3A_1256 : memref<1x16x1024xf32, #tpu.memory_space<vmem>> -> memref<16x1024xf32, #tpu.memory_space<vmem>>
        %parallel_loop3A_1258 = arith.index_cast %parallel_loop3A_160 : i32 to index
        %parallel_loop3A_1259 = arith.constant 560 : index
        %parallel_loop3A_1260 = tpu.vector_load %parallel_loop3A_1257[%parallel_loop3A_1258, %parallel_loop3A_1259] {strides = array<i32>} : memref<16x1024xf32, #tpu.memory_space<vmem>>, vector<1x16xf32>,
        %parallel_loop3A_1261 = vector.shape_cast %parallel_loop3A_1260 : vector<1x16xf32> to vector<16xf32>
        %parallel_loop3A_1262 = arith.addf %parallel_loop3A_1253, %parallel_loop3A_1261 : vector<16xf32>
        %parallel_loop3A_1263 = arith.constant 1024 : i32
        %parallel_loop3A_1264 = arith.muli %parallel_loop3A_160, %parallel_loop3A_1263 : i32
        %parallel_loop3A_1265 = arith.constant 560 : i32
        %parallel_loop3A_1266 = arith.addi %parallel_loop3A_1264, %parallel_loop3A_1265 : i32
        %parallel_loop3A_1267 = arith.constant 0 : i32
        %parallel_loop3A_1268 = arith.constant 0 : i32
        %parallel_loop3A_1269 = arith.constant 0 : i32
        %parallel_loop3A_1270 = tpu.memref_slice %arg9[%rem3A_111, %parallel_loop3A_1268, %parallel_loop3A_1269] : memref<2x1x16384xf32, #tpu.memory_space<vmem>> -> memref<1x1x16384xf32, #tpu.memory_space<vmem>>
        %parallel_loop3A_1271 = tpu.memref_squeeze %parallel_loop3A_1270 : memref<1x1x16384xf32, #tpu.memory_space<vmem>> -> memref<1x16384xf32, #tpu.memory_space<vmem>>
        %parallel_loop3A_1272 = arith.index_cast %parallel_loop3A_1267 : i32 to index
        %parallel_loop3A_1273 = arith.index_cast %parallel_loop3A_1266 : i32 to index
        %parallel_loop3A_1274 = tpu.vector_load %parallel_loop3A_1271[%parallel_loop3A_1272, %parallel_loop3A_1273] {strides = array<i32>} : memref<1x16384xf32, #tpu.memory_space<vmem>>, vector<1x16xf32>,
        %parallel_loop3A_1275 = vector.shape_cast %parallel_loop3A_1274 : vector<1x16xf32> to vector<16xf32>
        %parallel_loop3A_1276 = vector.shape_cast %parallel_loop3A_1262 : vector<16xf32> to vector<1x16xf32>
        tpu.vector_store %parallel_loop3A_1271[%parallel_loop3A_1272, %parallel_loop3A_1273], %parallel_loop3A_1276 {strides = array<i32>} : memref<1x16384xf32, #tpu.memory_space<vmem>>, vector<1x16xf32>,
        %parallel_loop3A_1277 = arith.constant 0 : i32
        %parallel_loop3A_1278 = arith.constant 0 : i32
        %parallel_loop3A_1279 = tpu.memref_slice %arg7[%rem3A_109, %parallel_loop3A_1277, %parallel_loop3A_1278] : memref<3x16x1024xf32, #tpu.memory_space<vmem>> -> memref<1x16x1024xf32, #tpu.memory_space<vmem>>
        %parallel_loop3A_1280 = tpu.memref_squeeze %parallel_loop3A_1279 : memref<1x16x1024xf32, #tpu.memory_space<vmem>> -> memref<16x1024xf32, #tpu.memory_space<vmem>>
        %parallel_loop3A_1281 = arith.index_cast %parallel_loop3A_160 : i32 to index
        %parallel_loop3A_1282 = arith.constant 576 : index
        %parallel_loop3A_1283 = tpu.vector_load %parallel_loop3A_1280[%parallel_loop3A_1281, %parallel_loop3A_1282] {strides = array<i32>} : memref<16x1024xf32, #tpu.memory_space<vmem>>, vector<1x16xf32>,
        %parallel_loop3A_1284 = vector.shape_cast %parallel_loop3A_1283 : vector<1x16xf32> to vector<16xf32>
        %parallel_loop3A_1285 = arith.constant 0 : i32
        %parallel_loop3A_1286 = arith.constant 0 : i32
        %parallel_loop3A_1287 = tpu.memref_slice %arg8[%rem3A_113, %parallel_loop3A_1285, %parallel_loop3A_1286] : memref<2x16x1024xf32, #tpu.memory_space<vmem>> -> memref<1x16x1024xf32, #tpu.memory_space<vmem>>
        %parallel_loop3A_1288 = tpu.memref_squeeze %parallel_loop3A_1287 : memref<1x16x1024xf32, #tpu.memory_space<vmem>> -> memref<16x1024xf32, #tpu.memory_space<vmem>>
        %parallel_loop3A_1289 = arith.index_cast %parallel_loop3A_160 : i32 to index
        %parallel_loop3A_1290 = arith.constant 576 : index
        %parallel_loop3A_1291 = tpu.vector_load %parallel_loop3A_1288[%parallel_loop3A_1289, %parallel_loop3A_1290] {strides = array<i32>} : memref<16x1024xf32, #tpu.memory_space<vmem>>, vector<1x16xf32>,
        %parallel_loop3A_1292 = vector.shape_cast %parallel_loop3A_1291 : vector<1x16xf32> to vector<16xf32>
        %parallel_loop3A_1293 = arith.addf %parallel_loop3A_1284, %parallel_loop3A_1292 : vector<16xf32>
        %parallel_loop3A_1294 = arith.constant 1024 : i32
        %parallel_loop3A_1295 = arith.muli %parallel_loop3A_160, %parallel_loop3A_1294 : i32
        %parallel_loop3A_1296 = arith.constant 576 : i32
        %parallel_loop3A_1297 = arith.addi %parallel_loop3A_1295, %parallel_loop3A_1296 : i32
        %parallel_loop3A_1298 = arith.constant 0 : i32
        %parallel_loop3A_1299 = arith.constant 0 : i32
        %parallel_loop3A_1300 = arith.constant 0 : i32
        %parallel_loop3A_1301 = tpu.memref_slice %arg9[%rem3A_111, %parallel_loop3A_1299, %parallel_loop3A_1300] : memref<2x1x16384xf32, #tpu.memory_space<vmem>> -> memref<1x1x16384xf32, #tpu.memory_space<vmem>>
        %parallel_loop3A_1302 = tpu.memref_squeeze %parallel_loop3A_1301 : memref<1x1x16384xf32, #tpu.memory_space<vmem>> -> memref<1x16384xf32, #tpu.memory_space<vmem>>
        %parallel_loop3A_1303 = arith.index_cast %parallel_loop3A_1298 : i32 to index
        %parallel_loop3A_1304 = arith.index_cast %parallel_loop3A_1297 : i32 to index
        %parallel_loop3A_1305 = tpu.vector_load %parallel_loop3A_1302[%parallel_loop3A_1303, %parallel_loop3A_1304] {strides = array<i32>} : memref<1x16384xf32, #tpu.memory_space<vmem>>, vector<1x16xf32>,
        %parallel_loop3A_1306 = vector.shape_cast %parallel_loop3A_1305 : vector<1x16xf32> to vector<16xf32>
        %parallel_loop3A_1307 = vector.shape_cast %parallel_loop3A_1293 : vector<16xf32> to vector<1x16xf32>
        tpu.vector_store %parallel_loop3A_1302[%parallel_loop3A_1303, %parallel_loop3A_1304], %parallel_loop3A_1307 {strides = array<i32>} : memref<1x16384xf32, #tpu.memory_space<vmem>>, vector<1x16xf32>,
        %parallel_loop3A_1308 = arith.constant 0 : i32
        %parallel_loop3A_1309 = arith.constant 0 : i32
        %parallel_loop3A_1310 = tpu.memref_slice %arg7[%rem3A_109, %parallel_loop3A_1308, %parallel_loop3A_1309] : memref<3x16x1024xf32, #tpu.memory_space<vmem>> -> memref<1x16x1024xf32, #tpu.memory_space<vmem>>
        %parallel_loop3A_1311 = tpu.memref_squeeze %parallel_loop3A_1310 : memref<1x16x1024xf32, #tpu.memory_space<vmem>> -> memref<16x1024xf32, #tpu.memory_space<vmem>>
        %parallel_loop3A_1312 = arith.index_cast %parallel_loop3A_160 : i32 to index
        %parallel_loop3A_1313 = arith.constant 592 : index
        %parallel_loop3A_1314 = tpu.vector_load %parallel_loop3A_1311[%parallel_loop3A_1312, %parallel_loop3A_1313] {strides = array<i32>} : memref<16x1024xf32, #tpu.memory_space<vmem>>, vector<1x16xf32>,
        %parallel_loop3A_1315 = vector.shape_cast %parallel_loop3A_1314 : vector<1x16xf32> to vector<16xf32>
        %parallel_loop3A_1316 = arith.constant 0 : i32
        %parallel_loop3A_1317 = arith.constant 0 : i32
        %parallel_loop3A_1318 = tpu.memref_slice %arg8[%rem3A_113, %parallel_loop3A_1316, %parallel_loop3A_1317] : memref<2x16x1024xf32, #tpu.memory_space<vmem>> -> memref<1x16x1024xf32, #tpu.memory_space<vmem>>
        %parallel_loop3A_1319 = tpu.memref_squeeze %parallel_loop3A_1318 : memref<1x16x1024xf32, #tpu.memory_space<vmem>> -> memref<16x1024xf32, #tpu.memory_space<vmem>>
        %parallel_loop3A_1320 = arith.index_cast %parallel_loop3A_160 : i32 to index
        %parallel_loop3A_1321 = arith.constant 592 : index
        %parallel_loop3A_1322 = tpu.vector_load %parallel_loop3A_1319[%parallel_loop3A_1320, %parallel_loop3A_1321] {strides = array<i32>} : memref<16x1024xf32, #tpu.memory_space<vmem>>, vector<1x16xf32>,
        %parallel_loop3A_1323 = vector.shape_cast %parallel_loop3A_1322 : vector<1x16xf32> to vector<16xf32>
        %parallel_loop3A_1324 = arith.addf %parallel_loop3A_1315, %parallel_loop3A_1323 : vector<16xf32>
        %parallel_loop3A_1325 = arith.constant 1024 : i32
        %parallel_loop3A_1326 = arith.muli %parallel_loop3A_160, %parallel_loop3A_1325 : i32
        %parallel_loop3A_1327 = arith.constant 592 : i32
        %parallel_loop3A_1328 = arith.addi %parallel_loop3A_1326, %parallel_loop3A_1327 : i32
        %parallel_loop3A_1329 = arith.constant 0 : i32
        %parallel_loop3A_1330 = arith.constant 0 : i32
        %parallel_loop3A_1331 = arith.constant 0 : i32
        %parallel_loop3A_1332 = tpu.memref_slice %arg9[%rem3A_111, %parallel_loop3A_1330, %parallel_loop3A_1331] : memref<2x1x16384xf32, #tpu.memory_space<vmem>> -> memref<1x1x16384xf32, #tpu.memory_space<vmem>>
        %parallel_loop3A_1333 = tpu.memref_squeeze %parallel_loop3A_1332 : memref<1x1x16384xf32, #tpu.memory_space<vmem>> -> memref<1x16384xf32, #tpu.memory_space<vmem>>
        %parallel_loop3A_1334 = arith.index_cast %parallel_loop3A_1329 : i32 to index
        %parallel_loop3A_1335 = arith.index_cast %parallel_loop3A_1328 : i32 to index
        %parallel_loop3A_1336 = tpu.vector_load %parallel_loop3A_1333[%parallel_loop3A_1334, %parallel_loop3A_1335] {strides = array<i32>} : memref<1x16384xf32, #tpu.memory_space<vmem>>, vector<1x16xf32>,
        %parallel_loop3A_1337 = vector.shape_cast %parallel_loop3A_1336 : vector<1x16xf32> to vector<16xf32>
        %parallel_loop3A_1338 = vector.shape_cast %parallel_loop3A_1324 : vector<16xf32> to vector<1x16xf32>
        tpu.vector_store %parallel_loop3A_1333[%parallel_loop3A_1334, %parallel_loop3A_1335], %parallel_loop3A_1338 {strides = array<i32>} : memref<1x16384xf32, #tpu.memory_space<vmem>>, vector<1x16xf32>,
        %parallel_loop3A_1339 = arith.constant 0 : i32
        %parallel_loop3A_1340 = arith.constant 0 : i32
        %parallel_loop3A_1341 = tpu.memref_slice %arg7[%rem3A_109, %parallel_loop3A_1339, %parallel_loop3A_1340] : memref<3x16x1024xf32, #tpu.memory_space<vmem>> -> memref<1x16x1024xf32, #tpu.memory_space<vmem>>
        %parallel_loop3A_1342 = tpu.memref_squeeze %parallel_loop3A_1341 : memref<1x16x1024xf32, #tpu.memory_space<vmem>> -> memref<16x1024xf32, #tpu.memory_space<vmem>>
        %parallel_loop3A_1343 = arith.index_cast %parallel_loop3A_160 : i32 to index
        %parallel_loop3A_1344 = arith.constant 608 : index
        %parallel_loop3A_1345 = tpu.vector_load %parallel_loop3A_1342[%parallel_loop3A_1343, %parallel_loop3A_1344] {strides = array<i32>} : memref<16x1024xf32, #tpu.memory_space<vmem>>, vector<1x16xf32>,
        %parallel_loop3A_1346 = vector.shape_cast %parallel_loop3A_1345 : vector<1x16xf32> to vector<16xf32>
        %parallel_loop3A_1347 = arith.constant 0 : i32
        %parallel_loop3A_1348 = arith.constant 0 : i32
        %parallel_loop3A_1349 = tpu.memref_slice %arg8[%rem3A_113, %parallel_loop3A_1347, %parallel_loop3A_1348] : memref<2x16x1024xf32, #tpu.memory_space<vmem>> -> memref<1x16x1024xf32, #tpu.memory_space<vmem>>
        %parallel_loop3A_1350 = tpu.memref_squeeze %parallel_loop3A_1349 : memref<1x16x1024xf32, #tpu.memory_space<vmem>> -> memref<16x1024xf32, #tpu.memory_space<vmem>>
        %parallel_loop3A_1351 = arith.index_cast %parallel_loop3A_160 : i32 to index
        %parallel_loop3A_1352 = arith.constant 608 : index
        %parallel_loop3A_1353 = tpu.vector_load %parallel_loop3A_1350[%parallel_loop3A_1351, %parallel_loop3A_1352] {strides = array<i32>} : memref<16x1024xf32, #tpu.memory_space<vmem>>, vector<1x16xf32>,
        %parallel_loop3A_1354 = vector.shape_cast %parallel_loop3A_1353 : vector<1x16xf32> to vector<16xf32>
        %parallel_loop3A_1355 = arith.addf %parallel_loop3A_1346, %parallel_loop3A_1354 : vector<16xf32>
        %parallel_loop3A_1356 = arith.constant 1024 : i32
        %parallel_loop3A_1357 = arith.muli %parallel_loop3A_160, %parallel_loop3A_1356 : i32
        %parallel_loop3A_1358 = arith.constant 608 : i32
        %parallel_loop3A_1359 = arith.addi %parallel_loop3A_1357, %parallel_loop3A_1358 : i32
        %parallel_loop3A_1360 = arith.constant 0 : i32
        %parallel_loop3A_1361 = arith.constant 0 : i32
        %parallel_loop3A_1362 = arith.constant 0 : i32
        %parallel_loop3A_1363 = tpu.memref_slice %arg9[%rem3A_111, %parallel_loop3A_1361, %parallel_loop3A_1362] : memref<2x1x16384xf32, #tpu.memory_space<vmem>> -> memref<1x1x16384xf32, #tpu.memory_space<vmem>>
        %parallel_loop3A_1364 = tpu.memref_squeeze %parallel_loop3A_1363 : memref<1x1x16384xf32, #tpu.memory_space<vmem>> -> memref<1x16384xf32, #tpu.memory_space<vmem>>
        %parallel_loop3A_1365 = arith.index_cast %parallel_loop3A_1360 : i32 to index
        %parallel_loop3A_1366 = arith.index_cast %parallel_loop3A_1359 : i32 to index
        %parallel_loop3A_1367 = tpu.vector_load %parallel_loop3A_1364[%parallel_loop3A_1365, %parallel_loop3A_1366] {strides = array<i32>} : memref<1x16384xf32, #tpu.memory_space<vmem>>, vector<1x16xf32>,
        %parallel_loop3A_1368 = vector.shape_cast %parallel_loop3A_1367 : vector<1x16xf32> to vector<16xf32>
        %parallel_loop3A_1369 = vector.shape_cast %parallel_loop3A_1355 : vector<16xf32> to vector<1x16xf32>
        tpu.vector_store %parallel_loop3A_1364[%parallel_loop3A_1365, %parallel_loop3A_1366], %parallel_loop3A_1369 {strides = array<i32>} : memref<1x16384xf32, #tpu.memory_space<vmem>>, vector<1x16xf32>,
        %parallel_loop3A_1370 = arith.constant 0 : i32
        %parallel_loop3A_1371 = arith.constant 0 : i32
        %parallel_loop3A_1372 = tpu.memref_slice %arg7[%rem3A_109, %parallel_loop3A_1370, %parallel_loop3A_1371] : memref<3x16x1024xf32, #tpu.memory_space<vmem>> -> memref<1x16x1024xf32, #tpu.memory_space<vmem>>
        %parallel_loop3A_1373 = tpu.memref_squeeze %parallel_loop3A_1372 : memref<1x16x1024xf32, #tpu.memory_space<vmem>> -> memref<16x1024xf32, #tpu.memory_space<vmem>>
        %parallel_loop3A_1374 = arith.index_cast %parallel_loop3A_160 : i32 to index
        %parallel_loop3A_1375 = arith.constant 624 : index
        %parallel_loop3A_1376 = tpu.vector_load %parallel_loop3A_1373[%parallel_loop3A_1374, %parallel_loop3A_1375] {strides = array<i32>} : memref<16x1024xf32, #tpu.memory_space<vmem>>, vector<1x16xf32>,
        %parallel_loop3A_1377 = vector.shape_cast %parallel_loop3A_1376 : vector<1x16xf32> to vector<16xf32>
        %parallel_loop3A_1378 = arith.constant 0 : i32
        %parallel_loop3A_1379 = arith.constant 0 : i32
        %parallel_loop3A_1380 = tpu.memref_slice %arg8[%rem3A_113, %parallel_loop3A_1378, %parallel_loop3A_1379] : memref<2x16x1024xf32, #tpu.memory_space<vmem>> -> memref<1x16x1024xf32, #tpu.memory_space<vmem>>
        %parallel_loop3A_1381 = tpu.memref_squeeze %parallel_loop3A_1380 : memref<1x16x1024xf32, #tpu.memory_space<vmem>> -> memref<16x1024xf32, #tpu.memory_space<vmem>>
        %parallel_loop3A_1382 = arith.index_cast %parallel_loop3A_160 : i32 to index
        %parallel_loop3A_1383 = arith.constant 624 : index
        %parallel_loop3A_1384 = tpu.vector_load %parallel_loop3A_1381[%parallel_loop3A_1382, %parallel_loop3A_1383] {strides = array<i32>} : memref<16x1024xf32, #tpu.memory_space<vmem>>, vector<1x16xf32>,
        %parallel_loop3A_1385 = vector.shape_cast %parallel_loop3A_1384 : vector<1x16xf32> to vector<16xf32>
        %parallel_loop3A_1386 = arith.addf %parallel_loop3A_1377, %parallel_loop3A_1385 : vector<16xf32>
        %parallel_loop3A_1387 = arith.constant 1024 : i32
        %parallel_loop3A_1388 = arith.muli %parallel_loop3A_160, %parallel_loop3A_1387 : i32
        %parallel_loop3A_1389 = arith.constant 624 : i32
        %parallel_loop3A_1390 = arith.addi %parallel_loop3A_1388, %parallel_loop3A_1389 : i32
        %parallel_loop3A_1391 = arith.constant 0 : i32
        %parallel_loop3A_1392 = arith.constant 0 : i32
        %parallel_loop3A_1393 = arith.constant 0 : i32
        %parallel_loop3A_1394 = tpu.memref_slice %arg9[%rem3A_111, %parallel_loop3A_1392, %parallel_loop3A_1393] : memref<2x1x16384xf32, #tpu.memory_space<vmem>> -> memref<1x1x16384xf32, #tpu.memory_space<vmem>>
        %parallel_loop3A_1395 = tpu.memref_squeeze %parallel_loop3A_1394 : memref<1x1x16384xf32, #tpu.memory_space<vmem>> -> memref<1x16384xf32, #tpu.memory_space<vmem>>
        %parallel_loop3A_1396 = arith.index_cast %parallel_loop3A_1391 : i32 to index
        %parallel_loop3A_1397 = arith.index_cast %parallel_loop3A_1390 : i32 to index
        %parallel_loop3A_1398 = tpu.vector_load %parallel_loop3A_1395[%parallel_loop3A_1396, %parallel_loop3A_1397] {strides = array<i32>} : memref<1x16384xf32, #tpu.memory_space<vmem>>, vector<1x16xf32>,
        %parallel_loop3A_1399 = vector.shape_cast %parallel_loop3A_1398 : vector<1x16xf32> to vector<16xf32>
        %parallel_loop3A_1400 = vector.shape_cast %parallel_loop3A_1386 : vector<16xf32> to vector<1x16xf32>
        tpu.vector_store %parallel_loop3A_1395[%parallel_loop3A_1396, %parallel_loop3A_1397], %parallel_loop3A_1400 {strides = array<i32>} : memref<1x16384xf32, #tpu.memory_space<vmem>>, vector<1x16xf32>,
        %parallel_loop3A_1401 = arith.constant 0 : i32
        %parallel_loop3A_1402 = arith.constant 0 : i32
        %parallel_loop3A_1403 = tpu.memref_slice %arg7[%rem3A_109, %parallel_loop3A_1401, %parallel_loop3A_1402] : memref<3x16x1024xf32, #tpu.memory_space<vmem>> -> memref<1x16x1024xf32, #tpu.memory_space<vmem>>
        %parallel_loop3A_1404 = tpu.memref_squeeze %parallel_loop3A_1403 : memref<1x16x1024xf32, #tpu.memory_space<vmem>> -> memref<16x1024xf32, #tpu.memory_space<vmem>>
        %parallel_loop3A_1405 = arith.index_cast %parallel_loop3A_160 : i32 to index
        %parallel_loop3A_1406 = arith.constant 640 : index
        %parallel_loop3A_1407 = tpu.vector_load %parallel_loop3A_1404[%parallel_loop3A_1405, %parallel_loop3A_1406] {strides = array<i32>} : memref<16x1024xf32, #tpu.memory_space<vmem>>, vector<1x16xf32>,
        %parallel_loop3A_1408 = vector.shape_cast %parallel_loop3A_1407 : vector<1x16xf32> to vector<16xf32>
        %parallel_loop3A_1409 = arith.constant 0 : i32
        %parallel_loop3A_1410 = arith.constant 0 : i32
        %parallel_loop3A_1411 = tpu.memref_slice %arg8[%rem3A_113, %parallel_loop3A_1409, %parallel_loop3A_1410] : memref<2x16x1024xf32, #tpu.memory_space<vmem>> -> memref<1x16x1024xf32, #tpu.memory_space<vmem>>
        %parallel_loop3A_1412 = tpu.memref_squeeze %parallel_loop3A_1411 : memref<1x16x1024xf32, #tpu.memory_space<vmem>> -> memref<16x1024xf32, #tpu.memory_space<vmem>>
        %parallel_loop3A_1413 = arith.index_cast %parallel_loop3A_160 : i32 to index
        %parallel_loop3A_1414 = arith.constant 640 : index
        %parallel_loop3A_1415 = tpu.vector_load %parallel_loop3A_1412[%parallel_loop3A_1413, %parallel_loop3A_1414] {strides = array<i32>} : memref<16x1024xf32, #tpu.memory_space<vmem>>, vector<1x16xf32>,
        %parallel_loop3A_1416 = vector.shape_cast %parallel_loop3A_1415 : vector<1x16xf32> to vector<16xf32>
        %parallel_loop3A_1417 = arith.addf %parallel_loop3A_1408, %parallel_loop3A_1416 : vector<16xf32>
        %parallel_loop3A_1418 = arith.constant 1024 : i32
        %parallel_loop3A_1419 = arith.muli %parallel_loop3A_160, %parallel_loop3A_1418 : i32
        %parallel_loop3A_1420 = arith.constant 640 : i32
        %parallel_loop3A_1421 = arith.addi %parallel_loop3A_1419, %parallel_loop3A_1420 : i32
        %parallel_loop3A_1422 = arith.constant 0 : i32
        %parallel_loop3A_1423 = arith.constant 0 : i32
        %parallel_loop3A_1424 = arith.constant 0 : i32
        %parallel_loop3A_1425 = tpu.memref_slice %arg9[%rem3A_111, %parallel_loop3A_1423, %parallel_loop3A_1424] : memref<2x1x16384xf32, #tpu.memory_space<vmem>> -> memref<1x1x16384xf32, #tpu.memory_space<vmem>>
        %parallel_loop3A_1426 = tpu.memref_squeeze %parallel_loop3A_1425 : memref<1x1x16384xf32, #tpu.memory_space<vmem>> -> memref<1x16384xf32, #tpu.memory_space<vmem>>
        %parallel_loop3A_1427 = arith.index_cast %parallel_loop3A_1422 : i32 to index
        %parallel_loop3A_1428 = arith.index_cast %parallel_loop3A_1421 : i32 to index
        %parallel_loop3A_1429 = tpu.vector_load %parallel_loop3A_1426[%parallel_loop3A_1427, %parallel_loop3A_1428] {strides = array<i32>} : memref<1x16384xf32, #tpu.memory_space<vmem>>, vector<1x16xf32>,
        %parallel_loop3A_1430 = vector.shape_cast %parallel_loop3A_1429 : vector<1x16xf32> to vector<16xf32>
        %parallel_loop3A_1431 = vector.shape_cast %parallel_loop3A_1417 : vector<16xf32> to vector<1x16xf32>
        tpu.vector_store %parallel_loop3A_1426[%parallel_loop3A_1427, %parallel_loop3A_1428], %parallel_loop3A_1431 {strides = array<i32>} : memref<1x16384xf32, #tpu.memory_space<vmem>>, vector<1x16xf32>,
        %parallel_loop3A_1432 = arith.constant 0 : i32
        %parallel_loop3A_1433 = arith.constant 0 : i32
        %parallel_loop3A_1434 = tpu.memref_slice %arg7[%rem3A_109, %parallel_loop3A_1432, %parallel_loop3A_1433] : memref<3x16x1024xf32, #tpu.memory_space<vmem>> -> memref<1x16x1024xf32, #tpu.memory_space<vmem>>
        %parallel_loop3A_1435 = tpu.memref_squeeze %parallel_loop3A_1434 : memref<1x16x1024xf32, #tpu.memory_space<vmem>> -> memref<16x1024xf32, #tpu.memory_space<vmem>>
        %parallel_loop3A_1436 = arith.index_cast %parallel_loop3A_160 : i32 to index
        %parallel_loop3A_1437 = arith.constant 656 : index
        %parallel_loop3A_1438 = tpu.vector_load %parallel_loop3A_1435[%parallel_loop3A_1436, %parallel_loop3A_1437] {strides = array<i32>} : memref<16x1024xf32, #tpu.memory_space<vmem>>, vector<1x16xf32>,
        %parallel_loop3A_1439 = vector.shape_cast %parallel_loop3A_1438 : vector<1x16xf32> to vector<16xf32>
        %parallel_loop3A_1440 = arith.constant 0 : i32
        %parallel_loop3A_1441 = arith.constant 0 : i32
        %parallel_loop3A_1442 = tpu.memref_slice %arg8[%rem3A_113, %parallel_loop3A_1440, %parallel_loop3A_1441] : memref<2x16x1024xf32, #tpu.memory_space<vmem>> -> memref<1x16x1024xf32, #tpu.memory_space<vmem>>
        %parallel_loop3A_1443 = tpu.memref_squeeze %parallel_loop3A_1442 : memref<1x16x1024xf32, #tpu.memory_space<vmem>> -> memref<16x1024xf32, #tpu.memory_space<vmem>>
        %parallel_loop3A_1444 = arith.index_cast %parallel_loop3A_160 : i32 to index
        %parallel_loop3A_1445 = arith.constant 656 : index
        %parallel_loop3A_1446 = tpu.vector_load %parallel_loop3A_1443[%parallel_loop3A_1444, %parallel_loop3A_1445] {strides = array<i32>} : memref<16x1024xf32, #tpu.memory_space<vmem>>, vector<1x16xf32>,
        %parallel_loop3A_1447 = vector.shape_cast %parallel_loop3A_1446 : vector<1x16xf32> to vector<16xf32>
        %parallel_loop3A_1448 = arith.addf %parallel_loop3A_1439, %parallel_loop3A_1447 : vector<16xf32>
        %parallel_loop3A_1449 = arith.constant 1024 : i32
        %parallel_loop3A_1450 = arith.muli %parallel_loop3A_160, %parallel_loop3A_1449 : i32
        %parallel_loop3A_1451 = arith.constant 656 : i32
        %parallel_loop3A_1452 = arith.addi %parallel_loop3A_1450, %parallel_loop3A_1451 : i32
        %parallel_loop3A_1453 = arith.constant 0 : i32
        %parallel_loop3A_1454 = arith.constant 0 : i32
        %parallel_loop3A_1455 = arith.constant 0 : i32
        %parallel_loop3A_1456 = tpu.memref_slice %arg9[%rem3A_111, %parallel_loop3A_1454, %parallel_loop3A_1455] : memref<2x1x16384xf32, #tpu.memory_space<vmem>> -> memref<1x1x16384xf32, #tpu.memory_space<vmem>>
        %parallel_loop3A_1457 = tpu.memref_squeeze %parallel_loop3A_1456 : memref<1x1x16384xf32, #tpu.memory_space<vmem>> -> memref<1x16384xf32, #tpu.memory_space<vmem>>
        %parallel_loop3A_1458 = arith.index_cast %parallel_loop3A_1453 : i32 to index
        %parallel_loop3A_1459 = arith.index_cast %parallel_loop3A_1452 : i32 to index
        %parallel_loop3A_1460 = tpu.vector_load %parallel_loop3A_1457[%parallel_loop3A_1458, %parallel_loop3A_1459] {strides = array<i32>} : memref<1x16384xf32, #tpu.memory_space<vmem>>, vector<1x16xf32>,
        %parallel_loop3A_1461 = vector.shape_cast %parallel_loop3A_1460 : vector<1x16xf32> to vector<16xf32>
        %parallel_loop3A_1462 = vector.shape_cast %parallel_loop3A_1448 : vector<16xf32> to vector<1x16xf32>
        tpu.vector_store %parallel_loop3A_1457[%parallel_loop3A_1458, %parallel_loop3A_1459], %parallel_loop3A_1462 {strides = array<i32>} : memref<1x16384xf32, #tpu.memory_space<vmem>>, vector<1x16xf32>,
        %parallel_loop3A_1463 = arith.constant 0 : i32
        %parallel_loop3A_1464 = arith.constant 0 : i32
        %parallel_loop3A_1465 = tpu.memref_slice %arg7[%rem3A_109, %parallel_loop3A_1463, %parallel_loop3A_1464] : memref<3x16x1024xf32, #tpu.memory_space<vmem>> -> memref<1x16x1024xf32, #tpu.memory_space<vmem>>
        %parallel_loop3A_1466 = tpu.memref_squeeze %parallel_loop3A_1465 : memref<1x16x1024xf32, #tpu.memory_space<vmem>> -> memref<16x1024xf32, #tpu.memory_space<vmem>>
        %parallel_loop3A_1467 = arith.index_cast %parallel_loop3A_160 : i32 to index
        %parallel_loop3A_1468 = arith.constant 672 : index
        %parallel_loop3A_1469 = tpu.vector_load %parallel_loop3A_1466[%parallel_loop3A_1467, %parallel_loop3A_1468] {strides = array<i32>} : memref<16x1024xf32, #tpu.memory_space<vmem>>, vector<1x16xf32>,
        %parallel_loop3A_1470 = vector.shape_cast %parallel_loop3A_1469 : vector<1x16xf32> to vector<16xf32>
        %parallel_loop3A_1471 = arith.constant 0 : i32
        %parallel_loop3A_1472 = arith.constant 0 : i32
        %parallel_loop3A_1473 = tpu.memref_slice %arg8[%rem3A_113, %parallel_loop3A_1471, %parallel_loop3A_1472] : memref<2x16x1024xf32, #tpu.memory_space<vmem>> -> memref<1x16x1024xf32, #tpu.memory_space<vmem>>
        %parallel_loop3A_1474 = tpu.memref_squeeze %parallel_loop3A_1473 : memref<1x16x1024xf32, #tpu.memory_space<vmem>> -> memref<16x1024xf32, #tpu.memory_space<vmem>>
        %parallel_loop3A_1475 = arith.index_cast %parallel_loop3A_160 : i32 to index
        %parallel_loop3A_1476 = arith.constant 672 : index
        %parallel_loop3A_1477 = tpu.vector_load %parallel_loop3A_1474[%parallel_loop3A_1475, %parallel_loop3A_1476] {strides = array<i32>} : memref<16x1024xf32, #tpu.memory_space<vmem>>, vector<1x16xf32>,
        %parallel_loop3A_1478 = vector.shape_cast %parallel_loop3A_1477 : vector<1x16xf32> to vector<16xf32>
        %parallel_loop3A_1479 = arith.addf %parallel_loop3A_1470, %parallel_loop3A_1478 : vector<16xf32>
        %parallel_loop3A_1480 = arith.constant 1024 : i32
        %parallel_loop3A_1481 = arith.muli %parallel_loop3A_160, %parallel_loop3A_1480 : i32
        %parallel_loop3A_1482 = arith.constant 672 : i32
        %parallel_loop3A_1483 = arith.addi %parallel_loop3A_1481, %parallel_loop3A_1482 : i32
        %parallel_loop3A_1484 = arith.constant 0 : i32
        %parallel_loop3A_1485 = arith.constant 0 : i32
        %parallel_loop3A_1486 = arith.constant 0 : i32
        %parallel_loop3A_1487 = tpu.memref_slice %arg9[%rem3A_111, %parallel_loop3A_1485, %parallel_loop3A_1486] : memref<2x1x16384xf32, #tpu.memory_space<vmem>> -> memref<1x1x16384xf32, #tpu.memory_space<vmem>>
        %parallel_loop3A_1488 = tpu.memref_squeeze %parallel_loop3A_1487 : memref<1x1x16384xf32, #tpu.memory_space<vmem>> -> memref<1x16384xf32, #tpu.memory_space<vmem>>
        %parallel_loop3A_1489 = arith.index_cast %parallel_loop3A_1484 : i32 to index
        %parallel_loop3A_1490 = arith.index_cast %parallel_loop3A_1483 : i32 to index
        %parallel_loop3A_1491 = tpu.vector_load %parallel_loop3A_1488[%parallel_loop3A_1489, %parallel_loop3A_1490] {strides = array<i32>} : memref<1x16384xf32, #tpu.memory_space<vmem>>, vector<1x16xf32>,
        %parallel_loop3A_1492 = vector.shape_cast %parallel_loop3A_1491 : vector<1x16xf32> to vector<16xf32>
        %parallel_loop3A_1493 = vector.shape_cast %parallel_loop3A_1479 : vector<16xf32> to vector<1x16xf32>
        tpu.vector_store %parallel_loop3A_1488[%parallel_loop3A_1489, %parallel_loop3A_1490], %parallel_loop3A_1493 {strides = array<i32>} : memref<1x16384xf32, #tpu.memory_space<vmem>>, vector<1x16xf32>,
        %parallel_loop3A_1494 = arith.constant 0 : i32
        %parallel_loop3A_1495 = arith.constant 0 : i32
        %parallel_loop3A_1496 = tpu.memref_slice %arg7[%rem3A_109, %parallel_loop3A_1494, %parallel_loop3A_1495] : memref<3x16x1024xf32, #tpu.memory_space<vmem>> -> memref<1x16x1024xf32, #tpu.memory_space<vmem>>
        %parallel_loop3A_1497 = tpu.memref_squeeze %parallel_loop3A_1496 : memref<1x16x1024xf32, #tpu.memory_space<vmem>> -> memref<16x1024xf32, #tpu.memory_space<vmem>>
        %parallel_loop3A_1498 = arith.index_cast %parallel_loop3A_160 : i32 to index
        %parallel_loop3A_1499 = arith.constant 688 : index
        %parallel_loop3A_1500 = tpu.vector_load %parallel_loop3A_1497[%parallel_loop3A_1498, %parallel_loop3A_1499] {strides = array<i32>} : memref<16x1024xf32, #tpu.memory_space<vmem>>, vector<1x16xf32>,
        %parallel_loop3A_1501 = vector.shape_cast %parallel_loop3A_1500 : vector<1x16xf32> to vector<16xf32>
        %parallel_loop3A_1502 = arith.constant 0 : i32
        %parallel_loop3A_1503 = arith.constant 0 : i32
        %parallel_loop3A_1504 = tpu.memref_slice %arg8[%rem3A_113, %parallel_loop3A_1502, %parallel_loop3A_1503] : memref<2x16x1024xf32, #tpu.memory_space<vmem>> -> memref<1x16x1024xf32, #tpu.memory_space<vmem>>
        %parallel_loop3A_1505 = tpu.memref_squeeze %parallel_loop3A_1504 : memref<1x16x1024xf32, #tpu.memory_space<vmem>> -> memref<16x1024xf32, #tpu.memory_space<vmem>>
        %parallel_loop3A_1506 = arith.index_cast %parallel_loop3A_160 : i32 to index
        %parallel_loop3A_1507 = arith.constant 688 : index
        %parallel_loop3A_1508 = tpu.vector_load %parallel_loop3A_1505[%parallel_loop3A_1506, %parallel_loop3A_1507] {strides = array<i32>} : memref<16x1024xf32, #tpu.memory_space<vmem>>, vector<1x16xf32>,
        %parallel_loop3A_1509 = vector.shape_cast %parallel_loop3A_1508 : vector<1x16xf32> to vector<16xf32>
        %parallel_loop3A_1510 = arith.addf %parallel_loop3A_1501, %parallel_loop3A_1509 : vector<16xf32>
        %parallel_loop3A_1511 = arith.constant 1024 : i32
        %parallel_loop3A_1512 = arith.muli %parallel_loop3A_160, %parallel_loop3A_1511 : i32
        %parallel_loop3A_1513 = arith.constant 688 : i32
        %parallel_loop3A_1514 = arith.addi %parallel_loop3A_1512, %parallel_loop3A_1513 : i32
        %parallel_loop3A_1515 = arith.constant 0 : i32
        %parallel_loop3A_1516 = arith.constant 0 : i32
        %parallel_loop3A_1517 = arith.constant 0 : i32
        %parallel_loop3A_1518 = tpu.memref_slice %arg9[%rem3A_111, %parallel_loop3A_1516, %parallel_loop3A_1517] : memref<2x1x16384xf32, #tpu.memory_space<vmem>> -> memref<1x1x16384xf32, #tpu.memory_space<vmem>>
        %parallel_loop3A_1519 = tpu.memref_squeeze %parallel_loop3A_1518 : memref<1x1x16384xf32, #tpu.memory_space<vmem>> -> memref<1x16384xf32, #tpu.memory_space<vmem>>
        %parallel_loop3A_1520 = arith.index_cast %parallel_loop3A_1515 : i32 to index
        %parallel_loop3A_1521 = arith.index_cast %parallel_loop3A_1514 : i32 to index
        %parallel_loop3A_1522 = tpu.vector_load %parallel_loop3A_1519[%parallel_loop3A_1520, %parallel_loop3A_1521] {strides = array<i32>} : memref<1x16384xf32, #tpu.memory_space<vmem>>, vector<1x16xf32>,
        %parallel_loop3A_1523 = vector.shape_cast %parallel_loop3A_1522 : vector<1x16xf32> to vector<16xf32>
        %parallel_loop3A_1524 = vector.shape_cast %parallel_loop3A_1510 : vector<16xf32> to vector<1x16xf32>
        tpu.vector_store %parallel_loop3A_1519[%parallel_loop3A_1520, %parallel_loop3A_1521], %parallel_loop3A_1524 {strides = array<i32>} : memref<1x16384xf32, #tpu.memory_space<vmem>>, vector<1x16xf32>,
        %parallel_loop3A_1525 = arith.constant 0 : i32
        %parallel_loop3A_1526 = arith.constant 0 : i32
        %parallel_loop3A_1527 = tpu.memref_slice %arg7[%rem3A_109, %parallel_loop3A_1525, %parallel_loop3A_1526] : memref<3x16x1024xf32, #tpu.memory_space<vmem>> -> memref<1x16x1024xf32, #tpu.memory_space<vmem>>
        %parallel_loop3A_1528 = tpu.memref_squeeze %parallel_loop3A_1527 : memref<1x16x1024xf32, #tpu.memory_space<vmem>> -> memref<16x1024xf32, #tpu.memory_space<vmem>>
        %parallel_loop3A_1529 = arith.index_cast %parallel_loop3A_160 : i32 to index
        %parallel_loop3A_1530 = arith.constant 704 : index
        %parallel_loop3A_1531 = tpu.vector_load %parallel_loop3A_1528[%parallel_loop3A_1529, %parallel_loop3A_1530] {strides = array<i32>} : memref<16x1024xf32, #tpu.memory_space<vmem>>, vector<1x16xf32>,
        %parallel_loop3A_1532 = vector.shape_cast %parallel_loop3A_1531 : vector<1x16xf32> to vector<16xf32>
        %parallel_loop3A_1533 = arith.constant 0 : i32
        %parallel_loop3A_1534 = arith.constant 0 : i32
        %parallel_loop3A_1535 = tpu.memref_slice %arg8[%rem3A_113, %parallel_loop3A_1533, %parallel_loop3A_1534] : memref<2x16x1024xf32, #tpu.memory_space<vmem>> -> memref<1x16x1024xf32, #tpu.memory_space<vmem>>
        %parallel_loop3A_1536 = tpu.memref_squeeze %parallel_loop3A_1535 : memref<1x16x1024xf32, #tpu.memory_space<vmem>> -> memref<16x1024xf32, #tpu.memory_space<vmem>>
        %parallel_loop3A_1537 = arith.index_cast %parallel_loop3A_160 : i32 to index
        %parallel_loop3A_1538 = arith.constant 704 : index
        %parallel_loop3A_1539 = tpu.vector_load %parallel_loop3A_1536[%parallel_loop3A_1537, %parallel_loop3A_1538] {strides = array<i32>} : memref<16x1024xf32, #tpu.memory_space<vmem>>, vector<1x16xf32>,
        %parallel_loop3A_1540 = vector.shape_cast %parallel_loop3A_1539 : vector<1x16xf32> to vector<16xf32>
        %parallel_loop3A_1541 = arith.addf %parallel_loop3A_1532, %parallel_loop3A_1540 : vector<16xf32>
        %parallel_loop3A_1542 = arith.constant 1024 : i32
        %parallel_loop3A_1543 = arith.muli %parallel_loop3A_160, %parallel_loop3A_1542 : i32
        %parallel_loop3A_1544 = arith.constant 704 : i32
        %parallel_loop3A_1545 = arith.addi %parallel_loop3A_1543, %parallel_loop3A_1544 : i32
        %parallel_loop3A_1546 = arith.constant 0 : i32
        %parallel_loop3A_1547 = arith.constant 0 : i32
        %parallel_loop3A_1548 = arith.constant 0 : i32
        %parallel_loop3A_1549 = tpu.memref_slice %arg9[%rem3A_111, %parallel_loop3A_1547, %parallel_loop3A_1548] : memref<2x1x16384xf32, #tpu.memory_space<vmem>> -> memref<1x1x16384xf32, #tpu.memory_space<vmem>>
        %parallel_loop3A_1550 = tpu.memref_squeeze %parallel_loop3A_1549 : memref<1x1x16384xf32, #tpu.memory_space<vmem>> -> memref<1x16384xf32, #tpu.memory_space<vmem>>
        %parallel_loop3A_1551 = arith.index_cast %parallel_loop3A_1546 : i32 to index
        %parallel_loop3A_1552 = arith.index_cast %parallel_loop3A_1545 : i32 to index
        %parallel_loop3A_1553 = tpu.vector_load %parallel_loop3A_1550[%parallel_loop3A_1551, %parallel_loop3A_1552] {strides = array<i32>} : memref<1x16384xf32, #tpu.memory_space<vmem>>, vector<1x16xf32>,
        %parallel_loop3A_1554 = vector.shape_cast %parallel_loop3A_1553 : vector<1x16xf32> to vector<16xf32>
        %parallel_loop3A_1555 = vector.shape_cast %parallel_loop3A_1541 : vector<16xf32> to vector<1x16xf32>
        tpu.vector_store %parallel_loop3A_1550[%parallel_loop3A_1551, %parallel_loop3A_1552], %parallel_loop3A_1555 {strides = array<i32>} : memref<1x16384xf32, #tpu.memory_space<vmem>>, vector<1x16xf32>,
        %parallel_loop3A_1556 = arith.constant 0 : i32
        %parallel_loop3A_1557 = arith.constant 0 : i32
        %parallel_loop3A_1558 = tpu.memref_slice %arg7[%rem3A_109, %parallel_loop3A_1556, %parallel_loop3A_1557] : memref<3x16x1024xf32, #tpu.memory_space<vmem>> -> memref<1x16x1024xf32, #tpu.memory_space<vmem>>
        %parallel_loop3A_1559 = tpu.memref_squeeze %parallel_loop3A_1558 : memref<1x16x1024xf32, #tpu.memory_space<vmem>> -> memref<16x1024xf32, #tpu.memory_space<vmem>>
        %parallel_loop3A_1560 = arith.index_cast %parallel_loop3A_160 : i32 to index
        %parallel_loop3A_1561 = arith.constant 720 : index
        %parallel_loop3A_1562 = tpu.vector_load %parallel_loop3A_1559[%parallel_loop3A_1560, %parallel_loop3A_1561] {strides = array<i32>} : memref<16x1024xf32, #tpu.memory_space<vmem>>, vector<1x16xf32>,
        %parallel_loop3A_1563 = vector.shape_cast %parallel_loop3A_1562 : vector<1x16xf32> to vector<16xf32>
        %parallel_loop3A_1564 = arith.constant 0 : i32
        %parallel_loop3A_1565 = arith.constant 0 : i32
        %parallel_loop3A_1566 = tpu.memref_slice %arg8[%rem3A_113, %parallel_loop3A_1564, %parallel_loop3A_1565] : memref<2x16x1024xf32, #tpu.memory_space<vmem>> -> memref<1x16x1024xf32, #tpu.memory_space<vmem>>
        %parallel_loop3A_1567 = tpu.memref_squeeze %parallel_loop3A_1566 : memref<1x16x1024xf32, #tpu.memory_space<vmem>> -> memref<16x1024xf32, #tpu.memory_space<vmem>>
        %parallel_loop3A_1568 = arith.index_cast %parallel_loop3A_160 : i32 to index
        %parallel_loop3A_1569 = arith.constant 720 : index
        %parallel_loop3A_1570 = tpu.vector_load %parallel_loop3A_1567[%parallel_loop3A_1568, %parallel_loop3A_1569] {strides = array<i32>} : memref<16x1024xf32, #tpu.memory_space<vmem>>, vector<1x16xf32>,
        %parallel_loop3A_1571 = vector.shape_cast %parallel_loop3A_1570 : vector<1x16xf32> to vector<16xf32>
        %parallel_loop3A_1572 = arith.addf %parallel_loop3A_1563, %parallel_loop3A_1571 : vector<16xf32>
        %parallel_loop3A_1573 = arith.constant 1024 : i32
        %parallel_loop3A_1574 = arith.muli %parallel_loop3A_160, %parallel_loop3A_1573 : i32
        %parallel_loop3A_1575 = arith.constant 720 : i32
        %parallel_loop3A_1576 = arith.addi %parallel_loop3A_1574, %parallel_loop3A_1575 : i32
        %parallel_loop3A_1577 = arith.constant 0 : i32
        %parallel_loop3A_1578 = arith.constant 0 : i32
        %parallel_loop3A_1579 = arith.constant 0 : i32
        %parallel_loop3A_1580 = tpu.memref_slice %arg9[%rem3A_111, %parallel_loop3A_1578, %parallel_loop3A_1579] : memref<2x1x16384xf32, #tpu.memory_space<vmem>> -> memref<1x1x16384xf32, #tpu.memory_space<vmem>>
        %parallel_loop3A_1581 = tpu.memref_squeeze %parallel_loop3A_1580 : memref<1x1x16384xf32, #tpu.memory_space<vmem>> -> memref<1x16384xf32, #tpu.memory_space<vmem>>
        %parallel_loop3A_1582 = arith.index_cast %parallel_loop3A_1577 : i32 to index
        %parallel_loop3A_1583 = arith.index_cast %parallel_loop3A_1576 : i32 to index
        %parallel_loop3A_1584 = tpu.vector_load %parallel_loop3A_1581[%parallel_loop3A_1582, %parallel_loop3A_1583] {strides = array<i32>} : memref<1x16384xf32, #tpu.memory_space<vmem>>, vector<1x16xf32>,
        %parallel_loop3A_1585 = vector.shape_cast %parallel_loop3A_1584 : vector<1x16xf32> to vector<16xf32>
        %parallel_loop3A_1586 = vector.shape_cast %parallel_loop3A_1572 : vector<16xf32> to vector<1x16xf32>
        tpu.vector_store %parallel_loop3A_1581[%parallel_loop3A_1582, %parallel_loop3A_1583], %parallel_loop3A_1586 {strides = array<i32>} : memref<1x16384xf32, #tpu.memory_space<vmem>>, vector<1x16xf32>,
        %parallel_loop3A_1587 = arith.constant 0 : i32
        %parallel_loop3A_1588 = arith.constant 0 : i32
        %parallel_loop3A_1589 = tpu.memref_slice %arg7[%rem3A_109, %parallel_loop3A_1587, %parallel_loop3A_1588] : memref<3x16x1024xf32, #tpu.memory_space<vmem>> -> memref<1x16x1024xf32, #tpu.memory_space<vmem>>
        %parallel_loop3A_1590 = tpu.memref_squeeze %parallel_loop3A_1589 : memref<1x16x1024xf32, #tpu.memory_space<vmem>> -> memref<16x1024xf32, #tpu.memory_space<vmem>>
        %parallel_loop3A_1591 = arith.index_cast %parallel_loop3A_160 : i32 to index
        %parallel_loop3A_1592 = arith.constant 736 : index
        %parallel_loop3A_1593 = tpu.vector_load %parallel_loop3A_1590[%parallel_loop3A_1591, %parallel_loop3A_1592] {strides = array<i32>} : memref<16x1024xf32, #tpu.memory_space<vmem>>, vector<1x16xf32>,
        %parallel_loop3A_1594 = vector.shape_cast %parallel_loop3A_1593 : vector<1x16xf32> to vector<16xf32>
        %parallel_loop3A_1595 = arith.constant 0 : i32
        %parallel_loop3A_1596 = arith.constant 0 : i32
        %parallel_loop3A_1597 = tpu.memref_slice %arg8[%rem3A_113, %parallel_loop3A_1595, %parallel_loop3A_1596] : memref<2x16x1024xf32, #tpu.memory_space<vmem>> -> memref<1x16x1024xf32, #tpu.memory_space<vmem>>
        %parallel_loop3A_1598 = tpu.memref_squeeze %parallel_loop3A_1597 : memref<1x16x1024xf32, #tpu.memory_space<vmem>> -> memref<16x1024xf32, #tpu.memory_space<vmem>>
        %parallel_loop3A_1599 = arith.index_cast %parallel_loop3A_160 : i32 to index
        %parallel_loop3A_1600 = arith.constant 736 : index
        %parallel_loop3A_1601 = tpu.vector_load %parallel_loop3A_1598[%parallel_loop3A_1599, %parallel_loop3A_1600] {strides = array<i32>} : memref<16x1024xf32, #tpu.memory_space<vmem>>, vector<1x16xf32>,
        %parallel_loop3A_1602 = vector.shape_cast %parallel_loop3A_1601 : vector<1x16xf32> to vector<16xf32>
        %parallel_loop3A_1603 = arith.addf %parallel_loop3A_1594, %parallel_loop3A_1602 : vector<16xf32>
        %parallel_loop3A_1604 = arith.constant 1024 : i32
        %parallel_loop3A_1605 = arith.muli %parallel_loop3A_160, %parallel_loop3A_1604 : i32
        %parallel_loop3A_1606 = arith.constant 736 : i32
        %parallel_loop3A_1607 = arith.addi %parallel_loop3A_1605, %parallel_loop3A_1606 : i32
        %parallel_loop3A_1608 = arith.constant 0 : i32
        %parallel_loop3A_1609 = arith.constant 0 : i32
        %parallel_loop3A_1610 = arith.constant 0 : i32
        %parallel_loop3A_1611 = tpu.memref_slice %arg9[%rem3A_111, %parallel_loop3A_1609, %parallel_loop3A_1610] : memref<2x1x16384xf32, #tpu.memory_space<vmem>> -> memref<1x1x16384xf32, #tpu.memory_space<vmem>>
        %parallel_loop3A_1612 = tpu.memref_squeeze %parallel_loop3A_1611 : memref<1x1x16384xf32, #tpu.memory_space<vmem>> -> memref<1x16384xf32, #tpu.memory_space<vmem>>
        %parallel_loop3A_1613 = arith.index_cast %parallel_loop3A_1608 : i32 to index
        %parallel_loop3A_1614 = arith.index_cast %parallel_loop3A_1607 : i32 to index
        %parallel_loop3A_1615 = tpu.vector_load %parallel_loop3A_1612[%parallel_loop3A_1613, %parallel_loop3A_1614] {strides = array<i32>} : memref<1x16384xf32, #tpu.memory_space<vmem>>, vector<1x16xf32>,
        %parallel_loop3A_1616 = vector.shape_cast %parallel_loop3A_1615 : vector<1x16xf32> to vector<16xf32>
        %parallel_loop3A_1617 = vector.shape_cast %parallel_loop3A_1603 : vector<16xf32> to vector<1x16xf32>
        tpu.vector_store %parallel_loop3A_1612[%parallel_loop3A_1613, %parallel_loop3A_1614], %parallel_loop3A_1617 {strides = array<i32>} : memref<1x16384xf32, #tpu.memory_space<vmem>>, vector<1x16xf32>,
        %parallel_loop3A_1618 = arith.constant 0 : i32
        %parallel_loop3A_1619 = arith.constant 0 : i32
        %parallel_loop3A_1620 = tpu.memref_slice %arg7[%rem3A_109, %parallel_loop3A_1618, %parallel_loop3A_1619] : memref<3x16x1024xf32, #tpu.memory_space<vmem>> -> memref<1x16x1024xf32, #tpu.memory_space<vmem>>
        %parallel_loop3A_1621 = tpu.memref_squeeze %parallel_loop3A_1620 : memref<1x16x1024xf32, #tpu.memory_space<vmem>> -> memref<16x1024xf32, #tpu.memory_space<vmem>>
        %parallel_loop3A_1622 = arith.index_cast %parallel_loop3A_160 : i32 to index
        %parallel_loop3A_1623 = arith.constant 752 : index
        %parallel_loop3A_1624 = tpu.vector_load %parallel_loop3A_1621[%parallel_loop3A_1622, %parallel_loop3A_1623] {strides = array<i32>} : memref<16x1024xf32, #tpu.memory_space<vmem>>, vector<1x16xf32>,
        %parallel_loop3A_1625 = vector.shape_cast %parallel_loop3A_1624 : vector<1x16xf32> to vector<16xf32>
        %parallel_loop3A_1626 = arith.constant 0 : i32
        %parallel_loop3A_1627 = arith.constant 0 : i32
        %parallel_loop3A_1628 = tpu.memref_slice %arg8[%rem3A_113, %parallel_loop3A_1626, %parallel_loop3A_1627] : memref<2x16x1024xf32, #tpu.memory_space<vmem>> -> memref<1x16x1024xf32, #tpu.memory_space<vmem>>
        %parallel_loop3A_1629 = tpu.memref_squeeze %parallel_loop3A_1628 : memref<1x16x1024xf32, #tpu.memory_space<vmem>> -> memref<16x1024xf32, #tpu.memory_space<vmem>>
        %parallel_loop3A_1630 = arith.index_cast %parallel_loop3A_160 : i32 to index
        %parallel_loop3A_1631 = arith.constant 752 : index
        %parallel_loop3A_1632 = tpu.vector_load %parallel_loop3A_1629[%parallel_loop3A_1630, %parallel_loop3A_1631] {strides = array<i32>} : memref<16x1024xf32, #tpu.memory_space<vmem>>, vector<1x16xf32>,
        %parallel_loop3A_1633 = vector.shape_cast %parallel_loop3A_1632 : vector<1x16xf32> to vector<16xf32>
        %parallel_loop3A_1634 = arith.addf %parallel_loop3A_1625, %parallel_loop3A_1633 : vector<16xf32>
        %parallel_loop3A_1635 = arith.constant 1024 : i32
        %parallel_loop3A_1636 = arith.muli %parallel_loop3A_160, %parallel_loop3A_1635 : i32
        %parallel_loop3A_1637 = arith.constant 752 : i32
        %parallel_loop3A_1638 = arith.addi %parallel_loop3A_1636, %parallel_loop3A_1637 : i32
        %parallel_loop3A_1639 = arith.constant 0 : i32
        %parallel_loop3A_1640 = arith.constant 0 : i32
        %parallel_loop3A_1641 = arith.constant 0 : i32
        %parallel_loop3A_1642 = tpu.memref_slice %arg9[%rem3A_111, %parallel_loop3A_1640, %parallel_loop3A_1641] : memref<2x1x16384xf32, #tpu.memory_space<vmem>> -> memref<1x1x16384xf32, #tpu.memory_space<vmem>>
        %parallel_loop3A_1643 = tpu.memref_squeeze %parallel_loop3A_1642 : memref<1x1x16384xf32, #tpu.memory_space<vmem>> -> memref<1x16384xf32, #tpu.memory_space<vmem>>
        %parallel_loop3A_1644 = arith.index_cast %parallel_loop3A_1639 : i32 to index
        %parallel_loop3A_1645 = arith.index_cast %parallel_loop3A_1638 : i32 to index
        %parallel_loop3A_1646 = tpu.vector_load %parallel_loop3A_1643[%parallel_loop3A_1644, %parallel_loop3A_1645] {strides = array<i32>} : memref<1x16384xf32, #tpu.memory_space<vmem>>, vector<1x16xf32>,
        %parallel_loop3A_1647 = vector.shape_cast %parallel_loop3A_1646 : vector<1x16xf32> to vector<16xf32>
        %parallel_loop3A_1648 = vector.shape_cast %parallel_loop3A_1634 : vector<16xf32> to vector<1x16xf32>
        tpu.vector_store %parallel_loop3A_1643[%parallel_loop3A_1644, %parallel_loop3A_1645], %parallel_loop3A_1648 {strides = array<i32>} : memref<1x16384xf32, #tpu.memory_space<vmem>>, vector<1x16xf32>,
        %parallel_loop3A_1649 = arith.constant 0 : i32
        %parallel_loop3A_1650 = arith.constant 0 : i32
        %parallel_loop3A_1651 = tpu.memref_slice %arg7[%rem3A_109, %parallel_loop3A_1649, %parallel_loop3A_1650] : memref<3x16x1024xf32, #tpu.memory_space<vmem>> -> memref<1x16x1024xf32, #tpu.memory_space<vmem>>
        %parallel_loop3A_1652 = tpu.memref_squeeze %parallel_loop3A_1651 : memref<1x16x1024xf32, #tpu.memory_space<vmem>> -> memref<16x1024xf32, #tpu.memory_space<vmem>>
        %parallel_loop3A_1653 = arith.index_cast %parallel_loop3A_160 : i32 to index
        %parallel_loop3A_1654 = arith.constant 768 : index
        %parallel_loop3A_1655 = tpu.vector_load %parallel_loop3A_1652[%parallel_loop3A_1653, %parallel_loop3A_1654] {strides = array<i32>} : memref<16x1024xf32, #tpu.memory_space<vmem>>, vector<1x16xf32>,
        %parallel_loop3A_1656 = vector.shape_cast %parallel_loop3A_1655 : vector<1x16xf32> to vector<16xf32>
        %parallel_loop3A_1657 = arith.constant 0 : i32
        %parallel_loop3A_1658 = arith.constant 0 : i32
        %parallel_loop3A_1659 = tpu.memref_slice %arg8[%rem3A_113, %parallel_loop3A_1657, %parallel_loop3A_1658] : memref<2x16x1024xf32, #tpu.memory_space<vmem>> -> memref<1x16x1024xf32, #tpu.memory_space<vmem>>
        %parallel_loop3A_1660 = tpu.memref_squeeze %parallel_loop3A_1659 : memref<1x16x1024xf32, #tpu.memory_space<vmem>> -> memref<16x1024xf32, #tpu.memory_space<vmem>>
        %parallel_loop3A_1661 = arith.index_cast %parallel_loop3A_160 : i32 to index
        %parallel_loop3A_1662 = arith.constant 768 : index
        %parallel_loop3A_1663 = tpu.vector_load %parallel_loop3A_1660[%parallel_loop3A_1661, %parallel_loop3A_1662] {strides = array<i32>} : memref<16x1024xf32, #tpu.memory_space<vmem>>, vector<1x16xf32>,
        %parallel_loop3A_1664 = vector.shape_cast %parallel_loop3A_1663 : vector<1x16xf32> to vector<16xf32>
        %parallel_loop3A_1665 = arith.addf %parallel_loop3A_1656, %parallel_loop3A_1664 : vector<16xf32>
        %parallel_loop3A_1666 = arith.constant 1024 : i32
        %parallel_loop3A_1667 = arith.muli %parallel_loop3A_160, %parallel_loop3A_1666 : i32
        %parallel_loop3A_1668 = arith.constant 768 : i32
        %parallel_loop3A_1669 = arith.addi %parallel_loop3A_1667, %parallel_loop3A_1668 : i32
        %parallel_loop3A_1670 = arith.constant 0 : i32
        %parallel_loop3A_1671 = arith.constant 0 : i32
        %parallel_loop3A_1672 = arith.constant 0 : i32
        %parallel_loop3A_1673 = tpu.memref_slice %arg9[%rem3A_111, %parallel_loop3A_1671, %parallel_loop3A_1672] : memref<2x1x16384xf32, #tpu.memory_space<vmem>> -> memref<1x1x16384xf32, #tpu.memory_space<vmem>>
        %parallel_loop3A_1674 = tpu.memref_squeeze %parallel_loop3A_1673 : memref<1x1x16384xf32, #tpu.memory_space<vmem>> -> memref<1x16384xf32, #tpu.memory_space<vmem>>
        %parallel_loop3A_1675 = arith.index_cast %parallel_loop3A_1670 : i32 to index
        %parallel_loop3A_1676 = arith.index_cast %parallel_loop3A_1669 : i32 to index
        %parallel_loop3A_1677 = tpu.vector_load %parallel_loop3A_1674[%parallel_loop3A_1675, %parallel_loop3A_1676] {strides = array<i32>} : memref<1x16384xf32, #tpu.memory_space<vmem>>, vector<1x16xf32>,
        %parallel_loop3A_1678 = vector.shape_cast %parallel_loop3A_1677 : vector<1x16xf32> to vector<16xf32>
        %parallel_loop3A_1679 = vector.shape_cast %parallel_loop3A_1665 : vector<16xf32> to vector<1x16xf32>
        tpu.vector_store %parallel_loop3A_1674[%parallel_loop3A_1675, %parallel_loop3A_1676], %parallel_loop3A_1679 {strides = array<i32>} : memref<1x16384xf32, #tpu.memory_space<vmem>>, vector<1x16xf32>,
        %parallel_loop3A_1680 = arith.constant 0 : i32
        %parallel_loop3A_1681 = arith.constant 0 : i32
        %parallel_loop3A_1682 = tpu.memref_slice %arg7[%rem3A_109, %parallel_loop3A_1680, %parallel_loop3A_1681] : memref<3x16x1024xf32, #tpu.memory_space<vmem>> -> memref<1x16x1024xf32, #tpu.memory_space<vmem>>
        %parallel_loop3A_1683 = tpu.memref_squeeze %parallel_loop3A_1682 : memref<1x16x1024xf32, #tpu.memory_space<vmem>> -> memref<16x1024xf32, #tpu.memory_space<vmem>>
        %parallel_loop3A_1684 = arith.index_cast %parallel_loop3A_160 : i32 to index
        %parallel_loop3A_1685 = arith.constant 784 : index
        %parallel_loop3A_1686 = tpu.vector_load %parallel_loop3A_1683[%parallel_loop3A_1684, %parallel_loop3A_1685] {strides = array<i32>} : memref<16x1024xf32, #tpu.memory_space<vmem>>, vector<1x16xf32>,
        %parallel_loop3A_1687 = vector.shape_cast %parallel_loop3A_1686 : vector<1x16xf32> to vector<16xf32>
        %parallel_loop3A_1688 = arith.constant 0 : i32
        %parallel_loop3A_1689 = arith.constant 0 : i32
        %parallel_loop3A_1690 = tpu.memref_slice %arg8[%rem3A_113, %parallel_loop3A_1688, %parallel_loop3A_1689] : memref<2x16x1024xf32, #tpu.memory_space<vmem>> -> memref<1x16x1024xf32, #tpu.memory_space<vmem>>
        %parallel_loop3A_1691 = tpu.memref_squeeze %parallel_loop3A_1690 : memref<1x16x1024xf32, #tpu.memory_space<vmem>> -> memref<16x1024xf32, #tpu.memory_space<vmem>>
        %parallel_loop3A_1692 = arith.index_cast %parallel_loop3A_160 : i32 to index
        %parallel_loop3A_1693 = arith.constant 784 : index
        %parallel_loop3A_1694 = tpu.vector_load %parallel_loop3A_1691[%parallel_loop3A_1692, %parallel_loop3A_1693] {strides = array<i32>} : memref<16x1024xf32, #tpu.memory_space<vmem>>, vector<1x16xf32>,
        %parallel_loop3A_1695 = vector.shape_cast %parallel_loop3A_1694 : vector<1x16xf32> to vector<16xf32>
        %parallel_loop3A_1696 = arith.addf %parallel_loop3A_1687, %parallel_loop3A_1695 : vector<16xf32>
        %parallel_loop3A_1697 = arith.constant 1024 : i32
        %parallel_loop3A_1698 = arith.muli %parallel_loop3A_160, %parallel_loop3A_1697 : i32
        %parallel_loop3A_1699 = arith.constant 784 : i32
        %parallel_loop3A_1700 = arith.addi %parallel_loop3A_1698, %parallel_loop3A_1699 : i32
        %parallel_loop3A_1701 = arith.constant 0 : i32
        %parallel_loop3A_1702 = arith.constant 0 : i32
        %parallel_loop3A_1703 = arith.constant 0 : i32
        %parallel_loop3A_1704 = tpu.memref_slice %arg9[%rem3A_111, %parallel_loop3A_1702, %parallel_loop3A_1703] : memref<2x1x16384xf32, #tpu.memory_space<vmem>> -> memref<1x1x16384xf32, #tpu.memory_space<vmem>>
        %parallel_loop3A_1705 = tpu.memref_squeeze %parallel_loop3A_1704 : memref<1x1x16384xf32, #tpu.memory_space<vmem>> -> memref<1x16384xf32, #tpu.memory_space<vmem>>
        %parallel_loop3A_1706 = arith.index_cast %parallel_loop3A_1701 : i32 to index
        %parallel_loop3A_1707 = arith.index_cast %parallel_loop3A_1700 : i32 to index
        %parallel_loop3A_1708 = tpu.vector_load %parallel_loop3A_1705[%parallel_loop3A_1706, %parallel_loop3A_1707] {strides = array<i32>} : memref<1x16384xf32, #tpu.memory_space<vmem>>, vector<1x16xf32>,
        %parallel_loop3A_1709 = vector.shape_cast %parallel_loop3A_1708 : vector<1x16xf32> to vector<16xf32>
        %parallel_loop3A_1710 = vector.shape_cast %parallel_loop3A_1696 : vector<16xf32> to vector<1x16xf32>
        tpu.vector_store %parallel_loop3A_1705[%parallel_loop3A_1706, %parallel_loop3A_1707], %parallel_loop3A_1710 {strides = array<i32>} : memref<1x16384xf32, #tpu.memory_space<vmem>>, vector<1x16xf32>,
        %parallel_loop3A_1711 = arith.constant 0 : i32
        %parallel_loop3A_1712 = arith.constant 0 : i32
        %parallel_loop3A_1713 = tpu.memref_slice %arg7[%rem3A_109, %parallel_loop3A_1711, %parallel_loop3A_1712] : memref<3x16x1024xf32, #tpu.memory_space<vmem>> -> memref<1x16x1024xf32, #tpu.memory_space<vmem>>
        %parallel_loop3A_1714 = tpu.memref_squeeze %parallel_loop3A_1713 : memref<1x16x1024xf32, #tpu.memory_space<vmem>> -> memref<16x1024xf32, #tpu.memory_space<vmem>>
        %parallel_loop3A_1715 = arith.index_cast %parallel_loop3A_160 : i32 to index
        %parallel_loop3A_1716 = arith.constant 800 : index
        %parallel_loop3A_1717 = tpu.vector_load %parallel_loop3A_1714[%parallel_loop3A_1715, %parallel_loop3A_1716] {strides = array<i32>} : memref<16x1024xf32, #tpu.memory_space<vmem>>, vector<1x16xf32>,
        %parallel_loop3A_1718 = vector.shape_cast %parallel_loop3A_1717 : vector<1x16xf32> to vector<16xf32>
        %parallel_loop3A_1719 = arith.constant 0 : i32
        %parallel_loop3A_1720 = arith.constant 0 : i32
        %parallel_loop3A_1721 = tpu.memref_slice %arg8[%rem3A_113, %parallel_loop3A_1719, %parallel_loop3A_1720] : memref<2x16x1024xf32, #tpu.memory_space<vmem>> -> memref<1x16x1024xf32, #tpu.memory_space<vmem>>
        %parallel_loop3A_1722 = tpu.memref_squeeze %parallel_loop3A_1721 : memref<1x16x1024xf32, #tpu.memory_space<vmem>> -> memref<16x1024xf32, #tpu.memory_space<vmem>>
        %parallel_loop3A_1723 = arith.index_cast %parallel_loop3A_160 : i32 to index
        %parallel_loop3A_1724 = arith.constant 800 : index
        %parallel_loop3A_1725 = tpu.vector_load %parallel_loop3A_1722[%parallel_loop3A_1723, %parallel_loop3A_1724] {strides = array<i32>} : memref<16x1024xf32, #tpu.memory_space<vmem>>, vector<1x16xf32>,
        %parallel_loop3A_1726 = vector.shape_cast %parallel_loop3A_1725 : vector<1x16xf32> to vector<16xf32>
        %parallel_loop3A_1727 = arith.addf %parallel_loop3A_1718, %parallel_loop3A_1726 : vector<16xf32>
        %parallel_loop3A_1728 = arith.constant 1024 : i32
        %parallel_loop3A_1729 = arith.muli %parallel_loop3A_160, %parallel_loop3A_1728 : i32
        %parallel_loop3A_1730 = arith.constant 800 : i32
        %parallel_loop3A_1731 = arith.addi %parallel_loop3A_1729, %parallel_loop3A_1730 : i32
        %parallel_loop3A_1732 = arith.constant 0 : i32
        %parallel_loop3A_1733 = arith.constant 0 : i32
        %parallel_loop3A_1734 = arith.constant 0 : i32
        %parallel_loop3A_1735 = tpu.memref_slice %arg9[%rem3A_111, %parallel_loop3A_1733, %parallel_loop3A_1734] : memref<2x1x16384xf32, #tpu.memory_space<vmem>> -> memref<1x1x16384xf32, #tpu.memory_space<vmem>>
        %parallel_loop3A_1736 = tpu.memref_squeeze %parallel_loop3A_1735 : memref<1x1x16384xf32, #tpu.memory_space<vmem>> -> memref<1x16384xf32, #tpu.memory_space<vmem>>
        %parallel_loop3A_1737 = arith.index_cast %parallel_loop3A_1732 : i32 to index
        %parallel_loop3A_1738 = arith.index_cast %parallel_loop3A_1731 : i32 to index
        %parallel_loop3A_1739 = tpu.vector_load %parallel_loop3A_1736[%parallel_loop3A_1737, %parallel_loop3A_1738] {strides = array<i32>} : memref<1x16384xf32, #tpu.memory_space<vmem>>, vector<1x16xf32>,
        %parallel_loop3A_1740 = vector.shape_cast %parallel_loop3A_1739 : vector<1x16xf32> to vector<16xf32>
        %parallel_loop3A_1741 = vector.shape_cast %parallel_loop3A_1727 : vector<16xf32> to vector<1x16xf32>
        tpu.vector_store %parallel_loop3A_1736[%parallel_loop3A_1737, %parallel_loop3A_1738], %parallel_loop3A_1741 {strides = array<i32>} : memref<1x16384xf32, #tpu.memory_space<vmem>>, vector<1x16xf32>,
        %parallel_loop3A_1742 = arith.constant 0 : i32
        %parallel_loop3A_1743 = arith.constant 0 : i32
        %parallel_loop3A_1744 = tpu.memref_slice %arg7[%rem3A_109, %parallel_loop3A_1742, %parallel_loop3A_1743] : memref<3x16x1024xf32, #tpu.memory_space<vmem>> -> memref<1x16x1024xf32, #tpu.memory_space<vmem>>
        %parallel_loop3A_1745 = tpu.memref_squeeze %parallel_loop3A_1744 : memref<1x16x1024xf32, #tpu.memory_space<vmem>> -> memref<16x1024xf32, #tpu.memory_space<vmem>>
        %parallel_loop3A_1746 = arith.index_cast %parallel_loop3A_160 : i32 to index
        %parallel_loop3A_1747 = arith.constant 816 : index
        %parallel_loop3A_1748 = tpu.vector_load %parallel_loop3A_1745[%parallel_loop3A_1746, %parallel_loop3A_1747] {strides = array<i32>} : memref<16x1024xf32, #tpu.memory_space<vmem>>, vector<1x16xf32>,
        %parallel_loop3A_1749 = vector.shape_cast %parallel_loop3A_1748 : vector<1x16xf32> to vector<16xf32>
        %parallel_loop3A_1750 = arith.constant 0 : i32
        %parallel_loop3A_1751 = arith.constant 0 : i32
        %parallel_loop3A_1752 = tpu.memref_slice %arg8[%rem3A_113, %parallel_loop3A_1750, %parallel_loop3A_1751] : memref<2x16x1024xf32, #tpu.memory_space<vmem>> -> memref<1x16x1024xf32, #tpu.memory_space<vmem>>
        %parallel_loop3A_1753 = tpu.memref_squeeze %parallel_loop3A_1752 : memref<1x16x1024xf32, #tpu.memory_space<vmem>> -> memref<16x1024xf32, #tpu.memory_space<vmem>>
        %parallel_loop3A_1754 = arith.index_cast %parallel_loop3A_160 : i32 to index
        %parallel_loop3A_1755 = arith.constant 816 : index
        %parallel_loop3A_1756 = tpu.vector_load %parallel_loop3A_1753[%parallel_loop3A_1754, %parallel_loop3A_1755] {strides = array<i32>} : memref<16x1024xf32, #tpu.memory_space<vmem>>, vector<1x16xf32>,
        %parallel_loop3A_1757 = vector.shape_cast %parallel_loop3A_1756 : vector<1x16xf32> to vector<16xf32>
        %parallel_loop3A_1758 = arith.addf %parallel_loop3A_1749, %parallel_loop3A_1757 : vector<16xf32>
        %parallel_loop3A_1759 = arith.constant 1024 : i32
        %parallel_loop3A_1760 = arith.muli %parallel_loop3A_160, %parallel_loop3A_1759 : i32
        %parallel_loop3A_1761 = arith.constant 816 : i32
        %parallel_loop3A_1762 = arith.addi %parallel_loop3A_1760, %parallel_loop3A_1761 : i32
        %parallel_loop3A_1763 = arith.constant 0 : i32
        %parallel_loop3A_1764 = arith.constant 0 : i32
        %parallel_loop3A_1765 = arith.constant 0 : i32
        %parallel_loop3A_1766 = tpu.memref_slice %arg9[%rem3A_111, %parallel_loop3A_1764, %parallel_loop3A_1765] : memref<2x1x16384xf32, #tpu.memory_space<vmem>> -> memref<1x1x16384xf32, #tpu.memory_space<vmem>>
        %parallel_loop3A_1767 = tpu.memref_squeeze %parallel_loop3A_1766 : memref<1x1x16384xf32, #tpu.memory_space<vmem>> -> memref<1x16384xf32, #tpu.memory_space<vmem>>
        %parallel_loop3A_1768 = arith.index_cast %parallel_loop3A_1763 : i32 to index
        %parallel_loop3A_1769 = arith.index_cast %parallel_loop3A_1762 : i32 to index
        %parallel_loop3A_1770 = tpu.vector_load %parallel_loop3A_1767[%parallel_loop3A_1768, %parallel_loop3A_1769] {strides = array<i32>} : memref<1x16384xf32, #tpu.memory_space<vmem>>, vector<1x16xf32>,
        %parallel_loop3A_1771 = vector.shape_cast %parallel_loop3A_1770 : vector<1x16xf32> to vector<16xf32>
        %parallel_loop3A_1772 = vector.shape_cast %parallel_loop3A_1758 : vector<16xf32> to vector<1x16xf32>
        tpu.vector_store %parallel_loop3A_1767[%parallel_loop3A_1768, %parallel_loop3A_1769], %parallel_loop3A_1772 {strides = array<i32>} : memref<1x16384xf32, #tpu.memory_space<vmem>>, vector<1x16xf32>,
        %parallel_loop3A_1773 = arith.constant 0 : i32
        %parallel_loop3A_1774 = arith.constant 0 : i32
        %parallel_loop3A_1775 = tpu.memref_slice %arg7[%rem3A_109, %parallel_loop3A_1773, %parallel_loop3A_1774] : memref<3x16x1024xf32, #tpu.memory_space<vmem>> -> memref<1x16x1024xf32, #tpu.memory_space<vmem>>
        %parallel_loop3A_1776 = tpu.memref_squeeze %parallel_loop3A_1775 : memref<1x16x1024xf32, #tpu.memory_space<vmem>> -> memref<16x1024xf32, #tpu.memory_space<vmem>>
        %parallel_loop3A_1777 = arith.index_cast %parallel_loop3A_160 : i32 to index
        %parallel_loop3A_1778 = arith.constant 832 : index
        %parallel_loop3A_1779 = tpu.vector_load %parallel_loop3A_1776[%parallel_loop3A_1777, %parallel_loop3A_1778] {strides = array<i32>} : memref<16x1024xf32, #tpu.memory_space<vmem>>, vector<1x16xf32>,
        %parallel_loop3A_1780 = vector.shape_cast %parallel_loop3A_1779 : vector<1x16xf32> to vector<16xf32>
        %parallel_loop3A_1781 = arith.constant 0 : i32
        %parallel_loop3A_1782 = arith.constant 0 : i32
        %parallel_loop3A_1783 = tpu.memref_slice %arg8[%rem3A_113, %parallel_loop3A_1781, %parallel_loop3A_1782] : memref<2x16x1024xf32, #tpu.memory_space<vmem>> -> memref<1x16x1024xf32, #tpu.memory_space<vmem>>
        %parallel_loop3A_1784 = tpu.memref_squeeze %parallel_loop3A_1783 : memref<1x16x1024xf32, #tpu.memory_space<vmem>> -> memref<16x1024xf32, #tpu.memory_space<vmem>>
        %parallel_loop3A_1785 = arith.index_cast %parallel_loop3A_160 : i32 to index
        %parallel_loop3A_1786 = arith.constant 832 : index
        %parallel_loop3A_1787 = tpu.vector_load %parallel_loop3A_1784[%parallel_loop3A_1785, %parallel_loop3A_1786] {strides = array<i32>} : memref<16x1024xf32, #tpu.memory_space<vmem>>, vector<1x16xf32>,
        %parallel_loop3A_1788 = vector.shape_cast %parallel_loop3A_1787 : vector<1x16xf32> to vector<16xf32>
        %parallel_loop3A_1789 = arith.addf %parallel_loop3A_1780, %parallel_loop3A_1788 : vector<16xf32>
        %parallel_loop3A_1790 = arith.constant 1024 : i32
        %parallel_loop3A_1791 = arith.muli %parallel_loop3A_160, %parallel_loop3A_1790 : i32
        %parallel_loop3A_1792 = arith.constant 832 : i32
        %parallel_loop3A_1793 = arith.addi %parallel_loop3A_1791, %parallel_loop3A_1792 : i32
        %parallel_loop3A_1794 = arith.constant 0 : i32
        %parallel_loop3A_1795 = arith.constant 0 : i32
        %parallel_loop3A_1796 = arith.constant 0 : i32
        %parallel_loop3A_1797 = tpu.memref_slice %arg9[%rem3A_111, %parallel_loop3A_1795, %parallel_loop3A_1796] : memref<2x1x16384xf32, #tpu.memory_space<vmem>> -> memref<1x1x16384xf32, #tpu.memory_space<vmem>>
        %parallel_loop3A_1798 = tpu.memref_squeeze %parallel_loop3A_1797 : memref<1x1x16384xf32, #tpu.memory_space<vmem>> -> memref<1x16384xf32, #tpu.memory_space<vmem>>
        %parallel_loop3A_1799 = arith.index_cast %parallel_loop3A_1794 : i32 to index
        %parallel_loop3A_1800 = arith.index_cast %parallel_loop3A_1793 : i32 to index
        %parallel_loop3A_1801 = tpu.vector_load %parallel_loop3A_1798[%parallel_loop3A_1799, %parallel_loop3A_1800] {strides = array<i32>} : memref<1x16384xf32, #tpu.memory_space<vmem>>, vector<1x16xf32>,
        %parallel_loop3A_1802 = vector.shape_cast %parallel_loop3A_1801 : vector<1x16xf32> to vector<16xf32>
        %parallel_loop3A_1803 = vector.shape_cast %parallel_loop3A_1789 : vector<16xf32> to vector<1x16xf32>
        tpu.vector_store %parallel_loop3A_1798[%parallel_loop3A_1799, %parallel_loop3A_1800], %parallel_loop3A_1803 {strides = array<i32>} : memref<1x16384xf32, #tpu.memory_space<vmem>>, vector<1x16xf32>,
        %parallel_loop3A_1804 = arith.constant 0 : i32
        %parallel_loop3A_1805 = arith.constant 0 : i32
        %parallel_loop3A_1806 = tpu.memref_slice %arg7[%rem3A_109, %parallel_loop3A_1804, %parallel_loop3A_1805] : memref<3x16x1024xf32, #tpu.memory_space<vmem>> -> memref<1x16x1024xf32, #tpu.memory_space<vmem>>
        %parallel_loop3A_1807 = tpu.memref_squeeze %parallel_loop3A_1806 : memref<1x16x1024xf32, #tpu.memory_space<vmem>> -> memref<16x1024xf32, #tpu.memory_space<vmem>>
        %parallel_loop3A_1808 = arith.index_cast %parallel_loop3A_160 : i32 to index
        %parallel_loop3A_1809 = arith.constant 848 : index
        %parallel_loop3A_1810 = tpu.vector_load %parallel_loop3A_1807[%parallel_loop3A_1808, %parallel_loop3A_1809] {strides = array<i32>} : memref<16x1024xf32, #tpu.memory_space<vmem>>, vector<1x16xf32>,
        %parallel_loop3A_1811 = vector.shape_cast %parallel_loop3A_1810 : vector<1x16xf32> to vector<16xf32>
        %parallel_loop3A_1812 = arith.constant 0 : i32
        %parallel_loop3A_1813 = arith.constant 0 : i32
        %parallel_loop3A_1814 = tpu.memref_slice %arg8[%rem3A_113, %parallel_loop3A_1812, %parallel_loop3A_1813] : memref<2x16x1024xf32, #tpu.memory_space<vmem>> -> memref<1x16x1024xf32, #tpu.memory_space<vmem>>
        %parallel_loop3A_1815 = tpu.memref_squeeze %parallel_loop3A_1814 : memref<1x16x1024xf32, #tpu.memory_space<vmem>> -> memref<16x1024xf32, #tpu.memory_space<vmem>>
        %parallel_loop3A_1816 = arith.index_cast %parallel_loop3A_160 : i32 to index
        %parallel_loop3A_1817 = arith.constant 848 : index
        %parallel_loop3A_1818 = tpu.vector_load %parallel_loop3A_1815[%parallel_loop3A_1816, %parallel_loop3A_1817] {strides = array<i32>} : memref<16x1024xf32, #tpu.memory_space<vmem>>, vector<1x16xf32>,
        %parallel_loop3A_1819 = vector.shape_cast %parallel_loop3A_1818 : vector<1x16xf32> to vector<16xf32>
        %parallel_loop3A_1820 = arith.addf %parallel_loop3A_1811, %parallel_loop3A_1819 : vector<16xf32>
        %parallel_loop3A_1821 = arith.constant 1024 : i32
        %parallel_loop3A_1822 = arith.muli %parallel_loop3A_160, %parallel_loop3A_1821 : i32
        %parallel_loop3A_1823 = arith.constant 848 : i32
        %parallel_loop3A_1824 = arith.addi %parallel_loop3A_1822, %parallel_loop3A_1823 : i32
        %parallel_loop3A_1825 = arith.constant 0 : i32
        %parallel_loop3A_1826 = arith.constant 0 : i32
        %parallel_loop3A_1827 = arith.constant 0 : i32
        %parallel_loop3A_1828 = tpu.memref_slice %arg9[%rem3A_111, %parallel_loop3A_1826, %parallel_loop3A_1827] : memref<2x1x16384xf32, #tpu.memory_space<vmem>> -> memref<1x1x16384xf32, #tpu.memory_space<vmem>>
        %parallel_loop3A_1829 = tpu.memref_squeeze %parallel_loop3A_1828 : memref<1x1x16384xf32, #tpu.memory_space<vmem>> -> memref<1x16384xf32, #tpu.memory_space<vmem>>
        %parallel_loop3A_1830 = arith.index_cast %parallel_loop3A_1825 : i32 to index
        %parallel_loop3A_1831 = arith.index_cast %parallel_loop3A_1824 : i32 to index
        %parallel_loop3A_1832 = tpu.vector_load %parallel_loop3A_1829[%parallel_loop3A_1830, %parallel_loop3A_1831] {strides = array<i32>} : memref<1x16384xf32, #tpu.memory_space<vmem>>, vector<1x16xf32>,
        %parallel_loop3A_1833 = vector.shape_cast %parallel_loop3A_1832 : vector<1x16xf32> to vector<16xf32>
        %parallel_loop3A_1834 = vector.shape_cast %parallel_loop3A_1820 : vector<16xf32> to vector<1x16xf32>
        tpu.vector_store %parallel_loop3A_1829[%parallel_loop3A_1830, %parallel_loop3A_1831], %parallel_loop3A_1834 {strides = array<i32>} : memref<1x16384xf32, #tpu.memory_space<vmem>>, vector<1x16xf32>,
        %parallel_loop3A_1835 = arith.constant 0 : i32
        %parallel_loop3A_1836 = arith.constant 0 : i32
        %parallel_loop3A_1837 = tpu.memref_slice %arg7[%rem3A_109, %parallel_loop3A_1835, %parallel_loop3A_1836] : memref<3x16x1024xf32, #tpu.memory_space<vmem>> -> memref<1x16x1024xf32, #tpu.memory_space<vmem>>
        %parallel_loop3A_1838 = tpu.memref_squeeze %parallel_loop3A_1837 : memref<1x16x1024xf32, #tpu.memory_space<vmem>> -> memref<16x1024xf32, #tpu.memory_space<vmem>>
        %parallel_loop3A_1839 = arith.index_cast %parallel_loop3A_160 : i32 to index
        %parallel_loop3A_1840 = arith.constant 864 : index
        %parallel_loop3A_1841 = tpu.vector_load %parallel_loop3A_1838[%parallel_loop3A_1839, %parallel_loop3A_1840] {strides = array<i32>} : memref<16x1024xf32, #tpu.memory_space<vmem>>, vector<1x16xf32>,
        %parallel_loop3A_1842 = vector.shape_cast %parallel_loop3A_1841 : vector<1x16xf32> to vector<16xf32>
        %parallel_loop3A_1843 = arith.constant 0 : i32
        %parallel_loop3A_1844 = arith.constant 0 : i32
        %parallel_loop3A_1845 = tpu.memref_slice %arg8[%rem3A_113, %parallel_loop3A_1843, %parallel_loop3A_1844] : memref<2x16x1024xf32, #tpu.memory_space<vmem>> -> memref<1x16x1024xf32, #tpu.memory_space<vmem>>
        %parallel_loop3A_1846 = tpu.memref_squeeze %parallel_loop3A_1845 : memref<1x16x1024xf32, #tpu.memory_space<vmem>> -> memref<16x1024xf32, #tpu.memory_space<vmem>>
        %parallel_loop3A_1847 = arith.index_cast %parallel_loop3A_160 : i32 to index
        %parallel_loop3A_1848 = arith.constant 864 : index
        %parallel_loop3A_1849 = tpu.vector_load %parallel_loop3A_1846[%parallel_loop3A_1847, %parallel_loop3A_1848] {strides = array<i32>} : memref<16x1024xf32, #tpu.memory_space<vmem>>, vector<1x16xf32>,
        %parallel_loop3A_1850 = vector.shape_cast %parallel_loop3A_1849 : vector<1x16xf32> to vector<16xf32>
        %parallel_loop3A_1851 = arith.addf %parallel_loop3A_1842, %parallel_loop3A_1850 : vector<16xf32>
        %parallel_loop3A_1852 = arith.constant 1024 : i32
        %parallel_loop3A_1853 = arith.muli %parallel_loop3A_160, %parallel_loop3A_1852 : i32
        %parallel_loop3A_1854 = arith.constant 864 : i32
        %parallel_loop3A_1855 = arith.addi %parallel_loop3A_1853, %parallel_loop3A_1854 : i32
        %parallel_loop3A_1856 = arith.constant 0 : i32
        %parallel_loop3A_1857 = arith.constant 0 : i32
        %parallel_loop3A_1858 = arith.constant 0 : i32
        %parallel_loop3A_1859 = tpu.memref_slice %arg9[%rem3A_111, %parallel_loop3A_1857, %parallel_loop3A_1858] : memref<2x1x16384xf32, #tpu.memory_space<vmem>> -> memref<1x1x16384xf32, #tpu.memory_space<vmem>>
        %parallel_loop3A_1860 = tpu.memref_squeeze %parallel_loop3A_1859 : memref<1x1x16384xf32, #tpu.memory_space<vmem>> -> memref<1x16384xf32, #tpu.memory_space<vmem>>
        %parallel_loop3A_1861 = arith.index_cast %parallel_loop3A_1856 : i32 to index
        %parallel_loop3A_1862 = arith.index_cast %parallel_loop3A_1855 : i32 to index
        %parallel_loop3A_1863 = tpu.vector_load %parallel_loop3A_1860[%parallel_loop3A_1861, %parallel_loop3A_1862] {strides = array<i32>} : memref<1x16384xf32, #tpu.memory_space<vmem>>, vector<1x16xf32>,
        %parallel_loop3A_1864 = vector.shape_cast %parallel_loop3A_1863 : vector<1x16xf32> to vector<16xf32>
        %parallel_loop3A_1865 = vector.shape_cast %parallel_loop3A_1851 : vector<16xf32> to vector<1x16xf32>
        tpu.vector_store %parallel_loop3A_1860[%parallel_loop3A_1861, %parallel_loop3A_1862], %parallel_loop3A_1865 {strides = array<i32>} : memref<1x16384xf32, #tpu.memory_space<vmem>>, vector<1x16xf32>,
        %parallel_loop3A_1866 = arith.constant 0 : i32
        %parallel_loop3A_1867 = arith.constant 0 : i32
        %parallel_loop3A_1868 = tpu.memref_slice %arg7[%rem3A_109, %parallel_loop3A_1866, %parallel_loop3A_1867] : memref<3x16x1024xf32, #tpu.memory_space<vmem>> -> memref<1x16x1024xf32, #tpu.memory_space<vmem>>
        %parallel_loop3A_1869 = tpu.memref_squeeze %parallel_loop3A_1868 : memref<1x16x1024xf32, #tpu.memory_space<vmem>> -> memref<16x1024xf32, #tpu.memory_space<vmem>>
        %parallel_loop3A_1870 = arith.index_cast %parallel_loop3A_160 : i32 to index
        %parallel_loop3A_1871 = arith.constant 880 : index
        %parallel_loop3A_1872 = tpu.vector_load %parallel_loop3A_1869[%parallel_loop3A_1870, %parallel_loop3A_1871] {strides = array<i32>} : memref<16x1024xf32, #tpu.memory_space<vmem>>, vector<1x16xf32>,
        %parallel_loop3A_1873 = vector.shape_cast %parallel_loop3A_1872 : vector<1x16xf32> to vector<16xf32>
        %parallel_loop3A_1874 = arith.constant 0 : i32
        %parallel_loop3A_1875 = arith.constant 0 : i32
        %parallel_loop3A_1876 = tpu.memref_slice %arg8[%rem3A_113, %parallel_loop3A_1874, %parallel_loop3A_1875] : memref<2x16x1024xf32, #tpu.memory_space<vmem>> -> memref<1x16x1024xf32, #tpu.memory_space<vmem>>
        %parallel_loop3A_1877 = tpu.memref_squeeze %parallel_loop3A_1876 : memref<1x16x1024xf32, #tpu.memory_space<vmem>> -> memref<16x1024xf32, #tpu.memory_space<vmem>>
        %parallel_loop3A_1878 = arith.index_cast %parallel_loop3A_160 : i32 to index
        %parallel_loop3A_1879 = arith.constant 880 : index
        %parallel_loop3A_1880 = tpu.vector_load %parallel_loop3A_1877[%parallel_loop3A_1878, %parallel_loop3A_1879] {strides = array<i32>} : memref<16x1024xf32, #tpu.memory_space<vmem>>, vector<1x16xf32>,
        %parallel_loop3A_1881 = vector.shape_cast %parallel_loop3A_1880 : vector<1x16xf32> to vector<16xf32>
        %parallel_loop3A_1882 = arith.addf %parallel_loop3A_1873, %parallel_loop3A_1881 : vector<16xf32>
        %parallel_loop3A_1883 = arith.constant 1024 : i32
        %parallel_loop3A_1884 = arith.muli %parallel_loop3A_160, %parallel_loop3A_1883 : i32
        %parallel_loop3A_1885 = arith.constant 880 : i32
        %parallel_loop3A_1886 = arith.addi %parallel_loop3A_1884, %parallel_loop3A_1885 : i32
        %parallel_loop3A_1887 = arith.constant 0 : i32
        %parallel_loop3A_1888 = arith.constant 0 : i32
        %parallel_loop3A_1889 = arith.constant 0 : i32
        %parallel_loop3A_1890 = tpu.memref_slice %arg9[%rem3A_111, %parallel_loop3A_1888, %parallel_loop3A_1889] : memref<2x1x16384xf32, #tpu.memory_space<vmem>> -> memref<1x1x16384xf32, #tpu.memory_space<vmem>>
        %parallel_loop3A_1891 = tpu.memref_squeeze %parallel_loop3A_1890 : memref<1x1x16384xf32, #tpu.memory_space<vmem>> -> memref<1x16384xf32, #tpu.memory_space<vmem>>
        %parallel_loop3A_1892 = arith.index_cast %parallel_loop3A_1887 : i32 to index
        %parallel_loop3A_1893 = arith.index_cast %parallel_loop3A_1886 : i32 to index
        %parallel_loop3A_1894 = tpu.vector_load %parallel_loop3A_1891[%parallel_loop3A_1892, %parallel_loop3A_1893] {strides = array<i32>} : memref<1x16384xf32, #tpu.memory_space<vmem>>, vector<1x16xf32>,
        %parallel_loop3A_1895 = vector.shape_cast %parallel_loop3A_1894 : vector<1x16xf32> to vector<16xf32>
        %parallel_loop3A_1896 = vector.shape_cast %parallel_loop3A_1882 : vector<16xf32> to vector<1x16xf32>
        tpu.vector_store %parallel_loop3A_1891[%parallel_loop3A_1892, %parallel_loop3A_1893], %parallel_loop3A_1896 {strides = array<i32>} : memref<1x16384xf32, #tpu.memory_space<vmem>>, vector<1x16xf32>,
        %parallel_loop3A_1897 = arith.constant 0 : i32
        %parallel_loop3A_1898 = arith.constant 0 : i32
        %parallel_loop3A_1899 = tpu.memref_slice %arg7[%rem3A_109, %parallel_loop3A_1897, %parallel_loop3A_1898] : memref<3x16x1024xf32, #tpu.memory_space<vmem>> -> memref<1x16x1024xf32, #tpu.memory_space<vmem>>
        %parallel_loop3A_1900 = tpu.memref_squeeze %parallel_loop3A_1899 : memref<1x16x1024xf32, #tpu.memory_space<vmem>> -> memref<16x1024xf32, #tpu.memory_space<vmem>>
        %parallel_loop3A_1901 = arith.index_cast %parallel_loop3A_160 : i32 to index
        %parallel_loop3A_1902 = arith.constant 896 : index
        %parallel_loop3A_1903 = tpu.vector_load %parallel_loop3A_1900[%parallel_loop3A_1901, %parallel_loop3A_1902] {strides = array<i32>} : memref<16x1024xf32, #tpu.memory_space<vmem>>, vector<1x16xf32>,
        %parallel_loop3A_1904 = vector.shape_cast %parallel_loop3A_1903 : vector<1x16xf32> to vector<16xf32>
        %parallel_loop3A_1905 = arith.constant 0 : i32
        %parallel_loop3A_1906 = arith.constant 0 : i32
        %parallel_loop3A_1907 = tpu.memref_slice %arg8[%rem3A_113, %parallel_loop3A_1905, %parallel_loop3A_1906] : memref<2x16x1024xf32, #tpu.memory_space<vmem>> -> memref<1x16x1024xf32, #tpu.memory_space<vmem>>
        %parallel_loop3A_1908 = tpu.memref_squeeze %parallel_loop3A_1907 : memref<1x16x1024xf32, #tpu.memory_space<vmem>> -> memref<16x1024xf32, #tpu.memory_space<vmem>>
        %parallel_loop3A_1909 = arith.index_cast %parallel_loop3A_160 : i32 to index
        %parallel_loop3A_1910 = arith.constant 896 : index
        %parallel_loop3A_1911 = tpu.vector_load %parallel_loop3A_1908[%parallel_loop3A_1909, %parallel_loop3A_1910] {strides = array<i32>} : memref<16x1024xf32, #tpu.memory_space<vmem>>, vector<1x16xf32>,
        %parallel_loop3A_1912 = vector.shape_cast %parallel_loop3A_1911 : vector<1x16xf32> to vector<16xf32>
        %parallel_loop3A_1913 = arith.addf %parallel_loop3A_1904, %parallel_loop3A_1912 : vector<16xf32>
        %parallel_loop3A_1914 = arith.constant 1024 : i32
        %parallel_loop3A_1915 = arith.muli %parallel_loop3A_160, %parallel_loop3A_1914 : i32
        %parallel_loop3A_1916 = arith.constant 896 : i32
        %parallel_loop3A_1917 = arith.addi %parallel_loop3A_1915, %parallel_loop3A_1916 : i32
        %parallel_loop3A_1918 = arith.constant 0 : i32
        %parallel_loop3A_1919 = arith.constant 0 : i32
        %parallel_loop3A_1920 = arith.constant 0 : i32
        %parallel_loop3A_1921 = tpu.memref_slice %arg9[%rem3A_111, %parallel_loop3A_1919, %parallel_loop3A_1920] : memref<2x1x16384xf32, #tpu.memory_space<vmem>> -> memref<1x1x16384xf32, #tpu.memory_space<vmem>>
        %parallel_loop3A_1922 = tpu.memref_squeeze %parallel_loop3A_1921 : memref<1x1x16384xf32, #tpu.memory_space<vmem>> -> memref<1x16384xf32, #tpu.memory_space<vmem>>
        %parallel_loop3A_1923 = arith.index_cast %parallel_loop3A_1918 : i32 to index
        %parallel_loop3A_1924 = arith.index_cast %parallel_loop3A_1917 : i32 to index
        %parallel_loop3A_1925 = tpu.vector_load %parallel_loop3A_1922[%parallel_loop3A_1923, %parallel_loop3A_1924] {strides = array<i32>} : memref<1x16384xf32, #tpu.memory_space<vmem>>, vector<1x16xf32>,
        %parallel_loop3A_1926 = vector.shape_cast %parallel_loop3A_1925 : vector<1x16xf32> to vector<16xf32>
        %parallel_loop3A_1927 = vector.shape_cast %parallel_loop3A_1913 : vector<16xf32> to vector<1x16xf32>
        tpu.vector_store %parallel_loop3A_1922[%parallel_loop3A_1923, %parallel_loop3A_1924], %parallel_loop3A_1927 {strides = array<i32>} : memref<1x16384xf32, #tpu.memory_space<vmem>>, vector<1x16xf32>,
        %parallel_loop3A_1928 = arith.constant 0 : i32
        %parallel_loop3A_1929 = arith.constant 0 : i32
        %parallel_loop3A_1930 = tpu.memref_slice %arg7[%rem3A_109, %parallel_loop3A_1928, %parallel_loop3A_1929] : memref<3x16x1024xf32, #tpu.memory_space<vmem>> -> memref<1x16x1024xf32, #tpu.memory_space<vmem>>
        %parallel_loop3A_1931 = tpu.memref_squeeze %parallel_loop3A_1930 : memref<1x16x1024xf32, #tpu.memory_space<vmem>> -> memref<16x1024xf32, #tpu.memory_space<vmem>>
        %parallel_loop3A_1932 = arith.index_cast %parallel_loop3A_160 : i32 to index
        %parallel_loop3A_1933 = arith.constant 912 : index
        %parallel_loop3A_1934 = tpu.vector_load %parallel_loop3A_1931[%parallel_loop3A_1932, %parallel_loop3A_1933] {strides = array<i32>} : memref<16x1024xf32, #tpu.memory_space<vmem>>, vector<1x16xf32>,
        %parallel_loop3A_1935 = vector.shape_cast %parallel_loop3A_1934 : vector<1x16xf32> to vector<16xf32>
        %parallel_loop3A_1936 = arith.constant 0 : i32
        %parallel_loop3A_1937 = arith.constant 0 : i32
        %parallel_loop3A_1938 = tpu.memref_slice %arg8[%rem3A_113, %parallel_loop3A_1936, %parallel_loop3A_1937] : memref<2x16x1024xf32, #tpu.memory_space<vmem>> -> memref<1x16x1024xf32, #tpu.memory_space<vmem>>
        %parallel_loop3A_1939 = tpu.memref_squeeze %parallel_loop3A_1938 : memref<1x16x1024xf32, #tpu.memory_space<vmem>> -> memref<16x1024xf32, #tpu.memory_space<vmem>>
        %parallel_loop3A_1940 = arith.index_cast %parallel_loop3A_160 : i32 to index
        %parallel_loop3A_1941 = arith.constant 912 : index
        %parallel_loop3A_1942 = tpu.vector_load %parallel_loop3A_1939[%parallel_loop3A_1940, %parallel_loop3A_1941] {strides = array<i32>} : memref<16x1024xf32, #tpu.memory_space<vmem>>, vector<1x16xf32>,
        %parallel_loop3A_1943 = vector.shape_cast %parallel_loop3A_1942 : vector<1x16xf32> to vector<16xf32>
        %parallel_loop3A_1944 = arith.addf %parallel_loop3A_1935, %parallel_loop3A_1943 : vector<16xf32>
        %parallel_loop3A_1945 = arith.constant 1024 : i32
        %parallel_loop3A_1946 = arith.muli %parallel_loop3A_160, %parallel_loop3A_1945 : i32
        %parallel_loop3A_1947 = arith.constant 912 : i32
        %parallel_loop3A_1948 = arith.addi %parallel_loop3A_1946, %parallel_loop3A_1947 : i32
        %parallel_loop3A_1949 = arith.constant 0 : i32
        %parallel_loop3A_1950 = arith.constant 0 : i32
        %parallel_loop3A_1951 = arith.constant 0 : i32
        %parallel_loop3A_1952 = tpu.memref_slice %arg9[%rem3A_111, %parallel_loop3A_1950, %parallel_loop3A_1951] : memref<2x1x16384xf32, #tpu.memory_space<vmem>> -> memref<1x1x16384xf32, #tpu.memory_space<vmem>>
        %parallel_loop3A_1953 = tpu.memref_squeeze %parallel_loop3A_1952 : memref<1x1x16384xf32, #tpu.memory_space<vmem>> -> memref<1x16384xf32, #tpu.memory_space<vmem>>
        %parallel_loop3A_1954 = arith.index_cast %parallel_loop3A_1949 : i32 to index
        %parallel_loop3A_1955 = arith.index_cast %parallel_loop3A_1948 : i32 to index
        %parallel_loop3A_1956 = tpu.vector_load %parallel_loop3A_1953[%parallel_loop3A_1954, %parallel_loop3A_1955] {strides = array<i32>} : memref<1x16384xf32, #tpu.memory_space<vmem>>, vector<1x16xf32>,
        %parallel_loop3A_1957 = vector.shape_cast %parallel_loop3A_1956 : vector<1x16xf32> to vector<16xf32>
        %parallel_loop3A_1958 = vector.shape_cast %parallel_loop3A_1944 : vector<16xf32> to vector<1x16xf32>
        tpu.vector_store %parallel_loop3A_1953[%parallel_loop3A_1954, %parallel_loop3A_1955], %parallel_loop3A_1958 {strides = array<i32>} : memref<1x16384xf32, #tpu.memory_space<vmem>>, vector<1x16xf32>,
        %parallel_loop3A_1959 = arith.constant 0 : i32
        %parallel_loop3A_1960 = arith.constant 0 : i32
        %parallel_loop3A_1961 = tpu.memref_slice %arg7[%rem3A_109, %parallel_loop3A_1959, %parallel_loop3A_1960] : memref<3x16x1024xf32, #tpu.memory_space<vmem>> -> memref<1x16x1024xf32, #tpu.memory_space<vmem>>
        %parallel_loop3A_1962 = tpu.memref_squeeze %parallel_loop3A_1961 : memref<1x16x1024xf32, #tpu.memory_space<vmem>> -> memref<16x1024xf32, #tpu.memory_space<vmem>>
        %parallel_loop3A_1963 = arith.index_cast %parallel_loop3A_160 : i32 to index
        %parallel_loop3A_1964 = arith.constant 928 : index
        %parallel_loop3A_1965 = tpu.vector_load %parallel_loop3A_1962[%parallel_loop3A_1963, %parallel_loop3A_1964] {strides = array<i32>} : memref<16x1024xf32, #tpu.memory_space<vmem>>, vector<1x16xf32>,
        %parallel_loop3A_1966 = vector.shape_cast %parallel_loop3A_1965 : vector<1x16xf32> to vector<16xf32>
        %parallel_loop3A_1967 = arith.constant 0 : i32
        %parallel_loop3A_1968 = arith.constant 0 : i32
        %parallel_loop3A_1969 = tpu.memref_slice %arg8[%rem3A_113, %parallel_loop3A_1967, %parallel_loop3A_1968] : memref<2x16x1024xf32, #tpu.memory_space<vmem>> -> memref<1x16x1024xf32, #tpu.memory_space<vmem>>
        %parallel_loop3A_1970 = tpu.memref_squeeze %parallel_loop3A_1969 : memref<1x16x1024xf32, #tpu.memory_space<vmem>> -> memref<16x1024xf32, #tpu.memory_space<vmem>>
        %parallel_loop3A_1971 = arith.index_cast %parallel_loop3A_160 : i32 to index
        %parallel_loop3A_1972 = arith.constant 928 : index
        %parallel_loop3A_1973 = tpu.vector_load %parallel_loop3A_1970[%parallel_loop3A_1971, %parallel_loop3A_1972] {strides = array<i32>} : memref<16x1024xf32, #tpu.memory_space<vmem>>, vector<1x16xf32>,
        %parallel_loop3A_1974 = vector.shape_cast %parallel_loop3A_1973 : vector<1x16xf32> to vector<16xf32>
        %parallel_loop3A_1975 = arith.addf %parallel_loop3A_1966, %parallel_loop3A_1974 : vector<16xf32>
        %parallel_loop3A_1976 = arith.constant 1024 : i32
        %parallel_loop3A_1977 = arith.muli %parallel_loop3A_160, %parallel_loop3A_1976 : i32
        %parallel_loop3A_1978 = arith.constant 928 : i32
        %parallel_loop3A_1979 = arith.addi %parallel_loop3A_1977, %parallel_loop3A_1978 : i32
        %parallel_loop3A_1980 = arith.constant 0 : i32
        %parallel_loop3A_1981 = arith.constant 0 : i32
        %parallel_loop3A_1982 = arith.constant 0 : i32
        %parallel_loop3A_1983 = tpu.memref_slice %arg9[%rem3A_111, %parallel_loop3A_1981, %parallel_loop3A_1982] : memref<2x1x16384xf32, #tpu.memory_space<vmem>> -> memref<1x1x16384xf32, #tpu.memory_space<vmem>>
        %parallel_loop3A_1984 = tpu.memref_squeeze %parallel_loop3A_1983 : memref<1x1x16384xf32, #tpu.memory_space<vmem>> -> memref<1x16384xf32, #tpu.memory_space<vmem>>
        %parallel_loop3A_1985 = arith.index_cast %parallel_loop3A_1980 : i32 to index
        %parallel_loop3A_1986 = arith.index_cast %parallel_loop3A_1979 : i32 to index
        %parallel_loop3A_1987 = tpu.vector_load %parallel_loop3A_1984[%parallel_loop3A_1985, %parallel_loop3A_1986] {strides = array<i32>} : memref<1x16384xf32, #tpu.memory_space<vmem>>, vector<1x16xf32>,
        %parallel_loop3A_1988 = vector.shape_cast %parallel_loop3A_1987 : vector<1x16xf32> to vector<16xf32>
        %parallel_loop3A_1989 = vector.shape_cast %parallel_loop3A_1975 : vector<16xf32> to vector<1x16xf32>
        tpu.vector_store %parallel_loop3A_1984[%parallel_loop3A_1985, %parallel_loop3A_1986], %parallel_loop3A_1989 {strides = array<i32>} : memref<1x16384xf32, #tpu.memory_space<vmem>>, vector<1x16xf32>,
        %parallel_loop3A_1990 = arith.constant 0 : i32
        %parallel_loop3A_1991 = arith.constant 0 : i32
        %parallel_loop3A_1992 = tpu.memref_slice %arg7[%rem3A_109, %parallel_loop3A_1990, %parallel_loop3A_1991] : memref<3x16x1024xf32, #tpu.memory_space<vmem>> -> memref<1x16x1024xf32, #tpu.memory_space<vmem>>
        %parallel_loop3A_1993 = tpu.memref_squeeze %parallel_loop3A_1992 : memref<1x16x1024xf32, #tpu.memory_space<vmem>> -> memref<16x1024xf32, #tpu.memory_space<vmem>>
        %parallel_loop3A_1994 = arith.index_cast %parallel_loop3A_160 : i32 to index
        %parallel_loop3A_1995 = arith.constant 944 : index
        %parallel_loop3A_1996 = tpu.vector_load %parallel_loop3A_1993[%parallel_loop3A_1994, %parallel_loop3A_1995] {strides = array<i32>} : memref<16x1024xf32, #tpu.memory_space<vmem>>, vector<1x16xf32>,
        %parallel_loop3A_1997 = vector.shape_cast %parallel_loop3A_1996 : vector<1x16xf32> to vector<16xf32>
        %parallel_loop3A_1998 = arith.constant 0 : i32
        %parallel_loop3A_1999 = arith.constant 0 : i32
        %parallel_loop3A_2000 = tpu.memref_slice %arg8[%rem3A_113, %parallel_loop3A_1998, %parallel_loop3A_1999] : memref<2x16x1024xf32, #tpu.memory_space<vmem>> -> memref<1x16x1024xf32, #tpu.memory_space<vmem>>
        %parallel_loop3A_2001 = tpu.memref_squeeze %parallel_loop3A_2000 : memref<1x16x1024xf32, #tpu.memory_space<vmem>> -> memref<16x1024xf32, #tpu.memory_space<vmem>>
        %parallel_loop3A_2002 = arith.index_cast %parallel_loop3A_160 : i32 to index
        %parallel_loop3A_2003 = arith.constant 944 : index
        %parallel_loop3A_2004 = tpu.vector_load %parallel_loop3A_2001[%parallel_loop3A_2002, %parallel_loop3A_2003] {strides = array<i32>} : memref<16x1024xf32, #tpu.memory_space<vmem>>, vector<1x16xf32>,
        %parallel_loop3A_2005 = vector.shape_cast %parallel_loop3A_2004 : vector<1x16xf32> to vector<16xf32>
        %parallel_loop3A_2006 = arith.addf %parallel_loop3A_1997, %parallel_loop3A_2005 : vector<16xf32>
        %parallel_loop3A_2007 = arith.constant 1024 : i32
        %parallel_loop3A_2008 = arith.muli %parallel_loop3A_160, %parallel_loop3A_2007 : i32
        %parallel_loop3A_2009 = arith.constant 944 : i32
        %parallel_loop3A_2010 = arith.addi %parallel_loop3A_2008, %parallel_loop3A_2009 : i32
        %parallel_loop3A_2011 = arith.constant 0 : i32
        %parallel_loop3A_2012 = arith.constant 0 : i32
        %parallel_loop3A_2013 = arith.constant 0 : i32
        %parallel_loop3A_2014 = tpu.memref_slice %arg9[%rem3A_111, %parallel_loop3A_2012, %parallel_loop3A_2013] : memref<2x1x16384xf32, #tpu.memory_space<vmem>> -> memref<1x1x16384xf32, #tpu.memory_space<vmem>>
        %parallel_loop3A_2015 = tpu.memref_squeeze %parallel_loop3A_2014 : memref<1x1x16384xf32, #tpu.memory_space<vmem>> -> memref<1x16384xf32, #tpu.memory_space<vmem>>
        %parallel_loop3A_2016 = arith.index_cast %parallel_loop3A_2011 : i32 to index
        %parallel_loop3A_2017 = arith.index_cast %parallel_loop3A_2010 : i32 to index
        %parallel_loop3A_2018 = tpu.vector_load %parallel_loop3A_2015[%parallel_loop3A_2016, %parallel_loop3A_2017] {strides = array<i32>} : memref<1x16384xf32, #tpu.memory_space<vmem>>, vector<1x16xf32>,
        %parallel_loop3A_2019 = vector.shape_cast %parallel_loop3A_2018 : vector<1x16xf32> to vector<16xf32>
        %parallel_loop3A_2020 = vector.shape_cast %parallel_loop3A_2006 : vector<16xf32> to vector<1x16xf32>
        tpu.vector_store %parallel_loop3A_2015[%parallel_loop3A_2016, %parallel_loop3A_2017], %parallel_loop3A_2020 {strides = array<i32>} : memref<1x16384xf32, #tpu.memory_space<vmem>>, vector<1x16xf32>,
        %parallel_loop3A_2021 = arith.constant 0 : i32
        %parallel_loop3A_2022 = arith.constant 0 : i32
        %parallel_loop3A_2023 = tpu.memref_slice %arg7[%rem3A_109, %parallel_loop3A_2021, %parallel_loop3A_2022] : memref<3x16x1024xf32, #tpu.memory_space<vmem>> -> memref<1x16x1024xf32, #tpu.memory_space<vmem>>
        %parallel_loop3A_2024 = tpu.memref_squeeze %parallel_loop3A_2023 : memref<1x16x1024xf32, #tpu.memory_space<vmem>> -> memref<16x1024xf32, #tpu.memory_space<vmem>>
        %parallel_loop3A_2025 = arith.index_cast %parallel_loop3A_160 : i32 to index
        %parallel_loop3A_2026 = arith.constant 960 : index
        %parallel_loop3A_2027 = tpu.vector_load %parallel_loop3A_2024[%parallel_loop3A_2025, %parallel_loop3A_2026] {strides = array<i32>} : memref<16x1024xf32, #tpu.memory_space<vmem>>, vector<1x16xf32>,
        %parallel_loop3A_2028 = vector.shape_cast %parallel_loop3A_2027 : vector<1x16xf32> to vector<16xf32>
        %parallel_loop3A_2029 = arith.constant 0 : i32
        %parallel_loop3A_2030 = arith.constant 0 : i32
        %parallel_loop3A_2031 = tpu.memref_slice %arg8[%rem3A_113, %parallel_loop3A_2029, %parallel_loop3A_2030] : memref<2x16x1024xf32, #tpu.memory_space<vmem>> -> memref<1x16x1024xf32, #tpu.memory_space<vmem>>
        %parallel_loop3A_2032 = tpu.memref_squeeze %parallel_loop3A_2031 : memref<1x16x1024xf32, #tpu.memory_space<vmem>> -> memref<16x1024xf32, #tpu.memory_space<vmem>>
        %parallel_loop3A_2033 = arith.index_cast %parallel_loop3A_160 : i32 to index
        %parallel_loop3A_2034 = arith.constant 960 : index
        %parallel_loop3A_2035 = tpu.vector_load %parallel_loop3A_2032[%parallel_loop3A_2033, %parallel_loop3A_2034] {strides = array<i32>} : memref<16x1024xf32, #tpu.memory_space<vmem>>, vector<1x16xf32>,
        %parallel_loop3A_2036 = vector.shape_cast %parallel_loop3A_2035 : vector<1x16xf32> to vector<16xf32>
        %parallel_loop3A_2037 = arith.addf %parallel_loop3A_2028, %parallel_loop3A_2036 : vector<16xf32>
        %parallel_loop3A_2038 = arith.constant 1024 : i32
        %parallel_loop3A_2039 = arith.muli %parallel_loop3A_160, %parallel_loop3A_2038 : i32
        %parallel_loop3A_2040 = arith.constant 960 : i32
        %parallel_loop3A_2041 = arith.addi %parallel_loop3A_2039, %parallel_loop3A_2040 : i32
        %parallel_loop3A_2042 = arith.constant 0 : i32
        %parallel_loop3A_2043 = arith.constant 0 : i32
        %parallel_loop3A_2044 = arith.constant 0 : i32
        %parallel_loop3A_2045 = tpu.memref_slice %arg9[%rem3A_111, %parallel_loop3A_2043, %parallel_loop3A_2044] : memref<2x1x16384xf32, #tpu.memory_space<vmem>> -> memref<1x1x16384xf32, #tpu.memory_space<vmem>>
        %parallel_loop3A_2046 = tpu.memref_squeeze %parallel_loop3A_2045 : memref<1x1x16384xf32, #tpu.memory_space<vmem>> -> memref<1x16384xf32, #tpu.memory_space<vmem>>
        %parallel_loop3A_2047 = arith.index_cast %parallel_loop3A_2042 : i32 to index
        %parallel_loop3A_2048 = arith.index_cast %parallel_loop3A_2041 : i32 to index
        %parallel_loop3A_2049 = tpu.vector_load %parallel_loop3A_2046[%parallel_loop3A_2047, %parallel_loop3A_2048] {strides = array<i32>} : memref<1x16384xf32, #tpu.memory_space<vmem>>, vector<1x16xf32>,
        %parallel_loop3A_2050 = vector.shape_cast %parallel_loop3A_2049 : vector<1x16xf32> to vector<16xf32>
        %parallel_loop3A_2051 = vector.shape_cast %parallel_loop3A_2037 : vector<16xf32> to vector<1x16xf32>
        tpu.vector_store %parallel_loop3A_2046[%parallel_loop3A_2047, %parallel_loop3A_2048], %parallel_loop3A_2051 {strides = array<i32>} : memref<1x16384xf32, #tpu.memory_space<vmem>>, vector<1x16xf32>,
        %parallel_loop3A_2052 = arith.constant 0 : i32
        %parallel_loop3A_2053 = arith.constant 0 : i32
        %parallel_loop3A_2054 = tpu.memref_slice %arg7[%rem3A_109, %parallel_loop3A_2052, %parallel_loop3A_2053] : memref<3x16x1024xf32, #tpu.memory_space<vmem>> -> memref<1x16x1024xf32, #tpu.memory_space<vmem>>
        %parallel_loop3A_2055 = tpu.memref_squeeze %parallel_loop3A_2054 : memref<1x16x1024xf32, #tpu.memory_space<vmem>> -> memref<16x1024xf32, #tpu.memory_space<vmem>>
        %parallel_loop3A_2056 = arith.index_cast %parallel_loop3A_160 : i32 to index
        %parallel_loop3A_2057 = arith.constant 976 : index
        %parallel_loop3A_2058 = tpu.vector_load %parallel_loop3A_2055[%parallel_loop3A_2056, %parallel_loop3A_2057] {strides = array<i32>} : memref<16x1024xf32, #tpu.memory_space<vmem>>, vector<1x16xf32>,
        %parallel_loop3A_2059 = vector.shape_cast %parallel_loop3A_2058 : vector<1x16xf32> to vector<16xf32>
        %parallel_loop3A_2060 = arith.constant 0 : i32
        %parallel_loop3A_2061 = arith.constant 0 : i32
        %parallel_loop3A_2062 = tpu.memref_slice %arg8[%rem3A_113, %parallel_loop3A_2060, %parallel_loop3A_2061] : memref<2x16x1024xf32, #tpu.memory_space<vmem>> -> memref<1x16x1024xf32, #tpu.memory_space<vmem>>
        %parallel_loop3A_2063 = tpu.memref_squeeze %parallel_loop3A_2062 : memref<1x16x1024xf32, #tpu.memory_space<vmem>> -> memref<16x1024xf32, #tpu.memory_space<vmem>>
        %parallel_loop3A_2064 = arith.index_cast %parallel_loop3A_160 : i32 to index
        %parallel_loop3A_2065 = arith.constant 976 : index
        %parallel_loop3A_2066 = tpu.vector_load %parallel_loop3A_2063[%parallel_loop3A_2064, %parallel_loop3A_2065] {strides = array<i32>} : memref<16x1024xf32, #tpu.memory_space<vmem>>, vector<1x16xf32>,
        %parallel_loop3A_2067 = vector.shape_cast %parallel_loop3A_2066 : vector<1x16xf32> to vector<16xf32>
        %parallel_loop3A_2068 = arith.addf %parallel_loop3A_2059, %parallel_loop3A_2067 : vector<16xf32>
        %parallel_loop3A_2069 = arith.constant 1024 : i32
        %parallel_loop3A_2070 = arith.muli %parallel_loop3A_160, %parallel_loop3A_2069 : i32
        %parallel_loop3A_2071 = arith.constant 976 : i32
        %parallel_loop3A_2072 = arith.addi %parallel_loop3A_2070, %parallel_loop3A_2071 : i32
        %parallel_loop3A_2073 = arith.constant 0 : i32
        %parallel_loop3A_2074 = arith.constant 0 : i32
        %parallel_loop3A_2075 = arith.constant 0 : i32
        %parallel_loop3A_2076 = tpu.memref_slice %arg9[%rem3A_111, %parallel_loop3A_2074, %parallel_loop3A_2075] : memref<2x1x16384xf32, #tpu.memory_space<vmem>> -> memref<1x1x16384xf32, #tpu.memory_space<vmem>>
        %parallel_loop3A_2077 = tpu.memref_squeeze %parallel_loop3A_2076 : memref<1x1x16384xf32, #tpu.memory_space<vmem>> -> memref<1x16384xf32, #tpu.memory_space<vmem>>
        %parallel_loop3A_2078 = arith.index_cast %parallel_loop3A_2073 : i32 to index
        %parallel_loop3A_2079 = arith.index_cast %parallel_loop3A_2072 : i32 to index
        %parallel_loop3A_2080 = tpu.vector_load %parallel_loop3A_2077[%parallel_loop3A_2078, %parallel_loop3A_2079] {strides = array<i32>} : memref<1x16384xf32, #tpu.memory_space<vmem>>, vector<1x16xf32>,
        %parallel_loop3A_2081 = vector.shape_cast %parallel_loop3A_2080 : vector<1x16xf32> to vector<16xf32>
        %parallel_loop3A_2082 = vector.shape_cast %parallel_loop3A_2068 : vector<16xf32> to vector<1x16xf32>
        tpu.vector_store %parallel_loop3A_2077[%parallel_loop3A_2078, %parallel_loop3A_2079], %parallel_loop3A_2082 {strides = array<i32>} : memref<1x16384xf32, #tpu.memory_space<vmem>>, vector<1x16xf32>,
        %parallel_loop3A_2083 = arith.constant 0 : i32
        %parallel_loop3A_2084 = arith.constant 0 : i32
        %parallel_loop3A_2085 = tpu.memref_slice %arg7[%rem3A_109, %parallel_loop3A_2083, %parallel_loop3A_2084] : memref<3x16x1024xf32, #tpu.memory_space<vmem>> -> memref<1x16x1024xf32, #tpu.memory_space<vmem>>
        %parallel_loop3A_2086 = tpu.memref_squeeze %parallel_loop3A_2085 : memref<1x16x1024xf32, #tpu.memory_space<vmem>> -> memref<16x1024xf32, #tpu.memory_space<vmem>>
        %parallel_loop3A_2087 = arith.index_cast %parallel_loop3A_160 : i32 to index
        %parallel_loop3A_2088 = arith.constant 992 : index
        %parallel_loop3A_2089 = tpu.vector_load %parallel_loop3A_2086[%parallel_loop3A_2087, %parallel_loop3A_2088] {strides = array<i32>} : memref<16x1024xf32, #tpu.memory_space<vmem>>, vector<1x16xf32>,
        %parallel_loop3A_2090 = vector.shape_cast %parallel_loop3A_2089 : vector<1x16xf32> to vector<16xf32>
        %parallel_loop3A_2091 = arith.constant 0 : i32
        %parallel_loop3A_2092 = arith.constant 0 : i32
        %parallel_loop3A_2093 = tpu.memref_slice %arg8[%rem3A_113, %parallel_loop3A_2091, %parallel_loop3A_2092] : memref<2x16x1024xf32, #tpu.memory_space<vmem>> -> memref<1x16x1024xf32, #tpu.memory_space<vmem>>
        %parallel_loop3A_2094 = tpu.memref_squeeze %parallel_loop3A_2093 : memref<1x16x1024xf32, #tpu.memory_space<vmem>> -> memref<16x1024xf32, #tpu.memory_space<vmem>>
        %parallel_loop3A_2095 = arith.index_cast %parallel_loop3A_160 : i32 to index
        %parallel_loop3A_2096 = arith.constant 992 : index
        %parallel_loop3A_2097 = tpu.vector_load %parallel_loop3A_2094[%parallel_loop3A_2095, %parallel_loop3A_2096] {strides = array<i32>} : memref<16x1024xf32, #tpu.memory_space<vmem>>, vector<1x16xf32>,
        %parallel_loop3A_2098 = vector.shape_cast %parallel_loop3A_2097 : vector<1x16xf32> to vector<16xf32>
        %parallel_loop3A_2099 = arith.addf %parallel_loop3A_2090, %parallel_loop3A_2098 : vector<16xf32>
        %parallel_loop3A_2100 = arith.constant 1024 : i32
        %parallel_loop3A_2101 = arith.muli %parallel_loop3A_160, %parallel_loop3A_2100 : i32
        %parallel_loop3A_2102 = arith.constant 992 : i32
        %parallel_loop3A_2103 = arith.addi %parallel_loop3A_2101, %parallel_loop3A_2102 : i32
        %parallel_loop3A_2104 = arith.constant 0 : i32
        %parallel_loop3A_2105 = arith.constant 0 : i32
        %parallel_loop3A_2106 = arith.constant 0 : i32
        %parallel_loop3A_2107 = tpu.memref_slice %arg9[%rem3A_111, %parallel_loop3A_2105, %parallel_loop3A_2106] : memref<2x1x16384xf32, #tpu.memory_space<vmem>> -> memref<1x1x16384xf32, #tpu.memory_space<vmem>>
        %parallel_loop3A_2108 = tpu.memref_squeeze %parallel_loop3A_2107 : memref<1x1x16384xf32, #tpu.memory_space<vmem>> -> memref<1x16384xf32, #tpu.memory_space<vmem>>
        %parallel_loop3A_2109 = arith.index_cast %parallel_loop3A_2104 : i32 to index
        %parallel_loop3A_2110 = arith.index_cast %parallel_loop3A_2103 : i32 to index
        %parallel_loop3A_2111 = tpu.vector_load %parallel_loop3A_2108[%parallel_loop3A_2109, %parallel_loop3A_2110] {strides = array<i32>} : memref<1x16384xf32, #tpu.memory_space<vmem>>, vector<1x16xf32>,
        %parallel_loop3A_2112 = vector.shape_cast %parallel_loop3A_2111 : vector<1x16xf32> to vector<16xf32>
        %parallel_loop3A_2113 = vector.shape_cast %parallel_loop3A_2099 : vector<16xf32> to vector<1x16xf32>
        tpu.vector_store %parallel_loop3A_2108[%parallel_loop3A_2109, %parallel_loop3A_2110], %parallel_loop3A_2113 {strides = array<i32>} : memref<1x16384xf32, #tpu.memory_space<vmem>>, vector<1x16xf32>,
        %parallel_loop3A_2114 = arith.constant 0 : i32
        %parallel_loop3A_2115 = arith.constant 0 : i32
        %parallel_loop3A_2116 = tpu.memref_slice %arg7[%rem3A_109, %parallel_loop3A_2114, %parallel_loop3A_2115] : memref<3x16x1024xf32, #tpu.memory_space<vmem>> -> memref<1x16x1024xf32, #tpu.memory_space<vmem>>
        %parallel_loop3A_2117 = tpu.memref_squeeze %parallel_loop3A_2116 : memref<1x16x1024xf32, #tpu.memory_space<vmem>> -> memref<16x1024xf32, #tpu.memory_space<vmem>>
        %parallel_loop3A_2118 = arith.index_cast %parallel_loop3A_160 : i32 to index
        %parallel_loop3A_2119 = arith.constant 1008 : index
        %parallel_loop3A_2120 = tpu.vector_load %parallel_loop3A_2117[%parallel_loop3A_2118, %parallel_loop3A_2119] {strides = array<i32>} : memref<16x1024xf32, #tpu.memory_space<vmem>>, vector<1x16xf32>,
        %parallel_loop3A_2121 = vector.shape_cast %parallel_loop3A_2120 : vector<1x16xf32> to vector<16xf32>
        %parallel_loop3A_2122 = arith.constant 0 : i32
        %parallel_loop3A_2123 = arith.constant 0 : i32
        %parallel_loop3A_2124 = tpu.memref_slice %arg8[%rem3A_113, %parallel_loop3A_2122, %parallel_loop3A_2123] : memref<2x16x1024xf32, #tpu.memory_space<vmem>> -> memref<1x16x1024xf32, #tpu.memory_space<vmem>>
        %parallel_loop3A_2125 = tpu.memref_squeeze %parallel_loop3A_2124 : memref<1x16x1024xf32, #tpu.memory_space<vmem>> -> memref<16x1024xf32, #tpu.memory_space<vmem>>
        %parallel_loop3A_2126 = arith.index_cast %parallel_loop3A_160 : i32 to index
        %parallel_loop3A_2127 = arith.constant 1008 : index
        %parallel_loop3A_2128 = tpu.vector_load %parallel_loop3A_2125[%parallel_loop3A_2126, %parallel_loop3A_2127] {strides = array<i32>} : memref<16x1024xf32, #tpu.memory_space<vmem>>, vector<1x16xf32>,
        %parallel_loop3A_2129 = vector.shape_cast %parallel_loop3A_2128 : vector<1x16xf32> to vector<16xf32>
        %parallel_loop3A_2130 = arith.addf %parallel_loop3A_2121, %parallel_loop3A_2129 : vector<16xf32>
        %parallel_loop3A_2131 = arith.constant 1024 : i32
        %parallel_loop3A_2132 = arith.muli %parallel_loop3A_160, %parallel_loop3A_2131 : i32
        %parallel_loop3A_2133 = arith.constant 1008 : i32
        %parallel_loop3A_2134 = arith.addi %parallel_loop3A_2132, %parallel_loop3A_2133 : i32
        %parallel_loop3A_2135 = arith.constant 0 : i32
        %parallel_loop3A_2136 = arith.constant 0 : i32
        %parallel_loop3A_2137 = arith.constant 0 : i32
        %parallel_loop3A_2138 = tpu.memref_slice %arg9[%rem3A_111, %parallel_loop3A_2136, %parallel_loop3A_2137] : memref<2x1x16384xf32, #tpu.memory_space<vmem>> -> memref<1x1x16384xf32, #tpu.memory_space<vmem>>
        %parallel_loop3A_2139 = tpu.memref_squeeze %parallel_loop3A_2138 : memref<1x1x16384xf32, #tpu.memory_space<vmem>> -> memref<1x16384xf32, #tpu.memory_space<vmem>>
        %parallel_loop3A_2140 = arith.index_cast %parallel_loop3A_2135 : i32 to index
        %parallel_loop3A_2141 = arith.index_cast %parallel_loop3A_2134 : i32 to index
        %parallel_loop3A_2142 = tpu.vector_load %parallel_loop3A_2139[%parallel_loop3A_2140, %parallel_loop3A_2141] {strides = array<i32>} : memref<1x16384xf32, #tpu.memory_space<vmem>>, vector<1x16xf32>,
        %parallel_loop3A_2143 = vector.shape_cast %parallel_loop3A_2142 : vector<1x16xf32> to vector<16xf32>
        %parallel_loop3A_2144 = vector.shape_cast %parallel_loop3A_2130 : vector<16xf32> to vector<1x16xf32>
        tpu.vector_store %parallel_loop3A_2139[%parallel_loop3A_2140, %parallel_loop3A_2141], %parallel_loop3A_2144 {strides = array<i32>} : memref<1x16384xf32, #tpu.memory_space<vmem>>, vector<1x16xf32>,
      } {sc.loop_unroll_factor = 2 : i64, sc.parallel_access}
      %add3A_144 = arith.addi %select_n3A, %div3A_107 : i32
      %dma_start3A_145 = arith.constant 0 : i32
      %dma_start3A_146 = arith.constant 0 : i32
      %dma_start3A_147 = tpu.memref_slice %arg9[%rem3A_111, %dma_start3A_145, %dma_start3A_146] : memref<2x1x16384xf32, #tpu.memory_space<vmem>> -> memref<1x1x16384xf32, #tpu.memory_space<vmem>>
      %dma_start3A_148 = tpu.memref_squeeze %dma_start3A_147 : memref<1x1x16384xf32, #tpu.memory_space<vmem>> -> memref<1x16384xf32, #tpu.memory_space<vmem>>
      %dma_start3A_149 = arith.constant 0 : i32
      %dma_start3A_150 = tpu.memref_slice %arg5[%rem3A_105, %add3A_144, %dma_start3A_149] : memref<4x512x16384xf32, #tpu.memory_space<hbm>> -> memref<1x1x16384xf32, #tpu.memory_space<hbm>>
      %dma_start3A_151 = tpu.memref_squeeze %dma_start3A_150 : memref<1x1x16384xf32, #tpu.memory_space<hbm>> -> memref<1x16384xf32, #tpu.memory_space<hbm>>
      %dma_start3A_152 = arith.constant 0 : i32
      %dma_start3A_153 = tpu.memref_slice %arg5[%rem3A_105, %add3A_144, %dma_start3A_152] : memref<4x512x16384xf32, #tpu.memory_space<hbm>> -> memref<1x1x16384xf32, #tpu.memory_space<hbm>>
      %dma_start3A_154 = tpu.memref_squeeze %dma_start3A_153 : memref<1x1x16384xf32, #tpu.memory_space<hbm>> -> memref<1x16384xf32, #tpu.memory_space<hbm>>
      %dma_start3A_155 = arith.constant 0 : i32
      %dma_start3A_156 = arith.constant 0 : i32
      %dma_start3A_157 = tpu.memref_slice %arg9[%rem3A_111, %dma_start3A_155, %dma_start3A_156] : memref<2x1x16384xf32, #tpu.memory_space<vmem>> -> memref<1x1x16384xf32, #tpu.memory_space<vmem>>
      %dma_start3A_158 = tpu.memref_squeeze %dma_start3A_157 : memref<1x1x16384xf32, #tpu.memory_space<vmem>> -> memref<1x16384xf32, #tpu.memory_space<vmem>>
      tpu.enqueue_dma source(%dma_start3A_158 : memref<1x16384xf32, #tpu.memory_space<vmem>>) target(%dma_start3A_154 : memref<1x16384xf32, #tpu.memory_space<hbm>>) target_semaphore(%arg12 : memref<!tpu.dma_semaphore, #tpu.memory_space<semaphore_mem>>)
      %scan3A_159 = arith.constant 0 : i32
      scf.yield %scan3A_159 : i32
    }
    %scan3A_66 = arith.constant 64 : i32
    %dma_wait3A = arith.constant 0 : i32
    %dma_wait3A_67 = arith.constant 0 : i32
    %dma_wait3A_68 = arith.constant 0 : i32
    %dma_wait3A_69 = arith.constant 0 : i32
    %dma_wait3A_70 = tpu.memref_slice %arg9[%dma_wait3A, %dma_wait3A_68, %dma_wait3A_69] : memref<2x1x16384xf32, #tpu.memory_space<vmem>> -> memref<1x1x16384xf32, #tpu.memory_space<vmem>>
    %dma_wait3A_71 = tpu.memref_squeeze %dma_wait3A_70 : memref<1x1x16384xf32, #tpu.memory_space<vmem>> -> memref<1x16384xf32, #tpu.memory_space<vmem>>
    %dma_wait3A_72 = arith.constant 0 : i32
    %dma_wait3A_73 = arith.constant 0 : i32
    %dma_wait3A_74 = tpu.memref_slice %arg5[%dma_wait3A_67, %dma_wait3A_72, %dma_wait3A_73] : memref<4x512x16384xf32, #tpu.memory_space<hbm>> -> memref<1x1x16384xf32, #tpu.memory_space<hbm>>
    %dma_wait3A_75 = tpu.memref_squeeze %dma_wait3A_74 : memref<1x1x16384xf32, #tpu.memory_space<hbm>> -> memref<1x16384xf32, #tpu.memory_space<hbm>>
    %dma_wait3A_76 = arith.constant 0 : i32
    %dma_wait3A_77 = arith.constant 0 : i32
    %dma_wait3A_78 = tpu.memref_slice %arg5[%dma_wait3A_67, %dma_wait3A_76, %dma_wait3A_77] : memref<4x512x16384xf32, #tpu.memory_space<hbm>> -> memref<1x1x16384xf32, #tpu.memory_space<hbm>>
    %dma_wait3A_79 = tpu.memref_squeeze %dma_wait3A_78 : memref<1x1x16384xf32, #tpu.memory_space<hbm>> -> memref<1x16384xf32, #tpu.memory_space<hbm>>
    %dma_wait3A_80 = arith.constant 0 : i32
    %dma_wait3A_81 = arith.constant 0 : i32
    %dma_wait3A_82 = tpu.memref_slice %arg9[%dma_wait3A, %dma_wait3A_80, %dma_wait3A_81] : memref<2x1x16384xf32, #tpu.memory_space<vmem>> -> memref<1x1x16384xf32, #tpu.memory_space<vmem>>
    %dma_wait3A_83 = tpu.memref_squeeze %dma_wait3A_82 : memref<1x1x16384xf32, #tpu.memory_space<vmem>> -> memref<1x16384xf32, #tpu.memory_space<vmem>>
    tpu.wait_dma2 semaphore(%arg12 : memref<!tpu.dma_semaphore, #tpu.memory_space<semaphore_mem>>) src(%dma_wait3A_83 : memref<1x16384xf32, #tpu.memory_space<vmem>>) dst(%dma_wait3A_79 : memref<1x16384xf32, #tpu.memory_space<hbm>>)
    %dma_wait3A_84 = arith.constant 0 : i32
    %dma_wait3A_85 = arith.constant 0 : i32
    %dma_wait3A_86 = arith.constant 0 : i32
    %dma_wait3A_87 = arith.constant 0 : i32
    %dma_wait3A_88 = tpu.memref_slice %arg9[%dma_wait3A_84, %dma_wait3A_86, %dma_wait3A_87] : memref<2x1x16384xf32, #tpu.memory_space<vmem>> -> memref<1x1x16384xf32, #tpu.memory_space<vmem>>
    %dma_wait3A_89 = tpu.memref_squeeze %dma_wait3A_88 : memref<1x1x16384xf32, #tpu.memory_space<vmem>> -> memref<1x16384xf32, #tpu.memory_space<vmem>>
    %dma_wait3A_90 = arith.constant 0 : i32
    %dma_wait3A_91 = arith.constant 0 : i32
    %dma_wait3A_92 = tpu.memref_slice %arg5[%dma_wait3A_85, %dma_wait3A_90, %dma_wait3A_91] : memref<4x512x16384xf32, #tpu.memory_space<hbm>> -> memref<1x1x16384xf32, #tpu.memory_space<hbm>>
    %dma_wait3A_93 = tpu.memref_squeeze %dma_wait3A_92 : memref<1x1x16384xf32, #tpu.memory_space<hbm>> -> memref<1x16384xf32, #tpu.memory_space<hbm>>
    %dma_wait3A_94 = arith.constant 0 : i32
    %dma_wait3A_95 = arith.constant 0 : i32
    %dma_wait3A_96 = tpu.memref_slice %arg5[%dma_wait3A_85, %dma_wait3A_94, %dma_wait3A_95] : memref<4x512x16384xf32, #tpu.memory_space<hbm>> -> memref<1x1x16384xf32, #tpu.memory_space<hbm>>
    %dma_wait3A_97 = tpu.memref_squeeze %dma_wait3A_96 : memref<1x1x16384xf32, #tpu.memory_space<hbm>> -> memref<1x16384xf32, #tpu.memory_space<hbm>>
    %dma_wait3A_98 = arith.constant 0 : i32
    %dma_wait3A_99 = arith.constant 0 : i32
    %dma_wait3A_100 = tpu.memref_slice %arg9[%dma_wait3A_84, %dma_wait3A_98, %dma_wait3A_99] : memref<2x1x16384xf32, #tpu.memory_space<vmem>> -> memref<1x1x16384xf32, #tpu.memory_space<vmem>>
    %dma_wait3A_101 = tpu.memref_squeeze %dma_wait3A_100 : memref<1x1x16384xf32, #tpu.memory_space<vmem>> -> memref<1x16384xf32, #tpu.memory_space<vmem>>
    tpu.wait_dma2 semaphore(%arg12 : memref<!tpu.dma_semaphore, #tpu.memory_space<semaphore_mem>>) src(%dma_wait3A_101 : memref<1x16384xf32, #tpu.memory_space<vmem>>) dst(%dma_wait3A_97 : memref<1x16384xf32, #tpu.memory_space<hbm>>)
    return
  }
}

</mosaic_0001>

<sc_bundles>
// kernel: kernel.3.cloned.1.call-start
scs
__scs_entry_jumppad:
0x0: {  	(pc) =	sbr.rel $0x88, $3  }
0x1: {  	(tag) =	ssettag $0x0;
	lr =	simm.s32 $0x1  }
0x2: {  	[smem:$0x3F9E] =	sst lr;
	_ =	strace $0xD0000000  }
0x3: {  	_ = 	snop  }
0x4: {  	_ = 	snop  }
0x5: {  	_ = 	snop  }
0x6: {  	_ = 	snop  }
0x7: {  	_ = 	snop  }
__scs_overlays_trampoline_lowered:
0x8: {  	[smem:$0x3FAD] =	sst s0  }
0x9: {  	[smem:$0x3FAE] =	sst s1  }
0xa: {  	[smem:$0x3FAF] =	sst s2  }
0xb: {  	[smem:$0x3FB0] =	sst s3  }
0xc: {  	[smem:$0x3FB1] =	sst s4  }
0xd: {  	[smem:$0x3FB2] =	sst s5  }
0xe: {  	[smem:$0x3FB3] =	sst s6  }
0xf: {  	[smem:$0x3FB4] =	sst s7  }
0x10: {  	[smem:$0x3FB5] =	sst s8  }
0x11: {  	[smem:$0x3FB6] =	sst s9;
	s0 =	simm.s32 @!p0 $0x0  }
0x12: {  	s1 =	sld [smem:$0x3F9C];
	s0 =	simm.s32 @p0 $0x1  }
0x13: {  	[smem:$0x3FB7] =	sst s0;
	s0 =	simm.s32 @!p1 $0x0  }
0x14: {  	s2 =	sld [smem:$0x3F9B];
	s0 =	simm.s32 @p1 $0x1  }
0x15: {  	[smem:$0x3FB8] =	sst s0;
	s0 =	simm.s32 @!p2 $0x0  }
0x16: {  	s3 =	sld [smem:$0x3FDB];
	s0 =	simm.s32 @p2 $0x1  }
0x17: {  	s4 =	simm.s32 $0x1BF5;
	[smem:$0x3FBA] =	sst s0  }
0x18: {  	s0 =	sld [smem:$0x3F9D];
	_ =	swait.ge [sflag:s4], $0x0  }
0x19: {  	s7 =	sld [smem:$0x3F9E]  }
0x1a: {  	s8 =	sadd.s32 $0xFFFFE003, lr  }
0x1b: {  	s9 =	sadd.s32 $0xFFFFFEF7, lr;
	s5 =	simm.s32 $0xFFFFFFFF;
	p2 =	slt.u32 s8, $0xFFFFF086  }
0x1c: {  	p1 =	slt.u32 s9, $0xF7A;
	s5 =	simm.s32 @!p2 $0x0  }
0x1d: {  	s5 =	simm.s32 @p1 $0x1;
	p0 =	seq.s32 s7, s2  }
0x1e: {  	s7 =	smul.u32 @!p0 $0xF7A, s2;
	p2 =	seq.s32 @!p0 s5, $0x0  }
0x1f: {  	s9 =	smul.u32 $0xF7A, s1;
	s8 =	simm.s32 @!p0 $0x1BF5;
	p2 =	por !p2, p0  }
0x20: {  	[sflag:s8] =	ssyncset.s32 @!p0 $0xFFFFF086;
	s6 =	sadd.s32 @!p0 s3, s7;
	s7 =	simm.s32 @!p0 $0x108  }
0x21: {  	s3 =	sadd.s32 s3, s9;
	s6 =	sadd.s32 @!p0 $0x88, s6;
	s7 =	simm.s32 @p2 $0x1082  }
0x22: {  	[simem:s7], [sflag:s8] =	dma.local @!p0 [hbm:s6], $0xF7A  }
0x23: {  	s9 =	sor.u32 $0xD0000000, s2;
	s6 =	simm.s32 $0x108;
	_ =	swait.ge @!p0 [sflag:s8], $0x0  }
0x24: {  	s3 =	sadd.s32 $0x88, s3;
	s6 =	simm.s32 @!p1 $0x1082;
	[sflag:s4] =	ssyncset.s32 $0xFFFFF086  }
0x25: {  	[simem:s6], [sflag:s4] =	dma.local [hbm:s3], $0xF7A  }
0x26: {  	[smem:$0x3F9E] =	sst s1;
	(tag) =	ssettag s2;
	_ =	strace s9  }
0x27: {  	s1 =	sld [smem:$0x3FAE]  }
0x28: {  	s2 =	sld [smem:$0x3FAF]  }
0x29: {  	s4 =	sld [smem:$0x3FB1]  }
0x2a: {  	p0 =	seq.s32 s5, $0x0;
	s5 =	sld [smem:$0x3FB2]  }
0x2b: {  	s6 =	sld [smem:$0x3FB3]  }
0x2c: {  	s7 =	sld [smem:$0x3FB4]  }
0x2d: {  	s3 =	simm.s32 $0x108;
	s8 =	sld [smem:$0x3FB5]  }
0x2e: {  	s3 =	simm.s32 @!p0 $0x1082;
	s9 =	sld [smem:$0x3FB6]  }
0x2f: {  	lr =	sadd.s32 s0, s3;
	s0 =	sld [smem:$0x3FAD]  }
0x30: {  	s3 =	sld [smem:$0x3FB0]  }
0x31: {  	[smem:$0x3FB9] =	sst s10  }
0x32: {  	s10 =	sld [smem:$0x3FB7];
	_ =	sdelay $0x3  }
0x33: {  	p0 =	seq.s32 s10, $0x1;
	s10 =	sld [smem:$0x3FB9];
	_ =	sdelay $0x3  }
0x34: {  	[smem:$0x3FB9] =	sst s10  }
0x35: {  	s10 =	sld [smem:$0x3FB8];
	_ =	sdelay $0x3  }
0x36: {  	p1 =	seq.s32 s10, $0x1;
	s10 =	sld [smem:$0x3FB9];
	_ =	sdelay $0x3  }
0x37: {  	[smem:$0x3FB9] =	sst s10  }
0x38: {  	s10 =	sld [smem:$0x3FBA]  }
0x39: {  	_ = 	snop;
	(pc) =	sbr.ind lr, $3  }
0x3a: {  	_ = 	snop  }
0x3b: {  	_ = 	snop  }
0x3c: {  	p2 =	seq.s32 s10, $0x1;
	s10 =	sld [smem:$0x3FB9]  }
0x3d: {  	_ =	shalt  }
0x3e: {  	_ =	shalt  }
0x3f: {  	_ =	shalt  }
0x40: {  	_ =	shalt  }
0x41: {  	_ =	shalt  }
0x42: {  	_ =	shalt  }
0x43: {  	_ =	shalt  }
0x44: {  	_ =	shalt  }
0x45: {  	_ =	shalt  }
0x46: {  	_ =	shalt  }
0x47: {  	_ =	shalt  }
0x48: {  	_ =	shalt  }
0x49: {  	_ =	shalt  }
0x4a: {  	_ =	shalt  }
0x4b: {  	_ =	shalt  }
0x4c: {  	_ =	shalt  }
0x4d: {  	_ =	shalt  }
0x4e: {  	_ =	shalt  }
0x4f: {  	_ =	shalt  }
0x50: {  	_ =	shalt  }
0x51: {  	_ =	shalt  }
0x52: {  	_ =	shalt  }
0x53: {  	_ =	shalt  }
0x54: {  	_ =	shalt  }
0x55: {  	_ =	shalt  }
0x56: {  	_ =	shalt  }
0x57: {  	_ =	shalt  }
0x58: {  	_ =	shalt  }
0x59: {  	_ =	shalt  }
0x5a: {  	_ =	shalt  }
0x5b: {  	_ =	shalt  }
0x5c: {  	_ =	shalt  }
0x5d: {  	_ =	shalt  }
0x5e: {  	_ =	shalt  }
0x5f: {  	_ =	shalt  }
0x60: {  	_ =	shalt  }
0x61: {  	_ =	shalt  }
0x62: {  	_ =	shalt  }
0x63: {  	_ =	shalt  }
0x64: {  	_ =	shalt  }
0x65: {  	_ =	shalt  }
0x66: {  	_ =	shalt  }
0x67: {  	_ =	shalt  }
0x68: {  	_ =	shalt  }
0x69: {  	_ =	shalt  }
0x6a: {  	_ =	shalt  }
0x6b: {  	_ =	shalt  }
0x6c: {  	_ =	shalt  }
0x6d: {  	_ =	shalt  }
0x6e: {  	_ =	shalt  }
0x6f: {  	_ =	shalt  }
0x70: {  	_ =	shalt  }
0x71: {  	_ =	shalt  }
0x72: {  	_ =	shalt  }
0x73: {  	_ =	shalt  }
0x74: {  	_ =	shalt  }
0x75: {  	_ =	shalt  }
0x76: {  	_ =	shalt  }
0x77: {  	_ =	shalt  }
0x78: {  	_ =	shalt  }
0x79: {  	_ =	shalt  }
0x7a: {  	_ =	shalt  }
0x7b: {  	_ =	shalt  }
0x7c: {  	_ =	shalt  }
0x7d: {  	_ =	shalt  }
0x7e: {  	_ =	shalt  }
0x7f: {  	_ =	shalt  }
0x80: {  	_ =	shalt  }
0x81: {  	_ =	shalt  }
0x82: {  	_ =	shalt  }
0x83: {  	_ =	shalt  }
0x84: {  	_ =	shalt  }
0x85: {  	_ =	shalt  }
0x86: {  	_ =	shalt  }
0x87: {  	_ =	shalt  }
.Lfunc_end0:
.L_simem_size_0:
called_computation_lowered:
.L_overlay_start_0:
0x88: {  	s2 =	sld [smem:$0x3FD9]  }
0x89: {  	s3 =	sld [smem:$0x3FFE];
	_ =	sdelay $0x1  }
0x8a: {  	s1 =	srdreg.scid  }
0x8b: {  	s0 =	sand.u32 $0x1, s1  }
0x8c: {  	s17 =	sshll.u32 s0, $0xA;
	s2 =	sadd.s32 s3, s2  }
0x8d: {  	s2 =	sadd.s32 s2, s17  }
0x8e: {  	[smem:$0x3FC5] =	sst s2  }
0x8f: {  	_ = 	snop  }
0x90: {  	s2 =	sld [smem:$0x3FC8]  }
0x91: {  	s18 =	sld [smem:$0x3FC7]  }
0x92: {  	s4 =	sld [smem:$0x3FD0];
	(tm) =	ssettm $0x1  }
0x93: {  	s5 =	sld [smem:$0x3FFB];
	_ =	sdelay $0x3  }
0x94: {  	_ =	strace s5  }
0x95: {  	s5 =	sld [smem:$0x3FFC];
	_ =	sdelay $0x3  }
0x96: {  	_ =	strace s5  }
0x97: {  	s5 =	sld [smem:$0x3FFD];
	_ =	sdelay $0x3  }
0x98: {  	_ =	strace s5  }
0x99: {  	_ =	strace $0x8FFFFFFF  }
0x9a: {  	s19 =	sld [smem:$0x3FDB];
	_ =	sdelay $0x1  }
0x9b: {  	s6 =	simm.s32 $_scs_section_size  }
0x9c: {  	s7 =	simm.s32 $_size__tile_overlayer_lowered;
	s8 =	simm.s32 $_tile_overlayer_lowered  }
0x9d: {  	s22 =	simm.s32 $0x1BFF;
	s21 =	sshll.u32 s8, $0x1;
	s5 =	sadd.s32 s6, s19  }
0x9e: {  	s9 =	simm.s32 $0x0;
	s20 =	sshll.u32 s7, $0x1;
	s7 =	sadd.s32 s21, s5  }
0x9f: {  	[timem:s9], [sflag:s22] =	dma.local [hbm:s7], s20  }
0xa0: {  	_ =	swait.ge [sflag:s22], s20  }
0xa1: {  	s6 =	ssub.s32 $0x0, s20;
	[sflag:s22] =	ssyncset.done $0x0  }
0xa2: {  	[sflag:s22] =	ssyncadd.s32 s6;
	_ =	sdelay $0x1  }
0xa3: {  	s23 =	simm.s32 $0x1B8B  }
0xa4: {  	_ =	swait.ge [sflag:s23], $0x1  }
0xa5: {  	[sflag:s23] =	ssyncset.done $0x0  }
0xa6: {  	s25 =	simm.s32 $0x1B8E;
	s24 =	sld [smem:$0x3FFE];
	[sflag:s23] =	ssyncadd.s32 $0xFFFFFFFF  }
0xa7: {  	s26 =	simm.s32 $execute0_lowered;
	[smem:$0x3FD2] =	sst s25  }
0xa8: {  	s7 =	sshll.u32 s26, $0x1;
	_ =	strace $0x80000046;
	[dreg:$0x1] =	wrdreg $0xFFFFFFFF  }
0xa9: {  	s28 =	simm.s32 $_size_execute0_lowered;
	s5 =	sadd.s32 s5, s7;
	[dreg:$0x0] =	wrdreg $0x0  }
0xaa: {  	s7 =	sshll.u32 s28, $0x1;
	[dreg:$0x2] =	wrdreg s5  }
0xab: {  	[dreg:$0x3] =	wrdreg s7  }
0xac: {  	[dreg:$0x4] =	wrdreg $0xC0  }
0xad: {  	_ =	task [dreg:s9], $0x5FFFF  }
0xae: {  	[dreg:$0x1] =	wrdreg $0xFFFFFFFF  }
0xaf: {  	[dreg:$0x0] =	wrdreg $0x60  }
0xb0: {  	[dreg:$0x2] =	wrdreg s24  }
0xb1: {  	[dreg:$0x3] =	wrdreg s2  }
0xb2: {  	[dreg:$0x4] =	wrdreg s18  }
0xb3: {  	[dreg:$0x5] =	wrdreg s4  }
0xb4: {  	[dreg:$0x6] =	wrdreg $0x9  }
0xb5: {  	_ =	task.clear_ibuf [dreg:s9], $0x7FFFF;
	_ =	strace $0x90000046  }
0xb6: {  	s29 =	simm.s32 $0x9;
	_ =	strace $0x80000048  }
0xb7: {  	_ =	swait.ge [sflag:s29], $0x1  }
0xb8: {  	[sflag:s29] =	ssyncadd.s32 $0xFFFFFFFF  }
0xb9: {  	_ =	strace $0x90000048  }
0xba: {  	_ =	sfence  }
0xbb: {  	s30 =	sld [smem:$0x0];
	_ =	sdelay $0x2  }
0xbc: {  	s31 =	sshll.u32 s1, $0xD;
	s1 =	sshrl.u32 s1, $0x2  }
0xbd: {  	s3 =	sand.u32 $0x4000, s31;
	s1 =	sadd.s32 s1, s30  }
0xbe: {  	s0 =	sor.u32 s3, s0;
	s1 =	sshll.u32 s1, $0x11  }
0xbf: {  	s0 =	sor.u32 s1, s0  }
0xc0: {  	s0 =	sadd.s32 $0x8F2B, s0  }
0xc1: {  	[sflag:s0] =	ssyncadd.remote.s32 $0x1  }
0xc2: {  	_ =	sfence.sel $0xFFFF  }
0xc3: {  	[dreg:$0x0] =	wrdreg $0xFFFFFFFF;
	(pc) =	sbr.abs _section_cstart, $3  }
0xc4: {  	[dreg:$0x1] =	wrdreg $0xFFFFFFFF  }
0xc5: {  	_ =	task.clear_ibuf [dreg:s9], $0x2FFFF;
	_ =	strace $0x9FFFFFFF  }
0xc6: {  	(tm) =	ssettm $0x7FFFFFFF  }
0xc7: {  	_ =	shalt  }
tec
execute0_lowered:
.L_overlay_start_1:
0x0: {  	(tag) =	ssettag $0x1  }
0x1: {  	s0 =	rddreg [dreg:$0x0]  }
0x2: {  	s6 =	rddreg [dreg:$0x1]  }
0x3: {  	s1 =	rddreg [dreg:$0x2]  }
0x4: {  	s2 =	srdreg.scid;
	s3 =	stileid.u32  }
0x5: {  	s5 =	simm.s32 $0x0;
	s2 =	sand.u32 $0x1, s2;
	s3 =	sshll.u32 s3, $0x9  }
0x6: {  	[smem:$0x7FF] =	sst s5;
	s28 =	sadd.s32 $0x100, s6;
	s29 =	sadd.s32 $0x200, s6  }
0x7: {  	s30 =	sadd.s32 $0x300, s6;
	_ =	strace $0x80000047;
	[smem:$0x7FA] =	sst s28  }
0x8: {  	s4 =	sshll.u32 s2, $0x8;
	s2 =	ssub.s32 $0x2, s2;
	[smem:$0x7FB] =	sst s29  }
0x9: {  	[smem:$0x7FC] =	sst s30;
	s3 =	sor.u32 s4, s3;
	s21 =	sshrl.u32 s2, $0x1  }
0xa: {  	s4 =	sshrl.u32 s3, $0x3;
	s22 =	sshrl.u32 s3, $0x4;
	s3 =	sshll.u32 s3, $0x7  }
0xb: {  	s2 =	ssub.s32 s2, s21;
	[smem:$0x7F4] =	sst s22;
	s26 =	sadd.s32 s1, s3  }
0xc: {  	s0 =	sadd.s32 s4, s0;
	s31 =	smax.u32 s2, $0x1;
	[smem:$0x7F9] =	sst s26  }
0xd: {  	s23 =	sadd.s32 $0x400, s0;
	[smem:$0x7FD] =	sst s31  }
0xe: {  	s24 =	sadd.s32 $0x800, s0;
	[smem:$0x7F5] =	sst s23  }
0xf: {  	v2 =	vlaneseq.u32;
	s25 =	sadd.s32 $0xC00, s0;
	[smem:$0x7F6] =	sst s24  }
0x10: {  	vm0 =	vmmov $0xffff;
	v1 =	vshrl.u32 v2, $0x3;
	s0 =	sadd.s32 $0x1000, s0;
	[smem:$0x7F7] =	sst s25  }
0x11: {  	v0 =	vand.u32 $0x7, v2;
	v2 =	vor.u32 $0x8, v2;
	v1 =	vmul.u32 $0x8, v1;
	s2 =	simm.s32 $0x0;
	[smem:$0x7F8] =	sst s0  }
.LBB2_1:
0x12: {  	s0 =	sld [smem:$0x7F5];
	_ =	sdelay $0x1  }
0x13: {  	[smem:$0x7F3] =	sst s2;
	s1 =	simm.s32 $0x0;
	s13 =	simm.s32 $0x4  }
0x14: {  	[tilespmem:s1], [sflag:$0x4] =	stream.linear.gather [hbm4b:s0+s1], $0x100, $0x38;
	[tilespmem:$0x1C400] =	vst v63  }
0x15: {  	_ =	swait.ge [sflag:s13], $0x100  }
0x16: {  	s14 =	sld [smem:$0x7F6]  }
0x17: {  	[sflag:s13] =	ssyncset.done $0x0  }
0x18: {  	s3 =	simm.s32 $0x100;
	[sflag:s13] =	ssyncadd.s32 $0xFFFFFF00  }
0x19: {  	[tilespmem:s3], [sflag:$0x4] =	stream.linear.gather [hbm4b:s14+s1], $0x100, $0x38;
	[tilespmem:$0x1C400] =	vst v63  }
0x1a: {  	_ =	swait.ge [sflag:s13], $0x100  }
0x1b: {  	s15 =	sld [smem:$0x7F7]  }
0x1c: {  	[sflag:s13] =	ssyncset.done $0x0  }
0x1d: {  	s16 =	simm.s32 $0x200;
	[sflag:s13] =	ssyncadd.s32 $0xFFFFFF00  }
0x1e: {  	[tilespmem:s16], [sflag:$0x4] =	stream.linear.gather [hbm4b:s15+s1], $0x100, $0x38;
	[tilespmem:$0x1C400] =	vst v63  }
0x1f: {  	_ =	swait.ge [sflag:s13], $0x100  }
0x20: {  	s17 =	sld [smem:$0x7F8]  }
0x21: {  	[sflag:s13] =	ssyncset.done $0x0  }
0x22: {  	s18 =	simm.s32 $0x300;
	[sflag:s13] =	ssyncadd.s32 $0xFFFFFF00  }
0x23: {  	[tilespmem:s18], [sflag:$0x4] =	stream.linear.gather [hbm4b:s17+s1], $0x100, $0x38;
	[tilespmem:$0x1C400] =	vst v63  }
0x24: {  	_ =	swait.ge [sflag:s13], $0x100  }
0x25: {  	s19 =	sld [smem:$0x7F9]  }
0x26: {  	[sflag:s13] =	ssyncset.done $0x0  }
0x27: {  	s20 =	simm.s32 $0xC400;
	[sflag:s13] =	ssyncadd.s32 $0xFFFFFF00  }
0x28: {  	[tilespmem:s20], [sflag:$0x2] =	stream.linear.gather [hbm4b:s19+s1], $0x4000, $0x38;
	[tilespmem:$0x1C400] =	vst v63  }
0x29: {  	v3 =	vld [tilespmem:$0x0];
	_ =	sdelay $0x4  }
0x2a: {  	v4 =	vshll.u32 v3, $0x3  }
0x2b: {  	v3 =	vand.u32 $0x7, v3;
	v4 =	vand.u32 $0xFFFFFFC0, v4  }
0x2c: {  	v3 =	vor.u32 v3, v4  }
0x2d: {  	v4 =	vperm.xlane v3, v0;
	_ =	sdelay $0x1  }
0x2e: {  	v4 =	vadd.s32 v1, v4;
	_ =	sdelay $0x2  }
0x2f: {  	s23 =	sld [smem:$0x7FA]  }
0x30: {  	s22 =	simm.s32 $0x400;
	s21 =	rddreg [dreg:$0x1]  }
0x31: {  	[tilespmem:s22], [sflag:$0x1] =	stream.indirect_vreg.gather [hbm4b:s21+s1], $0x80, v4, vm0, $0xb8;
	[tilespmem:$0x1C400] =	vst v63  }
0x32: {  	s24 =	simm.s32 $0xC00;
	s25 =	sld [smem:$0x7FB];
	v3 =	vperm.xlane v3, v2  }
0x33: {  	[tilespmem:s24], [sflag:$0x1] =	stream.indirect_vreg.gather [hbm4b:s23+s1], $0x80, v4, vm0, $0xb8;
	[tilespmem:$0x1C400] =	vst v63  }
0x34: {  	s4 =	simm.s32 $0x1400;
	s26 =	sld [smem:$0x7FC];
	v3 =	vadd.s32 v1, v3  }
0x35: {  	[tilespmem:s4], [sflag:$0x1] =	stream.indirect_vreg.gather [hbm4b:s25+s1], $0x80, v4, vm0, $0xb8;
	[tilespmem:$0x1C400] =	vst v63  }
0x36: {  	s5 =	simm.s32 $0x1C00  }
0x37: {  	[tilespmem:s5], [sflag:$0x1] =	stream.indirect_vreg.gather [hbm4b:s26+s1], $0x80, v4, vm0, $0xb8;
	[tilespmem:$0x1C400] =	vst v63  }
0x38: {  	s28 =	simm.s32 $0x2400  }
0x39: {  	[tilespmem:s28], [sflag:$0x1] =	stream.indirect_vreg.gather [hbm4b:s21+s1], $0x80, v3, vm0, $0xb8;
	[tilespmem:$0x1C400] =	vst v63  }
0x3a: {  	s29 =	simm.s32 $0x2C00  }
0x3b: {  	[tilespmem:s29], [sflag:$0x1] =	stream.indirect_vreg.gather [hbm4b:s23+s1], $0x80, v3, vm0, $0xb8;
	[tilespmem:$0x1C400] =	vst v63  }
0x3c: {  	s30 =	simm.s32 $0x3400  }
0x3d: {  	[tilespmem:s30], [sflag:$0x1] =	stream.indirect_vreg.gather [hbm4b:s25+s1], $0x80, v3, vm0, $0xb8;
	[tilespmem:$0x1C400] =	vst v63  }
0x3e: {  	s31 =	simm.s32 $0x3C00;
	p0 =	por $0x0, $0x0;
	s7 =	simm.s32 $0x0  }
0x3f: {  	[tilespmem:s31], [sflag:$0x1] =	stream.indirect_vreg.gather [hbm4b:s26+s1], $0x80, v3, vm0, $0xb8;
	[tilespmem:$0x1C400] =	vst v63  }
.LBB2_2:
0x40: {  	p1 =	seq.s32 s7, $0x3F  }
.Ltmp0:
0x41: {  	_ = 	snop;
	(pc) =	sbr.rel @p1 .LBB2_5-.Ltmp0, $2  }
0x42: {  	_ =	sdelay $0x2  }
0x43: {  	s9 =	sand.u32 $0x3, s7;
	s8 =	sshrl.u32 s7, $0x2  }
0x44: {  	s0 =	sadd.s32 $0x1, s7  }
0x45: {  	s1 =	sshll.u32 s0, $0x8;
	s2 =	sshll.u32 s0, $0x2  }
0x46: {  	s1 =	sand.u32 $0x300, s1;
	s2 =	sand.u32 $0x1F0, s2  }
0x47: {  	s1 =	sadd.s32 s2, s1  }
0x48: {  	v3 =	vld [tilespmem:s1+$0x0];
	_ =	sdelay $0x4  }
0x49: {  	s22 =	smul.u32 $0xAB, s0;
	v4 =	vshll.u32 v3, $0x3  }
0x4a: {  	v3 =	vand.u32 $0x7, v3;
	v4 =	vand.u32 $0xFFFFFFC0, v4  }
0x4b: {  	s1 =	sshrl.u32 s22, $0x9;
	v3 =	vor.u32 v3, v4  }
0x4c: {  	s1 =	sand.u32 $0x7F, s1;
	v4 =	vperm.xlane v3, v0  }
0x4d: {  	s1 =	smul.u32 $0x3, s1  }
0x4e: {  	v4 =	vadd.s32 v1, v4  }
0x4f: {  	s0 =	ssub.s32 s0, s1  }
0x50: {  	s0 =	sand.u32 $0xFF, s0  }
0x51: {  	s24 =	rddreg [dreg:$0x1];
	s0 =	sshll.u32 s0, $0xE  }
0x52: {  	s3 =	simm.s32 $0x0;
	s4 =	sld [smem:$0x7FA];
	s23 =	sor.u32 $0x400, s0  }
0x53: {  	[tilespmem:s23], [sflag:$0x1] =	stream.indirect_vreg.gather [hbm4b:s24+s3], $0x80, v4, vm0, $0xb8;
	[tilespmem:$0x1C400] =	vst v63  }
0x54: {  	s5 =	sld [smem:$0x7FB];
	s25 =	sor.u32 $0xC00, s0;
	v3 =	vperm.xlane v3, v2  }
0x55: {  	[tilespmem:s25], [sflag:$0x1] =	stream.indirect_vreg.gather [hbm4b:s4+s3], $0x80, v4, vm0, $0xb8;
	[tilespmem:$0x1C400] =	vst v63  }
0x56: {  	s6 =	sld [smem:$0x7FC];
	s26 =	sor.u32 $0x1400, s0;
	v3 =	vadd.s32 v1, v3  }
0x57: {  	[tilespmem:s26], [sflag:$0x1] =	stream.indirect_vreg.gather [hbm4b:s5+s3], $0x80, v4, vm0, $0xb8;
	[tilespmem:$0x1C400] =	vst v63  }
0x58: {  	s28 =	sor.u32 $0x1C00, s0  }
0x59: {  	[tilespmem:s28], [sflag:$0x1] =	stream.indirect_vreg.gather [hbm4b:s6+s3], $0x80, v4, vm0, $0xb8;
	[tilespmem:$0x1C400] =	vst v63  }
0x5a: {  	s29 =	sor.u32 $0x2400, s0  }
0x5b: {  	[tilespmem:s29], [sflag:$0x1] =	stream.indirect_vreg.gather [hbm4b:s24+s3], $0x80, v3, vm0, $0xb8;
	[tilespmem:$0x1C400] =	vst v63  }
0x5c: {  	p1 =	seq.s32 s9, $0x3;
	s30 =	sor.u32 $0x2C00, s0  }
0x5d: {  	[tilespmem:s30], [sflag:$0x1] =	stream.indirect_vreg.gather [hbm4b:s4+s3], $0x80, v3, vm0, $0xb8;
	[tilespmem:$0x1C400] =	vst v63  }
.Ltmp1:
0x5e: {  	_ = 	snop;
	(pc) =	sbr.rel @p1 .LBB2_11-.Ltmp1, $4  }
0x5f: {  	s31 =	sor.u32 $0x3400, s0  }
0x60: {  	[tilespmem:s31], [sflag:$0x1] =	stream.indirect_vreg.gather [hbm4b:s5+s3], $0x80, v3, vm0, $0xb8;
	[tilespmem:$0x1C400] =	vst v63  }
0x61: {  	s2 =	simm.s32 $0x0;
	s0 =	sor.u32 $0x3C00, s0  }
0x62: {  	[tilespmem:s0], [sflag:$0x1] =	stream.indirect_vreg.gather [hbm4b:s6+s3], $0x80, v3, vm0, $0xb8;
	[tilespmem:$0x1C400] =	vst v63  }
0x63: {  	p1 =	sne.s32 s9, $0x0  }
0x64: {  	s0 =	simm.s32 @!p1 $0x2  }
0x65: {  	_ =	swait.ge @!p1 [sflag:s0], $0x4000  }
0x66: {  	[sflag:s0] =	ssyncset.done @!p1 $0x0  }
0x67: {  	[sflag:s0] =	ssyncadd.s32 @!p1 $0xFFFFC000;
	p1 =	slt.u32 s7, $0x2  }
.Ltmp2:
0x68: {  	_ = 	snop;
	(pc) =	sbr.rel @p1 .LBB2_6-.Ltmp2, $4  }
.Ltmp3:
0x69: {  	_ = 	snop;
	(pc) =	sbr.rel @!p1 .LBB2_5-.Ltmp3, $4  }
0x6a: {  	_ = 	snop  }
0x6b: {  	_ = 	snop  }
0x6c: {  	_ = 	snop  }
0x6d: {  	_ = 	snop  }
.LBB2_11:
0x6e: {  	s0 =	sadd.s32 $0x1, s8;
	s3 =	sld [smem:$0x7F9]  }
0x6f: {  	s1 =	sshll.u32 s0, $0xE  }
0x70: {  	s0 =	sshll.u32 s0, $0xB;
	s1 =	sand.u32 $0x4000, s1  }
0x71: {  	s1 =	sadd.s32 $0xC400, s1;
	s0 =	sadd.s32 s0, s3  }
0x72: {  	[tilespmem:s1], [sflag:$0x2] =	stream.linear.gather [hbm4b:s0+s2], $0x4000, $0x38;
	[tilespmem:$0x1C400] =	vst v63  }
.LBB2_5:
0x73: {  	s0 =	simm.s32 $0x3  }
0x74: {  	_ =	swait.ge [sflag:s0], $0x4000  }
0x75: {  	[sflag:s0] =	ssyncset.done $0x0  }
0x76: {  	[sflag:s0] =	ssyncadd.s32 $0xFFFFC000  }
.LBB2_6:
0x77: {  	s0 =	smul.u32 $0xAB, s7;
	_ =	sdelay $0x1  }
0x78: {  	s0 =	sshrl.u32 s0, $0x9  }
0x79: {  	s0 =	sand.u32 $0x7F, s0  }
0x7a: {  	s0 =	smul.u32 $0x3, s0;
	_ =	sdelay $0x1  }
0x7b: {  	s1 =	sshll.u32 s8, $0xE;
	s0 =	ssub.s32 s7, s0  }
0x7c: {  	s1 =	sand.u32 $0x4000, s1;
	s0 =	sand.u32 $0xFF, s0  }
0x7d: {  	s1 =	sadd.s32 $0xC400, s1;
	s0 =	sshll.u32 s0, $0xE  }
0x7e: {  	[smem:$0x7E6] =	sst s9;
	v4 =	vmov s1;
	s0 =	sor.u32 $0x400, s0  }
0x7f: {  	[smem:$0x7E7] =	sst s8;
	s3 =	simm.s32 $0x1;
	v3 =	vmov s0  }
0x80: {  	s2 =	simm.s32 $0x0;
	s11 =	simm.s32 $0x80;
	_ =	swait.ge [sflag:s3], $0x4000  }
0x81: {  	s12 =	sand.u32 $0x2000, s2;
	[sflag:s3] =	ssyncset.done $0x0;
	s0 =	sand.u32 $0x380, s11  }
0x82: {  	[sflag:s3] =	ssyncadd.s32 $0xFFFFC000;
	s4 =	sor.u32 s12, s0  }
0x83: {  	s13 =	sand.u32 $0x300, s2;
	v6 =	vld.idx.msk [tilespmem:v4+s4+$0x0 ss:$0x1], $0xffff  }
0x84: {  	s3 =	sor.u32 s13, s12;
	v5 =	vld.idx.msk [tilespmem:v3+s4+$0x0 ss:$0x1], $0xffff  }
0x85: {  	v8 =	vld.idx.msk [tilespmem:v4+s3+$0x0 ss:$0x1], $0xffff  }
0x86: {  	v7 =	vld.idx.msk [tilespmem:v3+s3+$0x0 ss:$0x1], $0xffff  }
0x87: {  	s0 =	simm.s32 $0x1  }
0x88: {  	s0 =	simm.s32 @!p0 $0x0  }
0x89: {  	s0 =	sshll.u32 s0, $0xE;
	v5 =	vadd.f32 v6, v5  }
0x8a: {  	s18 =	sadd.s32 $0x14800, s0  }
0x8b: {  	s14 =	sor.u32 $0x10, s4;
	v6 =	vadd.f32 v8, v7;
	[tilespmem:s18+$0x0] =	vst v5  }
0x8c: {  	v5 =	vld.idx.msk [tilespmem:v3+s14+$0x0 ss:$0x1], $0xffff  }
0x8d: {  	s1 =	sor.u32 $0x10, s3;
	[tilespmem:s18+$0xFFFFFC00] =	vst v6;
	v6 =	vld.idx.msk [tilespmem:v4+s14+$0x0 ss:$0x1], $0xffff  }
0x8e: {  	v7 =	vld.idx.msk [tilespmem:v3+s1+$0x0 ss:$0x1], $0xffff  }
0x8f: {  	v8 =	vld.idx.msk [tilespmem:v4+s1+$0x0 ss:$0x1], $0xffff;
	_ =	sdelay $0x2  }
0x90: {  	v5 =	vadd.f32 v6, v5;
	_ =	sdelay $0x1  }
0x91: {  	s15 =	sor.u32 $0x20, s4;
	v6 =	vadd.f32 v8, v7;
	[tilespmem:s18+$0x10] =	vst v5  }
0x92: {  	v5 =	vld.idx.msk [tilespmem:v3+s15+$0x0 ss:$0x1], $0xffff  }
0x93: {  	s16 =	sor.u32 $0x20, s3;
	[tilespmem:s18+$0xFFFFFC10] =	vst v6;
	v6 =	vld.idx.msk [tilespmem:v4+s15+$0x0 ss:$0x1], $0xffff  }
0x94: {  	v7 =	vld.idx.msk [tilespmem:v3+s16+$0x0 ss:$0x1], $0xffff  }
0x95: {  	v8 =	vld.idx.msk [tilespmem:v4+s16+$0x0 ss:$0x1], $0xffff;
	_ =	sdelay $0x2  }
0x96: {  	v5 =	vadd.f32 v6, v5;
	_ =	sdelay $0x1  }
0x97: {  	s17 =	sor.u32 $0x30, s4;
	v6 =	vadd.f32 v8, v7;
	[tilespmem:s18+$0x20] =	vst v5  }
0x98: {  	v5 =	vld.idx.msk [tilespmem:v3+s17+$0x0 ss:$0x1], $0xffff  }
0x99: {  	s19 =	sor.u32 $0x30, s3;
	[tilespmem:s18+$0xFFFFFC20] =	vst v6;
	v6 =	vld.idx.msk [tilespmem:v4+s17+$0x0 ss:$0x1], $0xffff  }
0x9a: {  	v7 =	vld.idx.msk [tilespmem:v3+s19+$0x0 ss:$0x1], $0xffff  }
0x9b: {  	v8 =	vld.idx.msk [tilespmem:v4+s19+$0x0 ss:$0x1], $0xffff;
	_ =	sdelay $0x2  }
0x9c: {  	v5 =	vadd.f32 v6, v5;
	_ =	sdelay $0x1  }
0x9d: {  	s20 =	sor.u32 $0x40, s4;
	v6 =	vadd.f32 v8, v7;
	[tilespmem:s18+$0x30] =	vst v5  }
0x9e: {  	v5 =	vld.idx.msk [tilespmem:v3+s20+$0x0 ss:$0x1], $0xffff  }
0x9f: {  	s21 =	sor.u32 $0x40, s3;
	[tilespmem:s18+$0xFFFFFC30] =	vst v6;
	v6 =	vld.idx.msk [tilespmem:v4+s20+$0x0 ss:$0x1], $0xffff  }
0xa0: {  	v7 =	vld.idx.msk [tilespmem:v3+s21+$0x0 ss:$0x1], $0xffff  }
0xa1: {  	v8 =	vld.idx.msk [tilespmem:v4+s21+$0x0 ss:$0x1], $0xffff;
	_ =	sdelay $0x2  }
0xa2: {  	v5 =	vadd.f32 v6, v5;
	_ =	sdelay $0x1  }
0xa3: {  	s22 =	sor.u32 $0x50, s4;
	v6 =	vadd.f32 v8, v7;
	[tilespmem:s18+$0x40] =	vst v5  }
0xa4: {  	v5 =	vld.idx.msk [tilespmem:v3+s22+$0x0 ss:$0x1], $0xffff  }
0xa5: {  	s23 =	sor.u32 $0x50, s3;
	[tilespmem:s18+$0xFFFFFC40] =	vst v6;
	v6 =	vld.idx.msk [tilespmem:v4+s22+$0x0 ss:$0x1], $0xffff  }
0xa6: {  	v7 =	vld.idx.msk [tilespmem:v3+s23+$0x0 ss:$0x1], $0xffff  }
0xa7: {  	v8 =	vld.idx.msk [tilespmem:v4+s23+$0x0 ss:$0x1], $0xffff;
	_ =	sdelay $0x2  }
0xa8: {  	v5 =	vadd.f32 v6, v5;
	_ =	sdelay $0x1  }
0xa9: {  	s24 =	sor.u32 $0x60, s4;
	v6 =	vadd.f32 v8, v7;
	[tilespmem:s18+$0x50] =	vst v5  }
0xaa: {  	v5 =	vld.idx.msk [tilespmem:v3+s24+$0x0 ss:$0x1], $0xffff  }
0xab: {  	s25 =	sor.u32 $0x60, s3;
	[tilespmem:s18+$0xFFFFFC50] =	vst v6;
	v6 =	vld.idx.msk [tilespmem:v4+s24+$0x0 ss:$0x1], $0xffff  }
0xac: {  	v7 =	vld.idx.msk [tilespmem:v3+s25+$0x0 ss:$0x1], $0xffff  }
0xad: {  	v8 =	vld.idx.msk [tilespmem:v4+s25+$0x0 ss:$0x1], $0xffff;
	_ =	sdelay $0x2  }
0xae: {  	v5 =	vadd.f32 v6, v5;
	_ =	sdelay $0x1  }
0xaf: {  	s26 =	sor.u32 $0x70, s4;
	v6 =	vadd.f32 v8, v7;
	[tilespmem:s18+$0x60] =	vst v5  }
0xb0: {  	v5 =	vld.idx.msk [tilespmem:v3+s26+$0x0 ss:$0x1], $0xffff  }
0xb1: {  	s28 =	sor.u32 $0x70, s3;
	[tilespmem:s18+$0xFFFFFC60] =	vst v6;
	v6 =	vld.idx.msk [tilespmem:v4+s26+$0x0 ss:$0x1], $0xffff  }
0xb2: {  	v7 =	vld.idx.msk [tilespmem:v3+s28+$0x0 ss:$0x1], $0xffff  }
0xb3: {  	v8 =	vld.idx.msk [tilespmem:v4+s28+$0x0 ss:$0x1], $0xffff;
	_ =	sdelay $0x2  }
0xb4: {  	v5 =	vadd.f32 v6, v5;
	_ =	sdelay $0x1  }
0xb5: {  	s1 =	sor.u32 $0x400, s4;
	v6 =	vadd.f32 v8, v7;
	[tilespmem:s18+$0x70] =	vst v5  }
0xb6: {  	v5 =	vld.idx.msk [tilespmem:v3+s1+$0x0 ss:$0x1], $0xffff  }
0xb7: {  	s5 =	sor.u32 $0x400, s3;
	[tilespmem:s18+$0xFFFFFC70] =	vst v6;
	v6 =	vld.idx.msk [tilespmem:v4+s1+$0x0 ss:$0x1], $0xffff  }
0xb8: {  	v7 =	vld.idx.msk [tilespmem:v3+s5+$0x0 ss:$0x1], $0xffff  }
0xb9: {  	v8 =	vld.idx.msk [tilespmem:v4+s5+$0x0 ss:$0x1], $0xffff;
	_ =	sdelay $0x2  }
0xba: {  	v5 =	vadd.f32 v6, v5;
	_ =	sdelay $0x1  }
0xbb: {  	s6 =	sor.u32 $0x410, s4;
	v6 =	vadd.f32 v8, v7;
	[tilespmem:s18+$0x80] =	vst v5  }
0xbc: {  	v5 =	vld.idx.msk [tilespmem:v3+s6+$0x0 ss:$0x1], $0xffff  }
0xbd: {  	s8 =	sor.u32 $0x410, s3;
	[tilespmem:s18+$0xFFFFFC80] =	vst v6;
	v6 =	vld.idx.msk [tilespmem:v4+s6+$0x0 ss:$0x1], $0xffff  }
0xbe: {  	v7 =	vld.idx.msk [tilespmem:v3+s8+$0x0 ss:$0x1], $0xffff  }
0xbf: {  	v8 =	vld.idx.msk [tilespmem:v4+s8+$0x0 ss:$0x1], $0xffff;
	_ =	sdelay $0x2  }
0xc0: {  	v5 =	vadd.f32 v6, v5;
	_ =	sdelay $0x1  }
0xc1: {  	s9 =	sor.u32 $0x420, s4;
	v6 =	vadd.f32 v8, v7;
	[tilespmem:s18+$0x90] =	vst v5  }
0xc2: {  	v5 =	vld.idx.msk [tilespmem:v3+s9+$0x0 ss:$0x1], $0xffff  }
0xc3: {  	s10 =	sor.u32 $0x420, s3;
	[tilespmem:s18+$0xFFFFFC90] =	vst v6;
	v6 =	vld.idx.msk [tilespmem:v4+s9+$0x0 ss:$0x1], $0xffff  }
0xc4: {  	v7 =	vld.idx.msk [tilespmem:v3+s10+$0x0 ss:$0x1], $0xffff  }
0xc5: {  	v8 =	vld.idx.msk [tilespmem:v4+s10+$0x0 ss:$0x1], $0xffff;
	_ =	sdelay $0x2  }
0xc6: {  	v5 =	vadd.f32 v6, v5;
	_ =	sdelay $0x1  }
0xc7: {  	s11 =	sor.u32 $0x430, s4;
	v6 =	vadd.f32 v8, v7;
	[tilespmem:s18+$0xA0] =	vst v5  }
0xc8: {  	v5 =	vld.idx.msk [tilespmem:v3+s11+$0x0 ss:$0x1], $0xffff  }
0xc9: {  	s12 =	sor.u32 $0x430, s3;
	[tilespmem:s18+$0xFFFFFCA0] =	vst v6;
	v6 =	vld.idx.msk [tilespmem:v4+s11+$0x0 ss:$0x1], $0xffff  }
0xca: {  	v7 =	vld.idx.msk [tilespmem:v3+s12+$0x0 ss:$0x1], $0xffff  }
0xcb: {  	v8 =	vld.idx.msk [tilespmem:v4+s12+$0x0 ss:$0x1], $0xffff;
	_ =	sdelay $0x2  }
0xcc: {  	v5 =	vadd.f32 v6, v5;
	_ =	sdelay $0x1  }
0xcd: {  	s13 =	sor.u32 $0x440, s4;
	v6 =	vadd.f32 v8, v7;
	[tilespmem:s18+$0xB0] =	vst v5  }
0xce: {  	v5 =	vld.idx.msk [tilespmem:v3+s13+$0x0 ss:$0x1], $0xffff  }
0xcf: {  	s14 =	sor.u32 $0x440, s3;
	[tilespmem:s18+$0xFFFFFCB0] =	vst v6;
	v6 =	vld.idx.msk [tilespmem:v4+s13+$0x0 ss:$0x1], $0xffff  }
0xd0: {  	v7 =	vld.idx.msk [tilespmem:v3+s14+$0x0 ss:$0x1], $0xffff  }
0xd1: {  	v8 =	vld.idx.msk [tilespmem:v4+s14+$0x0 ss:$0x1], $0xffff;
	_ =	sdelay $0x2  }
0xd2: {  	v5 =	vadd.f32 v6, v5;
	_ =	sdelay $0x1  }
0xd3: {  	s15 =	sor.u32 $0x450, s4;
	v6 =	vadd.f32 v8, v7;
	[tilespmem:s18+$0xC0] =	vst v5  }
0xd4: {  	v5 =	vld.idx.msk [tilespmem:v3+s15+$0x0 ss:$0x1], $0xffff  }
0xd5: {  	s16 =	sor.u32 $0x450, s3;
	[tilespmem:s18+$0xFFFFFCC0] =	vst v6;
	v6 =	vld.idx.msk [tilespmem:v4+s15+$0x0 ss:$0x1], $0xffff  }
0xd6: {  	v7 =	vld.idx.msk [tilespmem:v3+s16+$0x0 ss:$0x1], $0xffff  }
0xd7: {  	v8 =	vld.idx.msk [tilespmem:v4+s16+$0x0 ss:$0x1], $0xffff;
	_ =	sdelay $0x2  }
0xd8: {  	v5 =	vadd.f32 v6, v5;
	_ =	sdelay $0x1  }
0xd9: {  	s17 =	sor.u32 $0x460, s4;
	v6 =	vadd.f32 v8, v7;
	[tilespmem:s18+$0xD0] =	vst v5  }
0xda: {  	v5 =	vld.idx.msk [tilespmem:v3+s17+$0x0 ss:$0x1], $0xffff  }
0xdb: {  	s19 =	sor.u32 $0x460, s3;
	[tilespmem:s18+$0xFFFFFCD0] =	vst v6;
	v6 =	vld.idx.msk [tilespmem:v4+s17+$0x0 ss:$0x1], $0xffff  }
0xdc: {  	v7 =	vld.idx.msk [tilespmem:v3+s19+$0x0 ss:$0x1], $0xffff  }
0xdd: {  	v8 =	vld.idx.msk [tilespmem:v4+s19+$0x0 ss:$0x1], $0xffff;
	_ =	sdelay $0x2  }
0xde: {  	v5 =	vadd.f32 v6, v5;
	_ =	sdelay $0x1  }
0xdf: {  	s20 =	sor.u32 $0x470, s4;
	v6 =	vadd.f32 v8, v7;
	[tilespmem:s18+$0xE0] =	vst v5  }
0xe0: {  	v5 =	vld.idx.msk [tilespmem:v3+s20+$0x0 ss:$0x1], $0xffff  }
0xe1: {  	s21 =	sor.u32 $0x470, s3;
	[tilespmem:s18+$0xFFFFFCE0] =	vst v6;
	v6 =	vld.idx.msk [tilespmem:v4+s20+$0x0 ss:$0x1], $0xffff  }
0xe2: {  	v7 =	vld.idx.msk [tilespmem:v3+s21+$0x0 ss:$0x1], $0xffff  }
0xe3: {  	v8 =	vld.idx.msk [tilespmem:v4+s21+$0x0 ss:$0x1], $0xffff;
	_ =	sdelay $0x2  }
0xe4: {  	v5 =	vadd.f32 v6, v5;
	_ =	sdelay $0x1  }
0xe5: {  	s22 =	sor.u32 $0x800, s4;
	v6 =	vadd.f32 v8, v7;
	[tilespmem:s18+$0xF0] =	vst v5  }
0xe6: {  	v5 =	vld.idx.msk [tilespmem:v3+s22+$0x0 ss:$0x1], $0xffff  }
0xe7: {  	s23 =	sor.u32 $0x800, s3;
	[tilespmem:s18+$0xFFFFFCF0] =	vst v6;
	v6 =	vld.idx.msk [tilespmem:v4+s22+$0x0 ss:$0x1], $0xffff  }
0xe8: {  	v7 =	vld.idx.msk [tilespmem:v3+s23+$0x0 ss:$0x1], $0xffff  }
0xe9: {  	v8 =	vld.idx.msk [tilespmem:v4+s23+$0x0 ss:$0x1], $0xffff;
	_ =	sdelay $0x2  }
0xea: {  	v5 =	vadd.f32 v6, v5;
	_ =	sdelay $0x1  }
0xeb: {  	s24 =	sor.u32 $0x810, s4;
	v6 =	vadd.f32 v8, v7;
	[tilespmem:s18+$0x100] =	vst v5  }
0xec: {  	v5 =	vld.idx.msk [tilespmem:v3+s24+$0x0 ss:$0x1], $0xffff  }
0xed: {  	s25 =	sor.u32 $0x810, s3;
	[tilespmem:s18+$0xFFFFFD00] =	vst v6;
	v6 =	vld.idx.msk [tilespmem:v4+s24+$0x0 ss:$0x1], $0xffff  }
0xee: {  	v7 =	vld.idx.msk [tilespmem:v3+s25+$0x0 ss:$0x1], $0xffff  }
0xef: {  	v8 =	vld.idx.msk [tilespmem:v4+s25+$0x0 ss:$0x1], $0xffff;
	_ =	sdelay $0x2  }
0xf0: {  	v5 =	vadd.f32 v6, v5;
	_ =	sdelay $0x1  }
0xf1: {  	s26 =	sor.u32 $0x820, s4;
	v6 =	vadd.f32 v8, v7;
	[tilespmem:s18+$0x110] =	vst v5  }
0xf2: {  	v5 =	vld.idx.msk [tilespmem:v3+s26+$0x0 ss:$0x1], $0xffff  }
0xf3: {  	s28 =	sor.u32 $0x820, s3;
	[tilespmem:s18+$0xFFFFFD10] =	vst v6;
	v6 =	vld.idx.msk [tilespmem:v4+s26+$0x0 ss:$0x1], $0xffff  }
0xf4: {  	v7 =	vld.idx.msk [tilespmem:v3+s28+$0x0 ss:$0x1], $0xffff  }
0xf5: {  	v8 =	vld.idx.msk [tilespmem:v4+s28+$0x0 ss:$0x1], $0xffff;
	_ =	sdelay $0x2  }
0xf6: {  	v5 =	vadd.f32 v6, v5;
	_ =	sdelay $0x1  }
0xf7: {  	s1 =	sor.u32 $0x830, s4;
	v6 =	vadd.f32 v8, v7;
	[tilespmem:s18+$0x120] =	vst v5  }
0xf8: {  	v5 =	vld.idx.msk [tilespmem:v3+s1+$0x0 ss:$0x1], $0xffff  }
0xf9: {  	s5 =	sor.u32 $0x830, s3;
	[tilespmem:s18+$0xFFFFFD20] =	vst v6;
	v6 =	vld.idx.msk [tilespmem:v4+s1+$0x0 ss:$0x1], $0xffff  }
0xfa: {  	v7 =	vld.idx.msk [tilespmem:v3+s5+$0x0 ss:$0x1], $0xffff  }
0xfb: {  	v8 =	vld.idx.msk [tilespmem:v4+s5+$0x0 ss:$0x1], $0xffff;
	_ =	sdelay $0x2  }
0xfc: {  	v5 =	vadd.f32 v6, v5;
	_ =	sdelay $0x1  }
0xfd: {  	s6 =	sor.u32 $0x840, s4;
	v6 =	vadd.f32 v8, v7;
	[tilespmem:s18+$0x130] =	vst v5  }
0xfe: {  	v5 =	vld.idx.msk [tilespmem:v3+s6+$0x0 ss:$0x1], $0xffff  }
0xff: {  	s8 =	sor.u32 $0x840, s3;
	[tilespmem:s18+$0xFFFFFD30] =	vst v6;
	v6 =	vld.idx.msk [tilespmem:v4+s6+$0x0 ss:$0x1], $0xffff  }
0x100: {  	v7 =	vld.idx.msk [tilespmem:v3+s8+$0x0 ss:$0x1], $0xffff  }
0x101: {  	v8 =	vld.idx.msk [tilespmem:v4+s8+$0x0 ss:$0x1], $0xffff;
	_ =	sdelay $0x2  }
0x102: {  	v5 =	vadd.f32 v6, v5;
	_ =	sdelay $0x1  }
0x103: {  	s9 =	sor.u32 $0x850, s4;
	v6 =	vadd.f32 v8, v7;
	[tilespmem:s18+$0x140] =	vst v5  }
0x104: {  	v5 =	vld.idx.msk [tilespmem:v3+s9+$0x0 ss:$0x1], $0xffff  }
0x105: {  	s10 =	sor.u32 $0x850, s3;
	[tilespmem:s18+$0xFFFFFD40] =	vst v6;
	v6 =	vld.idx.msk [tilespmem:v4+s9+$0x0 ss:$0x1], $0xffff  }
0x106: {  	v7 =	vld.idx.msk [tilespmem:v3+s10+$0x0 ss:$0x1], $0xffff  }
0x107: {  	v8 =	vld.idx.msk [tilespmem:v4+s10+$0x0 ss:$0x1], $0xffff;
	_ =	sdelay $0x2  }
0x108: {  	v5 =	vadd.f32 v6, v5;
	_ =	sdelay $0x1  }
0x109: {  	s11 =	sor.u32 $0x860, s4;
	v6 =	vadd.f32 v8, v7;
	[tilespmem:s18+$0x150] =	vst v5  }
0x10a: {  	v5 =	vld.idx.msk [tilespmem:v3+s11+$0x0 ss:$0x1], $0xffff  }
0x10b: {  	s12 =	sor.u32 $0x860, s3;
	[tilespmem:s18+$0xFFFFFD50] =	vst v6;
	v6 =	vld.idx.msk [tilespmem:v4+s11+$0x0 ss:$0x1], $0xffff  }
0x10c: {  	v7 =	vld.idx.msk [tilespmem:v3+s12+$0x0 ss:$0x1], $0xffff  }
0x10d: {  	v8 =	vld.idx.msk [tilespmem:v4+s12+$0x0 ss:$0x1], $0xffff;
	_ =	sdelay $0x2  }
0x10e: {  	v5 =	vadd.f32 v6, v5;
	_ =	sdelay $0x1  }
0x10f: {  	s13 =	sor.u32 $0x870, s4;
	v6 =	vadd.f32 v8, v7;
	[tilespmem:s18+$0x160] =	vst v5  }
0x110: {  	v5 =	vld.idx.msk [tilespmem:v3+s13+$0x0 ss:$0x1], $0xffff  }
0x111: {  	s14 =	sor.u32 $0x870, s3;
	[tilespmem:s18+$0xFFFFFD60] =	vst v6;
	v6 =	vld.idx.msk [tilespmem:v4+s13+$0x0 ss:$0x1], $0xffff  }
0x112: {  	v7 =	vld.idx.msk [tilespmem:v3+s14+$0x0 ss:$0x1], $0xffff  }
0x113: {  	v8 =	vld.idx.msk [tilespmem:v4+s14+$0x0 ss:$0x1], $0xffff;
	_ =	sdelay $0x2  }
0x114: {  	v5 =	vadd.f32 v6, v5;
	_ =	sdelay $0x1  }
0x115: {  	s15 =	sor.u32 $0xC00, s4;
	v6 =	vadd.f32 v8, v7;
	[tilespmem:s18+$0x170] =	vst v5  }
0x116: {  	v5 =	vld.idx.msk [tilespmem:v3+s15+$0x0 ss:$0x1], $0xffff  }
0x117: {  	s16 =	sor.u32 $0xC00, s3;
	[tilespmem:s18+$0xFFFFFD70] =	vst v6;
	v6 =	vld.idx.msk [tilespmem:v4+s15+$0x0 ss:$0x1], $0xffff  }
0x118: {  	v7 =	vld.idx.msk [tilespmem:v3+s16+$0x0 ss:$0x1], $0xffff  }
0x119: {  	v8 =	vld.idx.msk [tilespmem:v4+s16+$0x0 ss:$0x1], $0xffff;
	_ =	sdelay $0x2  }
0x11a: {  	v5 =	vadd.f32 v6, v5;
	_ =	sdelay $0x1  }
0x11b: {  	s17 =	sor.u32 $0xC10, s4;
	v6 =	vadd.f32 v8, v7;
	[tilespmem:s18+$0x180] =	vst v5  }
0x11c: {  	v5 =	vld.idx.msk [tilespmem:v3+s17+$0x0 ss:$0x1], $0xffff  }
0x11d: {  	s19 =	sor.u32 $0xC10, s3;
	[tilespmem:s18+$0xFFFFFD80] =	vst v6;
	v6 =	vld.idx.msk [tilespmem:v4+s17+$0x0 ss:$0x1], $0xffff  }
0x11e: {  	s20 =	simm.s32 $0x180;
	s5 =	simm.s32 $0x800;
	v7 =	vld.idx.msk [tilespmem:v3+s19+$0x0 ss:$0x1], $0xffff  }
0x11f: {  	s0 =	sand.u32 $0x380, s20;
	s5 =	sand.u32 $0x2000, s5;
	v8 =	vld.idx.msk [tilespmem:v4+s19+$0x0 ss:$0x1], $0xffff  }
0x120: {  	s0 =	sor.u32 s5, s0;
	s6 =	simm.s32 $0x100  }
0x121: {  	v9 =	vld.idx.msk [tilespmem:v3+s0+$0x0 ss:$0x1], $0xffff;
	s21 =	sand.u32 $0x300, s6  }
0x122: {  	v10 =	vld.idx.msk [tilespmem:v4+s0+$0x0 ss:$0x1], $0xffff;
	s1 =	sor.u32 s21, s5;
	v5 =	vadd.f32 v6, v5  }
0x123: {  	v11 =	vld.idx.msk [tilespmem:v4+s1+$0x0 ss:$0x1], $0xffff  }
0x124: {  	s22 =	sor.u32 $0xC20, s4;
	v6 =	vld.idx.msk [tilespmem:v3+s1+$0x0 ss:$0x1], $0xffff;
	v7 =	vadd.f32 v8, v7;
	[tilespmem:s18+$0x190] =	vst v5  }
0x125: {  	v5 =	vld.idx.msk [tilespmem:v3+s22+$0x0 ss:$0x1], $0xffff  }
0x126: {  	s23 =	sor.u32 $0xC20, s3;
	[tilespmem:s18+$0xFFFFFD90] =	vst v7;
	v7 =	vld.idx.msk [tilespmem:v4+s22+$0x0 ss:$0x1], $0xffff  }
0x127: {  	v8 =	vadd.f32 v10, v9;
	v9 =	vld.idx.msk [tilespmem:v3+s23+$0x0 ss:$0x1], $0xffff  }
0x128: {  	s19 =	sadd.s32 $0x800, s18;
	v10 =	vld.idx.msk [tilespmem:v4+s23+$0x0 ss:$0x1], $0xffff  }
0x129: {  	s24 =	sor.u32 $0x10, s0;
	[tilespmem:s19+$0x0] =	vst v8;
	v6 =	vadd.f32 v11, v6  }
0x12a: {  	v8 =	vld.idx.msk [tilespmem:v3+s24+$0x0 ss:$0x1], $0xffff  }
0x12b: {  	s25 =	sor.u32 $0x10, s1;
	[tilespmem:s19+$0xFFFFFC00] =	vst v6;
	v6 =	vld.idx.msk [tilespmem:v4+s24+$0x0 ss:$0x1], $0xffff;
	v5 =	vadd.f32 v7, v5  }
0x12c: {  	v7 =	vld.idx.msk [tilespmem:v3+s25+$0x0 ss:$0x1], $0xffff  }
0x12d: {  	s26 =	sor.u32 $0xC30, s4;
	v11 =	vld.idx.msk [tilespmem:v4+s25+$0x0 ss:$0x1], $0xffff;
	v9 =	vadd.f32 v10, v9;
	[tilespmem:s18+$0x1A0] =	vst v5  }
0x12e: {  	v5 =	vld.idx.msk [tilespmem:v3+s26+$0x0 ss:$0x1], $0xffff  }
0x12f: {  	s28 =	sor.u32 $0xC30, s3;
	[tilespmem:s18+$0xFFFFFDA0] =	vst v9;
	v9 =	vld.idx.msk [tilespmem:v4+s26+$0x0 ss:$0x1], $0xffff  }
0x130: {  	v10 =	vld.idx.msk [tilespmem:v4+s28+$0x0 ss:$0x1], $0xffff;
	v6 =	vadd.f32 v6, v8  }
0x131: {  	v8 =	vld.idx.msk [tilespmem:v3+s28+$0x0 ss:$0x1], $0xffff  }
0x132: {  	s8 =	sor.u32 $0x20, s0;
	v7 =	vadd.f32 v11, v7;
	[tilespmem:s19+$0x10] =	vst v6  }
0x133: {  	v6 =	vld.idx.msk [tilespmem:v3+s8+$0x0 ss:$0x1], $0xffff  }
0x134: {  	s9 =	sor.u32 $0x20, s1;
	[tilespmem:s19+$0xFFFFFC10] =	vst v7;
	v7 =	vld.idx.msk [tilespmem:v4+s8+$0x0 ss:$0x1], $0xffff;
	v5 =	vadd.f32 v9, v5  }
0x135: {  	v9 =	vld.idx.msk [tilespmem:v3+s9+$0x0 ss:$0x1], $0xffff  }
0x136: {  	s10 =	sor.u32 $0xC40, s4;
	v11 =	vld.idx.msk [tilespmem:v4+s9+$0x0 ss:$0x1], $0xffff;
	v8 =	vadd.f32 v10, v8;
	[tilespmem:s18+$0x1B0] =	vst v5  }
0x137: {  	v5 =	vld.idx.msk [tilespmem:v3+s10+$0x0 ss:$0x1], $0xffff  }
0x138: {  	s11 =	sor.u32 $0xC40, s3;
	[tilespmem:s18+$0xFFFFFDB0] =	vst v8;
	v8 =	vld.idx.msk [tilespmem:v4+s10+$0x0 ss:$0x1], $0xffff  }
0x139: {  	v6 =	vadd.f32 v7, v6;
	v7 =	vld.idx.msk [tilespmem:v3+s11+$0x0 ss:$0x1], $0xffff  }
0x13a: {  	v10 =	vld.idx.msk [tilespmem:v4+s11+$0x0 ss:$0x1], $0xffff  }
0x13b: {  	s12 =	sor.u32 $0x30, s0;
	v9 =	vadd.f32 v11, v9;
	[tilespmem:s19+$0x20] =	vst v6  }
0x13c: {  	v6 =	vld.idx.msk [tilespmem:v3+s12+$0x0 ss:$0x1], $0xffff  }
0x13d: {  	s13 =	sor.u32 $0x30, s1;
	[tilespmem:s19+$0xFFFFFC20] =	vst v9;
	v9 =	vld.idx.msk [tilespmem:v4+s12+$0x0 ss:$0x1], $0xffff;
	v5 =	vadd.f32 v8, v5  }
0x13e: {  	v8 =	vld.idx.msk [tilespmem:v3+s13+$0x0 ss:$0x1], $0xffff  }
0x13f: {  	s14 =	sor.u32 $0xC50, s4;
	v11 =	vld.idx.msk [tilespmem:v4+s13+$0x0 ss:$0x1], $0xffff;
	v7 =	vadd.f32 v10, v7;
	[tilespmem:s18+$0x1C0] =	vst v5  }
0x140: {  	v5 =	vld.idx.msk [tilespmem:v3+s14+$0x0 ss:$0x1], $0xffff  }
0x141: {  	s15 =	sor.u32 $0xC50, s3;
	[tilespmem:s18+$0xFFFFFDC0] =	vst v7;
	v7 =	vld.idx.msk [tilespmem:v4+s14+$0x0 ss:$0x1], $0xffff  }
0x142: {  	v6 =	vadd.f32 v9, v6;
	v9 =	vld.idx.msk [tilespmem:v3+s15+$0x0 ss:$0x1], $0xffff  }
0x143: {  	v10 =	vld.idx.msk [tilespmem:v4+s15+$0x0 ss:$0x1], $0xffff  }
0x144: {  	s16 =	sor.u32 $0x40, s0;
	v8 =	vadd.f32 v11, v8;
	[tilespmem:s19+$0x30] =	vst v6  }
0x145: {  	v6 =	vld.idx.msk [tilespmem:v3+s16+$0x0 ss:$0x1], $0xffff  }
0x146: {  	s17 =	sor.u32 $0x40, s1;
	[tilespmem:s19+$0xFFFFFC30] =	vst v8;
	v8 =	vld.idx.msk [tilespmem:v4+s16+$0x0 ss:$0x1], $0xffff;
	v5 =	vadd.f32 v7, v5  }
0x147: {  	v7 =	vld.idx.msk [tilespmem:v3+s17+$0x0 ss:$0x1], $0xffff  }
0x148: {  	s20 =	sor.u32 $0xC60, s4;
	v11 =	vld.idx.msk [tilespmem:v4+s17+$0x0 ss:$0x1], $0xffff;
	v9 =	vadd.f32 v10, v9;
	[tilespmem:s18+$0x1D0] =	vst v5  }
0x149: {  	v5 =	vld.idx.msk [tilespmem:v3+s20+$0x0 ss:$0x1], $0xffff  }
0x14a: {  	s21 =	sor.u32 $0xC60, s3;
	[tilespmem:s18+$0xFFFFFDD0] =	vst v9;
	v9 =	vld.idx.msk [tilespmem:v4+s20+$0x0 ss:$0x1], $0xffff  }
0x14b: {  	v6 =	vadd.f32 v8, v6;
	v8 =	vld.idx.msk [tilespmem:v3+s21+$0x0 ss:$0x1], $0xffff  }
0x14c: {  	v10 =	vld.idx.msk [tilespmem:v4+s21+$0x0 ss:$0x1], $0xffff  }
0x14d: {  	s22 =	sor.u32 $0x50, s0;
	v7 =	vadd.f32 v11, v7;
	[tilespmem:s19+$0x40] =	vst v6  }
0x14e: {  	v6 =	vld.idx.msk [tilespmem:v3+s22+$0x0 ss:$0x1], $0xffff  }
0x14f: {  	s23 =	sor.u32 $0x50, s1;
	[tilespmem:s19+$0xFFFFFC40] =	vst v7;
	v7 =	vld.idx.msk [tilespmem:v4+s22+$0x0 ss:$0x1], $0xffff;
	v5 =	vadd.f32 v9, v5  }
0x150: {  	v9 =	vld.idx.msk [tilespmem:v3+s23+$0x0 ss:$0x1], $0xffff  }
0x151: {  	s24 =	sor.u32 $0xC70, s4;
	v11 =	vld.idx.msk [tilespmem:v4+s23+$0x0 ss:$0x1], $0xffff;
	v8 =	vadd.f32 v10, v8;
	[tilespmem:s18+$0x1E0] =	vst v5  }
0x152: {  	v5 =	vld.idx.msk [tilespmem:v3+s24+$0x0 ss:$0x1], $0xffff  }
0x153: {  	s25 =	sor.u32 $0xC70, s3;
	[tilespmem:s18+$0xFFFFFDE0] =	vst v8;
	v8 =	vld.idx.msk [tilespmem:v4+s24+$0x0 ss:$0x1], $0xffff  }
0x154: {  	v6 =	vadd.f32 v7, v6;
	v7 =	vld.idx.msk [tilespmem:v3+s25+$0x0 ss:$0x1], $0xffff  }
0x155: {  	v10 =	vld.idx.msk [tilespmem:v4+s25+$0x0 ss:$0x1], $0xffff  }
0x156: {  	s26 =	sor.u32 $0x60, s0;
	v9 =	vadd.f32 v11, v9;
	[tilespmem:s19+$0x50] =	vst v6  }
0x157: {  	v6 =	vld.idx.msk [tilespmem:v3+s26+$0x0 ss:$0x1], $0xffff  }
0x158: {  	s28 =	sor.u32 $0x60, s1;
	[tilespmem:s19+$0xFFFFFC50] =	vst v9;
	v9 =	vld.idx.msk [tilespmem:v4+s26+$0x0 ss:$0x1], $0xffff;
	v5 =	vadd.f32 v8, v5  }
0x159: {  	v8 =	vld.idx.msk [tilespmem:v3+s28+$0x0 ss:$0x1], $0xffff  }
0x15a: {  	s8 =	sor.u32 $0x1000, s4;
	v11 =	vld.idx.msk [tilespmem:v4+s28+$0x0 ss:$0x1], $0xffff;
	v7 =	vadd.f32 v10, v7;
	[tilespmem:s18+$0x1F0] =	vst v5  }
0x15b: {  	v5 =	vld.idx.msk [tilespmem:v3+s8+$0x0 ss:$0x1], $0xffff  }
0x15c: {  	s9 =	sor.u32 $0x1000, s3;
	[tilespmem:s18+$0xFFFFFDF0] =	vst v7;
	v7 =	vld.idx.msk [tilespmem:v4+s8+$0x0 ss:$0x1], $0xffff  }
0x15d: {  	v6 =	vadd.f32 v9, v6;
	v9 =	vld.idx.msk [tilespmem:v3+s9+$0x0 ss:$0x1], $0xffff  }
0x15e: {  	v10 =	vld.idx.msk [tilespmem:v4+s9+$0x0 ss:$0x1], $0xffff  }
0x15f: {  	s10 =	sor.u32 $0x70, s0;
	v8 =	vadd.f32 v11, v8;
	[tilespmem:s19+$0x60] =	vst v6  }
0x160: {  	v6 =	vld.idx.msk [tilespmem:v3+s10+$0x0 ss:$0x1], $0xffff  }
0x161: {  	s11 =	sor.u32 $0x70, s1;
	[tilespmem:s19+$0xFFFFFC60] =	vst v8;
	v8 =	vld.idx.msk [tilespmem:v4+s10+$0x0 ss:$0x1], $0xffff;
	v5 =	vadd.f32 v7, v5  }
0x162: {  	v7 =	vld.idx.msk [tilespmem:v3+s11+$0x0 ss:$0x1], $0xffff  }
0x163: {  	s12 =	sor.u32 $0x1010, s4;
	v11 =	vld.idx.msk [tilespmem:v4+s11+$0x0 ss:$0x1], $0xffff;
	v9 =	vadd.f32 v10, v9;
	[tilespmem:s18+$0x200] =	vst v5  }
0x164: {  	v5 =	vld.idx.msk [tilespmem:v3+s12+$0x0 ss:$0x1], $0xffff  }
0x165: {  	s13 =	sor.u32 $0x1010, s3;
	[tilespmem:s18+$0xFFFFFE00] =	vst v9;
	v9 =	vld.idx.msk [tilespmem:v4+s12+$0x0 ss:$0x1], $0xffff  }
0x166: {  	v6 =	vadd.f32 v8, v6;
	v8 =	vld.idx.msk [tilespmem:v3+s13+$0x0 ss:$0x1], $0xffff  }
0x167: {  	v10 =	vld.idx.msk [tilespmem:v4+s13+$0x0 ss:$0x1], $0xffff  }
0x168: {  	s14 =	sor.u32 $0x400, s0;
	v7 =	vadd.f32 v11, v7;
	[tilespmem:s19+$0x70] =	vst v6  }
0x169: {  	v6 =	vld.idx.msk [tilespmem:v3+s14+$0x0 ss:$0x1], $0xffff  }
0x16a: {  	s15 =	sor.u32 $0x400, s1;
	[tilespmem:s19+$0xFFFFFC70] =	vst v7;
	v7 =	vld.idx.msk [tilespmem:v4+s14+$0x0 ss:$0x1], $0xffff;
	v5 =	vadd.f32 v9, v5  }
0x16b: {  	v9 =	vld.idx.msk [tilespmem:v3+s15+$0x0 ss:$0x1], $0xffff  }
0x16c: {  	s16 =	sor.u32 $0x1020, s4;
	v11 =	vld.idx.msk [tilespmem:v4+s15+$0x0 ss:$0x1], $0xffff;
	v8 =	vadd.f32 v10, v8;
	[tilespmem:s18+$0x210] =	vst v5  }
0x16d: {  	v5 =	vld.idx.msk [tilespmem:v3+s16+$0x0 ss:$0x1], $0xffff  }
0x16e: {  	s17 =	sor.u32 $0x1020, s3;
	[tilespmem:s18+$0xFFFFFE10] =	vst v8;
	v8 =	vld.idx.msk [tilespmem:v4+s16+$0x0 ss:$0x1], $0xffff  }
0x16f: {  	v6 =	vadd.f32 v7, v6;
	v7 =	vld.idx.msk [tilespmem:v3+s17+$0x0 ss:$0x1], $0xffff  }
0x170: {  	v10 =	vld.idx.msk [tilespmem:v4+s17+$0x0 ss:$0x1], $0xffff  }
0x171: {  	s20 =	sor.u32 $0x410, s0;
	v9 =	vadd.f32 v11, v9;
	[tilespmem:s19+$0x80] =	vst v6  }
0x172: {  	v6 =	vld.idx.msk [tilespmem:v3+s20+$0x0 ss:$0x1], $0xffff  }
0x173: {  	s21 =	sor.u32 $0x410, s1;
	[tilespmem:s19+$0xFFFFFC80] =	vst v9;
	v9 =	vld.idx.msk [tilespmem:v4+s20+$0x0 ss:$0x1], $0xffff;
	v5 =	vadd.f32 v8, v5  }
0x174: {  	v8 =	vld.idx.msk [tilespmem:v3+s21+$0x0 ss:$0x1], $0xffff  }
0x175: {  	s22 =	sor.u32 $0x1030, s4;
	v11 =	vld.idx.msk [tilespmem:v4+s21+$0x0 ss:$0x1], $0xffff;
	v7 =	vadd.f32 v10, v7;
	[tilespmem:s18+$0x220] =	vst v5  }
0x176: {  	v5 =	vld.idx.msk [tilespmem:v3+s22+$0x0 ss:$0x1], $0xffff  }
0x177: {  	s23 =	sor.u32 $0x1030, s3;
	[tilespmem:s18+$0xFFFFFE20] =	vst v7;
	v7 =	vld.idx.msk [tilespmem:v4+s22+$0x0 ss:$0x1], $0xffff  }
0x178: {  	v6 =	vadd.f32 v9, v6;
	v9 =	vld.idx.msk [tilespmem:v3+s23+$0x0 ss:$0x1], $0xffff  }
0x179: {  	v10 =	vld.idx.msk [tilespmem:v4+s23+$0x0 ss:$0x1], $0xffff  }
0x17a: {  	s24 =	sor.u32 $0x420, s0;
	v8 =	vadd.f32 v11, v8;
	[tilespmem:s19+$0x90] =	vst v6  }
0x17b: {  	v6 =	vld.idx.msk [tilespmem:v3+s24+$0x0 ss:$0x1], $0xffff  }
0x17c: {  	s25 =	sor.u32 $0x420, s1;
	[tilespmem:s19+$0xFFFFFC90] =	vst v8;
	v8 =	vld.idx.msk [tilespmem:v4+s24+$0x0 ss:$0x1], $0xffff;
	v5 =	vadd.f32 v7, v5  }
0x17d: {  	v7 =	vld.idx.msk [tilespmem:v3+s25+$0x0 ss:$0x1], $0xffff  }
0x17e: {  	s26 =	sor.u32 $0x1040, s4;
	v11 =	vld.idx.msk [tilespmem:v4+s25+$0x0 ss:$0x1], $0xffff;
	v9 =	vadd.f32 v10, v9;
	[tilespmem:s18+$0x230] =	vst v5  }
0x17f: {  	v5 =	vld.idx.msk [tilespmem:v3+s26+$0x0 ss:$0x1], $0xffff  }
0x180: {  	s28 =	sor.u32 $0x1040, s3;
	[tilespmem:s18+$0xFFFFFE30] =	vst v9;
	v9 =	vld.idx.msk [tilespmem:v4+s26+$0x0 ss:$0x1], $0xffff  }
0x181: {  	v6 =	vadd.f32 v8, v6;
	v8 =	vld.idx.msk [tilespmem:v3+s28+$0x0 ss:$0x1], $0xffff  }
0x182: {  	v10 =	vld.idx.msk [tilespmem:v4+s28+$0x0 ss:$0x1], $0xffff  }
0x183: {  	s8 =	sor.u32 $0x430, s0;
	v7 =	vadd.f32 v11, v7;
	[tilespmem:s19+$0xA0] =	vst v6  }
0x184: {  	v6 =	vld.idx.msk [tilespmem:v3+s8+$0x0 ss:$0x1], $0xffff  }
0x185: {  	s9 =	sor.u32 $0x430, s1;
	[tilespmem:s19+$0xFFFFFCA0] =	vst v7;
	v7 =	vld.idx.msk [tilespmem:v4+s8+$0x0 ss:$0x1], $0xffff;
	v5 =	vadd.f32 v9, v5  }
0x186: {  	v9 =	vld.idx.msk [tilespmem:v3+s9+$0x0 ss:$0x1], $0xffff  }
0x187: {  	s10 =	sor.u32 $0x1050, s4;
	v11 =	vld.idx.msk [tilespmem:v4+s9+$0x0 ss:$0x1], $0xffff;
	v8 =	vadd.f32 v10, v8;
	[tilespmem:s18+$0x240] =	vst v5  }
0x188: {  	v5 =	vld.idx.msk [tilespmem:v3+s10+$0x0 ss:$0x1], $0xffff  }
0x189: {  	s11 =	sor.u32 $0x1050, s3;
	[tilespmem:s18+$0xFFFFFE40] =	vst v8;
	v8 =	vld.idx.msk [tilespmem:v4+s10+$0x0 ss:$0x1], $0xffff  }
0x18a: {  	v6 =	vadd.f32 v7, v6;
	v7 =	vld.idx.msk [tilespmem:v3+s11+$0x0 ss:$0x1], $0xffff  }
0x18b: {  	v10 =	vld.idx.msk [tilespmem:v4+s11+$0x0 ss:$0x1], $0xffff  }
0x18c: {  	s12 =	sor.u32 $0x440, s0;
	v9 =	vadd.f32 v11, v9;
	[tilespmem:s19+$0xB0] =	vst v6  }
0x18d: {  	v6 =	vld.idx.msk [tilespmem:v3+s12+$0x0 ss:$0x1], $0xffff  }
0x18e: {  	s13 =	sor.u32 $0x440, s1;
	[tilespmem:s19+$0xFFFFFCB0] =	vst v9;
	v9 =	vld.idx.msk [tilespmem:v4+s12+$0x0 ss:$0x1], $0xffff;
	v5 =	vadd.f32 v8, v5  }
0x18f: {  	v8 =	vld.idx.msk [tilespmem:v3+s13+$0x0 ss:$0x1], $0xffff  }
0x190: {  	s14 =	sor.u32 $0x1060, s4;
	v11 =	vld.idx.msk [tilespmem:v4+s13+$0x0 ss:$0x1], $0xffff;
	v7 =	vadd.f32 v10, v7;
	[tilespmem:s18+$0x250] =	vst v5  }
0x191: {  	v5 =	vld.idx.msk [tilespmem:v3+s14+$0x0 ss:$0x1], $0xffff  }
0x192: {  	s15 =	sor.u32 $0x1060, s3;
	[tilespmem:s18+$0xFFFFFE50] =	vst v7;
	v7 =	vld.idx.msk [tilespmem:v4+s14+$0x0 ss:$0x1], $0xffff  }
0x193: {  	v6 =	vadd.f32 v9, v6;
	v9 =	vld.idx.msk [tilespmem:v3+s15+$0x0 ss:$0x1], $0xffff  }
0x194: {  	v10 =	vld.idx.msk [tilespmem:v4+s15+$0x0 ss:$0x1], $0xffff  }
0x195: {  	s16 =	sor.u32 $0x450, s0;
	v8 =	vadd.f32 v11, v8;
	[tilespmem:s19+$0xC0] =	vst v6  }
0x196: {  	v6 =	vld.idx.msk [tilespmem:v3+s16+$0x0 ss:$0x1], $0xffff  }
0x197: {  	s17 =	sor.u32 $0x450, s1;
	[tilespmem:s19+$0xFFFFFCC0] =	vst v8;
	v8 =	vld.idx.msk [tilespmem:v4+s16+$0x0 ss:$0x1], $0xffff;
	v5 =	vadd.f32 v7, v5  }
0x198: {  	v7 =	vld.idx.msk [tilespmem:v3+s17+$0x0 ss:$0x1], $0xffff  }
0x199: {  	s20 =	sor.u32 $0x1070, s4;
	v11 =	vld.idx.msk [tilespmem:v4+s17+$0x0 ss:$0x1], $0xffff;
	v9 =	vadd.f32 v10, v9;
	[tilespmem:s18+$0x260] =	vst v5  }
0x19a: {  	v5 =	vld.idx.msk [tilespmem:v3+s20+$0x0 ss:$0x1], $0xffff  }
0x19b: {  	s21 =	sor.u32 $0x1070, s3;
	[tilespmem:s18+$0xFFFFFE60] =	vst v9;
	v9 =	vld.idx.msk [tilespmem:v4+s20+$0x0 ss:$0x1], $0xffff  }
0x19c: {  	v6 =	vadd.f32 v8, v6;
	v8 =	vld.idx.msk [tilespmem:v3+s21+$0x0 ss:$0x1], $0xffff  }
0x19d: {  	v10 =	vld.idx.msk [tilespmem:v4+s21+$0x0 ss:$0x1], $0xffff  }
0x19e: {  	s22 =	sor.u32 $0x460, s0;
	v7 =	vadd.f32 v11, v7;
	[tilespmem:s19+$0xD0] =	vst v6  }
0x19f: {  	v6 =	vld.idx.msk [tilespmem:v3+s22+$0x0 ss:$0x1], $0xffff  }
0x1a0: {  	s23 =	sor.u32 $0x460, s1;
	[tilespmem:s19+$0xFFFFFCD0] =	vst v7;
	v7 =	vld.idx.msk [tilespmem:v4+s22+$0x0 ss:$0x1], $0xffff;
	v5 =	vadd.f32 v9, v5  }
0x1a1: {  	v9 =	vld.idx.msk [tilespmem:v3+s23+$0x0 ss:$0x1], $0xffff  }
0x1a2: {  	s24 =	sor.u32 $0x1400, s4;
	v11 =	vld.idx.msk [tilespmem:v4+s23+$0x0 ss:$0x1], $0xffff;
	v8 =	vadd.f32 v10, v8;
	[tilespmem:s18+$0x270] =	vst v5  }
0x1a3: {  	v5 =	vld.idx.msk [tilespmem:v3+s24+$0x0 ss:$0x1], $0xffff  }
0x1a4: {  	[tilespmem:s18+$0xFFFFFE70] =	vst v8;
	v8 =	vld.idx.msk [tilespmem:v4+s24+$0x0 ss:$0x1], $0xffff  }
0x1a5: {  	s25 =	sor.u32 $0x1400, s3;
	v6 =	vadd.f32 v7, v6  }
0x1a6: {  	v7 =	vld.idx.msk [tilespmem:v3+s25+$0x0 ss:$0x1], $0xffff  }
0x1a7: {  	s26 =	sor.u32 $0x470, s0;
	v10 =	vld.idx.msk [tilespmem:v4+s25+$0x0 ss:$0x1], $0xffff;
	v9 =	vadd.f32 v11, v9;
	[tilespmem:s19+$0xE0] =	vst v6  }
0x1a8: {  	v6 =	vld.idx.msk [tilespmem:v3+s26+$0x0 ss:$0x1], $0xffff  }
0x1a9: {  	s28 =	sor.u32 $0x470, s1;
	[tilespmem:s19+$0xFFFFFCE0] =	vst v9;
	v9 =	vld.idx.msk [tilespmem:v4+s26+$0x0 ss:$0x1], $0xffff;
	v5 =	vadd.f32 v8, v5  }
0x1aa: {  	v8 =	vld.idx.msk [tilespmem:v3+s28+$0x0 ss:$0x1], $0xffff  }
0x1ab: {  	s8 =	sor.u32 $0x1410, s4;
	v11 =	vld.idx.msk [tilespmem:v4+s28+$0x0 ss:$0x1], $0xffff;
	[tilespmem:s18+$0x280] =	vst v5  }
0x1ac: {  	v5 =	vadd.f32 v10, v7;
	v7 =	vld.idx.msk [tilespmem:v3+s8+$0x0 ss:$0x1], $0xffff  }
0x1ad: {  	v10 =	vld.idx.msk [tilespmem:v4+s8+$0x0 ss:$0x1], $0xffff  }
0x1ae: {  	s9 =	sor.u32 $0x1410, s3;
	[tilespmem:s18+$0xFFFFFE80] =	vst v5;
	v5 =	vadd.f32 v9, v6  }
0x1af: {  	v6 =	vld.idx.msk [tilespmem:v3+s9+$0x0 ss:$0x1], $0xffff  }
0x1b0: {  	s10 =	sor.u32 $0x800, s0;
	v9 =	vld.idx.msk [tilespmem:v4+s9+$0x0 ss:$0x1], $0xffff;
	v8 =	vadd.f32 v11, v8;
	[tilespmem:s19+$0xF0] =	vst v5  }
0x1b1: {  	v5 =	vld.idx.msk [tilespmem:v3+s10+$0x0 ss:$0x1], $0xffff  }
0x1b2: {  	s11 =	sor.u32 $0x800, s1;
	[tilespmem:s19+$0xFFFFFCF0] =	vst v8;
	v8 =	vld.idx.msk [tilespmem:v4+s10+$0x0 ss:$0x1], $0xffff;
	v7 =	vadd.f32 v10, v7  }
0x1b3: {  	v10 =	vld.idx.msk [tilespmem:v3+s11+$0x0 ss:$0x1], $0xffff  }
0x1b4: {  	s12 =	sor.u32 $0x1420, s4;
	v11 =	vld.idx.msk [tilespmem:v4+s11+$0x0 ss:$0x1], $0xffff;
	[tilespmem:s18+$0x290] =	vst v7  }
0x1b5: {  	v6 =	vadd.f32 v9, v6;
	v7 =	vld.idx.msk [tilespmem:v3+s12+$0x0 ss:$0x1], $0xffff  }
0x1b6: {  	v9 =	vld.idx.msk [tilespmem:v4+s12+$0x0 ss:$0x1], $0xffff  }
0x1b7: {  	s13 =	sor.u32 $0x1420, s3;
	[tilespmem:s18+$0xFFFFFE90] =	vst v6;
	v5 =	vadd.f32 v8, v5  }
0x1b8: {  	v6 =	vld.idx.msk [tilespmem:v3+s13+$0x0 ss:$0x1], $0xffff  }
0x1b9: {  	s14 =	sor.u32 $0x810, s0;
	v8 =	vld.idx.msk [tilespmem:v4+s13+$0x0 ss:$0x1], $0xffff;
	v10 =	vadd.f32 v11, v10;
	[tilespmem:s19+$0x100] =	vst v5  }
0x1ba: {  	v5 =	vld.idx.msk [tilespmem:v3+s14+$0x0 ss:$0x1], $0xffff  }
0x1bb: {  	s15 =	sor.u32 $0x810, s1;
	[tilespmem:s19+$0xFFFFFD00] =	vst v10;
	v10 =	vld.idx.msk [tilespmem:v4+s14+$0x0 ss:$0x1], $0xffff;
	v7 =	vadd.f32 v9, v7  }
0x1bc: {  	v9 =	vld.idx.msk [tilespmem:v3+s15+$0x0 ss:$0x1], $0xffff  }
0x1bd: {  	s16 =	sor.u32 $0x1430, s4;
	v11 =	vld.idx.msk [tilespmem:v4+s15+$0x0 ss:$0x1], $0xffff;
	[tilespmem:s18+$0x2A0] =	vst v7  }
0x1be: {  	v6 =	vadd.f32 v8, v6;
	v7 =	vld.idx.msk [tilespmem:v3+s16+$0x0 ss:$0x1], $0xffff  }
0x1bf: {  	v8 =	vld.idx.msk [tilespmem:v4+s16+$0x0 ss:$0x1], $0xffff  }
0x1c0: {  	s17 =	sor.u32 $0x1430, s3;
	[tilespmem:s18+$0xFFFFFEA0] =	vst v6;
	v5 =	vadd.f32 v10, v5  }
0x1c1: {  	v6 =	vld.idx.msk [tilespmem:v3+s17+$0x0 ss:$0x1], $0xffff  }
0x1c2: {  	s20 =	sor.u32 $0x820, s0;
	v10 =	vld.idx.msk [tilespmem:v4+s17+$0x0 ss:$0x1], $0xffff;
	v9 =	vadd.f32 v11, v9;
	[tilespmem:s19+$0x110] =	vst v5  }
0x1c3: {  	v5 =	vld.idx.msk [tilespmem:v3+s20+$0x0 ss:$0x1], $0xffff  }
0x1c4: {  	s21 =	sor.u32 $0x820, s1;
	[tilespmem:s19+$0xFFFFFD10] =	vst v9;
	v9 =	vld.idx.msk [tilespmem:v4+s20+$0x0 ss:$0x1], $0xffff;
	v7 =	vadd.f32 v8, v7  }
0x1c5: {  	v8 =	vld.idx.msk [tilespmem:v3+s21+$0x0 ss:$0x1], $0xffff  }
0x1c6: {  	s22 =	sor.u32 $0x1440, s4;
	v11 =	vld.idx.msk [tilespmem:v4+s21+$0x0 ss:$0x1], $0xffff;
	[tilespmem:s18+$0x2B0] =	vst v7  }
0x1c7: {  	v6 =	vadd.f32 v10, v6;
	v7 =	vld.idx.msk [tilespmem:v3+s22+$0x0 ss:$0x1], $0xffff  }
0x1c8: {  	v10 =	vld.idx.msk [tilespmem:v4+s22+$0x0 ss:$0x1], $0xffff  }
0x1c9: {  	s23 =	sor.u32 $0x1440, s3;
	[tilespmem:s18+$0xFFFFFEB0] =	vst v6;
	v5 =	vadd.f32 v9, v5  }
0x1ca: {  	v6 =	vld.idx.msk [tilespmem:v3+s23+$0x0 ss:$0x1], $0xffff  }
0x1cb: {  	s24 =	sor.u32 $0x830, s0;
	v9 =	vld.idx.msk [tilespmem:v4+s23+$0x0 ss:$0x1], $0xffff;
	v8 =	vadd.f32 v11, v8;
	[tilespmem:s19+$0x120] =	vst v5  }
0x1cc: {  	v5 =	vld.idx.msk [tilespmem:v3+s24+$0x0 ss:$0x1], $0xffff  }
0x1cd: {  	s25 =	sor.u32 $0x830, s1;
	[tilespmem:s19+$0xFFFFFD20] =	vst v8;
	v8 =	vld.idx.msk [tilespmem:v4+s24+$0x0 ss:$0x1], $0xffff;
	v7 =	vadd.f32 v10, v7  }
0x1ce: {  	v10 =	vld.idx.msk [tilespmem:v3+s25+$0x0 ss:$0x1], $0xffff  }
0x1cf: {  	s26 =	sor.u32 $0x1450, s4;
	v11 =	vld.idx.msk [tilespmem:v4+s25+$0x0 ss:$0x1], $0xffff;
	[tilespmem:s18+$0x2C0] =	vst v7  }
0x1d0: {  	v6 =	vadd.f32 v9, v6;
	v7 =	vld.idx.msk [tilespmem:v3+s26+$0x0 ss:$0x1], $0xffff  }
0x1d1: {  	v9 =	vld.idx.msk [tilespmem:v4+s26+$0x0 ss:$0x1], $0xffff  }
0x1d2: {  	s28 =	sor.u32 $0x1450, s3;
	[tilespmem:s18+$0xFFFFFEC0] =	vst v6;
	v5 =	vadd.f32 v8, v5  }
0x1d3: {  	v6 =	vld.idx.msk [tilespmem:v3+s28+$0x0 ss:$0x1], $0xffff  }
0x1d4: {  	s6 =	sor.u32 $0x840, s0;
	v8 =	vld.idx.msk [tilespmem:v4+s28+$0x0 ss:$0x1], $0xffff;
	v10 =	vadd.f32 v11, v10;
	[tilespmem:s19+$0x130] =	vst v5  }
0x1d5: {  	v5 =	vld.idx.msk [tilespmem:v3+s6+$0x0 ss:$0x1], $0xffff  }
0x1d6: {  	s8 =	sor.u32 $0x840, s1;
	[tilespmem:s19+$0xFFFFFD30] =	vst v10;
	v10 =	vld.idx.msk [tilespmem:v4+s6+$0x0 ss:$0x1], $0xffff;
	v7 =	vadd.f32 v9, v7  }
0x1d7: {  	v9 =	vld.idx.msk [tilespmem:v3+s8+$0x0 ss:$0x1], $0xffff  }
0x1d8: {  	s9 =	sor.u32 $0x1460, s4;
	v11 =	vld.idx.msk [tilespmem:v4+s8+$0x0 ss:$0x1], $0xffff;
	[tilespmem:s18+$0x2D0] =	vst v7  }
0x1d9: {  	v6 =	vadd.f32 v8, v6;
	v7 =	vld.idx.msk [tilespmem:v3+s9+$0x0 ss:$0x1], $0xffff  }
0x1da: {  	v8 =	vld.idx.msk [tilespmem:v4+s9+$0x0 ss:$0x1], $0xffff  }
0x1db: {  	s10 =	sor.u32 $0x1460, s3;
	[tilespmem:s18+$0xFFFFFED0] =	vst v6;
	v5 =	vadd.f32 v10, v5  }
0x1dc: {  	v6 =	vld.idx.msk [tilespmem:v3+s10+$0x0 ss:$0x1], $0xffff  }
0x1dd: {  	s11 =	sor.u32 $0x850, s0;
	v10 =	vld.idx.msk [tilespmem:v4+s10+$0x0 ss:$0x1], $0xffff;
	v9 =	vadd.f32 v11, v9;
	[tilespmem:s19+$0x140] =	vst v5  }
0x1de: {  	v5 =	vld.idx.msk [tilespmem:v3+s11+$0x0 ss:$0x1], $0xffff  }
0x1df: {  	s12 =	sor.u32 $0x850, s1;
	[tilespmem:s19+$0xFFFFFD40] =	vst v9;
	v9 =	vld.idx.msk [tilespmem:v4+s11+$0x0 ss:$0x1], $0xffff;
	v7 =	vadd.f32 v8, v7  }
0x1e0: {  	v8 =	vld.idx.msk [tilespmem:v3+s12+$0x0 ss:$0x1], $0xffff  }
0x1e1: {  	s4 =	sor.u32 $0x1470, s4;
	v11 =	vld.idx.msk [tilespmem:v4+s12+$0x0 ss:$0x1], $0xffff;
	[tilespmem:s18+$0x2E0] =	vst v7  }
0x1e2: {  	v6 =	vadd.f32 v10, v6;
	v7 =	vld.idx.msk [tilespmem:v3+s4+$0x0 ss:$0x1], $0xffff  }
0x1e3: {  	v10 =	vld.idx.msk [tilespmem:v4+s4+$0x0 ss:$0x1], $0xffff  }
0x1e4: {  	s3 =	sor.u32 $0x1470, s3;
	[tilespmem:s18+$0xFFFFFEE0] =	vst v6;
	v5 =	vadd.f32 v9, v5  }
0x1e5: {  	v6 =	vld.idx.msk [tilespmem:v3+s3+$0x0 ss:$0x1], $0xffff  }
0x1e6: {  	s13 =	sor.u32 $0x860, s0;
	s14 =	sand.u32 $0x7, s2;
	v9 =	vld.idx.msk [tilespmem:v4+s3+$0x0 ss:$0x1], $0xffff;
	v8 =	vadd.f32 v11, v8;
	[tilespmem:s19+$0x150] =	vst v5  }
0x1e7: {  	s4 =	sshll.u32 s14, $0x7;
	v5 =	vld.idx.msk [tilespmem:v3+s13+$0x0 ss:$0x1], $0xffff  }
0x1e8: {  	s15 =	sor.u32 $0x860, s1;
	s16 =	sadd.s32 $0x0, s4;
	[tilespmem:s19+$0xFFFFFD50] =	vst v8;
	v8 =	vld.idx.msk [tilespmem:v4+s13+$0x0 ss:$0x1], $0xffff;
	v7 =	vadd.f32 v10, v7  }
0x1e9: {  	s5 =	sadd.s32 $0x80, s16;
	v10 =	vld.idx.msk [tilespmem:v3+s15+$0x0 ss:$0x1], $0xffff  }
0x1ea: {  	s2 =	sand.u32 $0x3, s2;
	s17 =	sor.u32 $0x1800, s5;
	v11 =	vld.idx.msk [tilespmem:v4+s15+$0x0 ss:$0x1], $0xffff;
	[tilespmem:s18+$0x2F0] =	vst v7  }
0x1eb: {  	s2 =	sshll.u32 s2, $0x8;
	v6 =	vadd.f32 v9, v6;
	v7 =	vld.idx.msk [tilespmem:v3+s17+$0x0 ss:$0x1], $0xffff  }
0x1ec: {  	s3 =	sadd.s32 $0x0, s2;
	v9 =	vld.idx.msk [tilespmem:v4+s17+$0x0 ss:$0x1], $0xffff  }
0x1ed: {  	s2 =	sor.u32 $0x1800, s3;
	[tilespmem:s18+$0xFFFFFEF0] =	vst v6;
	v5 =	vadd.f32 v8, v5  }
0x1ee: {  	v6 =	vld.idx.msk [tilespmem:v3+s2+$0x0 ss:$0x1], $0xffff  }
0x1ef: {  	s20 =	sor.u32 $0x870, s0;
	v8 =	vld.idx.msk [tilespmem:v4+s2+$0x0 ss:$0x1], $0xffff;
	v10 =	vadd.f32 v11, v10;
	[tilespmem:s19+$0x160] =	vst v5  }
0x1f0: {  	v5 =	vld.idx.msk [tilespmem:v3+s20+$0x0 ss:$0x1], $0xffff  }
0x1f1: {  	s21 =	sor.u32 $0x870, s1;
	[tilespmem:s19+$0xFFFFFD60] =	vst v10;
	v10 =	vld.idx.msk [tilespmem:v4+s20+$0x0 ss:$0x1], $0xffff;
	v7 =	vadd.f32 v9, v7  }
0x1f2: {  	v9 =	vld.idx.msk [tilespmem:v3+s21+$0x0 ss:$0x1], $0xffff  }
0x1f3: {  	s22 =	sor.u32 $0x1810, s5;
	v11 =	vld.idx.msk [tilespmem:v4+s21+$0x0 ss:$0x1], $0xffff;
	[tilespmem:s18+$0x300] =	vst v7  }
0x1f4: {  	v6 =	vadd.f32 v8, v6;
	v7 =	vld.idx.msk [tilespmem:v3+s22+$0x0 ss:$0x1], $0xffff  }
0x1f5: {  	v8 =	vld.idx.msk [tilespmem:v4+s22+$0x0 ss:$0x1], $0xffff  }
0x1f6: {  	s23 =	sor.u32 $0x1810, s3;
	[tilespmem:s18+$0xFFFFFF00] =	vst v6;
	v5 =	vadd.f32 v10, v5  }
0x1f7: {  	v6 =	vld.idx.msk [tilespmem:v3+s23+$0x0 ss:$0x1], $0xffff  }
0x1f8: {  	s24 =	sor.u32 $0xC00, s0;
	v10 =	vld.idx.msk [tilespmem:v4+s23+$0x0 ss:$0x1], $0xffff;
	v9 =	vadd.f32 v11, v9;
	[tilespmem:s19+$0x170] =	vst v5  }
0x1f9: {  	v5 =	vld.idx.msk [tilespmem:v3+s24+$0x0 ss:$0x1], $0xffff  }
0x1fa: {  	s25 =	sor.u32 $0xC00, s1;
	[tilespmem:s19+$0xFFFFFD70] =	vst v9;
	v9 =	vld.idx.msk [tilespmem:v4+s24+$0x0 ss:$0x1], $0xffff;
	v7 =	vadd.f32 v8, v7  }
0x1fb: {  	v11 =	vld.idx.msk [tilespmem:v3+s25+$0x0 ss:$0x1], $0xffff  }
0x1fc: {  	s8 =	simm.s32 $0x280;
	s10 =	simm.s32 $0x1000;
	s26 =	sor.u32 $0x1820, s5;
	v12 =	vld.idx.msk [tilespmem:v4+s25+$0x0 ss:$0x1], $0xffff;
	[tilespmem:s18+$0x310] =	vst v7  }
0x1fd: {  	s12 =	sand.u32 $0x2000, s10;
	s2 =	sand.u32 $0x380, s8;
	v6 =	vadd.f32 v10, v6;
	v10 =	vld.idx.msk [tilespmem:v3+s26+$0x0 ss:$0x1], $0xffff  }
0x1fe: {  	s21 =	sor.u32 s12, s2;
	v13 =	vld.idx.msk [tilespmem:v4+s26+$0x0 ss:$0x1], $0xffff  }
0x1ff: {  	s28 =	sor.u32 $0x1820, s3;
	v14 =	vld.idx.msk [tilespmem:v4+s21+$0x0 ss:$0x1], $0xffff;
	[tilespmem:s18+$0xFFFFFF10] =	vst v6;
	v5 =	vadd.f32 v9, v5  }
0x200: {  	v7 =	vld.idx.msk [tilespmem:v3+s28+$0x0 ss:$0x1], $0xffff  }
0x201: {  	s4 =	sor.u32 $0xC10, s0;
	v8 =	vld.idx.msk [tilespmem:v4+s28+$0x0 ss:$0x1], $0xffff;
	v6 =	vadd.f32 v12, v11;
	[tilespmem:s19+$0x180] =	vst v5  }
0x202: {  	v5 =	vld.idx.msk [tilespmem:v3+s4+$0x0 ss:$0x1], $0xffff  }
0x203: {  	s6 =	sor.u32 $0xC10, s1;
	[tilespmem:s19+$0xFFFFFD80] =	vst v6;
	v6 =	vld.idx.msk [tilespmem:v4+s4+$0x0 ss:$0x1], $0xffff;
	v9 =	vadd.f32 v13, v10  }
0x204: {  	v10 =	vld.idx.msk [tilespmem:v3+s6+$0x0 ss:$0x1], $0xffff  }
0x205: {  	s9 =	sor.u32 $0x1830, s5;
	v11 =	vld.idx.msk [tilespmem:v4+s6+$0x0 ss:$0x1], $0xffff;
	[tilespmem:s18+$0x320] =	vst v9  }
0x206: {  	s11 =	simm.s32 $0x200;
	v9 =	vld.idx.msk [tilespmem:v3+s9+$0x0 ss:$0x1], $0xffff  }
0x207: {  	s13 =	sand.u32 $0x300, s11;
	v12 =	vld.idx.msk [tilespmem:v4+s9+$0x0 ss:$0x1], $0xffff  }
0x208: {  	s4 =	sor.u32 s13, s12;
	v13 =	vld.idx.msk [tilespmem:v3+s21+$0x0 ss:$0x1], $0xffff;
	v5 =	vadd.f32 v6, v5  }
0x209: {  	v15 =	vld.idx.msk [tilespmem:v4+s4+$0x0 ss:$0x1], $0xffff  }
0x20a: {  	s14 =	sor.u32 $0xC20, s0;
	v6 =	vld.idx.msk [tilespmem:v3+s4+$0x0 ss:$0x1], $0xffff;
	v10 =	vadd.f32 v11, v10;
	[tilespmem:s19+$0x190] =	vst v5  }
0x20b: {  	v5 =	vld.idx.msk [tilespmem:v3+s14+$0x0 ss:$0x1], $0xffff  }
0x20c: {  	s15 =	sor.u32 $0xC20, s1;
	[tilespmem:s19+$0xFFFFFD90] =	vst v10;
	v10 =	vld.idx.msk [tilespmem:v4+s14+$0x0 ss:$0x1], $0xffff;
	v9 =	vadd.f32 v12, v9  }
0x20d: {  	v11 =	vld.idx.msk [tilespmem:v3+s15+$0x0 ss:$0x1], $0xffff  }
0x20e: {  	s16 =	sor.u32 $0x1840, s5;
	v12 =	vadd.f32 v14, v13;
	v13 =	vld.idx.msk [tilespmem:v4+s15+$0x0 ss:$0x1], $0xffff;
	[tilespmem:s18+$0x330] =	vst v9  }
0x20f: {  	s24 =	sadd.s32 $0x800, s19;
	v9 =	vld.idx.msk [tilespmem:v3+s16+$0x0 ss:$0x1], $0xffff  }
0x210: {  	s17 =	sor.u32 $0x10, s21;
	v6 =	vadd.f32 v15, v6;
	[tilespmem:s24+$0x0] =	vst v12;
	v12 =	vld.idx.msk [tilespmem:v4+s16+$0x0 ss:$0x1], $0xffff  }
0x211: {  	v14 =	vld.idx.msk [tilespmem:v3+s17+$0x0 ss:$0x1], $0xffff  }
0x212: {  	s20 =	sor.u32 $0x10, s4;
	[tilespmem:s24+$0xFFFFFC00] =	vst v6;
	v6 =	vld.idx.msk [tilespmem:v4+s17+$0x0 ss:$0x1], $0xffff;
	v5 =	vadd.f32 v10, v5  }
0x213: {  	v10 =	vld.idx.msk [tilespmem:v3+s20+$0x0 ss:$0x1], $0xffff  }
0x214: {  	s22 =	sor.u32 $0xC30, s0;
	v15 =	vld.idx.msk [tilespmem:v4+s20+$0x0 ss:$0x1], $0xffff;
	v11 =	vadd.f32 v13, v11;
	[tilespmem:s19+$0x1A0] =	vst v5  }
0x215: {  	v5 =	vld.idx.msk [tilespmem:v3+s22+$0x0 ss:$0x1], $0xffff  }
0x216: {  	s23 =	sor.u32 $0xC30, s1;
	[tilespmem:s19+$0xFFFFFDA0] =	vst v11;
	v11 =	vld.idx.msk [tilespmem:v4+s22+$0x0 ss:$0x1], $0xffff;
	v9 =	vadd.f32 v12, v9  }
0x217: {  	v12 =	vld.idx.msk [tilespmem:v3+s23+$0x0 ss:$0x1], $0xffff  }
0x218: {  	s25 =	sor.u32 $0x1850, s5;
	v6 =	vadd.f32 v6, v14;
	v13 =	vld.idx.msk [tilespmem:v4+s23+$0x0 ss:$0x1], $0xffff;
	[tilespmem:s18+$0x340] =	vst v9  }
0x219: {  	v9 =	vld.idx.msk [tilespmem:v3+s25+$0x0 ss:$0x1], $0xffff  }
0x21a: {  	s26 =	sor.u32 $0x20, s21;
	v10 =	vadd.f32 v15, v10;
	[tilespmem:s24+$0x10] =	vst v6;
	v6 =	vld.idx.msk [tilespmem:v4+s25+$0x0 ss:$0x1], $0xffff  }
0x21b: {  	v14 =	vld.idx.msk [tilespmem:v3+s26+$0x0 ss:$0x1], $0xffff  }
0x21c: {  	s28 =	sor.u32 $0x20, s4;
	[tilespmem:s24+$0xFFFFFC10] =	vst v10;
	v10 =	vld.idx.msk [tilespmem:v4+s26+$0x0 ss:$0x1], $0xffff;
	v5 =	vadd.f32 v11, v5  }
0x21d: {  	v11 =	vld.idx.msk [tilespmem:v3+s28+$0x0 ss:$0x1], $0xffff  }
0x21e: {  	s6 =	sor.u32 $0xC40, s0;
	v15 =	vld.idx.msk [tilespmem:v4+s28+$0x0 ss:$0x1], $0xffff;
	v12 =	vadd.f32 v13, v12;
	[tilespmem:s19+$0x1B0] =	vst v5  }
0x21f: {  	v5 =	vld.idx.msk [tilespmem:v3+s6+$0x0 ss:$0x1], $0xffff  }
0x220: {  	s8 =	sor.u32 $0xC40, s1;
	[tilespmem:s19+$0xFFFFFDB0] =	vst v12;
	v12 =	vld.idx.msk [tilespmem:v4+s6+$0x0 ss:$0x1], $0xffff;
	v6 =	vadd.f32 v6, v9  }
0x221: {  	v9 =	vld.idx.msk [tilespmem:v3+s8+$0x0 ss:$0x1], $0xffff  }
0x222: {  	s9 =	sor.u32 $0x1860, s5;
	v10 =	vadd.f32 v10, v14;
	v13 =	vld.idx.msk [tilespmem:v4+s8+$0x0 ss:$0x1], $0xffff;
	[tilespmem:s18+$0x350] =	vst v6  }
0x223: {  	v6 =	vld.idx.msk [tilespmem:v3+s9+$0x0 ss:$0x1], $0xffff  }
0x224: {  	s12 =	sor.u32 $0x30, s21;
	v11 =	vadd.f32 v15, v11;
	[tilespmem:s24+$0x20] =	vst v10;
	v10 =	vld.idx.msk [tilespmem:v4+s9+$0x0 ss:$0x1], $0xffff  }
0x225: {  	v14 =	vld.idx.msk [tilespmem:v3+s12+$0x0 ss:$0x1], $0xffff  }
0x226: {  	s13 =	sor.u32 $0x30, s4;
	[tilespmem:s24+$0xFFFFFC20] =	vst v11;
	v11 =	vld.idx.msk [tilespmem:v4+s12+$0x0 ss:$0x1], $0xffff;
	v5 =	vadd.f32 v12, v5  }
0x227: {  	v12 =	vld.idx.msk [tilespmem:v3+s13+$0x0 ss:$0x1], $0xffff  }
0x228: {  	s14 =	sor.u32 $0xC50, s0;
	v15 =	vld.idx.msk [tilespmem:v4+s13+$0x0 ss:$0x1], $0xffff;
	v9 =	vadd.f32 v13, v9;
	[tilespmem:s19+$0x1C0] =	vst v5  }
0x229: {  	v5 =	vld.idx.msk [tilespmem:v3+s14+$0x0 ss:$0x1], $0xffff  }
0x22a: {  	s15 =	sor.u32 $0xC50, s1;
	[tilespmem:s19+$0xFFFFFDC0] =	vst v9;
	v9 =	vld.idx.msk [tilespmem:v4+s14+$0x0 ss:$0x1], $0xffff;
	v6 =	vadd.f32 v10, v6  }
0x22b: {  	v10 =	vld.idx.msk [tilespmem:v3+s15+$0x0 ss:$0x1], $0xffff  }
0x22c: {  	s16 =	sor.u32 $0x1870, s5;
	v11 =	vadd.f32 v11, v14;
	v13 =	vld.idx.msk [tilespmem:v4+s15+$0x0 ss:$0x1], $0xffff;
	[tilespmem:s18+$0x360] =	vst v6  }
0x22d: {  	v6 =	vld.idx.msk [tilespmem:v3+s16+$0x0 ss:$0x1], $0xffff  }
0x22e: {  	s17 =	sor.u32 $0x40, s21;
	v12 =	vadd.f32 v15, v12;
	[tilespmem:s24+$0x30] =	vst v11;
	v11 =	vld.idx.msk [tilespmem:v4+s16+$0x0 ss:$0x1], $0xffff  }
0x22f: {  	v14 =	vld.idx.msk [tilespmem:v3+s17+$0x0 ss:$0x1], $0xffff  }
0x230: {  	s20 =	sor.u32 $0x40, s4;
	[tilespmem:s24+$0xFFFFFC30] =	vst v12;
	v12 =	vld.idx.msk [tilespmem:v4+s17+$0x0 ss:$0x1], $0xffff;
	v5 =	vadd.f32 v9, v5  }
0x231: {  	v9 =	vld.idx.msk [tilespmem:v3+s20+$0x0 ss:$0x1], $0xffff  }
0x232: {  	s22 =	sor.u32 $0xC60, s0;
	v15 =	vld.idx.msk [tilespmem:v4+s20+$0x0 ss:$0x1], $0xffff;
	v10 =	vadd.f32 v13, v10;
	[tilespmem:s19+$0x1D0] =	vst v5  }
0x233: {  	v5 =	vld.idx.msk [tilespmem:v3+s22+$0x0 ss:$0x1], $0xffff  }
0x234: {  	s23 =	sor.u32 $0xC60, s1;
	[tilespmem:s19+$0xFFFFFDD0] =	vst v10;
	v10 =	vld.idx.msk [tilespmem:v4+s22+$0x0 ss:$0x1], $0xffff;
	v6 =	vadd.f32 v11, v6  }
0x235: {  	v11 =	vld.idx.msk [tilespmem:v3+s23+$0x0 ss:$0x1], $0xffff  }
0x236: {  	s25 =	sor.u32 $0x1C00, s5;
	v12 =	vadd.f32 v12, v14;
	v13 =	vld.idx.msk [tilespmem:v4+s23+$0x0 ss:$0x1], $0xffff;
	[tilespmem:s18+$0x370] =	vst v6  }
0x237: {  	v6 =	vld.idx.msk [tilespmem:v3+s25+$0x0 ss:$0x1], $0xffff  }
0x238: {  	s26 =	sor.u32 $0x50, s21;
	v9 =	vadd.f32 v15, v9;
	[tilespmem:s24+$0x40] =	vst v12;
	v12 =	vld.idx.msk [tilespmem:v4+s25+$0x0 ss:$0x1], $0xffff  }
0x239: {  	v14 =	vld.idx.msk [tilespmem:v3+s26+$0x0 ss:$0x1], $0xffff  }
0x23a: {  	s28 =	sor.u32 $0x50, s4;
	[tilespmem:s24+$0xFFFFFC40] =	vst v9;
	v9 =	vld.idx.msk [tilespmem:v4+s26+$0x0 ss:$0x1], $0xffff;
	v5 =	vadd.f32 v10, v5  }
0x23b: {  	v10 =	vld.idx.msk [tilespmem:v3+s28+$0x0 ss:$0x1], $0xffff  }
0x23c: {  	s6 =	sor.u32 $0xC70, s0;
	v15 =	vld.idx.msk [tilespmem:v4+s28+$0x0 ss:$0x1], $0xffff;
	v11 =	vadd.f32 v13, v11;
	[tilespmem:s19+$0x1E0] =	vst v5  }
0x23d: {  	v5 =	vld.idx.msk [tilespmem:v3+s6+$0x0 ss:$0x1], $0xffff  }
0x23e: {  	s8 =	sor.u32 $0xC70, s1;
	[tilespmem:s19+$0xFFFFFDE0] =	vst v11;
	v11 =	vld.idx.msk [tilespmem:v4+s6+$0x0 ss:$0x1], $0xffff;
	v6 =	vadd.f32 v12, v6  }
0x23f: {  	v12 =	vld.idx.msk [tilespmem:v3+s8+$0x0 ss:$0x1], $0xffff  }
0x240: {  	s9 =	sor.u32 $0x1C10, s5;
	v9 =	vadd.f32 v9, v14;
	v13 =	vld.idx.msk [tilespmem:v4+s8+$0x0 ss:$0x1], $0xffff;
	[tilespmem:s18+$0x380] =	vst v6  }
0x241: {  	v6 =	vld.idx.msk [tilespmem:v3+s9+$0x0 ss:$0x1], $0xffff  }
0x242: {  	s12 =	sor.u32 $0x60, s21;
	v10 =	vadd.f32 v15, v10;
	[tilespmem:s24+$0x50] =	vst v9;
	v9 =	vld.idx.msk [tilespmem:v4+s9+$0x0 ss:$0x1], $0xffff  }
0x243: {  	v14 =	vld.idx.msk [tilespmem:v3+s12+$0x0 ss:$0x1], $0xffff  }
0x244: {  	s13 =	sor.u32 $0x60, s4;
	[tilespmem:s24+$0xFFFFFC50] =	vst v10;
	v10 =	vld.idx.msk [tilespmem:v4+s12+$0x0 ss:$0x1], $0xffff;
	v5 =	vadd.f32 v11, v5  }
0x245: {  	v11 =	vld.idx.msk [tilespmem:v3+s13+$0x0 ss:$0x1], $0xffff  }
0x246: {  	s14 =	sor.u32 $0x1000, s0;
	v15 =	vld.idx.msk [tilespmem:v4+s13+$0x0 ss:$0x1], $0xffff;
	v12 =	vadd.f32 v13, v12;
	[tilespmem:s19+$0x1F0] =	vst v5  }
0x247: {  	v5 =	vld.idx.msk [tilespmem:v3+s14+$0x0 ss:$0x1], $0xffff  }
0x248: {  	s15 =	sor.u32 $0x1000, s1;
	[tilespmem:s19+$0xFFFFFDF0] =	vst v12;
	v12 =	vld.idx.msk [tilespmem:v4+s14+$0x0 ss:$0x1], $0xffff;
	v6 =	vadd.f32 v9, v6  }
0x249: {  	v9 =	vld.idx.msk [tilespmem:v3+s15+$0x0 ss:$0x1], $0xffff  }
0x24a: {  	s16 =	sor.u32 $0x1C20, s5;
	v10 =	vadd.f32 v10, v14;
	v13 =	vld.idx.msk [tilespmem:v4+s15+$0x0 ss:$0x1], $0xffff;
	[tilespmem:s18+$0x390] =	vst v6  }
0x24b: {  	v6 =	vld.idx.msk [tilespmem:v3+s16+$0x0 ss:$0x1], $0xffff  }
0x24c: {  	s17 =	sor.u32 $0x70, s21;
	v11 =	vadd.f32 v15, v11;
	[tilespmem:s24+$0x60] =	vst v10;
	v10 =	vld.idx.msk [tilespmem:v4+s16+$0x0 ss:$0x1], $0xffff  }
0x24d: {  	v14 =	vld.idx.msk [tilespmem:v3+s17+$0x0 ss:$0x1], $0xffff  }
0x24e: {  	s20 =	sor.u32 $0x70, s4;
	[tilespmem:s24+$0xFFFFFC60] =	vst v11;
	v11 =	vld.idx.msk [tilespmem:v4+s17+$0x0 ss:$0x1], $0xffff;
	v5 =	vadd.f32 v12, v5  }
0x24f: {  	v12 =	vld.idx.msk [tilespmem:v3+s20+$0x0 ss:$0x1], $0xffff  }
0x250: {  	s22 =	sor.u32 $0x1010, s0;
	v15 =	vld.idx.msk [tilespmem:v4+s20+$0x0 ss:$0x1], $0xffff;
	v9 =	vadd.f32 v13, v9;
	[tilespmem:s19+$0x200] =	vst v5  }
0x251: {  	v5 =	vld.idx.msk [tilespmem:v3+s22+$0x0 ss:$0x1], $0xffff  }
0x252: {  	s23 =	sor.u32 $0x1010, s1;
	[tilespmem:s19+$0xFFFFFE00] =	vst v9;
	v9 =	vld.idx.msk [tilespmem:v4+s22+$0x0 ss:$0x1], $0xffff;
	v6 =	vadd.f32 v10, v6  }
0x253: {  	v10 =	vld.idx.msk [tilespmem:v3+s23+$0x0 ss:$0x1], $0xffff  }
0x254: {  	s25 =	sor.u32 $0x1C30, s5;
	v11 =	vadd.f32 v11, v14;
	v13 =	vld.idx.msk [tilespmem:v4+s23+$0x0 ss:$0x1], $0xffff;
	[tilespmem:s18+$0x3A0] =	vst v6  }
0x255: {  	v6 =	vld.idx.msk [tilespmem:v3+s25+$0x0 ss:$0x1], $0xffff  }
0x256: {  	s26 =	sor.u32 $0x400, s21;
	v12 =	vadd.f32 v15, v12;
	[tilespmem:s24+$0x70] =	vst v11;
	v11 =	vld.idx.msk [tilespmem:v4+s25+$0x0 ss:$0x1], $0xffff  }
0x257: {  	v14 =	vld.idx.msk [tilespmem:v3+s26+$0x0 ss:$0x1], $0xffff  }
0x258: {  	s28 =	sor.u32 $0x400, s4;
	[tilespmem:s24+$0xFFFFFC70] =	vst v12;
	v12 =	vld.idx.msk [tilespmem:v4+s26+$0x0 ss:$0x1], $0xffff;
	v5 =	vadd.f32 v9, v5  }
0x259: {  	v9 =	vld.idx.msk [tilespmem:v3+s28+$0x0 ss:$0x1], $0xffff  }
0x25a: {  	s8 =	sor.u32 $0x1020, s0;
	v15 =	vld.idx.msk [tilespmem:v4+s28+$0x0 ss:$0x1], $0xffff;
	v10 =	vadd.f32 v13, v10;
	[tilespmem:s19+$0x210] =	vst v5  }
0x25b: {  	v5 =	vld.idx.msk [tilespmem:v3+s8+$0x0 ss:$0x1], $0xffff  }
0x25c: {  	s9 =	sor.u32 $0x1020, s1;
	[tilespmem:s19+$0xFFFFFE10] =	vst v10;
	v10 =	vld.idx.msk [tilespmem:v4+s8+$0x0 ss:$0x1], $0xffff;
	v6 =	vadd.f32 v11, v6  }
0x25d: {  	v11 =	vld.idx.msk [tilespmem:v3+s9+$0x0 ss:$0x1], $0xffff  }
0x25e: {  	s12 =	sor.u32 $0x1C40, s5;
	v12 =	vadd.f32 v12, v14;
	v13 =	vld.idx.msk [tilespmem:v4+s9+$0x0 ss:$0x1], $0xffff;
	[tilespmem:s18+$0x3B0] =	vst v6  }
0x25f: {  	v6 =	vld.idx.msk [tilespmem:v3+s12+$0x0 ss:$0x1], $0xffff  }
0x260: {  	s13 =	sor.u32 $0x410, s21;
	v9 =	vadd.f32 v15, v9;
	[tilespmem:s24+$0x80] =	vst v12;
	v12 =	vld.idx.msk [tilespmem:v4+s12+$0x0 ss:$0x1], $0xffff  }
0x261: {  	v14 =	vld.idx.msk [tilespmem:v3+s13+$0x0 ss:$0x1], $0xffff  }
0x262: {  	s14 =	sor.u32 $0x410, s4;
	[tilespmem:s24+$0xFFFFFC80] =	vst v9;
	v9 =	vld.idx.msk [tilespmem:v4+s13+$0x0 ss:$0x1], $0xffff;
	v5 =	vadd.f32 v10, v5  }
0x263: {  	v10 =	vld.idx.msk [tilespmem:v3+s14+$0x0 ss:$0x1], $0xffff  }
0x264: {  	s15 =	sor.u32 $0x1030, s0;
	v15 =	vld.idx.msk [tilespmem:v4+s14+$0x0 ss:$0x1], $0xffff;
	v11 =	vadd.f32 v13, v11;
	[tilespmem:s19+$0x220] =	vst v5  }
0x265: {  	v5 =	vld.idx.msk [tilespmem:v3+s15+$0x0 ss:$0x1], $0xffff  }
0x266: {  	s16 =	sor.u32 $0x1030, s1;
	[tilespmem:s19+$0xFFFFFE20] =	vst v11;
	v11 =	vld.idx.msk [tilespmem:v4+s15+$0x0 ss:$0x1], $0xffff;
	v6 =	vadd.f32 v12, v6  }
0x267: {  	v12 =	vld.idx.msk [tilespmem:v3+s16+$0x0 ss:$0x1], $0xffff  }
0x268: {  	s17 =	sor.u32 $0x1C50, s5;
	v9 =	vadd.f32 v9, v14;
	v13 =	vld.idx.msk [tilespmem:v4+s16+$0x0 ss:$0x1], $0xffff;
	[tilespmem:s18+$0x3C0] =	vst v6  }
0x269: {  	v6 =	vld.idx.msk [tilespmem:v3+s17+$0x0 ss:$0x1], $0xffff  }
0x26a: {  	s20 =	sor.u32 $0x420, s21;
	v10 =	vadd.f32 v15, v10;
	[tilespmem:s24+$0x90] =	vst v9;
	v9 =	vld.idx.msk [tilespmem:v4+s17+$0x0 ss:$0x1], $0xffff  }
0x26b: {  	v14 =	vld.idx.msk [tilespmem:v3+s20+$0x0 ss:$0x1], $0xffff  }
0x26c: {  	s22 =	sor.u32 $0x420, s4;
	[tilespmem:s24+$0xFFFFFC90] =	vst v10;
	v10 =	vld.idx.msk [tilespmem:v4+s20+$0x0 ss:$0x1], $0xffff;
	v5 =	vadd.f32 v11, v5  }
0x26d: {  	v11 =	vld.idx.msk [tilespmem:v3+s22+$0x0 ss:$0x1], $0xffff  }
0x26e: {  	s23 =	sor.u32 $0x1040, s0;
	v15 =	vld.idx.msk [tilespmem:v4+s22+$0x0 ss:$0x1], $0xffff;
	v12 =	vadd.f32 v13, v12;
	[tilespmem:s19+$0x230] =	vst v5  }
0x26f: {  	v5 =	vld.idx.msk [tilespmem:v3+s23+$0x0 ss:$0x1], $0xffff  }
0x270: {  	s25 =	sor.u32 $0x1040, s1;
	[tilespmem:s19+$0xFFFFFE30] =	vst v12;
	v12 =	vld.idx.msk [tilespmem:v4+s23+$0x0 ss:$0x1], $0xffff;
	v6 =	vadd.f32 v9, v6  }
0x271: {  	v9 =	vld.idx.msk [tilespmem:v3+s25+$0x0 ss:$0x1], $0xffff  }
0x272: {  	s26 =	sor.u32 $0x1C60, s5;
	v10 =	vadd.f32 v10, v14;
	v13 =	vld.idx.msk [tilespmem:v4+s25+$0x0 ss:$0x1], $0xffff;
	[tilespmem:s18+$0x3D0] =	vst v6  }
0x273: {  	v6 =	vld.idx.msk [tilespmem:v3+s26+$0x0 ss:$0x1], $0xffff  }
0x274: {  	s28 =	sor.u32 $0x430, s21;
	v11 =	vadd.f32 v15, v11;
	[tilespmem:s24+$0xA0] =	vst v10;
	v10 =	vld.idx.msk [tilespmem:v4+s26+$0x0 ss:$0x1], $0xffff  }
0x275: {  	v14 =	vld.idx.msk [tilespmem:v3+s28+$0x0 ss:$0x1], $0xffff  }
0x276: {  	s8 =	sor.u32 $0x430, s4;
	[tilespmem:s24+$0xFFFFFCA0] =	vst v11;
	v11 =	vld.idx.msk [tilespmem:v4+s28+$0x0 ss:$0x1], $0xffff;
	v5 =	vadd.f32 v12, v5  }
0x277: {  	v12 =	vld.idx.msk [tilespmem:v3+s8+$0x0 ss:$0x1], $0xffff  }
0x278: {  	s9 =	sor.u32 $0x1050, s0;
	v15 =	vld.idx.msk [tilespmem:v4+s8+$0x0 ss:$0x1], $0xffff;
	v9 =	vadd.f32 v13, v9;
	[tilespmem:s19+$0x240] =	vst v5  }
0x279: {  	v13 =	vld.idx.msk [tilespmem:v3+s9+$0x0 ss:$0x1], $0xffff  }
0x27a: {  	s12 =	sor.u32 $0x1050, s1;
	[tilespmem:s19+$0xFFFFFE40] =	vst v9;
	v9 =	vld.idx.msk [tilespmem:v4+s9+$0x0 ss:$0x1], $0xffff;
	v5 =	vadd.f32 v10, v6  }
0x27b: {  	v10 =	vld.idx.msk [tilespmem:v3+s12+$0x0 ss:$0x1], $0xffff  }
0x27c: {  	s13 =	sor.u32 $0x1C70, s5;
	v6 =	vadd.f32 v11, v14;
	v11 =	vld.idx.msk [tilespmem:v4+s12+$0x0 ss:$0x1], $0xffff;
	[tilespmem:s18+$0x3E0] =	vst v5  }
0x27d: {  	v5 =	vld.idx.msk [tilespmem:v3+s13+$0x0 ss:$0x1], $0xffff  }
0x27e: {  	s14 =	sor.u32 $0x440, s21;
	v12 =	vadd.f32 v15, v12;
	[tilespmem:s24+$0xB0] =	vst v6;
	v6 =	vld.idx.msk [tilespmem:v4+s13+$0x0 ss:$0x1], $0xffff  }
0x27f: {  	v14 =	vld.idx.msk [tilespmem:v3+s14+$0x0 ss:$0x1], $0xffff  }
0x280: {  	s15 =	sor.u32 $0x440, s4;
	[tilespmem:s24+$0xFFFFFCB0] =	vst v12;
	v12 =	vld.idx.msk [tilespmem:v4+s14+$0x0 ss:$0x1], $0xffff;
	v9 =	vadd.f32 v9, v13  }
0x281: {  	v13 =	vld.idx.msk [tilespmem:v3+s15+$0x0 ss:$0x1], $0xffff  }
0x282: {  	s16 =	sor.u32 $0x1060, s0;
	v15 =	vld.idx.msk [tilespmem:v4+s15+$0x0 ss:$0x1], $0xffff;
	v10 =	vadd.f32 v11, v10;
	[tilespmem:s19+$0x250] =	vst v9  }
0x283: {  	v9 =	vld.idx.msk [tilespmem:v3+s16+$0x0 ss:$0x1], $0xffff  }
0x284: {  	v7 =	vadd.f32 v8, v7;
	s17 =	sor.u32 $0x1060, s1;
	[tilespmem:s19+$0xFFFFFE50] =	vst v10;
	v8 =	vld.idx.msk [tilespmem:v4+s16+$0x0 ss:$0x1], $0xffff  }
0x285: {  	v10 =	vld.idx.msk [tilespmem:v3+s17+$0x0 ss:$0x1], $0xffff  }
0x286: {  	[tilespmem:s18+$0xFFFFFF20] =	vst v7;
	s20 =	sor.u32 $0x1830, s3;
	v7 =	vadd.f32 v12, v14;
	v11 =	vld.idx.msk [tilespmem:v4+s17+$0x0 ss:$0x1], $0xffff  }
0x287: {  	v12 =	vld.idx.msk [tilespmem:v3+s20+$0x0 ss:$0x1], $0xffff  }
0x288: {  	s22 =	sor.u32 $0x450, s21;
	v13 =	vadd.f32 v15, v13;
	[tilespmem:s24+$0xC0] =	vst v7;
	v7 =	vld.idx.msk [tilespmem:v4+s20+$0x0 ss:$0x1], $0xffff  }
0x289: {  	v14 =	vld.idx.msk [tilespmem:v3+s22+$0x0 ss:$0x1], $0xffff  }
0x28a: {  	s23 =	sor.u32 $0x450, s4;
	[tilespmem:s24+$0xFFFFFCC0] =	vst v13;
	v13 =	vld.idx.msk [tilespmem:v4+s22+$0x0 ss:$0x1], $0xffff;
	v8 =	vadd.f32 v8, v9  }
0x28b: {  	v9 =	vld.idx.msk [tilespmem:v3+s23+$0x0 ss:$0x1], $0xffff  }
0x28c: {  	s25 =	sor.u32 $0x1070, s0;
	v15 =	vld.idx.msk [tilespmem:v4+s23+$0x0 ss:$0x1], $0xffff;
	v10 =	vadd.f32 v11, v10;
	[tilespmem:s19+$0x260] =	vst v8  }
0x28d: {  	v8 =	vld.idx.msk [tilespmem:v3+s25+$0x0 ss:$0x1], $0xffff  }
0x28e: {  	s26 =	sor.u32 $0x1070, s1;
	[tilespmem:s19+$0xFFFFFE60] =	vst v10;
	v10 =	vld.idx.msk [tilespmem:v4+s25+$0x0 ss:$0x1], $0xffff;
	v7 =	vadd.f32 v7, v12  }
0x28f: {  	v11 =	vld.idx.msk [tilespmem:v3+s26+$0x0 ss:$0x1], $0xffff  }
0x290: {  	s28 =	sor.u32 $0x1840, s3;
	v12 =	vadd.f32 v13, v14;
	v13 =	vld.idx.msk [tilespmem:v4+s26+$0x0 ss:$0x1], $0xffff;
	[tilespmem:s18+$0xFFFFFF30] =	vst v7  }
0x291: {  	v7 =	vld.idx.msk [tilespmem:v3+s28+$0x0 ss:$0x1], $0xffff  }
0x292: {  	s6 =	sor.u32 $0x460, s21;
	v9 =	vadd.f32 v15, v9;
	[tilespmem:s24+$0xD0] =	vst v12;
	v12 =	vld.idx.msk [tilespmem:v4+s28+$0x0 ss:$0x1], $0xffff  }
0x293: {  	v14 =	vld.idx.msk [tilespmem:v3+s6+$0x0 ss:$0x1], $0xffff  }
0x294: {  	s8 =	sor.u32 $0x460, s4;
	[tilespmem:s24+$0xFFFFFCD0] =	vst v9;
	v9 =	vld.idx.msk [tilespmem:v4+s6+$0x0 ss:$0x1], $0xffff;
	v8 =	vadd.f32 v10, v8  }
0x295: {  	v10 =	vld.idx.msk [tilespmem:v3+s8+$0x0 ss:$0x1], $0xffff  }
0x296: {  	s9 =	sor.u32 $0x1400, s0;
	v15 =	vld.idx.msk [tilespmem:v4+s8+$0x0 ss:$0x1], $0xffff;
	v11 =	vadd.f32 v13, v11;
	[tilespmem:s19+$0x270] =	vst v8  }
0x297: {  	v8 =	vld.idx.msk [tilespmem:v3+s9+$0x0 ss:$0x1], $0xffff  }
0x298: {  	s12 =	sor.u32 $0x1400, s1;
	[tilespmem:s19+$0xFFFFFE70] =	vst v11;
	v11 =	vld.idx.msk [tilespmem:v4+s9+$0x0 ss:$0x1], $0xffff;
	v7 =	vadd.f32 v12, v7  }
0x299: {  	v12 =	vld.idx.msk [tilespmem:v3+s12+$0x0 ss:$0x1], $0xffff  }
0x29a: {  	s13 =	sor.u32 $0x1850, s3;
	v9 =	vadd.f32 v9, v14;
	v13 =	vld.idx.msk [tilespmem:v4+s12+$0x0 ss:$0x1], $0xffff;
	[tilespmem:s18+$0xFFFFFF40] =	vst v7  }
0x29b: {  	v7 =	vld.idx.msk [tilespmem:v3+s13+$0x0 ss:$0x1], $0xffff  }
0x29c: {  	s14 =	sor.u32 $0x470, s21;
	v10 =	vadd.f32 v15, v10;
	[tilespmem:s24+$0xE0] =	vst v9;
	v9 =	vld.idx.msk [tilespmem:v4+s13+$0x0 ss:$0x1], $0xffff  }
0x29d: {  	v14 =	vld.idx.msk [tilespmem:v3+s14+$0x0 ss:$0x1], $0xffff  }
0x29e: {  	s15 =	sor.u32 $0x470, s4;
	[tilespmem:s24+$0xFFFFFCE0] =	vst v10;
	v10 =	vld.idx.msk [tilespmem:v4+s14+$0x0 ss:$0x1], $0xffff;
	v8 =	vadd.f32 v11, v8  }
0x29f: {  	v11 =	vld.idx.msk [tilespmem:v3+s15+$0x0 ss:$0x1], $0xffff  }
0x2a0: {  	s16 =	sor.u32 $0x1410, s0;
	v15 =	vld.idx.msk [tilespmem:v4+s15+$0x0 ss:$0x1], $0xffff;
	v12 =	vadd.f32 v13, v12;
	[tilespmem:s19+$0x280] =	vst v8  }
0x2a1: {  	v8 =	vld.idx.msk [tilespmem:v3+s16+$0x0 ss:$0x1], $0xffff  }
0x2a2: {  	s17 =	sor.u32 $0x1410, s1;
	[tilespmem:s19+$0xFFFFFE80] =	vst v12;
	v12 =	vld.idx.msk [tilespmem:v4+s16+$0x0 ss:$0x1], $0xffff;
	v7 =	vadd.f32 v9, v7  }
0x2a3: {  	v9 =	vld.idx.msk [tilespmem:v3+s17+$0x0 ss:$0x1], $0xffff  }
0x2a4: {  	s20 =	sor.u32 $0x1860, s3;
	v10 =	vadd.f32 v10, v14;
	v13 =	vld.idx.msk [tilespmem:v4+s17+$0x0 ss:$0x1], $0xffff;
	[tilespmem:s18+$0xFFFFFF50] =	vst v7  }
0x2a5: {  	v7 =	vld.idx.msk [tilespmem:v3+s20+$0x0 ss:$0x1], $0xffff  }
0x2a6: {  	s22 =	sor.u32 $0x800, s21;
	v11 =	vadd.f32 v15, v11;
	[tilespmem:s24+$0xF0] =	vst v10;
	v10 =	vld.idx.msk [tilespmem:v4+s20+$0x0 ss:$0x1], $0xffff  }
0x2a7: {  	v14 =	vld.idx.msk [tilespmem:v3+s22+$0x0 ss:$0x1], $0xffff  }
0x2a8: {  	s23 =	sor.u32 $0x800, s4;
	[tilespmem:s24+$0xFFFFFCF0] =	vst v11;
	v11 =	vld.idx.msk [tilespmem:v4+s22+$0x0 ss:$0x1], $0xffff;
	v8 =	vadd.f32 v12, v8  }
0x2a9: {  	v12 =	vld.idx.msk [tilespmem:v3+s23+$0x0 ss:$0x1], $0xffff  }
0x2aa: {  	s25 =	sor.u32 $0x1420, s0;
	v15 =	vld.idx.msk [tilespmem:v4+s23+$0x0 ss:$0x1], $0xffff;
	v9 =	vadd.f32 v13, v9;
	[tilespmem:s19+$0x290] =	vst v8  }
0x2ab: {  	v8 =	vld.idx.msk [tilespmem:v3+s25+$0x0 ss:$0x1], $0xffff  }
0x2ac: {  	s26 =	sor.u32 $0x1420, s1;
	[tilespmem:s19+$0xFFFFFE90] =	vst v9;
	v9 =	vld.idx.msk [tilespmem:v4+s25+$0x0 ss:$0x1], $0xffff;
	v7 =	vadd.f32 v10, v7  }
0x2ad: {  	v10 =	vld.idx.msk [tilespmem:v3+s26+$0x0 ss:$0x1], $0xffff  }
0x2ae: {  	s28 =	sor.u32 $0x1870, s3;
	v11 =	vadd.f32 v11, v14;
	v13 =	vld.idx.msk [tilespmem:v4+s26+$0x0 ss:$0x1], $0xffff;
	[tilespmem:s18+$0xFFFFFF60] =	vst v7  }
0x2af: {  	v7 =	vld.idx.msk [tilespmem:v3+s28+$0x0 ss:$0x1], $0xffff  }
0x2b0: {  	s6 =	sor.u32 $0x810, s21;
	v12 =	vadd.f32 v15, v12;
	[tilespmem:s24+$0x100] =	vst v11;
	v11 =	vld.idx.msk [tilespmem:v4+s28+$0x0 ss:$0x1], $0xffff  }
0x2b1: {  	v14 =	vld.idx.msk [tilespmem:v3+s6+$0x0 ss:$0x1], $0xffff  }
0x2b2: {  	s8 =	sor.u32 $0x810, s4;
	[tilespmem:s24+$0xFFFFFD00] =	vst v12;
	v12 =	vld.idx.msk [tilespmem:v4+s6+$0x0 ss:$0x1], $0xffff;
	v8 =	vadd.f32 v9, v8  }
0x2b3: {  	v9 =	vld.idx.msk [tilespmem:v3+s8+$0x0 ss:$0x1], $0xffff  }
0x2b4: {  	s9 =	sor.u32 $0x1430, s0;
	v15 =	vld.idx.msk [tilespmem:v4+s8+$0x0 ss:$0x1], $0xffff;
	v10 =	vadd.f32 v13, v10;
	[tilespmem:s19+$0x2A0] =	vst v8  }
0x2b5: {  	v8 =	vld.idx.msk [tilespmem:v3+s9+$0x0 ss:$0x1], $0xffff  }
0x2b6: {  	s12 =	sor.u32 $0x1430, s1;
	[tilespmem:s19+$0xFFFFFEA0] =	vst v10;
	v10 =	vld.idx.msk [tilespmem:v4+s9+$0x0 ss:$0x1], $0xffff;
	v7 =	vadd.f32 v11, v7  }
0x2b7: {  	v11 =	vld.idx.msk [tilespmem:v3+s12+$0x0 ss:$0x1], $0xffff  }
0x2b8: {  	s13 =	sor.u32 $0x1C00, s3;
	v12 =	vadd.f32 v12, v14;
	v13 =	vld.idx.msk [tilespmem:v4+s12+$0x0 ss:$0x1], $0xffff;
	[tilespmem:s18+$0xFFFFFF70] =	vst v7  }
0x2b9: {  	v7 =	vld.idx.msk [tilespmem:v3+s13+$0x0 ss:$0x1], $0xffff  }
0x2ba: {  	s14 =	sor.u32 $0x820, s21;
	v9 =	vadd.f32 v15, v9;
	[tilespmem:s24+$0x110] =	vst v12;
	v12 =	vld.idx.msk [tilespmem:v4+s13+$0x0 ss:$0x1], $0xffff  }
0x2bb: {  	v14 =	vld.idx.msk [tilespmem:v3+s14+$0x0 ss:$0x1], $0xffff  }
0x2bc: {  	s15 =	sor.u32 $0x820, s4;
	[tilespmem:s24+$0xFFFFFD10] =	vst v9;
	v9 =	vld.idx.msk [tilespmem:v4+s14+$0x0 ss:$0x1], $0xffff;
	v8 =	vadd.f32 v10, v8  }
0x2bd: {  	v10 =	vld.idx.msk [tilespmem:v3+s15+$0x0 ss:$0x1], $0xffff  }
0x2be: {  	s16 =	sor.u32 $0x1440, s0;
	v15 =	vld.idx.msk [tilespmem:v4+s15+$0x0 ss:$0x1], $0xffff;
	v11 =	vadd.f32 v13, v11;
	[tilespmem:s19+$0x2B0] =	vst v8  }
0x2bf: {  	v8 =	vld.idx.msk [tilespmem:v3+s16+$0x0 ss:$0x1], $0xffff  }
0x2c0: {  	s17 =	sor.u32 $0x1440, s1;
	[tilespmem:s19+$0xFFFFFEB0] =	vst v11;
	v11 =	vld.idx.msk [tilespmem:v4+s16+$0x0 ss:$0x1], $0xffff;
	v7 =	vadd.f32 v12, v7  }
0x2c1: {  	v12 =	vld.idx.msk [tilespmem:v3+s17+$0x0 ss:$0x1], $0xffff  }
0x2c2: {  	s20 =	sor.u32 $0x1C10, s3;
	v9 =	vadd.f32 v9, v14;
	v13 =	vld.idx.msk [tilespmem:v4+s17+$0x0 ss:$0x1], $0xffff;
	[tilespmem:s18+$0xFFFFFF80] =	vst v7  }
0x2c3: {  	v7 =	vld.idx.msk [tilespmem:v3+s20+$0x0 ss:$0x1], $0xffff  }
0x2c4: {  	s22 =	sor.u32 $0x830, s21;
	v10 =	vadd.f32 v15, v10;
	[tilespmem:s24+$0x120] =	vst v9;
	v9 =	vld.idx.msk [tilespmem:v4+s20+$0x0 ss:$0x1], $0xffff  }
0x2c5: {  	v14 =	vld.idx.msk [tilespmem:v3+s22+$0x0 ss:$0x1], $0xffff  }
0x2c6: {  	s23 =	sor.u32 $0x830, s4;
	[tilespmem:s24+$0xFFFFFD20] =	vst v10;
	v10 =	vld.idx.msk [tilespmem:v4+s22+$0x0 ss:$0x1], $0xffff;
	v8 =	vadd.f32 v11, v8  }
0x2c7: {  	v11 =	vld.idx.msk [tilespmem:v3+s23+$0x0 ss:$0x1], $0xffff  }
0x2c8: {  	s25 =	sor.u32 $0x1450, s0;
	v15 =	vld.idx.msk [tilespmem:v4+s23+$0x0 ss:$0x1], $0xffff;
	v12 =	vadd.f32 v13, v12;
	[tilespmem:s19+$0x2C0] =	vst v8  }
0x2c9: {  	v8 =	vld.idx.msk [tilespmem:v3+s25+$0x0 ss:$0x1], $0xffff  }
0x2ca: {  	s26 =	sor.u32 $0x1450, s1;
	[tilespmem:s19+$0xFFFFFEC0] =	vst v12;
	v12 =	vld.idx.msk [tilespmem:v4+s25+$0x0 ss:$0x1], $0xffff;
	v7 =	vadd.f32 v9, v7  }
0x2cb: {  	v9 =	vld.idx.msk [tilespmem:v3+s26+$0x0 ss:$0x1], $0xffff  }
0x2cc: {  	s28 =	sor.u32 $0x1C20, s3;
	v10 =	vadd.f32 v10, v14;
	v13 =	vld.idx.msk [tilespmem:v4+s26+$0x0 ss:$0x1], $0xffff;
	[tilespmem:s18+$0xFFFFFF90] =	vst v7  }
0x2cd: {  	v7 =	vld.idx.msk [tilespmem:v3+s28+$0x0 ss:$0x1], $0xffff  }
0x2ce: {  	s6 =	sor.u32 $0x840, s21;
	v11 =	vadd.f32 v15, v11;
	[tilespmem:s24+$0x130] =	vst v10;
	v10 =	vld.idx.msk [tilespmem:v4+s28+$0x0 ss:$0x1], $0xffff  }
0x2cf: {  	v14 =	vld.idx.msk [tilespmem:v3+s6+$0x0 ss:$0x1], $0xffff  }
0x2d0: {  	s8 =	sor.u32 $0x840, s4;
	[tilespmem:s24+$0xFFFFFD30] =	vst v11;
	v11 =	vld.idx.msk [tilespmem:v4+s6+$0x0 ss:$0x1], $0xffff;
	v8 =	vadd.f32 v12, v8  }
0x2d1: {  	v12 =	vld.idx.msk [tilespmem:v3+s8+$0x0 ss:$0x1], $0xffff  }
0x2d2: {  	s9 =	sor.u32 $0x1460, s0;
	v15 =	vld.idx.msk [tilespmem:v4+s8+$0x0 ss:$0x1], $0xffff;
	v9 =	vadd.f32 v13, v9;
	[tilespmem:s19+$0x2D0] =	vst v8  }
0x2d3: {  	v8 =	vld.idx.msk [tilespmem:v3+s9+$0x0 ss:$0x1], $0xffff  }
0x2d4: {  	s12 =	sor.u32 $0x1460, s1;
	[tilespmem:s19+$0xFFFFFED0] =	vst v9;
	v9 =	vld.idx.msk [tilespmem:v4+s9+$0x0 ss:$0x1], $0xffff;
	v7 =	vadd.f32 v10, v7  }
0x2d5: {  	v10 =	vld.idx.msk [tilespmem:v3+s12+$0x0 ss:$0x1], $0xffff  }
0x2d6: {  	s13 =	sor.u32 $0x1C30, s3;
	v11 =	vadd.f32 v11, v14;
	v13 =	vld.idx.msk [tilespmem:v4+s12+$0x0 ss:$0x1], $0xffff;
	[tilespmem:s18+$0xFFFFFFA0] =	vst v7  }
0x2d7: {  	v7 =	vld.idx.msk [tilespmem:v3+s13+$0x0 ss:$0x1], $0xffff  }
0x2d8: {  	s14 =	sor.u32 $0x850, s21;
	v12 =	vadd.f32 v15, v12;
	[tilespmem:s24+$0x140] =	vst v11;
	v11 =	vld.idx.msk [tilespmem:v4+s13+$0x0 ss:$0x1], $0xffff  }
0x2d9: {  	v14 =	vld.idx.msk [tilespmem:v3+s14+$0x0 ss:$0x1], $0xffff  }
0x2da: {  	[tilespmem:s24+$0xFFFFFD40] =	vst v12;
	v12 =	vld.idx.msk [tilespmem:v4+s14+$0x0 ss:$0x1], $0xffff  }
0x2db: {  	s15 =	sor.u32 $0x850, s4;
	v8 =	vadd.f32 v9, v8  }
0x2dc: {  	v9 =	vld.idx.msk [tilespmem:v3+s15+$0x0 ss:$0x1], $0xffff  }
0x2dd: {  	s0 =	sor.u32 $0x1470, s0;
	v15 =	vld.idx.msk [tilespmem:v4+s15+$0x0 ss:$0x1], $0xffff;
	v10 =	vadd.f32 v13, v10;
	[tilespmem:s19+$0x2E0] =	vst v8  }
0x2de: {  	v8 =	vld.idx.msk [tilespmem:v3+s0+$0x0 ss:$0x1], $0xffff;
	v7 =	vadd.f32 v11, v7  }
0x2df: {  	s1 =	sor.u32 $0x1470, s1;
	[tilespmem:s19+$0xFFFFFEE0] =	vst v10;
	v10 =	vld.idx.msk [tilespmem:v4+s0+$0x0 ss:$0x1], $0xffff;
	v12 =	vadd.f32 v12, v14  }
0x2e0: {  	v11 =	vld.idx.msk [tilespmem:v3+s1+$0x0 ss:$0x1], $0xffff;
	[tilespmem:s18+$0xFFFFFFB0] =	vst v7  }
0x2e1: {  	s16 =	sor.u32 $0x1C40, s3;
	s22 =	simm.s32 $0x2;
	v13 =	vld.idx.msk [tilespmem:v4+s1+$0x0 ss:$0x1], $0xffff;
	[tilespmem:s24+$0x150] =	vst v12  }
0x2e2: {  	s17 =	simm.s32 $0x2;
	v7 =	vld.idx.msk [tilespmem:v3+s16+$0x0 ss:$0x1], $0xffff;
	[dreg:$0x7] =	wrdreg s22  }
0x2e3: {  	s20 =	sor.u32 $0x860, s21;
	s23 =	sand.u32 $0x7, s17;
	v9 =	vadd.f32 v15, v9;
	v12 =	vld.idx.msk [tilespmem:v4+s16+$0x0 ss:$0x1], $0xffff  }
0x2e4: {  	s25 =	sshll.u32 s23, $0x7;
	v14 =	vld.idx.msk [tilespmem:v3+s20+$0x0 ss:$0x1], $0xffff  }
0x2e5: {  	s26 =	simm.s32 $0x1;
	s28 =	sor.u32 $0x860, s4;
	s0 =	sadd.s32 $0x800, s25;
	[tilespmem:s24+$0xFFFFFD50] =	vst v9;
	v9 =	vld.idx.msk [tilespmem:v4+s20+$0x0 ss:$0x1], $0xffff;
	v8 =	vadd.f32 v10, v8  }
0x2e6: {  	s6 =	sand.u32 $0x3, s26;
	s2 =	sadd.s32 $0x80, s0;
	v10 =	vld.idx.msk [tilespmem:v3+s28+$0x0 ss:$0x1], $0xffff  }
0x2e7: {  	s8 =	sshll.u32 s6, $0x8;
	s12 =	sshll.u32 s7, $0xE;
	s9 =	sor.u32 $0x1800, s2;
	v15 =	vld.idx.msk [tilespmem:v4+s28+$0x0 ss:$0x1], $0xffff;
	v11 =	vadd.f32 v13, v11;
	[tilespmem:s19+$0x2F0] =	vst v8  }
0x2e8: {  	s5 =	sadd.s32 $0x800, s8;
	s0 =	sand.u32 $0x4000, s12;
	v8 =	vld.idx.msk [tilespmem:v3+s9+$0x0 ss:$0x1], $0xffff;
	[smem:$0x7E8] =	sst s7  }
0x2e9: {  	s13 =	sor.u32 $0x1800, s5;
	s0 =	sadd.s32 $0x14400, s0;
	[tilespmem:s19+$0xFFFFFEF0] =	vst v11;
	v11 =	vld.idx.msk [tilespmem:v4+s9+$0x0 ss:$0x1], $0xffff;
	v7 =	vadd.f32 v12, v7  }
0x2ea: {  	v12 =	vld.idx.msk [tilespmem:v3+s13+$0x0 ss:$0x1], $0xffff;
	[smem:$0x7E9] =	sst s0  }
0x2eb: {  	s14 =	sor.u32 $0x1C50, s3;
	s15 =	sor.u32 $0x1830, s5;
	v9 =	vadd.f32 v9, v14;
	v13 =	vld.idx.msk [tilespmem:v4+s13+$0x0 ss:$0x1], $0xffff;
	[tilespmem:s18+$0xFFFFFFC0] =	vst v7  }
0x2ec: {  	v7 =	vld.idx.msk [tilespmem:v3+s14+$0x0 ss:$0x1], $0xffff;
	[dreg:$0x8] =	wrdreg s15  }
0x2ed: {  	s17 =	sor.u32 $0x1860, s5;
	[tilespmem:s24+$0x160] =	vst v9  }
0x2ee: {  	s16 =	sor.u32 $0x870, s21;
	v10 =	vadd.f32 v15, v10;
	v9 =	vld.idx.msk [tilespmem:v4+s14+$0x0 ss:$0x1], $0xffff;
	[smem:$0x7EA] =	sst s17  }
0x2ef: {  	v14 =	vld.idx.msk [tilespmem:v3+s16+$0x0 ss:$0x1], $0xffff  }
0x2f0: {  	s28 =	sor.u32 $0x870, s4;
	v8 =	vadd.f32 v11, v8;
	[tilespmem:s24+$0xFFFFFD60] =	vst v10;
	v10 =	vld.idx.msk [tilespmem:v4+s16+$0x0 ss:$0x1], $0xffff  }
0x2f1: {  	v11 =	vld.idx.msk [tilespmem:v3+s28+$0x0 ss:$0x1], $0xffff  }
0x2f2: {  	s9 =	sor.u32 $0x1810, s2;
	v12 =	vadd.f32 v13, v12;
	[tilespmem:s19+$0x300] =	vst v8;
	v15 =	vld.idx.msk [tilespmem:v4+s28+$0x0 ss:$0x1], $0xffff  }
0x2f3: {  	v8 =	vld.idx.msk [tilespmem:v3+s9+$0x0 ss:$0x1], $0xffff  }
0x2f4: {  	s6 =	sor.u32 $0x1810, s5;
	s16 =	sor.u32 $0xC10, s4;
	v13 =	vld.idx.msk [tilespmem:v4+s9+$0x0 ss:$0x1], $0xffff;
	[tilespmem:s19+$0xFFFFFF00] =	vst v12  }
0x2f5: {  	s20 =	simm.s32 $0x2;
	s17 =	sor.u32 $0xC20, s4;
	v7 =	vadd.f32 v9, v7;
	v9 =	vld.idx.msk [tilespmem:v3+s6+$0x0 ss:$0x1], $0xffff;
	[smem:$0x7EB] =	sst s16  }
0x2f6: {  	s7 =	sand.u32 $0x3, s20;
	s20 =	sor.u32 $0xC30, s4;
	[smem:$0x7EC] =	sst s17  }
0x2f7: {  	[smem:$0x7ED] =	sst s20  }
0x2f8: {  	s8 =	sor.u32 $0x1C60, s3;
	s0 =	sor.u32 $0x1C70, s3;
	s28 =	sor.u32 $0xC40, s4;
	[tilespmem:s18+$0xFFFFFFD0] =	vst v7  }
0x2f9: {  	s3 =	sshll.u32 s7, $0x8;
	s7 =	sor.u32 $0xC50, s4;
	v12 =	vld.idx.msk [tilespmem:v4+s6+$0x0 ss:$0x1], $0xffff;
	[smem:$0x7EE] =	sst s28  }
0x2fa: {  	s16 =	sor.u32 $0xC60, s4;
	[smem:$0x7EF] =	sst s7  }
0x2fb: {  	s17 =	sor.u32 $0xC70, s4;
	[smem:$0x7F0] =	sst s16  }
0x2fc: {  	s20 =	sor.u32 $0x1000, s4;
	v10 =	vadd.f32 v10, v14;
	v14 =	vld.idx.msk [tilespmem:v3+s8+$0x0 ss:$0x1], $0xffff;
	[smem:$0x7F1] =	sst s17  }
0x2fd: {  	s28 =	sor.u32 $0x1010, s4;
	[smem:$0x7F2] =	sst s20  }
0x2fe: {  	s31 =	sor.u32 $0x1840, s5;
	[dreg:$0x1f] =	wrdreg s28  }
0x2ff: {  	s29 =	sor.u32 $0x1850, s5;
	s26 =	sor.u32 $0x1870, s5;
	s7 =	sor.u32 $0x1020, s4;
	[tilespmem:s24+$0x170] =	vst v10  }
0x300: {  	s23 =	sor.u32 $0x1C10, s5;
	v16 =	vld.idx.msk [tilespmem:v4+s8+$0x0 ss:$0x1], $0xffff;
	s8 =	sor.u32 $0x1030, s4;
	[dreg:$0x1e] =	wrdreg s7  }
0x301: {  	s16 =	sor.u32 $0xC00, s21;
	s17 =	sor.u32 $0x1040, s4;
	[dreg:$0x1d] =	wrdreg s8  }
0x302: {  	s25 =	sor.u32 $0x1C00, s5;
	v7 =	vadd.f32 v15, v11;
	s20 =	sor.u32 $0x1050, s4;
	v11 =	vld.idx.msk [tilespmem:v3+s16+$0x0 ss:$0x1], $0xffff;
	[dreg:$0x1c] =	wrdreg s17  }
0x303: {  	s1 =	sor.u32 $0x1820, s5;
	s28 =	sor.u32 $0x1060, s4;
	[dreg:$0x1b] =	wrdreg s20  }
0x304: {  	s12 =	sor.u32 $0x1C60, s5;
	s22 =	sor.u32 $0x1C20, s5;
	[dreg:$0x1a] =	wrdreg s28  }
0x305: {  	s13 =	sor.u32 $0x1C50, s5;
	s15 =	sor.u32 $0x1C30, s5;
	s8 =	sor.u32 $0x1070, s4;
	[tilespmem:s24+$0xFFFFFD70] =	vst v7  }
0x306: {  	s14 =	sor.u32 $0x1C40, s5;
	v15 =	vld.idx.msk [tilespmem:v4+s16+$0x0 ss:$0x1], $0xffff;
	s16 =	sor.u32 $0x1400, s4;
	[dreg:$0x19] =	wrdreg s8  }
0x307: {  	s9 =	sor.u32 $0x1C70, s5;
	s17 =	sor.u32 $0x1410, s4;
	[dreg:$0x18] =	wrdreg s16  }
0x308: {  	s5 =	sor.u32 $0xC00, s4;
	s20 =	sor.u32 $0x1420, s4;
	[dreg:$0x17] =	wrdreg s17  }
0x309: {  	s28 =	sor.u32 $0x1430, s4;
	v7 =	vadd.f32 v13, v8;
	v13 =	vld.idx.msk [tilespmem:v3+s5+$0x0 ss:$0x1], $0xffff;
	[dreg:$0x16] =	wrdreg s20  }
0x30a: {  	s7 =	sor.u32 $0x1440, s4;
	[dreg:$0x15] =	wrdreg s28  }
0x30b: {  	[dreg:$0x14] =	wrdreg s7  }
0x30c: {  	s8 =	sor.u32 $0x1450, s4;
	[tilespmem:s19+$0x310] =	vst v7  }
0x30d: {  	s16 =	sor.u32 $0x1460, s4;
	v17 =	vld.idx.msk [tilespmem:v4+s5+$0x0 ss:$0x1], $0xffff;
	[dreg:$0x13] =	wrdreg s8  }
0x30e: {  	s3 =	sadd.s32 $0x1000, s3;
	s4 =	sor.u32 $0x1470, s4;
	[dreg:$0x12] =	wrdreg s16  }
0x30f: {  	s17 =	sor.u32 $0x1820, s2;
	s20 =	sor.u32 $0x1800, s3;
	[dreg:$0x11] =	wrdreg s4  }
0x310: {  	v8 =	vadd.f32 v12, v9;
	s28 =	sor.u32 $0x1810, s3;
	v7 =	vld.idx.msk [tilespmem:v3+s17+$0x0 ss:$0x1], $0xffff;
	[dreg:$0x10] =	wrdreg s20  }
0x311: {  	[dreg:$0xf] =	wrdreg s28  }
0x312: {  	s6 =	sor.u32 $0x1820, s3;
	[tilespmem:s19+$0xFFFFFF10] =	vst v8  }
0x313: {  	s7 =	sor.u32 $0x1830, s3;
	v9 =	vld.idx.msk [tilespmem:v4+s17+$0x0 ss:$0x1], $0xffff;
	[dreg:$0xe] =	wrdreg s6  }
0x314: {  	s8 =	sor.u32 $0x1840, s3;
	[dreg:$0xd] =	wrdreg s7  }
0x315: {  	s16 =	sor.u32 $0x1850, s3;
	[dreg:$0xc] =	wrdreg s8  }
0x316: {  	s17 =	sor.u32 $0x1860, s3;
	v8 =	vld.idx.msk [tilespmem:v3+s1+$0x0 ss:$0x1], $0xffff;
	[dreg:$0xb] =	wrdreg s16  }
0x317: {  	v12 =	vadd.f32 v16, v14;
	s20 =	sor.u32 $0x1870, s3;
	[dreg:$0xa] =	wrdreg s17  }
0x318: {  	[dreg:$0x9] =	wrdreg s20  }
0x319: {  	s30 =	sor.u32 $0x1C10, s3;
	s28 =	sor.u32 $0x1C00, s3;
	[tilespmem:s18+$0xFFFFFFE0] =	vst v12  }
0x31a: {  	s5 =	sor.u32 $0x1C50, s3;
	s4 =	sor.u32 $0x1C60, s3;
	v11 =	vadd.f32 v15, v11;
	v10 =	vld.idx.msk [tilespmem:v4+s1+$0x0 ss:$0x1], $0xffff;
	[dreg:$0x6] =	wrdreg s28  }
0x31b: {  	s8 =	sor.u32 $0x1C20, s3;
	s7 =	sor.u32 $0x1C30, s3;
	s6 =	sor.u32 $0x1C40, s3;
	v12 =	vadd.f32 v6, v5;
	v5 =	vld.idx.msk [tilespmem:v3+s0+$0x0 ss:$0x1], $0xffff  }
0x31c: {  	s3 =	sor.u32 $0x1C70, s3;
	s20 =	simm.s32 $0x4;
	v6 =	vld.idx.msk [tilespmem:v4+s0+$0x0 ss:$0x1], $0xffff;
	[tilespmem:s24+$0x180] =	vst v11;
	s0 =	sor.u32 $0xC10, s21  }
0x31d: {  	s16 =	simm.s32 $0x3;
	s17 =	smov.u32 s24;
	s1 =	simm.s32 $0x1000;
	[tilespmem:s18+$0x3F0] =	vst v12;
	v12 =	vadd.f32 v17, v13;
	v11 =	vld.idx.msk [tilespmem:v3+s0+$0x0 ss:$0x1], $0xffff  }
.LBB2_7:
0x31e: {  	[smem:$0x7B2] =	sst s31  }
0x31f: {  	[smem:$0x7B6] =	sst s29  }
0x320: {  	[smem:$0x7BD] =	sst s26  }
0x321: {  	[smem:$0x7C1] =	sst s25  }
0x322: {  	[smem:$0x7CA] =	sst s8  }
0x323: {  	[smem:$0x7C5] =	sst s23  }
0x324: {  	[smem:$0x7C6] =	sst s30  }
0x325: {  	[smem:$0x7C9] =	sst s22  }
0x326: {  	[smem:$0x7CE] =	sst s15  }
0x327: {  	[smem:$0x7D4] =	sst s6  }
0x328: {  	[smem:$0x7CF] =	sst s7  }
0x329: {  	[smem:$0x7D9] =	sst s13  }
0x32a: {  	[smem:$0x7D3] =	sst s14  }
0x32b: {  	[smem:$0x7D6] =	sst s1  }
0x32c: {  	[smem:$0x7DA] =	sst s5  }
0x32d: {  	[smem:$0x7DE] =	sst s12  }
0x32e: {  	[smem:$0x7E3] =	sst s9  }
0x32f: {  	[smem:$0x7DF] =	sst s4;
	s11 =	sadd.s32 $0x100, s11;
	s25 =	sadd.s32 $0x800, s10  }
0x330: {  	[smem:$0x7E4] =	sst s3;
	s23 =	sand.u32 $0x2000, s25;
	s26 =	sand.u32 $0x300, s11  }
0x331: {  	s28 =	sld [smem:$0x7EB];
	s22 =	sor.u32 s26, s23  }
0x332: {  	[dreg:$0x5] =	wrdreg s11;
	s6 =	sor.u32 $0x440, s22  }
0x333: {  	s12 =	sand.u32 $0x3, s16;
	s8 =	sor.u32 $0x450, s22;
	[smem:$0x7AD] =	sst s6  }
0x334: {  	[tilespmem:s24+$0xFFFFFD80] =	vst v12;
	v12 =	vld.idx.msk [tilespmem:v4+s0+$0x0 ss:$0x1], $0xffff;
	s13 =	sshll.u32 s12, $0x8;
	v5 =	vadd.f32 v6, v5;
	s9 =	sor.u32 $0x460, s22;
	[smem:$0x7B0] =	sst s8  }
0x335: {  	v7 =	vadd.f32 v9, v7;
	s10 =	sadd.s32 s13, s25;
	v9 =	vld.idx.msk [tilespmem:v3+s28+$0x0 ss:$0x1], $0xffff;
	s13 =	sor.u32 $0x470, s22;
	[smem:$0x7B4] =	sst s9  }
0x336: {  	s15 =	sor.u32 $0x1830, s2;
	v13 =	vld.idx.msk [tilespmem:v4+s28+$0x0 ss:$0x1], $0xffff;
	[tilespmem:s18+$0xFFFFFFF0] =	vst v5;
	s18 =	sor.u32 $0x800, s22;
	[smem:$0x7B8] =	sst s13  }
0x337: {  	v8 =	vadd.f32 v10, v8;
	s14 =	sadd.s32 $0x80, s11;
	[tilespmem:s19+$0x320] =	vst v7;
	s26 =	sor.u32 $0x810, s22;
	[smem:$0x7BB] =	sst s18  }
0x338: {  	s1 =	sand.u32 $0x380, s14;
	v7 =	vld.idx.msk [tilespmem:v3+s15+$0x0 ss:$0x1], $0xffff;
	s4 =	sor.u32 $0x830, s22;
	[smem:$0x7BF] =	sst s26  }
0x339: {  	s14 =	sor.u32 s23, s1;
	[tilespmem:s19+$0xFFFFFF20] =	vst v8;
	v8 =	vld.idx.msk [tilespmem:v4+s15+$0x0 ss:$0x1], $0xffff;
	[smem:$0x7C7] =	sst s4  }
0x33a: {  	v6 =	vld.idx.msk [tilespmem:v3+s14+$0x0 ss:$0x1], $0xffff;
	s6 =	sor.u32 $0x840, s22;
	s8 =	sld [smem:$0x7EC]  }
0x33b: {  	v10 =	vld.idx.msk [tilespmem:v4+s14+$0x0 ss:$0x1], $0xffff;
	s9 =	sor.u32 $0x850, s22;
	[smem:$0x7CC] =	sst s6;
	v11 =	vadd.f32 v12, v11  }
0x33c: {  	v5 =	vld.idx.msk [tilespmem:v3+s22+$0x0 ss:$0x1], $0xffff;
	s13 =	sor.u32 $0x860, s22;
	[smem:$0x7D1] =	sst s9  }
0x33d: {  	s28 =	sor.u32 $0xC20, s21;
	s26 =	sor.u32 $0x870, s22;
	[smem:$0x7D7] =	sst s13;
	v12 =	vld.idx.msk [tilespmem:v4+s22+$0x0 ss:$0x1], $0xffff;
	v9 =	vadd.f32 v13, v9;
	[tilespmem:s24+$0x190] =	vst v11  }
0x33e: {  	s3 =	sor.u32 $0x10, s22;
	[smem:$0x7DC] =	sst s26;
	s6 =	sor.u32 $0xC10, s22;
	v11 =	vld.idx.msk [tilespmem:v3+s28+$0x0 ss:$0x1], $0xffff  }
0x33f: {  	s7 =	sor.u32 $0x20, s22;
	[smem:$0x7EB] =	sst s6;
	v7 =	vadd.f32 v8, v7;
	[tilespmem:s24+$0xFFFFFD90] =	vst v9;
	v9 =	vld.idx.msk [tilespmem:v4+s28+$0x0 ss:$0x1], $0xffff;
	s28 =	sor.u32 $0x820, s22  }
0x340: {  	s18 =	sor.u32 $0x1840, s2;
	v6 =	vadd.f32 v10, v6;
	[smem:$0x7C3] =	sst s28;
	v8 =	vld.idx.msk [tilespmem:v3+s8+$0x0 ss:$0x1], $0xffff;
	s28 =	sor.u32 $0xC00, s22  }
0x341: {  	[tilespmem:s19+$0x330] =	vst v7;
	s24 =	sadd.s32 $0x800, s24;
	v10 =	vld.idx.msk [tilespmem:v4+s8+$0x0 ss:$0x1], $0xffff;
	s8 =	sor.u32 $0xC20, s22;
	[smem:$0x7E1] =	sst s28  }
0x342: {  	s30 =	sor.u32 $0x30, s22;
	s12 =	sor.u32 $0x40, s22;
	v7 =	vld.idx.msk [tilespmem:v3+s18+$0x0 ss:$0x1], $0xffff;
	[tilespmem:s24+$0x0] =	vst v6;
	[smem:$0x7EC] =	sst s8  }
0x343: {  	s23 =	sor.u32 $0x50, s22;
	v6 =	vld.idx.msk [tilespmem:v4+s18+$0x0 ss:$0x1], $0xffff;
	s28 =	sld [smem:$0x7EA];
	s18 =	sor.u32 $0x1030, s22  }
0x344: {  	s5 =	sor.u32 $0x60, s22;
	[smem:$0x7AA] =	sst s18;
	s18 =	sor.u32 $0x1040, s22  }
0x345: {  	s31 =	sor.u32 $0x70, s22;
	s29 =	sor.u32 $0x400, s22;
	[smem:$0x7AB] =	sst s18  }
0x346: {  	s11 =	sor.u32 $0x410, s22;
	s18 =	sor.u32 $0x1050, s22;
	[smem:$0x7EA] =	sst s28  }
0x347: {  	s1 =	sor.u32 $0x420, s22;
	[smem:$0x7AC] =	sst s18;
	s18 =	sor.u32 $0x1060, s22  }
0x348: {  	s9 =	sor.u32 $0x10, s14;
	v5 =	vadd.f32 v12, v5;
	[smem:$0x7AE] =	sst s18;
	s18 =	sor.u32 $0x1070, s22  }
0x349: {  	s15 =	sor.u32 $0x430, s22;
	v12 =	vld.idx.msk [tilespmem:v3+s9+$0x0 ss:$0x1], $0xffff;
	[smem:$0x7B1] =	sst s18;
	s18 =	sor.u32 $0x1400, s22  }
0x34a: {  	s0 =	sor.u32 $0x1000, s22;
	[tilespmem:s24+$0xFFFFFC00] =	vst v5;
	v5 =	vld.idx.msk [tilespmem:v4+s9+$0x0 ss:$0x1], $0xffff;
	v9 =	vadd.f32 v9, v11;
	[smem:$0x7B5] =	sst s18;
	s18 =	sor.u32 $0x1410, s22  }
0x34b: {  	s4 =	sor.u32 $0xC30, s22;
	v13 =	vld.idx.msk [tilespmem:v4+s3+$0x0 ss:$0x1], $0xffff;
	v8 =	vadd.f32 v10, v8;
	[smem:$0x7B9] =	sst s18;
	s18 =	sor.u32 $0x1420, s22  }
0x34c: {  	v11 =	vld.idx.msk [tilespmem:v3+s3+$0x0 ss:$0x1], $0xffff;
	s3 =	sor.u32 $0xC30, s21;
	[tilespmem:s17+$0x1A0] =	vst v9;
	[smem:$0x7BC] =	sst s18;
	s18 =	sor.u32 $0x1430, s22  }
0x34d: {  	s13 =	sor.u32 $0xC40, s22;
	s26 =	sor.u32 $0xC60, s22;
	v9 =	vld.idx.msk [tilespmem:v3+s3+$0x0 ss:$0x1], $0xffff;
	[smem:$0x7C0] =	sst s18;
	[tilespmem:s17+$0xFFFFFDA0] =	vst v8  }
0x34e: {  	s6 =	sor.u32 $0xC50, s22;
	s18 =	sor.u32 $0x1440, s22;
	v8 =	vld.idx.msk [tilespmem:v4+s3+$0x0 ss:$0x1], $0xffff;
	s3 =	sld [smem:$0x7ED]  }
0x34f: {  	s8 =	sor.u32 $0xC70, s22;
	[smem:$0x7C4] =	sst s18;
	s18 =	sor.u32 $0x1450, s22  }
0x350: {  	s9 =	sor.u32 $0x1020, s22;
	v6 =	vadd.f32 v6, v7;
	[smem:$0x7C8] =	sst s18;
	s18 =	sor.u32 $0x1460, s22  }
0x351: {  	s28 =	sor.u32 $0x1010, s22;
	v11 =	vadd.f32 v13, v11;
	s22 =	sor.u32 $0x1470, s22;
	[smem:$0x7CD] =	sst s18;
	v7 =	vld.idx.msk [tilespmem:v3+s3+$0x0 ss:$0x1], $0xffff  }
0x352: {  	v5 =	vadd.f32 v5, v12;
	[tilespmem:s19+$0x340] =	vst v6;
	[smem:$0x7D2] =	sst s22;
	s22 =	sor.u32 $0x1800, s10;
	v10 =	vld.idx.msk [tilespmem:v4+s3+$0x0 ss:$0x1], $0xffff;
	s3 =	sor.u32 $0x1850, s2  }
0x353: {  	[smem:$0x7D8] =	sst s22;
	s22 =	sor.u32 $0x1810, s10;
	[tilespmem:s24+$0xFFFFFC10] =	vst v11;
	v6 =	vld.idx.msk [tilespmem:v3+s3+$0x0 ss:$0x1], $0xffff  }
0x354: {  	[smem:$0x7DD] =	sst s22;
	s22 =	sor.u32 $0x1820, s10;
	[tilespmem:s24+$0x10] =	vst v5;
	v13 =	vld.idx.msk [tilespmem:v4+s7+$0x0 ss:$0x1], $0xffff  }
0x355: {  	[smem:$0x7E2] =	sst s22;
	v5 =	vld.idx.msk [tilespmem:v4+s3+$0x0 ss:$0x1], $0xffff  }
0x356: {  	s18 =	sor.u32 $0x20, s14;
	s22 =	sor.u32 $0x1830, s10;
	v8 =	vadd.f32 v8, v9;
	v9 =	vld.idx.msk [tilespmem:v3+s7+$0x0 ss:$0x1], $0xffff;
	s7 =	sld [smem:$0x7EE]  }
0x357: {  	v12 =	vld.idx.msk [tilespmem:v3+s18+$0x0 ss:$0x1], $0xffff;
	s3 =	sor.u32 $0x1C20, s10;
	[smem:$0x7AF] =	sst s22  }
0x358: {  	v11 =	vld.idx.msk [tilespmem:v4+s18+$0x0 ss:$0x1], $0xffff;
	s18 =	sor.u32 $0x1C40, s10;
	[smem:$0x7CB] =	sst s3  }
0x359: {  	s22 =	sor.u32 $0x1840, s10;
	[smem:$0x7D5] =	sst s18  }
0x35a: {  	s3 =	sor.u32 $0x1C30, s10;
	[smem:$0x7B3] =	sst s22  }
0x35b: {  	s18 =	sor.u32 $0x1C50, s10;
	[smem:$0x7D0] =	sst s3  }
0x35c: {  	s22 =	sor.u32 $0x1850, s10;
	[smem:$0x7DB] =	sst s18  }
0x35d: {  	s18 =	sor.u32 $0x1C60, s10;
	[smem:$0x7B7] =	sst s22  }
0x35e: {  	s22 =	sor.u32 $0x1860, s10;
	[smem:$0x7E0] =	sst s18  }
0x35f: {  	s3 =	sor.u32 $0xC40, s21;
	s18 =	sor.u32 $0x1C70, s10;
	[smem:$0x7BA] =	sst s22  }
0x360: {  	[tilespmem:s17+$0x1B0] =	vst v8;
	v7 =	vadd.f32 v10, v7;
	s22 =	sor.u32 $0x1870, s10;
	[smem:$0x7E5] =	sst s18;
	s18 =	smov.u32 s19  }
0x361: {  	v8 =	vld.idx.msk [tilespmem:v3+s3+$0x0 ss:$0x1], $0xffff;
	s19 =	smov.u32 s17;
	[smem:$0x7BE] =	sst s22;
	s22 =	sor.u32 $0x1C00, s10  }
0x362: {  	[tilespmem:s19+$0xFFFFFDB0] =	vst v7;
	v7 =	vld.idx.msk [tilespmem:v4+s3+$0x0 ss:$0x1], $0xffff;
	v5 =	vadd.f32 v5, v6;
	[smem:$0x7C2] =	sst s22  }
0x363: {  	v10 =	vadd.f32 v11, v12;
	s22 =	sor.u32 $0x1C10, s10;
	s10 =	smov.u32 s25;
	s25 =	smov.u32 s4;
	v6 =	vld.idx.msk [tilespmem:v3+s7+$0x0 ss:$0x1], $0xffff  }
0x364: {  	v11 =	vld.idx.msk [tilespmem:v4+s7+$0x0 ss:$0x1], $0xffff;
	[smem:$0x7ED] =	sst s25;
	[tilespmem:s18+$0x350] =	vst v5;
	s25 =	sor.u32 $0x1860, s2  }
0x365: {  	v5 =	vld.idx.msk [tilespmem:v3+s25+$0x0 ss:$0x1], $0xffff;
	[tilespmem:s24+$0x20] =	vst v10  }
0x366: {  	v9 =	vadd.f32 v13, v9;
	s7 =	smov.u32 s13;
	s13 =	sor.u32 $0x30, s14;
	v10 =	vld.idx.msk [tilespmem:v4+s25+$0x0 ss:$0x1], $0xffff  }
0x367: {  	v12 =	vld.idx.msk [tilespmem:v3+s13+$0x0 ss:$0x1], $0xffff  }
0x368: {  	[tilespmem:s24+$0xFFFFFC20] =	vst v9;
	v9 =	vld.idx.msk [tilespmem:v4+s13+$0x0 ss:$0x1], $0xffff;
	v7 =	vadd.f32 v7, v8  }
0x369: {  	v13 =	vld.idx.msk [tilespmem:v4+s30+$0x0 ss:$0x1], $0xffff  }
0x36a: {  	s4 =	sld [smem:$0x7EF];
	s25 =	sor.u32 $0xC50, s21;
	v8 =	vld.idx.msk [tilespmem:v3+s30+$0x0 ss:$0x1], $0xffff;
	v6 =	vadd.f32 v11, v6;
	[tilespmem:s19+$0x1C0] =	vst v7  }
0x36b: {  	v7 =	vld.idx.msk [tilespmem:v3+s25+$0x0 ss:$0x1], $0xffff  }
0x36c: {  	[tilespmem:s19+$0xFFFFFDC0] =	vst v6;
	v6 =	vld.idx.msk [tilespmem:v4+s25+$0x0 ss:$0x1], $0xffff;
	v5 =	vadd.f32 v10, v5  }
0x36d: {  	v10 =	vld.idx.msk [tilespmem:v3+s4+$0x0 ss:$0x1], $0xffff;
	v9 =	vadd.f32 v9, v12  }
0x36e: {  	[smem:$0x7EE] =	sst s7;
	s7 =	sor.u32 $0x1870, s2;
	v11 =	vld.idx.msk [tilespmem:v4+s4+$0x0 ss:$0x1], $0xffff;
	[tilespmem:s18+$0x360] =	vst v5  }
0x36f: {  	v8 =	vadd.f32 v13, v8;
	v5 =	vld.idx.msk [tilespmem:v3+s7+$0x0 ss:$0x1], $0xffff;
	[tilespmem:s24+$0x30] =	vst v9  }
0x370: {  	s25 =	sor.u32 $0x40, s14;
	v9 =	vld.idx.msk [tilespmem:v4+s7+$0x0 ss:$0x1], $0xffff  }
0x371: {  	[tilespmem:s24+$0xFFFFFC30] =	vst v8;
	v12 =	vld.idx.msk [tilespmem:v3+s25+$0x0 ss:$0x1], $0xffff  }
0x372: {  	v6 =	vadd.f32 v6, v7;
	v7 =	vld.idx.msk [tilespmem:v3+s12+$0x0 ss:$0x1], $0xffff  }
0x373: {  	v13 =	vld.idx.msk [tilespmem:v4+s12+$0x0 ss:$0x1], $0xffff  }
0x374: {  	s13 =	smov.u32 s6;
	s6 =	sor.u32 $0xC60, s21;
	v8 =	vld.idx.msk [tilespmem:v4+s25+$0x0 ss:$0x1], $0xffff;
	v10 =	vadd.f32 v11, v10;
	[tilespmem:s19+$0x1D0] =	vst v6  }
0x375: {  	s7 =	sld [smem:$0x7F0];
	v6 =	vld.idx.msk [tilespmem:v3+s6+$0x0 ss:$0x1], $0xffff  }
0x376: {  	[tilespmem:s19+$0xFFFFFDD0] =	vst v10;
	v10 =	vld.idx.msk [tilespmem:v4+s6+$0x0 ss:$0x1], $0xffff  }
0x377: {  	v5 =	vadd.f32 v9, v5  }
0x378: {  	v11 =	vld.idx.msk [tilespmem:v4+s7+$0x0 ss:$0x1], $0xffff;
	v7 =	vadd.f32 v13, v7  }
0x379: {  	s12 =	sor.u32 $0x1C00, s2;
	v9 =	vld.idx.msk [tilespmem:v3+s7+$0x0 ss:$0x1], $0xffff;
	[tilespmem:s18+$0x370] =	vst v5  }
0x37a: {  	v8 =	vadd.f32 v8, v12;
	[tilespmem:s24+$0xFFFFFC40] =	vst v7;
	v5 =	vld.idx.msk [tilespmem:v3+s12+$0x0 ss:$0x1], $0xffff  }
0x37b: {  	v6 =	vadd.f32 v10, v6;
	v10 =	vld.idx.msk [tilespmem:v3+s23+$0x0 ss:$0x1], $0xffff  }
0x37c: {  	[tilespmem:s24+$0x40] =	vst v8;
	v13 =	vld.idx.msk [tilespmem:v4+s23+$0x0 ss:$0x1], $0xffff  }
0x37d: {  	s25 =	sor.u32 $0x50, s14;
	v8 =	vld.idx.msk [tilespmem:v4+s12+$0x0 ss:$0x1], $0xffff  }
0x37e: {  	[smem:$0x7EF] =	sst s13;
	v12 =	vld.idx.msk [tilespmem:v3+s25+$0x0 ss:$0x1], $0xffff  }
0x37f: {  	s13 =	smov.u32 s26;
	s26 =	sor.u32 $0xC70, s21;
	s4 =	sld [smem:$0x7F1];
	v7 =	vld.idx.msk [tilespmem:v4+s25+$0x0 ss:$0x1], $0xffff;
	v9 =	vadd.f32 v11, v9;
	[tilespmem:s19+$0x1E0] =	vst v6  }
0x380: {  	v6 =	vld.idx.msk [tilespmem:v3+s26+$0x0 ss:$0x1], $0xffff  }
0x381: {  	[tilespmem:s19+$0xFFFFFDE0] =	vst v9;
	v9 =	vld.idx.msk [tilespmem:v4+s26+$0x0 ss:$0x1], $0xffff;
	v10 =	vadd.f32 v13, v10  }
0x382: {  	v11 =	vld.idx.msk [tilespmem:v4+s4+$0x0 ss:$0x1], $0xffff;
	v5 =	vadd.f32 v8, v5  }
0x383: {  	v8 =	vld.idx.msk [tilespmem:v3+s4+$0x0 ss:$0x1], $0xffff;
	[tilespmem:s24+$0xFFFFFC50] =	vst v10  }
0x384: {  	s6 =	sor.u32 $0x1C10, s2;
	v7 =	vadd.f32 v7, v12;
	[tilespmem:s18+$0x380] =	vst v5;
	v13 =	vld.idx.msk [tilespmem:v4+s5+$0x0 ss:$0x1], $0xffff  }
0x385: {  	v5 =	vld.idx.msk [tilespmem:v3+s6+$0x0 ss:$0x1], $0xffff  }
0x386: {  	[tilespmem:s24+$0x50] =	vst v7;
	v6 =	vadd.f32 v9, v6;
	v9 =	vld.idx.msk [tilespmem:v3+s5+$0x0 ss:$0x1], $0xffff  }
0x387: {  	s12 =	sor.u32 $0x60, s14;
	v7 =	vld.idx.msk [tilespmem:v4+s6+$0x0 ss:$0x1], $0xffff  }
0x388: {  	[smem:$0x7F0] =	sst s13;
	v12 =	vld.idx.msk [tilespmem:v3+s12+$0x0 ss:$0x1], $0xffff  }
0x389: {  	s13 =	sor.u32 $0x1000, s21;
	s23 =	sld [smem:$0x7F2];
	v10 =	vld.idx.msk [tilespmem:v4+s12+$0x0 ss:$0x1], $0xffff;
	v8 =	vadd.f32 v11, v8;
	[tilespmem:s19+$0x1F0] =	vst v6  }
0x38a: {  	v6 =	vld.idx.msk [tilespmem:v3+s13+$0x0 ss:$0x1], $0xffff  }
0x38b: {  	[tilespmem:s19+$0xFFFFFDF0] =	vst v8;
	v8 =	vld.idx.msk [tilespmem:v4+s13+$0x0 ss:$0x1], $0xffff;
	v9 =	vadd.f32 v13, v9  }
0x38c: {  	v11 =	vld.idx.msk [tilespmem:v4+s23+$0x0 ss:$0x1], $0xffff;
	v5 =	vadd.f32 v7, v5  }
0x38d: {  	v7 =	vld.idx.msk [tilespmem:v3+s23+$0x0 ss:$0x1], $0xffff;
	[tilespmem:s24+$0xFFFFFC60] =	vst v9  }
0x38e: {  	s25 =	sor.u32 $0x1C20, s2;
	v10 =	vadd.f32 v10, v12;
	[tilespmem:s18+$0x390] =	vst v5;
	v13 =	vld.idx.msk [tilespmem:v4+s31+$0x0 ss:$0x1], $0xffff  }
0x38f: {  	v5 =	vld.idx.msk [tilespmem:v3+s25+$0x0 ss:$0x1], $0xffff  }
0x390: {  	[tilespmem:s24+$0x60] =	vst v10;
	v6 =	vadd.f32 v8, v6;
	v8 =	vld.idx.msk [tilespmem:v3+s31+$0x0 ss:$0x1], $0xffff  }
0x391: {  	s4 =	sor.u32 $0x70, s14;
	v10 =	vld.idx.msk [tilespmem:v4+s25+$0x0 ss:$0x1], $0xffff  }
0x392: {  	v12 =	vld.idx.msk [tilespmem:v3+s4+$0x0 ss:$0x1], $0xffff  }
0x393: {  	s5 =	sor.u32 $0x1010, s21;
	v9 =	vld.idx.msk [tilespmem:v4+s4+$0x0 ss:$0x1], $0xffff;
	v7 =	vadd.f32 v11, v7;
	[tilespmem:s19+$0x200] =	vst v6  }
0x394: {  	v6 =	vld.idx.msk [tilespmem:v3+s5+$0x0 ss:$0x1], $0xffff  }
0x395: {  	s6 =	rddreg [dreg:$0x1f];
	[tilespmem:s19+$0xFFFFFE00] =	vst v7;
	v7 =	vld.idx.msk [tilespmem:v4+s5+$0x0 ss:$0x1], $0xffff;
	v8 =	vadd.f32 v13, v8  }
0x396: {  	v11 =	vld.idx.msk [tilespmem:v4+s6+$0x0 ss:$0x1], $0xffff;
	v5 =	vadd.f32 v10, v5  }
0x397: {  	s7 =	smov.u32 s8;
	v10 =	vld.idx.msk [tilespmem:v3+s6+$0x0 ss:$0x1], $0xffff;
	[tilespmem:s24+$0xFFFFFC70] =	vst v8  }
0x398: {  	[smem:$0x7F1] =	sst s7;
	s7 =	sor.u32 $0x1C30, s2;
	v9 =	vadd.f32 v9, v12;
	[tilespmem:s18+$0x3A0] =	vst v5;
	v13 =	vld.idx.msk [tilespmem:v4+s29+$0x0 ss:$0x1], $0xffff  }
0x399: {  	v5 =	vld.idx.msk [tilespmem:v3+s7+$0x0 ss:$0x1], $0xffff  }
0x39a: {  	[tilespmem:s24+$0x70] =	vst v9;
	v6 =	vadd.f32 v7, v6;
	v7 =	vld.idx.msk [tilespmem:v3+s29+$0x0 ss:$0x1], $0xffff  }
0x39b: {  	s12 =	sor.u32 $0x400, s14;
	v9 =	vld.idx.msk [tilespmem:v4+s7+$0x0 ss:$0x1], $0xffff  }
0x39c: {  	v12 =	vld.idx.msk [tilespmem:v3+s12+$0x0 ss:$0x1], $0xffff  }
0x39d: {  	s13 =	sor.u32 $0x1020, s21;
	v8 =	vld.idx.msk [tilespmem:v4+s12+$0x0 ss:$0x1], $0xffff;
	v10 =	vadd.f32 v11, v10;
	[tilespmem:s19+$0x210] =	vst v6  }
0x39e: {  	v6 =	vld.idx.msk [tilespmem:v3+s13+$0x0 ss:$0x1], $0xffff  }
0x39f: {  	s23 =	rddreg [dreg:$0x1e];
	[tilespmem:s19+$0xFFFFFE10] =	vst v10;
	v10 =	vld.idx.msk [tilespmem:v4+s13+$0x0 ss:$0x1], $0xffff;
	v7 =	vadd.f32 v13, v7  }
0x3a0: {  	v11 =	vld.idx.msk [tilespmem:v4+s23+$0x0 ss:$0x1], $0xffff;
	v5 =	vadd.f32 v9, v5  }
0x3a1: {  	v9 =	vld.idx.msk [tilespmem:v3+s23+$0x0 ss:$0x1], $0xffff;
	[tilespmem:s24+$0xFFFFFC80] =	vst v7  }
0x3a2: {  	s25 =	sor.u32 $0x1C40, s2;
	v8 =	vadd.f32 v8, v12;
	[tilespmem:s18+$0x3B0] =	vst v5;
	v13 =	vld.idx.msk [tilespmem:v4+s11+$0x0 ss:$0x1], $0xffff  }
0x3a3: {  	v5 =	vld.idx.msk [tilespmem:v3+s25+$0x0 ss:$0x1], $0xffff  }
0x3a4: {  	[tilespmem:s24+$0x80] =	vst v8;
	v6 =	vadd.f32 v10, v6;
	v10 =	vld.idx.msk [tilespmem:v3+s11+$0x0 ss:$0x1], $0xffff  }
0x3a5: {  	s8 =	smov.u32 s28;
	s28 =	sor.u32 $0x410, s14;
	v8 =	vld.idx.msk [tilespmem:v4+s25+$0x0 ss:$0x1], $0xffff  }
0x3a6: {  	v12 =	vld.idx.msk [tilespmem:v3+s28+$0x0 ss:$0x1], $0xffff  }
0x3a7: {  	s4 =	sor.u32 $0x1030, s21;
	v7 =	vld.idx.msk [tilespmem:v4+s28+$0x0 ss:$0x1], $0xffff;
	v9 =	vadd.f32 v11, v9;
	[tilespmem:s19+$0x220] =	vst v6  }
0x3a8: {  	v6 =	vld.idx.msk [tilespmem:v3+s4+$0x0 ss:$0x1], $0xffff  }
0x3a9: {  	s5 =	rddreg [dreg:$0x1d];
	[tilespmem:s19+$0xFFFFFE20] =	vst v9;
	v9 =	vld.idx.msk [tilespmem:v4+s4+$0x0 ss:$0x1], $0xffff;
	v10 =	vadd.f32 v13, v10  }
0x3aa: {  	v11 =	vld.idx.msk [tilespmem:v4+s5+$0x0 ss:$0x1], $0xffff;
	v5 =	vadd.f32 v8, v5  }
0x3ab: {  	v8 =	vld.idx.msk [tilespmem:v3+s5+$0x0 ss:$0x1], $0xffff;
	[tilespmem:s24+$0xFFFFFC90] =	vst v10  }
0x3ac: {  	s6 =	sor.u32 $0x1C50, s2;
	v7 =	vadd.f32 v7, v12;
	[tilespmem:s18+$0x3C0] =	vst v5;
	v13 =	vld.idx.msk [tilespmem:v4+s1+$0x0 ss:$0x1], $0xffff  }
0x3ad: {  	v5 =	vld.idx.msk [tilespmem:v3+s6+$0x0 ss:$0x1], $0xffff  }
0x3ae: {  	s26 =	smov.u32 s0;
	[tilespmem:s24+$0x90] =	vst v7;
	v6 =	vadd.f32 v9, v6;
	v9 =	vld.idx.msk [tilespmem:v3+s1+$0x0 ss:$0x1], $0xffff  }
0x3af: {  	[smem:$0x7F2] =	sst s26;
	s26 =	smov.u32 s9;
	s9 =	sor.u32 $0x420, s14;
	v7 =	vld.idx.msk [tilespmem:v4+s6+$0x0 ss:$0x1], $0xffff  }
0x3b0: {  	v12 =	vld.idx.msk [tilespmem:v3+s9+$0x0 ss:$0x1], $0xffff  }
0x3b1: {  	s12 =	sor.u32 $0x1040, s21;
	v10 =	vld.idx.msk [tilespmem:v4+s9+$0x0 ss:$0x1], $0xffff;
	v8 =	vadd.f32 v11, v8;
	[tilespmem:s19+$0x230] =	vst v6  }
0x3b2: {  	v6 =	vld.idx.msk [tilespmem:v3+s12+$0x0 ss:$0x1], $0xffff  }
0x3b3: {  	s13 =	rddreg [dreg:$0x1c];
	[tilespmem:s19+$0xFFFFFE30] =	vst v8;
	v8 =	vld.idx.msk [tilespmem:v4+s12+$0x0 ss:$0x1], $0xffff;
	v9 =	vadd.f32 v13, v9  }
0x3b4: {  	v11 =	vld.idx.msk [tilespmem:v4+s13+$0x0 ss:$0x1], $0xffff;
	v5 =	vadd.f32 v7, v5  }
0x3b5: {  	v7 =	vld.idx.msk [tilespmem:v3+s13+$0x0 ss:$0x1], $0xffff;
	[tilespmem:s24+$0xFFFFFCA0] =	vst v9  }
0x3b6: {  	s23 =	sor.u32 $0x1C60, s2;
	v10 =	vadd.f32 v10, v12;
	[tilespmem:s18+$0x3D0] =	vst v5;
	v13 =	vld.idx.msk [tilespmem:v4+s15+$0x0 ss:$0x1], $0xffff  }
0x3b7: {  	v5 =	vld.idx.msk [tilespmem:v3+s23+$0x0 ss:$0x1], $0xffff  }
0x3b8: {  	[tilespmem:s24+$0xA0] =	vst v10;
	v6 =	vadd.f32 v8, v6;
	v8 =	vld.idx.msk [tilespmem:v3+s15+$0x0 ss:$0x1], $0xffff  }
0x3b9: {  	s7 =	sld [smem:$0x7AA];
	s28 =	sor.u32 $0x430, s14;
	v10 =	vld.idx.msk [tilespmem:v4+s23+$0x0 ss:$0x1], $0xffff  }
0x3ba: {  	v12 =	vld.idx.msk [tilespmem:v3+s28+$0x0 ss:$0x1], $0xffff  }
0x3bb: {  	s3 =	rddreg [dreg:$0x1b];
	v9 =	vld.idx.msk [tilespmem:v4+s28+$0x0 ss:$0x1], $0xffff  }
0x3bc: {  	[dreg:$0x1f] =	wrdreg s8;
	s8 =	smov.u32 s7;
	s1 =	sor.u32 $0x1050, s21;
	v7 =	vadd.f32 v11, v7;
	[tilespmem:s19+$0x240] =	vst v6  }
0x3bd: {  	[dreg:$0x1d] =	wrdreg s8;
	v6 =	vld.idx.msk [tilespmem:v3+s1+$0x0 ss:$0x1], $0xffff  }
0x3be: {  	s8 =	sld [smem:$0x7AD];
	[tilespmem:s19+$0xFFFFFE40] =	vst v7;
	v7 =	vld.idx.msk [tilespmem:v4+s1+$0x0 ss:$0x1], $0xffff;
	v8 =	vadd.f32 v13, v8  }
0x3bf: {  	v11 =	vld.idx.msk [tilespmem:v4+s3+$0x0 ss:$0x1], $0xffff;
	v5 =	vadd.f32 v10, v5  }
0x3c0: {  	v10 =	vld.idx.msk [tilespmem:v3+s3+$0x0 ss:$0x1], $0xffff;
	v9 =	vadd.f32 v9, v12;
	[tilespmem:s24+$0xFFFFFCB0] =	vst v8  }
0x3c1: {  	s4 =	sor.u32 $0x1C70, s2;
	[tilespmem:s18+$0x3E0] =	vst v5;
	v13 =	vld.idx.msk [tilespmem:v4+s8+$0x0 ss:$0x1], $0xffff  }
0x3c2: {  	v5 =	vld.idx.msk [tilespmem:v3+s4+$0x0 ss:$0x1], $0xffff;
	[tilespmem:s24+$0xB0] =	vst v9  }
0x3c3: {  	s7 =	sor.u32 $0x440, s14;
	v9 =	vld.idx.msk [tilespmem:v4+s4+$0x0 ss:$0x1], $0xffff  }
0x3c4: {  	v6 =	vadd.f32 v7, v6;
	v12 =	vld.idx.msk [tilespmem:v3+s7+$0x0 ss:$0x1], $0xffff  }
0x3c5: {  	v8 =	vld.idx.msk [tilespmem:v4+s7+$0x0 ss:$0x1], $0xffff  }
0x3c6: {  	s9 =	sor.u32 $0x1060, s21;
	v7 =	vld.idx.msk [tilespmem:v3+s8+$0x0 ss:$0x1], $0xffff;
	v10 =	vadd.f32 v11, v10;
	[tilespmem:s19+$0x250] =	vst v6  }
0x3c7: {  	[dreg:$0x1e] =	wrdreg s26;
	v6 =	vld.idx.msk [tilespmem:v3+s9+$0x0 ss:$0x1], $0xffff  }
0x3c8: {  	s12 =	rddreg [dreg:$0x1a];
	[tilespmem:s19+$0xFFFFFE50] =	vst v10;
	v10 =	vld.idx.msk [tilespmem:v4+s9+$0x0 ss:$0x1], $0xffff  }
0x3c9: {  	s25 =	sld [smem:$0x7AB];
	v11 =	vld.idx.msk [tilespmem:v4+s12+$0x0 ss:$0x1], $0xffff;
	v5 =	vadd.f32 v9, v5  }
0x3ca: {  	s23 =	rddreg [dreg:$0x8];
	v9 =	vld.idx.msk [tilespmem:v3+s12+$0x0 ss:$0x1], $0xffff;
	v8 =	vadd.f32 v8, v12  }
0x3cb: {  	s5 =	sld [smem:$0x7AC];
	[tilespmem:s18+$0x3F0] =	vst v5;
	v5 =	vld.idx.msk [tilespmem:v3+s23+$0x0 ss:$0x1], $0xffff  }
0x3cc: {  	s26 =	smov.u32 s25;
	s25 =	sor.u32 $0x450, s14;
	s4 =	sld [smem:$0x7B0];
	v7 =	vadd.f32 v13, v7;
	[tilespmem:s24+$0xC0] =	vst v8;
	v8 =	vld.idx.msk [tilespmem:v4+s23+$0x0 ss:$0x1], $0xffff  }
0x3cd: {  	v12 =	vld.idx.msk [tilespmem:v3+s25+$0x0 ss:$0x1], $0xffff  }
0x3ce: {  	[tilespmem:s24+$0xFFFFFCC0] =	vst v7;
	v7 =	vld.idx.msk [tilespmem:v4+s25+$0x0 ss:$0x1], $0xffff;
	v6 =	vadd.f32 v10, v6  }
0x3cf: {  	s6 =	smov.u32 s5;
	v10 =	vld.idx.msk [tilespmem:v3+s4+$0x0 ss:$0x1], $0xffff  }
0x3d0: {  	s5 =	sor.u32 $0x1070, s21;
	[dreg:$0x1b] =	wrdreg s6;
	v13 =	vld.idx.msk [tilespmem:v4+s4+$0x0 ss:$0x1], $0xffff;
	v9 =	vadd.f32 v11, v9;
	[tilespmem:s19+$0x260] =	vst v6  }
0x3d1: {  	s6 =	rddreg [dreg:$0x19];
	v6 =	vld.idx.msk [tilespmem:v3+s5+$0x0 ss:$0x1], $0xffff  }
0x3d2: {  	s9 =	sld [smem:$0x7B2];
	[tilespmem:s19+$0xFFFFFE60] =	vst v9;
	v9 =	vld.idx.msk [tilespmem:v4+s5+$0x0 ss:$0x1], $0xffff;
	v5 =	vadd.f32 v8, v5  }
0x3d3: {  	[dreg:$0x1c] =	wrdreg s26;
	v8 =	vld.idx.msk [tilespmem:v3+s6+$0x0 ss:$0x1], $0xffff  }
0x3d4: {  	s26 =	rddreg [dreg:$0xd];
	v7 =	vadd.f32 v7, v12;
	v11 =	vld.idx.msk [tilespmem:v4+s6+$0x0 ss:$0x1], $0xffff;
	[tilespmem:s18+$0xFFFFFF30] =	vst v5  }
0x3d5: {  	s1 =	sld [smem:$0x7AF];
	v5 =	vld.idx.msk [tilespmem:v3+s9+$0x0 ss:$0x1], $0xffff  }
0x3d6: {  	s12 =	sor.u32 $0x460, s14;
	s25 =	sld [smem:$0x7B4];
	v10 =	vadd.f32 v13, v10;
	[tilespmem:s24+$0xD0] =	vst v7;
	v7 =	vld.idx.msk [tilespmem:v4+s9+$0x0 ss:$0x1], $0xffff  }
0x3d7: {  	s13 =	sld [smem:$0x7AE];
	s28 =	smov.u32 s26;
	v12 =	vld.idx.msk [tilespmem:v3+s12+$0x0 ss:$0x1], $0xffff  }
0x3d8: {  	[dreg:$0x8] =	wrdreg s28;
	[tilespmem:s24+$0xFFFFFCD0] =	vst v10;
	v10 =	vld.idx.msk [tilespmem:v4+s12+$0x0 ss:$0x1], $0xffff;
	v6 =	vadd.f32 v9, v6  }
0x3d9: {  	s28 =	rddreg [dreg:$0x18];
	s3 =	smov.u32 s1;
	v13 =	vld.idx.msk [tilespmem:v4+s25+$0x0 ss:$0x1], $0xffff  }
0x3da: {  	s26 =	sor.u32 $0x1400, s21;
	[dreg:$0xd] =	wrdreg s3;
	v9 =	vld.idx.msk [tilespmem:v3+s25+$0x0 ss:$0x1], $0xffff;
	v8 =	vadd.f32 v11, v8;
	[tilespmem:s19+$0x270] =	vst v6  }
0x3db: {  	s7 =	sld [smem:$0x7B1];
	v6 =	vld.idx.msk [tilespmem:v3+s26+$0x0 ss:$0x1], $0xffff  }
0x3dc: {  	s15 =	smov.u32 s13;
	s3 =	sld [smem:$0x7B6];
	[tilespmem:s19+$0xFFFFFE70] =	vst v8;
	v8 =	vld.idx.msk [tilespmem:v4+s26+$0x0 ss:$0x1], $0xffff;
	v5 =	vadd.f32 v7, v5  }
0x3dd: {  	[dreg:$0x1a] =	wrdreg s15;
	v7 =	vld.idx.msk [tilespmem:v3+s28+$0x0 ss:$0x1], $0xffff  }
0x3de: {  	s15 =	sld [smem:$0x7B3];
	s8 =	smov.u32 s7;
	v10 =	vadd.f32 v10, v12;
	v11 =	vld.idx.msk [tilespmem:v4+s28+$0x0 ss:$0x1], $0xffff;
	[tilespmem:s18+$0xFFFFFF40] =	vst v5  }
0x3df: {  	[dreg:$0x19] =	wrdreg s8;
	v5 =	vld.idx.msk [tilespmem:v3+s3+$0x0 ss:$0x1], $0xffff  }
0x3e0: {  	s8 =	sld [smem:$0x7B8];
	s4 =	sor.u32 $0x470, s14;
	v9 =	vadd.f32 v13, v9;
	[tilespmem:s24+$0xE0] =	vst v10;
	v10 =	vld.idx.msk [tilespmem:v4+s3+$0x0 ss:$0x1], $0xffff  }
0x3e1: {  	v12 =	vld.idx.msk [tilespmem:v3+s4+$0x0 ss:$0x1], $0xffff  }
0x3e2: {  	[tilespmem:s24+$0xFFFFFCE0] =	vst v9;
	v9 =	vld.idx.msk [tilespmem:v4+s4+$0x0 ss:$0x1], $0xffff;
	v6 =	vadd.f32 v8, v6  }
0x3e3: {  	s13 =	rddreg [dreg:$0xc];
	s23 =	smov.u32 s15;
	v8 =	vld.idx.msk [tilespmem:v3+s8+$0x0 ss:$0x1], $0xffff  }
0x3e4: {  	[dreg:$0xc] =	wrdreg s23;
	s9 =	sor.u32 $0x1410, s21;
	v13 =	vld.idx.msk [tilespmem:v4+s8+$0x0 ss:$0x1], $0xffff;
	v7 =	vadd.f32 v11, v7;
	[tilespmem:s19+$0x280] =	vst v6  }
0x3e5: {  	s23 =	sld [smem:$0x7EA];
	v6 =	vld.idx.msk [tilespmem:v3+s9+$0x0 ss:$0x1], $0xffff  }
0x3e6: {  	s12 =	rddreg [dreg:$0x17];
	[tilespmem:s19+$0xFFFFFE80] =	vst v7;
	v7 =	vld.idx.msk [tilespmem:v4+s9+$0x0 ss:$0x1], $0xffff;
	v5 =	vadd.f32 v10, v5  }
0x3e7: {  	v10 =	vld.idx.msk [tilespmem:v3+s12+$0x0 ss:$0x1], $0xffff  }
0x3e8: {  	s5 =	rddreg [dreg:$0xb];
	v9 =	vadd.f32 v9, v12;
	v11 =	vld.idx.msk [tilespmem:v4+s12+$0x0 ss:$0x1], $0xffff;
	[tilespmem:s18+$0xFFFFFF50] =	vst v5  }
0x3e9: {  	s6 =	sld [smem:$0x7B7];
	v5 =	vld.idx.msk [tilespmem:v3+s23+$0x0 ss:$0x1], $0xffff  }
0x3ea: {  	s29 =	smov.u32 s5;
	s5 =	sld [smem:$0x7BB];
	s25 =	sor.u32 $0x800, s14;
	v8 =	vadd.f32 v13, v8;
	[tilespmem:s24+$0xF0] =	vst v9;
	v9 =	vld.idx.msk [tilespmem:v4+s23+$0x0 ss:$0x1], $0xffff  }
0x3eb: {  	v12 =	vld.idx.msk [tilespmem:v3+s25+$0x0 ss:$0x1], $0xffff  }
0x3ec: {  	[tilespmem:s24+$0xFFFFFCF0] =	vst v8;
	v8 =	vld.idx.msk [tilespmem:v4+s25+$0x0 ss:$0x1], $0xffff;
	v6 =	vadd.f32 v7, v6  }
0x3ed: {  	s31 =	smov.u32 s13;
	s13 =	sld [smem:$0x7B9];
	s7 =	smov.u32 s6;
	v7 =	vld.idx.msk [tilespmem:v3+s5+$0x0 ss:$0x1], $0xffff  }
0x3ee: {  	s6 =	sor.u32 $0x1420, s21;
	[dreg:$0xb] =	wrdreg s7;
	v13 =	vld.idx.msk [tilespmem:v4+s5+$0x0 ss:$0x1], $0xffff;
	v10 =	vadd.f32 v11, v10;
	[tilespmem:s19+$0x290] =	vst v6  }
0x3ef: {  	s7 =	rddreg [dreg:$0x16];
	v6 =	vld.idx.msk [tilespmem:v3+s6+$0x0 ss:$0x1], $0xffff  }
0x3f0: {  	s12 =	sld [smem:$0x7BD];
	[tilespmem:s19+$0xFFFFFE90] =	vst v10;
	v10 =	vld.idx.msk [tilespmem:v4+s6+$0x0 ss:$0x1], $0xffff;
	v5 =	vadd.f32 v9, v5  }
0x3f1: {  	s26 =	rddreg [dreg:$0xa];
	v9 =	vld.idx.msk [tilespmem:v3+s7+$0x0 ss:$0x1], $0xffff  }
0x3f2: {  	s0 =	sld [smem:$0x7B5];
	s28 =	smov.u32 s26;
	v8 =	vadd.f32 v8, v12;
	v11 =	vld.idx.msk [tilespmem:v4+s7+$0x0 ss:$0x1], $0xffff;
	[tilespmem:s18+$0xFFFFFF60] =	vst v5  }
0x3f3: {  	[smem:$0x7EA] =	sst s28;
	v5 =	vld.idx.msk [tilespmem:v3+s12+$0x0 ss:$0x1], $0xffff  }
0x3f4: {  	s15 =	smov.u32 s13;
	s13 =	sor.u32 $0x810, s14;
	s28 =	sld [smem:$0x7BF];
	v7 =	vadd.f32 v13, v7;
	[tilespmem:s24+$0x100] =	vst v8;
	v8 =	vld.idx.msk [tilespmem:v4+s12+$0x0 ss:$0x1], $0xffff  }
0x3f5: {  	v12 =	vld.idx.msk [tilespmem:v3+s13+$0x0 ss:$0x1], $0xffff  }
0x3f6: {  	[tilespmem:s24+$0xFFFFFD00] =	vst v7;
	v7 =	vld.idx.msk [tilespmem:v4+s13+$0x0 ss:$0x1], $0xffff;
	v6 =	vadd.f32 v10, v6  }
0x3f7: {  	s2 =	smov.u32 s0;
	v10 =	vld.idx.msk [tilespmem:v3+s28+$0x0 ss:$0x1], $0xffff  }
0x3f8: {  	[dreg:$0x18] =	wrdreg s2;
	s1 =	sor.u32 $0x1430, s21;
	v13 =	vld.idx.msk [tilespmem:v4+s28+$0x0 ss:$0x1], $0xffff;
	v9 =	vadd.f32 v11, v9;
	[tilespmem:s19+$0x2A0] =	vst v6  }
0x3f9: {  	s2 =	rddreg [dreg:$0x15];
	v6 =	vld.idx.msk [tilespmem:v3+s1+$0x0 ss:$0x1], $0xffff  }
0x3fa: {  	s5 =	sld [smem:$0x7C1];
	[tilespmem:s19+$0xFFFFFEA0] =	vst v9;
	v9 =	vld.idx.msk [tilespmem:v4+s1+$0x0 ss:$0x1], $0xffff;
	v5 =	vadd.f32 v8, v5  }
0x3fb: {  	v8 =	vld.idx.msk [tilespmem:v3+s2+$0x0 ss:$0x1], $0xffff  }
0x3fc: {  	s0 =	sld [smem:$0x7C5];
	v7 =	vadd.f32 v7, v12;
	v11 =	vld.idx.msk [tilespmem:v4+s2+$0x0 ss:$0x1], $0xffff;
	[tilespmem:s18+$0xFFFFFF70] =	vst v5  }
0x3fd: {  	[dreg:$0x17] =	wrdreg s15;
	v5 =	vld.idx.msk [tilespmem:v3+s5+$0x0 ss:$0x1], $0xffff  }
0x3fe: {  	s6 =	sor.u32 $0x820, s14;
	s12 =	sld [smem:$0x7C3];
	v10 =	vadd.f32 v13, v10;
	[tilespmem:s24+$0x110] =	vst v7;
	v7 =	vld.idx.msk [tilespmem:v4+s5+$0x0 ss:$0x1], $0xffff  }
0x3ff: {  	s3 =	sld [smem:$0x7BA];
	v12 =	vld.idx.msk [tilespmem:v3+s6+$0x0 ss:$0x1], $0xffff  }
0x400: {  	s15 =	rddreg [dreg:$0x9];
	[tilespmem:s24+$0xFFFFFD10] =	vst v10;
	v10 =	vld.idx.msk [tilespmem:v4+s6+$0x0 ss:$0x1], $0xffff;
	v6 =	vadd.f32 v9, v6  }
0x401: {  	s8 =	sld [smem:$0x7BC];
	v9 =	vld.idx.msk [tilespmem:v3+s12+$0x0 ss:$0x1], $0xffff  }
0x402: {  	s4 =	smov.u32 s3;
	s3 =	sld [smem:$0x7C0];
	s13 =	sor.u32 $0x1440, s21;
	v13 =	vld.idx.msk [tilespmem:v4+s12+$0x0 ss:$0x1], $0xffff;
	v8 =	vadd.f32 v11, v8;
	[tilespmem:s19+$0x2B0] =	vst v6  }
0x403: {  	s26 =	smov.u32 s15;
	s15 =	rddreg [dreg:$0x14];
	v6 =	vld.idx.msk [tilespmem:v3+s13+$0x0 ss:$0x1], $0xffff  }
0x404: {  	[dreg:$0xa] =	wrdreg s4;
	[tilespmem:s19+$0xFFFFFEB0] =	vst v8;
	v8 =	vld.idx.msk [tilespmem:v4+s13+$0x0 ss:$0x1], $0xffff;
	v5 =	vadd.f32 v7, v5  }
0x405: {  	s9 =	smov.u32 s8;
	s8 =	sld [smem:$0x7C2];
	s4 =	smov.u32 s3;
	v7 =	vld.idx.msk [tilespmem:v3+s15+$0x0 ss:$0x1], $0xffff  }
0x406: {  	[dreg:$0x15] =	wrdreg s4;
	v10 =	vadd.f32 v10, v12;
	v11 =	vld.idx.msk [tilespmem:v4+s15+$0x0 ss:$0x1], $0xffff;
	[tilespmem:s18+$0xFFFFFF80] =	vst v5  }
0x407: {  	s23 =	sld [smem:$0x7BE];
	v5 =	vld.idx.msk [tilespmem:v3+s0+$0x0 ss:$0x1], $0xffff  }
0x408: {  	s4 =	sld [smem:$0x7C7];
	s2 =	sor.u32 $0x830, s14;
	v9 =	vadd.f32 v13, v9;
	[tilespmem:s24+$0x120] =	vst v10;
	v10 =	vld.idx.msk [tilespmem:v4+s0+$0x0 ss:$0x1], $0xffff  }
0x409: {  	[dreg:$0x16] =	wrdreg s9;
	v12 =	vld.idx.msk [tilespmem:v3+s2+$0x0 ss:$0x1], $0xffff  }
0x40a: {  	s25 =	smov.u32 s23;
	s23 =	sld [smem:$0x7C4];
	[tilespmem:s24+$0xFFFFFD20] =	vst v9;
	v9 =	vld.idx.msk [tilespmem:v4+s2+$0x0 ss:$0x1], $0xffff;
	v6 =	vadd.f32 v8, v6  }
0x40b: {  	s9 =	smov.u32 s8;
	s7 =	rddreg [dreg:$0x6];
	v8 =	vld.idx.msk [tilespmem:v3+s4+$0x0 ss:$0x1], $0xffff  }
0x40c: {  	[dreg:$0x6] =	wrdreg s9;
	s5 =	sor.u32 $0x1450, s21;
	v13 =	vld.idx.msk [tilespmem:v4+s4+$0x0 ss:$0x1], $0xffff;
	v7 =	vadd.f32 v11, v7;
	[tilespmem:s19+$0x2C0] =	vst v6  }
0x40d: {  	s9 =	sld [smem:$0x7C9];
	v6 =	vld.idx.msk [tilespmem:v3+s5+$0x0 ss:$0x1], $0xffff  }
0x40e: {  	s6 =	rddreg [dreg:$0x13];
	[tilespmem:s19+$0xFFFFFEC0] =	vst v7;
	v7 =	vld.idx.msk [tilespmem:v4+s5+$0x0 ss:$0x1], $0xffff;
	v5 =	vadd.f32 v10, v5  }
0x40f: {  	v10 =	vld.idx.msk [tilespmem:v3+s6+$0x0 ss:$0x1], $0xffff  }
0x410: {  	s28 =	smov.u32 s23;
	v9 =	vadd.f32 v9, v12;
	v11 =	vld.idx.msk [tilespmem:v4+s6+$0x0 ss:$0x1], $0xffff;
	[tilespmem:s18+$0xFFFFFF90] =	vst v5  }
0x411: {  	[dreg:$0x14] =	wrdreg s28;
	v5 =	vld.idx.msk [tilespmem:v3+s9+$0x0 ss:$0x1], $0xffff  }
0x412: {  	s28 =	sld [smem:$0x7CC];
	s12 =	sor.u32 $0x840, s14;
	v8 =	vadd.f32 v13, v8;
	[tilespmem:s24+$0x130] =	vst v9;
	v9 =	vld.idx.msk [tilespmem:v4+s9+$0x0 ss:$0x1], $0xffff  }
0x413: {  	v12 =	vld.idx.msk [tilespmem:v3+s12+$0x0 ss:$0x1], $0xffff  }
0x414: {  	s3 =	sld [smem:$0x7C6];
	[tilespmem:s24+$0xFFFFFD30] =	vst v8;
	v8 =	vld.idx.msk [tilespmem:v4+s12+$0x0 ss:$0x1], $0xffff;
	v6 =	vadd.f32 v7, v6  }
0x415: {  	[dreg:$0x9] =	wrdreg s25;
	v7 =	vld.idx.msk [tilespmem:v3+s28+$0x0 ss:$0x1], $0xffff  }
0x416: {  	s25 =	smov.u32 s7;
	s7 =	sld [smem:$0x7C8];
	s1 =	sor.u32 $0x1460, s21;
	v13 =	vld.idx.msk [tilespmem:v4+s28+$0x0 ss:$0x1], $0xffff;
	v10 =	vadd.f32 v11, v10;
	[tilespmem:s19+$0x2D0] =	vst v6  }
0x417: {  	s2 =	rddreg [dreg:$0x12];
	v6 =	vld.idx.msk [tilespmem:v3+s1+$0x0 ss:$0x1], $0xffff  }
0x418: {  	s5 =	sld [smem:$0x7CE];
	[tilespmem:s19+$0xFFFFFED0] =	vst v10;
	v10 =	vld.idx.msk [tilespmem:v4+s1+$0x0 ss:$0x1], $0xffff;
	v5 =	vadd.f32 v9, v5  }
0x419: {  	v9 =	vld.idx.msk [tilespmem:v3+s2+$0x0 ss:$0x1], $0xffff  }
0x41a: {  	s23 =	smov.u32 s3;
	s3 =	sld [smem:$0x7CD];
	v8 =	vadd.f32 v8, v12;
	v11 =	vld.idx.msk [tilespmem:v4+s2+$0x0 ss:$0x1], $0xffff;
	[tilespmem:s18+$0xFFFFFFA0] =	vst v5  }
0x41b: {  	s8 =	smov.u32 s7;
	s7 =	sld [smem:$0x7CF];
	v5 =	vld.idx.msk [tilespmem:v3+s5+$0x0 ss:$0x1], $0xffff  }
0x41c: {  	s6 =	sor.u32 $0x850, s14;
	s12 =	sld [smem:$0x7D1];
	v7 =	vadd.f32 v13, v7;
	[tilespmem:s24+$0x140] =	vst v8;
	v8 =	vld.idx.msk [tilespmem:v4+s5+$0x0 ss:$0x1], $0xffff  }
0x41d: {  	s13 =	sld [smem:$0x7CA];
	v12 =	vld.idx.msk [tilespmem:v3+s6+$0x0 ss:$0x1], $0xffff  }
0x41e: {  	[dreg:$0x13] =	wrdreg s8;
	[tilespmem:s24+$0xFFFFFD40] =	vst v7;
	v7 =	vld.idx.msk [tilespmem:v4+s6+$0x0 ss:$0x1], $0xffff;
	v6 =	vadd.f32 v10, v6  }
0x41f: {  	s30 =	smov.u32 s22;
	s4 =	smov.u32 s3;
	s3 =	sld [smem:$0x7D3];
	v10 =	vld.idx.msk [tilespmem:v3+s12+$0x0 ss:$0x1], $0xffff  }
0x420: {  	s22 =	smov.u32 s13;
	s13 =	sor.u32 $0x1470, s21;
	[dreg:$0x12] =	wrdreg s4;
	v13 =	vld.idx.msk [tilespmem:v4+s12+$0x0 ss:$0x1], $0xffff;
	v9 =	vadd.f32 v11, v9;
	[tilespmem:s19+$0x2E0] =	vst v6  }
0x421: {  	s4 =	rddreg [dreg:$0x7];
	v6 =	vld.idx.msk [tilespmem:v3+s13+$0x0 ss:$0x1], $0xffff  }
0x422: {  	s28 =	rddreg [dreg:$0x11];
	[tilespmem:s19+$0xFFFFFEE0] =	vst v9;
	v9 =	vld.idx.msk [tilespmem:v4+s13+$0x0 ss:$0x1], $0xffff;
	v5 =	vadd.f32 v8, v5  }
0x423: {  	s0 =	sld [smem:$0x7D2];
	s1 =	sadd.s32 $0x2, s4;
	v8 =	vld.idx.msk [tilespmem:v3+s28+$0x0 ss:$0x1], $0xffff  }
0x424: {  	[dreg:$0x7] =	wrdreg s1;
	v7 =	vadd.f32 v7, v12;
	v11 =	vld.idx.msk [tilespmem:v4+s28+$0x0 ss:$0x1], $0xffff;
	[tilespmem:s18+$0xFFFFFFB0] =	vst v5  }
0x425: {  	s21 =	smov.u32 s14;
	s12 =	sld [smem:$0x7D6];
	v5 =	vld.idx.msk [tilespmem:v3+s3+$0x0 ss:$0x1], $0xffff  }
0x426: {  	s1 =	sand.u32 $0x7, s1;
	s5 =	sor.u32 $0x860, s21;
	s13 =	sld [smem:$0x7D7];
	v10 =	vadd.f32 v13, v10;
	[tilespmem:s24+$0x150] =	vst v7;
	v7 =	vld.idx.msk [tilespmem:v4+s3+$0x0 ss:$0x1], $0xffff  }
0x427: {  	s15 =	sld [smem:$0x7CB];
	s1 =	sshll.u32 s1, $0x7;
	v12 =	vld.idx.msk [tilespmem:v3+s5+$0x0 ss:$0x1], $0xffff  }
0x428: {  	s9 =	sld [smem:$0x7D0];
	s2 =	smov.u32 s0;
	s0 =	sadd.s32 s12, s1;
	[tilespmem:s24+$0xFFFFFD50] =	vst v10;
	v10 =	vld.idx.msk [tilespmem:v4+s5+$0x0 ss:$0x1], $0xffff;
	v6 =	vadd.f32 v9, v6  }
0x429: {  	[dreg:$0x11] =	wrdreg s2;
	s2 =	sadd.s32 $0x80, s0;
	v9 =	vld.idx.msk [tilespmem:v3+s13+$0x0 ss:$0x1], $0xffff  }
0x42a: {  	s6 =	sld [smem:$0x7D4];
	s0 =	sor.u32 $0x1800, s2;
	v13 =	vld.idx.msk [tilespmem:v4+s13+$0x0 ss:$0x1], $0xffff;
	v8 =	vadd.f32 v11, v8;
	[tilespmem:s19+$0x2F0] =	vst v6  }
0x42b: {  	s28 =	rddreg [dreg:$0x10];
	v6 =	vld.idx.msk [tilespmem:v3+s0+$0x0 ss:$0x1], $0xffff  }
0x42c: {  	s8 =	smov.u32 s15;
	s5 =	sld [smem:$0x7D9];
	[tilespmem:s19+$0xFFFFFEF0] =	vst v8;
	v8 =	vld.idx.msk [tilespmem:v4+s0+$0x0 ss:$0x1], $0xffff;
	v5 =	vadd.f32 v7, v5  }
0x42d: {  	s15 =	smov.u32 s7;
	s7 =	smov.u32 s9;
	s9 =	sld [smem:$0x7D5];
	v7 =	vld.idx.msk [tilespmem:v3+s28+$0x0 ss:$0x1], $0xffff  }
0x42e: {  	s12 =	sld [smem:$0x7DA];
	v10 =	vadd.f32 v10, v12;
	v11 =	vld.idx.msk [tilespmem:v4+s28+$0x0 ss:$0x1], $0xffff;
	[tilespmem:s18+$0xFFFFFFC0] =	vst v5  }
0x42f: {  	s14 =	smov.u32 s6;
	s3 =	sld [smem:$0x7DC];
	v5 =	vld.idx.msk [tilespmem:v3+s5+$0x0 ss:$0x1], $0xffff  }
0x430: {  	s6 =	smov.u32 s9;
	s9 =	sor.u32 $0x870, s21;
	s0 =	sld [smem:$0x7D8];
	v9 =	vadd.f32 v13, v9;
	[tilespmem:s24+$0x160] =	vst v10;
	v10 =	vld.idx.msk [tilespmem:v4+s5+$0x0 ss:$0x1], $0xffff  }
0x431: {  	v12 =	vld.idx.msk [tilespmem:v3+s9+$0x0 ss:$0x1], $0xffff  }
0x432: {  	[tilespmem:s24+$0xFFFFFD60] =	vst v9;
	v9 =	vld.idx.msk [tilespmem:v4+s9+$0x0 ss:$0x1], $0xffff;
	v6 =	vadd.f32 v8, v6  }
0x433: {  	s13 =	smov.u32 s12;
	s12 =	sld [smem:$0x7DD];
	s4 =	smov.u32 s0;
	v8 =	vld.idx.msk [tilespmem:v3+s3+$0x0 ss:$0x1], $0xffff  }
0x434: {  	[dreg:$0x10] =	wrdreg s4;
	s4 =	sor.u32 $0x1810, s2;
	v13 =	vld.idx.msk [tilespmem:v4+s3+$0x0 ss:$0x1], $0xffff;
	v7 =	vadd.f32 v11, v7;
	[tilespmem:s19+$0x300] =	vst v6  }
0x435: {  	s28 =	sld [smem:$0x7DB];
	v6 =	vld.idx.msk [tilespmem:v3+s4+$0x0 ss:$0x1], $0xffff  }
0x436: {  	s9 =	rddreg [dreg:$0xf];
	[tilespmem:s19+$0xFFFFFF00] =	vst v7;
	v7 =	vld.idx.msk [tilespmem:v4+s4+$0x0 ss:$0x1], $0xffff  }
0x437: {  	v5 =	vadd.f32 v10, v5;
	s4 =	sld [smem:$0x7DE];
	v10 =	vld.idx.msk [tilespmem:v3+s9+$0x0 ss:$0x1], $0xffff  }
0x438: {  	v11 =	vld.idx.msk [tilespmem:v4+s9+$0x0 ss:$0x1], $0xffff;
	s9 =	sld [smem:$0x7DF];
	_ =	sdelay $0x1  }
0x439: {  	s5 =	smov.u32 s28;
	v9 =	vadd.f32 v9, v12;
	[tilespmem:s18+$0xFFFFFFD0] =	vst v5  }
0x43a: {  	s28 =	smov.u32 s12;
	v8 =	vadd.f32 v13, v8;
	v5 =	vld.idx.msk [tilespmem:v3+s4+$0x0 ss:$0x1], $0xffff;
	s12 =	smov.u32 s9;
	s9 =	sld [smem:$0x7E1]  }
0x43b: {  	s0 =	sor.u32 $0xC00, s21;
	[dreg:$0xf] =	wrdreg s28;
	[tilespmem:s24+$0x170] =	vst v9;
	v12 =	vld.idx.msk [tilespmem:v4+s4+$0x0 ss:$0x1], $0xffff  }
0x43c: {  	s28 =	sld [smem:$0x7E0];
	v13 =	vld.idx.msk [tilespmem:v3+s0+$0x0 ss:$0x1], $0xffff;
	[tilespmem:s24+$0xFFFFFD70] =	vst v8  }
0x43d: {  	v6 =	vadd.f32 v7, v6;
	v15 =	vld.idx.msk [tilespmem:v3+s9+$0x0 ss:$0x1], $0xffff  }
0x43e: {  	v16 =	vld.idx.msk [tilespmem:v4+s9+$0x0 ss:$0x1], $0xffff;
	s9 =	sld [smem:$0x7E2]  }
0x43f: {  	s4 =	smov.u32 s28;
	s28 =	sor.u32 $0x1820, s2;
	v14 =	vld.idx.msk [tilespmem:v4+s0+$0x0 ss:$0x1], $0xffff;
	[tilespmem:s19+$0x310] =	vst v6  }
0x440: {  	s3 =	rddreg [dreg:$0xe];
	v8 =	vadd.f32 v11, v10;
	v7 =	vld.idx.msk [tilespmem:v3+s28+$0x0 ss:$0x1], $0xffff  }
0x441: {  	v9 =	vld.idx.msk [tilespmem:v4+s28+$0x0 ss:$0x1], $0xffff;
	s28 =	smov.u32 s9;
	s9 =	sld [smem:$0x7E3]  }
0x442: {  	[tilespmem:s19+$0xFFFFFF10] =	vst v8;
	v5 =	vadd.f32 v12, v5;
	[dreg:$0xe] =	wrdreg s28  }
0x443: {  	s20 =	sadd.s32 $0x2, s20;
	v8 =	vld.idx.msk [tilespmem:v3+s3+$0x0 ss:$0x1], $0xffff;
	s28 =	sld [smem:$0x7E4]  }
0x444: {  	p1 =	slt.u32 s20, $0xE;
	v6 =	vadd.f32 v14, v13;
	v10 =	vld.idx.msk [tilespmem:v4+s3+$0x0 ss:$0x1], $0xffff;
	[tilespmem:s18+$0xFFFFFFE0] =	vst v5  }
.Ltmp4:
0x445: {  	v5 =	vld.idx.msk [tilespmem:v3+s9+$0x0 ss:$0x1], $0xffff;
	(pc) =	sbr.rel @p1 .LBB2_7-.Ltmp4, $3  }
0x446: {  	[tilespmem:s24+$0x180] =	vst v6;
	v6 =	vld.idx.msk [tilespmem:v4+s9+$0x0 ss:$0x1], $0xffff;
	s9 =	smov.u32 s28;
	s28 =	sld [smem:$0x7E5];
	_ =	sdelay $0x1  }
0x447: {  	s16 =	sadd.s32 $0x1, s16;
	s17 =	smov.u32 s24;
	s0 =	sor.u32 $0xC10, s21  }
0x448: {  	s11 =	rddreg [dreg:$0x5];
	s1 =	smov.u32 s10;
	v12 =	vadd.f32 v16, v15;
	v11 =	vld.idx.msk [tilespmem:v3+s0+$0x0 ss:$0x1], $0xffff;
	s3 =	smov.u32 s28  }
0x449: {  	_ = 	snop  }
0x44a: {  	[tilespmem:s24+$0xFFFFFD80] =	vst v12  }
0x44b: {  	s11 =	sld [smem:$0x7EB];
	_ =	sdelay $0x1  }
0x44c: {  	v13 =	vld.idx.msk [tilespmem:v4+s0+$0x0 ss:$0x1], $0xffff  }
0x44d: {  	v12 =	vld.idx.msk [tilespmem:v3+s11+$0x0 ss:$0x1], $0xffff  }
0x44e: {  	v14 =	vld.idx.msk [tilespmem:v4+s11+$0x0 ss:$0x1], $0xffff;
	_ =	sdelay $0x3  }
0x44f: {  	v11 =	vadd.f32 v13, v11  }
0x450: {  	v12 =	vadd.f32 v14, v12  }
0x451: {  	[tilespmem:s24+$0x190] =	vst v11  }
0x452: {  	[tilespmem:s24+$0xFFFFFD90] =	vst v12  }
0x453: {  	s16 =	sor.u32 $0xC20, s21;
	s20 =	sld [smem:$0x7EC]  }
0x454: {  	v11 =	vld.idx.msk [tilespmem:v3+s16+$0x0 ss:$0x1], $0xffff  }
0x455: {  	v54 =	vld.idx.msk [tilespmem:v4+s16+$0x0 ss:$0x1], $0xffff  }
0x456: {  	v55 =	vld.idx.msk [tilespmem:v3+s20+$0x0 ss:$0x1], $0xffff  }
0x457: {  	v56 =	vld.idx.msk [tilespmem:v4+s20+$0x0 ss:$0x1], $0xffff;
	_ =	sdelay $0x3  }
0x458: {  	v11 =	vadd.f32 v54, v11  }
0x459: {  	v57 =	vadd.f32 v56, v55  }
0x45a: {  	[tilespmem:s17+$0x1A0] =	vst v11  }
0x45b: {  	[tilespmem:s17+$0xFFFFFDA0] =	vst v57  }
0x45c: {  	s24 =	sor.u32 $0xC30, s21;
	s28 =	sld [smem:$0x7ED]  }
0x45d: {  	v11 =	vld.idx.msk [tilespmem:v3+s24+$0x0 ss:$0x1], $0xffff  }
0x45e: {  	v58 =	vld.idx.msk [tilespmem:v4+s24+$0x0 ss:$0x1], $0xffff  }
0x45f: {  	v12 =	vld.idx.msk [tilespmem:v3+s28+$0x0 ss:$0x1], $0xffff  }
0x460: {  	v59 =	vld.idx.msk [tilespmem:v4+s28+$0x0 ss:$0x1], $0xffff;
	_ =	sdelay $0x3  }
0x461: {  	v11 =	vadd.f32 v58, v11  }
0x462: {  	v12 =	vadd.f32 v59, v12  }
0x463: {  	[tilespmem:s17+$0x1B0] =	vst v11  }
0x464: {  	[tilespmem:s17+$0xFFFFFDB0] =	vst v12  }
0x465: {  	s10 =	sor.u32 $0xC40, s21;
	s11 =	sld [smem:$0x7EE]  }
0x466: {  	v11 =	vld.idx.msk [tilespmem:v3+s10+$0x0 ss:$0x1], $0xffff  }
0x467: {  	v60 =	vld.idx.msk [tilespmem:v4+s10+$0x0 ss:$0x1], $0xffff  }
0x468: {  	v12 =	vld.idx.msk [tilespmem:v3+s11+$0x0 ss:$0x1], $0xffff  }
0x469: {  	v61 =	vld.idx.msk [tilespmem:v4+s11+$0x0 ss:$0x1], $0xffff;
	_ =	sdelay $0x3  }
0x46a: {  	v11 =	vadd.f32 v60, v11  }
0x46b: {  	v12 =	vadd.f32 v61, v12  }
0x46c: {  	[tilespmem:s17+$0x1C0] =	vst v11  }
0x46d: {  	[tilespmem:s17+$0xFFFFFDC0] =	vst v12  }
0x46e: {  	s16 =	sor.u32 $0xC50, s21;
	s20 =	sld [smem:$0x7EF]  }
0x46f: {  	v11 =	vld.idx.msk [tilespmem:v3+s16+$0x0 ss:$0x1], $0xffff  }
0x470: {  	v62 =	vld.idx.msk [tilespmem:v4+s16+$0x0 ss:$0x1], $0xffff  }
0x471: {  	v12 =	vld.idx.msk [tilespmem:v3+s20+$0x0 ss:$0x1], $0xffff  }
0x472: {  	v63 =	vld.idx.msk [tilespmem:v4+s20+$0x0 ss:$0x1], $0xffff;
	_ =	sdelay $0x3  }
0x473: {  	v11 =	vadd.f32 v62, v11  }
0x474: {  	v12 =	vadd.f32 v63, v12  }
0x475: {  	[tilespmem:s17+$0x1D0] =	vst v11  }
0x476: {  	[tilespmem:s17+$0xFFFFFDD0] =	vst v12  }
0x477: {  	s24 =	sor.u32 $0xC60, s21;
	s28 =	sld [smem:$0x7F0]  }
0x478: {  	v11 =	vld.idx.msk [tilespmem:v3+s24+$0x0 ss:$0x1], $0xffff  }
0x479: {  	v16 =	vld.idx.msk [tilespmem:v4+s24+$0x0 ss:$0x1], $0xffff  }
0x47a: {  	v12 =	vld.idx.msk [tilespmem:v3+s28+$0x0 ss:$0x1], $0xffff  }
0x47b: {  	v17 =	vld.idx.msk [tilespmem:v4+s28+$0x0 ss:$0x1], $0xffff;
	_ =	sdelay $0x3  }
0x47c: {  	v11 =	vadd.f32 v16, v11  }
0x47d: {  	v12 =	vadd.f32 v17, v12  }
0x47e: {  	[tilespmem:s17+$0x1E0] =	vst v11  }
0x47f: {  	[tilespmem:s17+$0xFFFFFDE0] =	vst v12  }
0x480: {  	s10 =	sor.u32 $0xC70, s21;
	s11 =	sld [smem:$0x7F1]  }
0x481: {  	v11 =	vld.idx.msk [tilespmem:v3+s10+$0x0 ss:$0x1], $0xffff  }
0x482: {  	v18 =	vld.idx.msk [tilespmem:v4+s10+$0x0 ss:$0x1], $0xffff  }
0x483: {  	v12 =	vld.idx.msk [tilespmem:v3+s11+$0x0 ss:$0x1], $0xffff  }
0x484: {  	v19 =	vld.idx.msk [tilespmem:v4+s11+$0x0 ss:$0x1], $0xffff;
	_ =	sdelay $0x3  }
0x485: {  	v11 =	vadd.f32 v18, v11  }
0x486: {  	v12 =	vadd.f32 v19, v12  }
0x487: {  	[tilespmem:s17+$0x1F0] =	vst v11  }
0x488: {  	[tilespmem:s17+$0xFFFFFDF0] =	vst v12  }
0x489: {  	s16 =	sor.u32 $0x1000, s21;
	s20 =	sld [smem:$0x7F2]  }
0x48a: {  	v11 =	vld.idx.msk [tilespmem:v3+s16+$0x0 ss:$0x1], $0xffff  }
0x48b: {  	v20 =	vld.idx.msk [tilespmem:v4+s16+$0x0 ss:$0x1], $0xffff  }
0x48c: {  	v12 =	vld.idx.msk [tilespmem:v3+s20+$0x0 ss:$0x1], $0xffff  }
0x48d: {  	v21 =	vld.idx.msk [tilespmem:v4+s20+$0x0 ss:$0x1], $0xffff;
	_ =	sdelay $0x3  }
0x48e: {  	v11 =	vadd.f32 v20, v11  }
0x48f: {  	v12 =	vadd.f32 v21, v12  }
0x490: {  	s24 =	sor.u32 $0x1010, s21;
	[tilespmem:s17+$0x200] =	vst v11  }
0x491: {  	v11 =	vld.idx.msk [tilespmem:v3+s24+$0x0 ss:$0x1], $0xffff;
	[tilespmem:s17+$0xFFFFFE00] =	vst v12  }
0x492: {  	v22 =	vld.idx.msk [tilespmem:v4+s24+$0x0 ss:$0x1], $0xffff;
	s28 =	rddreg [dreg:$0x1f]  }
0x493: {  	v12 =	vld.idx.msk [tilespmem:v3+s28+$0x0 ss:$0x1], $0xffff  }
0x494: {  	v23 =	vld.idx.msk [tilespmem:v4+s28+$0x0 ss:$0x1], $0xffff;
	_ =	sdelay $0x3  }
0x495: {  	v11 =	vadd.f32 v22, v11  }
0x496: {  	v12 =	vadd.f32 v23, v12  }
0x497: {  	s10 =	sor.u32 $0x1020, s21;
	[tilespmem:s17+$0x210] =	vst v11  }
0x498: {  	v11 =	vld.idx.msk [tilespmem:v3+s10+$0x0 ss:$0x1], $0xffff;
	[tilespmem:s17+$0xFFFFFE10] =	vst v12  }
0x499: {  	v24 =	vld.idx.msk [tilespmem:v4+s10+$0x0 ss:$0x1], $0xffff;
	s11 =	rddreg [dreg:$0x1e]  }
0x49a: {  	v12 =	vld.idx.msk [tilespmem:v3+s11+$0x0 ss:$0x1], $0xffff  }
0x49b: {  	v25 =	vld.idx.msk [tilespmem:v4+s11+$0x0 ss:$0x1], $0xffff;
	_ =	sdelay $0x3  }
0x49c: {  	v11 =	vadd.f32 v24, v11  }
0x49d: {  	v12 =	vadd.f32 v25, v12  }
0x49e: {  	s16 =	sor.u32 $0x1030, s21;
	[tilespmem:s17+$0x220] =	vst v11  }
0x49f: {  	v11 =	vld.idx.msk [tilespmem:v3+s16+$0x0 ss:$0x1], $0xffff;
	[tilespmem:s17+$0xFFFFFE20] =	vst v12  }
0x4a0: {  	v26 =	vld.idx.msk [tilespmem:v4+s16+$0x0 ss:$0x1], $0xffff;
	s20 =	rddreg [dreg:$0x1d]  }
0x4a1: {  	v12 =	vld.idx.msk [tilespmem:v3+s20+$0x0 ss:$0x1], $0xffff  }
0x4a2: {  	v27 =	vld.idx.msk [tilespmem:v4+s20+$0x0 ss:$0x1], $0xffff;
	_ =	sdelay $0x3  }
0x4a3: {  	v11 =	vadd.f32 v26, v11  }
0x4a4: {  	v12 =	vadd.f32 v27, v12  }
0x4a5: {  	s24 =	sor.u32 $0x1040, s21;
	[tilespmem:s17+$0x230] =	vst v11  }
0x4a6: {  	v11 =	vld.idx.msk [tilespmem:v3+s24+$0x0 ss:$0x1], $0xffff;
	[tilespmem:s17+$0xFFFFFE30] =	vst v12  }
0x4a7: {  	v28 =	vld.idx.msk [tilespmem:v4+s24+$0x0 ss:$0x1], $0xffff;
	s28 =	rddreg [dreg:$0x1c]  }
0x4a8: {  	v12 =	vld.idx.msk [tilespmem:v3+s28+$0x0 ss:$0x1], $0xffff  }
0x4a9: {  	v29 =	vld.idx.msk [tilespmem:v4+s28+$0x0 ss:$0x1], $0xffff;
	_ =	sdelay $0x3  }
0x4aa: {  	v11 =	vadd.f32 v28, v11  }
0x4ab: {  	v12 =	vadd.f32 v29, v12  }
0x4ac: {  	s10 =	sor.u32 $0x1050, s21;
	[tilespmem:s17+$0x240] =	vst v11  }
0x4ad: {  	v11 =	vld.idx.msk [tilespmem:v3+s10+$0x0 ss:$0x1], $0xffff;
	[tilespmem:s17+$0xFFFFFE40] =	vst v12  }
0x4ae: {  	v30 =	vld.idx.msk [tilespmem:v4+s10+$0x0 ss:$0x1], $0xffff;
	s11 =	rddreg [dreg:$0x1b]  }
0x4af: {  	v12 =	vld.idx.msk [tilespmem:v3+s11+$0x0 ss:$0x1], $0xffff  }
0x4b0: {  	v31 =	vld.idx.msk [tilespmem:v4+s11+$0x0 ss:$0x1], $0xffff;
	_ =	sdelay $0x3  }
0x4b1: {  	v11 =	vadd.f32 v30, v11  }
0x4b2: {  	v12 =	vadd.f32 v31, v12  }
0x4b3: {  	s16 =	sor.u32 $0x1060, s21;
	[tilespmem:s17+$0x250] =	vst v11  }
0x4b4: {  	v11 =	vld.idx.msk [tilespmem:v3+s16+$0x0 ss:$0x1], $0xffff;
	[tilespmem:s17+$0xFFFFFE50] =	vst v12  }
0x4b5: {  	v32 =	vld.idx.msk [tilespmem:v4+s16+$0x0 ss:$0x1], $0xffff;
	s20 =	rddreg [dreg:$0x1a]  }
0x4b6: {  	v12 =	vld.idx.msk [tilespmem:v3+s20+$0x0 ss:$0x1], $0xffff  }
0x4b7: {  	v33 =	vld.idx.msk [tilespmem:v4+s20+$0x0 ss:$0x1], $0xffff;
	_ =	sdelay $0x3  }
0x4b8: {  	v11 =	vadd.f32 v32, v11  }
0x4b9: {  	v12 =	vadd.f32 v33, v12  }
0x4ba: {  	s24 =	sor.u32 $0x1070, s21;
	[tilespmem:s17+$0x260] =	vst v11  }
0x4bb: {  	v11 =	vld.idx.msk [tilespmem:v3+s24+$0x0 ss:$0x1], $0xffff;
	[tilespmem:s17+$0xFFFFFE60] =	vst v12  }
0x4bc: {  	v34 =	vld.idx.msk [tilespmem:v4+s24+$0x0 ss:$0x1], $0xffff;
	s28 =	rddreg [dreg:$0x19]  }
0x4bd: {  	v12 =	vld.idx.msk [tilespmem:v3+s28+$0x0 ss:$0x1], $0xffff  }
0x4be: {  	v35 =	vld.idx.msk [tilespmem:v4+s28+$0x0 ss:$0x1], $0xffff;
	_ =	sdelay $0x3  }
0x4bf: {  	v11 =	vadd.f32 v34, v11  }
0x4c0: {  	v12 =	vadd.f32 v35, v12  }
0x4c1: {  	s10 =	sor.u32 $0x1400, s21;
	[tilespmem:s17+$0x270] =	vst v11  }
0x4c2: {  	v11 =	vld.idx.msk [tilespmem:v3+s10+$0x0 ss:$0x1], $0xffff;
	[tilespmem:s17+$0xFFFFFE70] =	vst v12  }
0x4c3: {  	v36 =	vld.idx.msk [tilespmem:v4+s10+$0x0 ss:$0x1], $0xffff;
	s11 =	rddreg [dreg:$0x18]  }
0x4c4: {  	v12 =	vld.idx.msk [tilespmem:v3+s11+$0x0 ss:$0x1], $0xffff  }
0x4c5: {  	v37 =	vld.idx.msk [tilespmem:v4+s11+$0x0 ss:$0x1], $0xffff;
	_ =	sdelay $0x3  }
0x4c6: {  	v11 =	vadd.f32 v36, v11  }
0x4c7: {  	v12 =	vadd.f32 v37, v12  }
0x4c8: {  	s16 =	sor.u32 $0x1410, s21;
	[tilespmem:s17+$0x280] =	vst v11  }
0x4c9: {  	v11 =	vld.idx.msk [tilespmem:v3+s16+$0x0 ss:$0x1], $0xffff;
	[tilespmem:s17+$0xFFFFFE80] =	vst v12  }
0x4ca: {  	v38 =	vld.idx.msk [tilespmem:v4+s16+$0x0 ss:$0x1], $0xffff;
	s20 =	rddreg [dreg:$0x17]  }
0x4cb: {  	v12 =	vld.idx.msk [tilespmem:v3+s20+$0x0 ss:$0x1], $0xffff  }
0x4cc: {  	v39 =	vld.idx.msk [tilespmem:v4+s20+$0x0 ss:$0x1], $0xffff;
	_ =	sdelay $0x3  }
0x4cd: {  	v11 =	vadd.f32 v38, v11  }
0x4ce: {  	v12 =	vadd.f32 v39, v12  }
0x4cf: {  	s24 =	sor.u32 $0x1420, s21;
	[tilespmem:s17+$0x290] =	vst v11  }
0x4d0: {  	v11 =	vld.idx.msk [tilespmem:v3+s24+$0x0 ss:$0x1], $0xffff;
	[tilespmem:s17+$0xFFFFFE90] =	vst v12  }
0x4d1: {  	v40 =	vld.idx.msk [tilespmem:v4+s24+$0x0 ss:$0x1], $0xffff;
	s28 =	rddreg [dreg:$0x16]  }
0x4d2: {  	v12 =	vld.idx.msk [tilespmem:v3+s28+$0x0 ss:$0x1], $0xffff  }
0x4d3: {  	v41 =	vld.idx.msk [tilespmem:v4+s28+$0x0 ss:$0x1], $0xffff;
	_ =	sdelay $0x3  }
0x4d4: {  	v11 =	vadd.f32 v40, v11  }
0x4d5: {  	v12 =	vadd.f32 v41, v12  }
0x4d6: {  	s10 =	sor.u32 $0x1430, s21;
	[tilespmem:s17+$0x2A0] =	vst v11  }
0x4d7: {  	v11 =	vld.idx.msk [tilespmem:v3+s10+$0x0 ss:$0x1], $0xffff;
	[tilespmem:s17+$0xFFFFFEA0] =	vst v12  }
0x4d8: {  	v42 =	vld.idx.msk [tilespmem:v4+s10+$0x0 ss:$0x1], $0xffff;
	s11 =	rddreg [dreg:$0x15]  }
0x4d9: {  	v12 =	vld.idx.msk [tilespmem:v3+s11+$0x0 ss:$0x1], $0xffff  }
0x4da: {  	v43 =	vld.idx.msk [tilespmem:v4+s11+$0x0 ss:$0x1], $0xffff;
	_ =	sdelay $0x3  }
0x4db: {  	v11 =	vadd.f32 v42, v11  }
0x4dc: {  	v12 =	vadd.f32 v43, v12  }
0x4dd: {  	s16 =	sor.u32 $0x1440, s21;
	[tilespmem:s17+$0x2B0] =	vst v11  }
0x4de: {  	v11 =	vld.idx.msk [tilespmem:v3+s16+$0x0 ss:$0x1], $0xffff;
	[tilespmem:s17+$0xFFFFFEB0] =	vst v12  }
0x4df: {  	v44 =	vld.idx.msk [tilespmem:v4+s16+$0x0 ss:$0x1], $0xffff;
	s20 =	rddreg [dreg:$0x14]  }
0x4e0: {  	v12 =	vld.idx.msk [tilespmem:v3+s20+$0x0 ss:$0x1], $0xffff  }
0x4e1: {  	v45 =	vld.idx.msk [tilespmem:v4+s20+$0x0 ss:$0x1], $0xffff;
	_ =	sdelay $0x3  }
0x4e2: {  	v11 =	vadd.f32 v44, v11  }
0x4e3: {  	v12 =	vadd.f32 v45, v12  }
0x4e4: {  	s24 =	sor.u32 $0x1450, s21;
	[tilespmem:s17+$0x2C0] =	vst v11  }
0x4e5: {  	v11 =	vld.idx.msk [tilespmem:v3+s24+$0x0 ss:$0x1], $0xffff;
	[tilespmem:s17+$0xFFFFFEC0] =	vst v12  }
0x4e6: {  	v46 =	vld.idx.msk [tilespmem:v4+s24+$0x0 ss:$0x1], $0xffff;
	s28 =	rddreg [dreg:$0x13]  }
0x4e7: {  	v12 =	vld.idx.msk [tilespmem:v3+s28+$0x0 ss:$0x1], $0xffff  }
0x4e8: {  	v47 =	vld.idx.msk [tilespmem:v4+s28+$0x0 ss:$0x1], $0xffff;
	_ =	sdelay $0x3  }
0x4e9: {  	v11 =	vadd.f32 v46, v11  }
0x4ea: {  	v12 =	vadd.f32 v47, v12  }
0x4eb: {  	s10 =	sor.u32 $0x1460, s21;
	[tilespmem:s17+$0x2D0] =	vst v11  }
0x4ec: {  	v11 =	vld.idx.msk [tilespmem:v3+s10+$0x0 ss:$0x1], $0xffff;
	[tilespmem:s17+$0xFFFFFED0] =	vst v12  }
0x4ed: {  	v48 =	vld.idx.msk [tilespmem:v4+s10+$0x0 ss:$0x1], $0xffff;
	s11 =	rddreg [dreg:$0x12]  }
0x4ee: {  	v12 =	vld.idx.msk [tilespmem:v3+s11+$0x0 ss:$0x1], $0xffff  }
0x4ef: {  	v49 =	vld.idx.msk [tilespmem:v4+s11+$0x0 ss:$0x1], $0xffff;
	_ =	sdelay $0x3  }
0x4f0: {  	v11 =	vadd.f32 v48, v11  }
0x4f1: {  	v12 =	vadd.f32 v49, v12  }
0x4f2: {  	s16 =	sor.u32 $0x1470, s21;
	[tilespmem:s17+$0x2E0] =	vst v11  }
0x4f3: {  	v11 =	vld.idx.msk [tilespmem:v3+s16+$0x0 ss:$0x1], $0xffff;
	[tilespmem:s17+$0xFFFFFEE0] =	vst v12  }
0x4f4: {  	v50 =	vld.idx.msk [tilespmem:v4+s16+$0x0 ss:$0x1], $0xffff;
	s20 =	rddreg [dreg:$0x11]  }
0x4f5: {  	v12 =	vld.idx.msk [tilespmem:v3+s20+$0x0 ss:$0x1], $0xffff  }
0x4f6: {  	s21 =	rddreg [dreg:$0x7];
	v51 =	vld.idx.msk [tilespmem:v4+s20+$0x0 ss:$0x1], $0xffff  }
0x4f7: {  	s0 =	sadd.s32 $0x2, s21  }
0x4f8: {  	s0 =	sand.u32 $0x7, s0  }
0x4f9: {  	s0 =	sshll.u32 s0, $0x7  }
0x4fa: {  	v11 =	vadd.f32 v50, v11;
	s0 =	sadd.s32 s1, s0  }
0x4fb: {  	s0 =	sadd.s32 $0x80, s0;
	v12 =	vadd.f32 v51, v12  }
0x4fc: {  	[tilespmem:s17+$0x2F0] =	vst v11;
	s24 =	sor.u32 $0x1800, s0  }
0x4fd: {  	v11 =	vld.idx.msk [tilespmem:v3+s24+$0x0 ss:$0x1], $0xffff;
	[tilespmem:s17+$0xFFFFFEF0] =	vst v12  }
0x4fe: {  	v52 =	vld.idx.msk [tilespmem:v4+s24+$0x0 ss:$0x1], $0xffff;
	s28 =	rddreg [dreg:$0x10]  }
0x4ff: {  	v12 =	vld.idx.msk [tilespmem:v3+s28+$0x0 ss:$0x1], $0xffff  }
0x500: {  	v53 =	vld.idx.msk [tilespmem:v4+s28+$0x0 ss:$0x1], $0xffff;
	_ =	sdelay $0x3  }
0x501: {  	v11 =	vadd.f32 v52, v11  }
0x502: {  	v12 =	vadd.f32 v53, v12  }
0x503: {  	s10 =	sor.u32 $0x1810, s0;
	[tilespmem:s17+$0x300] =	vst v11  }
0x504: {  	v11 =	vld.idx.msk [tilespmem:v3+s10+$0x0 ss:$0x1], $0xffff;
	[tilespmem:s17+$0xFFFFFF00] =	vst v12  }
0x505: {  	v54 =	vld.idx.msk [tilespmem:v4+s10+$0x0 ss:$0x1], $0xffff;
	s11 =	rddreg [dreg:$0xf]  }
0x506: {  	v12 =	vld.idx.msk [tilespmem:v3+s11+$0x0 ss:$0x1], $0xffff  }
0x507: {  	v55 =	vld.idx.msk [tilespmem:v4+s11+$0x0 ss:$0x1], $0xffff;
	_ =	sdelay $0x3  }
0x508: {  	v11 =	vadd.f32 v54, v11  }
0x509: {  	v12 =	vadd.f32 v55, v12  }
0x50a: {  	s16 =	sor.u32 $0x1820, s0;
	[tilespmem:s17+$0x310] =	vst v11  }
0x50b: {  	v11 =	vld.idx.msk [tilespmem:v3+s16+$0x0 ss:$0x1], $0xffff;
	[tilespmem:s17+$0xFFFFFF10] =	vst v12  }
0x50c: {  	v56 =	vld.idx.msk [tilespmem:v4+s16+$0x0 ss:$0x1], $0xffff;
	s20 =	rddreg [dreg:$0xe]  }
0x50d: {  	v57 =	vld.idx.msk [tilespmem:v3+s20+$0x0 ss:$0x1], $0xffff  }
0x50e: {  	v7 =	vadd.f32 v9, v7;
	v12 =	vld.idx.msk [tilespmem:v4+s20+$0x0 ss:$0x1], $0xffff  }
0x50f: {  	v8 =	vadd.f32 v10, v8  }
0x510: {  	s21 =	sor.u32 $0x1830, s2;
	[tilespmem:s19+$0x320] =	vst v7  }
0x511: {  	[tilespmem:s19+$0xFFFFFF20] =	vst v8;
	v7 =	vld.idx.msk [tilespmem:v3+s21+$0x0 ss:$0x1], $0xffff  }
0x512: {  	v58 =	vld.idx.msk [tilespmem:v4+s21+$0x0 ss:$0x1], $0xffff;
	v59 =	vadd.f32 v56, v11;
	s24 =	rddreg [dreg:$0x8]  }
0x513: {  	v60 =	vld.idx.msk [tilespmem:v3+s24+$0x0 ss:$0x1], $0xffff;
	v9 =	vadd.f32 v12, v57  }
0x514: {  	s28 =	sor.u32 $0x1830, s0;
	v61 =	vld.idx.msk [tilespmem:v4+s24+$0x0 ss:$0x1], $0xffff;
	[tilespmem:s17+$0x320] =	vst v59  }
0x515: {  	v8 =	vld.idx.msk [tilespmem:v3+s28+$0x0 ss:$0x1], $0xffff;
	[tilespmem:s17+$0xFFFFFF20] =	vst v9  }
0x516: {  	v62 =	vld.idx.msk [tilespmem:v4+s28+$0x0 ss:$0x1], $0xffff;
	s10 =	rddreg [dreg:$0xd]  }
0x517: {  	v7 =	vadd.f32 v58, v7;
	v9 =	vld.idx.msk [tilespmem:v3+s10+$0x0 ss:$0x1], $0xffff  }
0x518: {  	v63 =	vld.idx.msk [tilespmem:v4+s10+$0x0 ss:$0x1], $0xffff  }
0x519: {  	s11 =	sor.u32 $0x1840, s2;
	v16 =	vadd.f32 v61, v60;
	[tilespmem:s19+$0x330] =	vst v7  }
0x51a: {  	v17 =	vld.idx.msk [tilespmem:v3+s11+$0x0 ss:$0x1], $0xffff  }
0x51b: {  	[tilespmem:s19+$0xFFFFFF30] =	vst v16;
	v18 =	vld.idx.msk [tilespmem:v4+s11+$0x0 ss:$0x1], $0xffff  }
0x51c: {  	v19 =	vadd.f32 v62, v8;
	v20 =	vld.idx.msk [tilespmem:v3+s31+$0x0 ss:$0x1], $0xffff  }
0x51d: {  	v21 =	vld.idx.msk [tilespmem:v4+s31+$0x0 ss:$0x1], $0xffff;
	v22 =	vadd.f32 v63, v9  }
0x51e: {  	s16 =	sor.u32 $0x1840, s0;
	[tilespmem:s17+$0x330] =	vst v19  }
0x51f: {  	v23 =	vld.idx.msk [tilespmem:v3+s16+$0x0 ss:$0x1], $0xffff;
	[tilespmem:s17+$0xFFFFFF30] =	vst v22  }
0x520: {  	v24 =	vld.idx.msk [tilespmem:v4+s16+$0x0 ss:$0x1], $0xffff;
	v25 =	vadd.f32 v18, v17;
	s20 =	rddreg [dreg:$0xc]  }
0x521: {  	v26 =	vld.idx.msk [tilespmem:v3+s20+$0x0 ss:$0x1], $0xffff  }
0x522: {  	s21 =	sor.u32 $0x1850, s2;
	v28 =	vadd.f32 v21, v20;
	[tilespmem:s19+$0x340] =	vst v25;
	v27 =	vld.idx.msk [tilespmem:v4+s20+$0x0 ss:$0x1], $0xffff  }
0x523: {  	v29 =	vld.idx.msk [tilespmem:v3+s21+$0x0 ss:$0x1], $0xffff  }
0x524: {  	[tilespmem:s19+$0xFFFFFF40] =	vst v28;
	v30 =	vld.idx.msk [tilespmem:v4+s21+$0x0 ss:$0x1], $0xffff  }
0x525: {  	v32 =	vld.idx.msk [tilespmem:v3+s29+$0x0 ss:$0x1], $0xffff  }
0x526: {  	v33 =	vld.idx.msk [tilespmem:v4+s29+$0x0 ss:$0x1], $0xffff  }
0x527: {  	v31 =	vadd.f32 v24, v23  }
0x528: {  	v34 =	vadd.f32 v27, v26  }
0x529: {  	s24 =	sor.u32 $0x1850, s0;
	[tilespmem:s17+$0x340] =	vst v31  }
0x52a: {  	v35 =	vld.idx.msk [tilespmem:v3+s24+$0x0 ss:$0x1], $0xffff;
	v37 =	vadd.f32 v30, v29;
	[tilespmem:s17+$0xFFFFFF40] =	vst v34  }
0x52b: {  	v36 =	vld.idx.msk [tilespmem:v4+s24+$0x0 ss:$0x1], $0xffff;
	v40 =	vadd.f32 v33, v32;
	s28 =	rddreg [dreg:$0xb]  }
0x52c: {  	[tilespmem:s19+$0x350] =	vst v37;
	v38 =	vld.idx.msk [tilespmem:v3+s28+$0x0 ss:$0x1], $0xffff  }
0x52d: {  	[tilespmem:s19+$0xFFFFFF50] =	vst v40;
	v39 =	vld.idx.msk [tilespmem:v4+s28+$0x0 ss:$0x1], $0xffff  }
0x52e: {  	s31 =	sld [smem:$0x7EA]  }
0x52f: {  	s29 =	sor.u32 $0x1860, s2  }
0x530: {  	v41 =	vld.idx.msk [tilespmem:v3+s29+$0x0 ss:$0x1], $0xffff  }
0x531: {  	v43 =	vadd.f32 v36, v35;
	v44 =	vld.idx.msk [tilespmem:v3+s31+$0x0 ss:$0x1], $0xffff  }
0x532: {  	v45 =	vld.idx.msk [tilespmem:v4+s31+$0x0 ss:$0x1], $0xffff;
	v46 =	vadd.f32 v39, v38  }
0x533: {  	s10 =	sor.u32 $0x1860, s0;
	v42 =	vld.idx.msk [tilespmem:v4+s29+$0x0 ss:$0x1], $0xffff;
	[tilespmem:s17+$0x350] =	vst v43  }
0x534: {  	v47 =	vld.idx.msk [tilespmem:v3+s10+$0x0 ss:$0x1], $0xffff;
	[tilespmem:s17+$0xFFFFFF50] =	vst v46  }
0x535: {  	v48 =	vld.idx.msk [tilespmem:v4+s10+$0x0 ss:$0x1], $0xffff;
	s11 =	rddreg [dreg:$0xa]  }
0x536: {  	v50 =	vld.idx.msk [tilespmem:v3+s11+$0x0 ss:$0x1], $0xffff  }
0x537: {  	v52 =	vadd.f32 v45, v44;
	v51 =	vld.idx.msk [tilespmem:v4+s11+$0x0 ss:$0x1], $0xffff;
	_ =	sdelay $0x1  }
0x538: {  	v49 =	vadd.f32 v42, v41;
	[tilespmem:s19+$0xFFFFFF60] =	vst v52  }
0x539: {  	v56 =	vld.idx.msk [tilespmem:v3+s26+$0x0 ss:$0x1], $0xffff  }
0x53a: {  	s16 =	sor.u32 $0x1870, s2;
	v55 =	vadd.f32 v48, v47;
	[tilespmem:s19+$0x360] =	vst v49;
	v57 =	vld.idx.msk [tilespmem:v4+s26+$0x0 ss:$0x1], $0xffff  }
0x53b: {  	v53 =	vld.idx.msk [tilespmem:v3+s16+$0x0 ss:$0x1], $0xffff;
	v58 =	vadd.f32 v51, v50  }
0x53c: {  	s20 =	sor.u32 $0x1870, s0;
	[tilespmem:s17+$0x360] =	vst v55;
	v54 =	vld.idx.msk [tilespmem:v4+s16+$0x0 ss:$0x1], $0xffff  }
0x53d: {  	v59 =	vld.idx.msk [tilespmem:v3+s20+$0x0 ss:$0x1], $0xffff;
	[tilespmem:s17+$0xFFFFFF60] =	vst v58  }
0x53e: {  	v60 =	vld.idx.msk [tilespmem:v4+s20+$0x0 ss:$0x1], $0xffff;
	s21 =	rddreg [dreg:$0x9]  }
0x53f: {  	v16 =	vadd.f32 v57, v56;
	v62 =	vld.idx.msk [tilespmem:v3+s21+$0x0 ss:$0x1], $0xffff  }
0x540: {  	v63 =	vld.idx.msk [tilespmem:v4+s21+$0x0 ss:$0x1], $0xffff  }
0x541: {  	v61 =	vadd.f32 v54, v53;
	[tilespmem:s19+$0xFFFFFF70] =	vst v16  }
0x542: {  	v20 =	vld.idx.msk [tilespmem:v3+s25+$0x0 ss:$0x1], $0xffff  }
0x543: {  	s24 =	sor.u32 $0x1C00, s2;
	[tilespmem:s19+$0x370] =	vst v61;
	v21 =	vld.idx.msk [tilespmem:v4+s25+$0x0 ss:$0x1], $0xffff  }
0x544: {  	v19 =	vadd.f32 v60, v59;
	v17 =	vld.idx.msk [tilespmem:v3+s24+$0x0 ss:$0x1], $0xffff  }
0x545: {  	v18 =	vld.idx.msk [tilespmem:v4+s24+$0x0 ss:$0x1], $0xffff;
	v22 =	vadd.f32 v63, v62  }
0x546: {  	[tilespmem:s17+$0x370] =	vst v19;
	s25 =	sor.u32 $0x1C00, s0  }
0x547: {  	v23 =	vld.idx.msk [tilespmem:v3+s25+$0x0 ss:$0x1], $0xffff;
	[tilespmem:s17+$0xFFFFFF70] =	vst v22  }
0x548: {  	v24 =	vld.idx.msk [tilespmem:v4+s25+$0x0 ss:$0x1], $0xffff;
	v28 =	vadd.f32 v21, v20;
	s26 =	rddreg [dreg:$0x6]  }
0x549: {  	v26 =	vld.idx.msk [tilespmem:v3+s26+$0x0 ss:$0x1], $0xffff  }
0x54a: {  	v25 =	vadd.f32 v18, v17;
	[tilespmem:s19+$0xFFFFFF80] =	vst v28;
	v27 =	vld.idx.msk [tilespmem:v4+s26+$0x0 ss:$0x1], $0xffff  }
0x54b: {  	v32 =	vld.idx.msk [tilespmem:v3+s23+$0x0 ss:$0x1], $0xffff  }
0x54c: {  	s28 =	sor.u32 $0x1C10, s2;
	[tilespmem:s19+$0x380] =	vst v25;
	v33 =	vld.idx.msk [tilespmem:v4+s23+$0x0 ss:$0x1], $0xffff  }
0x54d: {  	v31 =	vadd.f32 v24, v23;
	v29 =	vld.idx.msk [tilespmem:v3+s28+$0x0 ss:$0x1], $0xffff  }
0x54e: {  	v30 =	vld.idx.msk [tilespmem:v4+s28+$0x0 ss:$0x1], $0xffff  }
0x54f: {  	s29 =	sor.u32 $0x1C10, s0;
	[tilespmem:s17+$0x380] =	vst v31;
	v34 =	vadd.f32 v27, v26  }
0x550: {  	v35 =	vld.idx.msk [tilespmem:v3+s29+$0x0 ss:$0x1], $0xffff  }
0x551: {  	v36 =	vld.idx.msk [tilespmem:v4+s29+$0x0 ss:$0x1], $0xffff;
	v40 =	vadd.f32 v33, v32;
	[tilespmem:s17+$0xFFFFFF80] =	vst v34  }
0x552: {  	v38 =	vld.idx.msk [tilespmem:v3+s30+$0x0 ss:$0x1], $0xffff  }
0x553: {  	v37 =	vadd.f32 v30, v29;
	[tilespmem:s19+$0xFFFFFF90] =	vst v40;
	v39 =	vld.idx.msk [tilespmem:v4+s30+$0x0 ss:$0x1], $0xffff  }
0x554: {  	v44 =	vld.idx.msk [tilespmem:v3+s22+$0x0 ss:$0x1], $0xffff  }
0x555: {  	[tilespmem:s19+$0x390] =	vst v37;
	s30 =	sor.u32 $0x1C20, s2;
	v45 =	vld.idx.msk [tilespmem:v4+s22+$0x0 ss:$0x1], $0xffff  }
0x556: {  	v43 =	vadd.f32 v36, v35;
	v41 =	vld.idx.msk [tilespmem:v3+s30+$0x0 ss:$0x1], $0xffff  }
0x557: {  	v42 =	vld.idx.msk [tilespmem:v4+s30+$0x0 ss:$0x1], $0xffff  }
0x558: {  	s31 =	sor.u32 $0x1C20, s0;
	[tilespmem:s17+$0x390] =	vst v43;
	v46 =	vadd.f32 v39, v38  }
0x559: {  	v47 =	vld.idx.msk [tilespmem:v3+s31+$0x0 ss:$0x1], $0xffff  }
0x55a: {  	v48 =	vld.idx.msk [tilespmem:v4+s31+$0x0 ss:$0x1], $0xffff;
	v52 =	vadd.f32 v45, v44;
	[tilespmem:s17+$0xFFFFFF90] =	vst v46  }
0x55b: {  	v50 =	vld.idx.msk [tilespmem:v3+s8+$0x0 ss:$0x1], $0xffff  }
0x55c: {  	v49 =	vadd.f32 v42, v41;
	[tilespmem:s19+$0xFFFFFFA0] =	vst v52;
	v51 =	vld.idx.msk [tilespmem:v4+s8+$0x0 ss:$0x1], $0xffff  }
0x55d: {  	v56 =	vld.idx.msk [tilespmem:v3+s15+$0x0 ss:$0x1], $0xffff  }
0x55e: {  	[tilespmem:s19+$0x3A0] =	vst v49;
	s8 =	sor.u32 $0x1C30, s2;
	v57 =	vld.idx.msk [tilespmem:v4+s15+$0x0 ss:$0x1], $0xffff  }
0x55f: {  	v55 =	vadd.f32 v48, v47;
	v53 =	vld.idx.msk [tilespmem:v3+s8+$0x0 ss:$0x1], $0xffff  }
0x560: {  	v54 =	vld.idx.msk [tilespmem:v4+s8+$0x0 ss:$0x1], $0xffff  }
0x561: {  	s10 =	sor.u32 $0x1C30, s0;
	[tilespmem:s17+$0x3A0] =	vst v55;
	v58 =	vadd.f32 v51, v50  }
0x562: {  	v59 =	vld.idx.msk [tilespmem:v3+s10+$0x0 ss:$0x1], $0xffff  }
0x563: {  	v60 =	vld.idx.msk [tilespmem:v4+s10+$0x0 ss:$0x1], $0xffff;
	v15 =	vadd.f32 v57, v56;
	[tilespmem:s17+$0xFFFFFFA0] =	vst v58  }
0x564: {  	v62 =	vld.idx.msk [tilespmem:v3+s7+$0x0 ss:$0x1], $0xffff  }
0x565: {  	v61 =	vadd.f32 v54, v53;
	[tilespmem:s19+$0xFFFFFFB0] =	vst v15;
	v63 =	vld.idx.msk [tilespmem:v4+s7+$0x0 ss:$0x1], $0xffff  }
0x566: {  	v19 =	vld.idx.msk [tilespmem:v3+s14+$0x0 ss:$0x1], $0xffff  }
0x567: {  	s11 =	sor.u32 $0x1C40, s2;
	[tilespmem:s19+$0x3B0] =	vst v61;
	v20 =	vld.idx.msk [tilespmem:v4+s14+$0x0 ss:$0x1], $0xffff  }
0x568: {  	v18 =	vadd.f32 v60, v59;
	v16 =	vld.idx.msk [tilespmem:v3+s11+$0x0 ss:$0x1], $0xffff  }
0x569: {  	v17 =	vld.idx.msk [tilespmem:v4+s11+$0x0 ss:$0x1], $0xffff  }
0x56a: {  	[tilespmem:s17+$0x3B0] =	vst v18;
	s14 =	sor.u32 $0x1C40, s0;
	v21 =	vadd.f32 v63, v62  }
0x56b: {  	v22 =	vld.idx.msk [tilespmem:v3+s14+$0x0 ss:$0x1], $0xffff  }
0x56c: {  	v23 =	vld.idx.msk [tilespmem:v4+s14+$0x0 ss:$0x1], $0xffff;
	v27 =	vadd.f32 v20, v19;
	[tilespmem:s17+$0xFFFFFFB0] =	vst v21  }
0x56d: {  	v25 =	vld.idx.msk [tilespmem:v3+s6+$0x0 ss:$0x1], $0xffff  }
0x56e: {  	v24 =	vadd.f32 v17, v16;
	[tilespmem:s19+$0xFFFFFFC0] =	vst v27;
	v26 =	vld.idx.msk [tilespmem:v4+s6+$0x0 ss:$0x1], $0xffff  }
0x56f: {  	v31 =	vld.idx.msk [tilespmem:v3+s13+$0x0 ss:$0x1], $0xffff  }
0x570: {  	s15 =	sor.u32 $0x1C50, s2;
	[tilespmem:s19+$0x3C0] =	vst v24;
	v32 =	vld.idx.msk [tilespmem:v4+s13+$0x0 ss:$0x1], $0xffff  }
0x571: {  	v30 =	vadd.f32 v23, v22;
	v28 =	vld.idx.msk [tilespmem:v3+s15+$0x0 ss:$0x1], $0xffff  }
0x572: {  	v29 =	vld.idx.msk [tilespmem:v4+s15+$0x0 ss:$0x1], $0xffff  }
0x573: {  	s16 =	sor.u32 $0x1C50, s0;
	[tilespmem:s17+$0x3C0] =	vst v30;
	v33 =	vadd.f32 v26, v25  }
0x574: {  	v34 =	vld.idx.msk [tilespmem:v3+s16+$0x0 ss:$0x1], $0xffff  }
0x575: {  	v35 =	vld.idx.msk [tilespmem:v4+s16+$0x0 ss:$0x1], $0xffff;
	v39 =	vadd.f32 v32, v31;
	[tilespmem:s17+$0xFFFFFFC0] =	vst v33  }
0x576: {  	v37 =	vld.idx.msk [tilespmem:v3+s5+$0x0 ss:$0x1], $0xffff  }
0x577: {  	v36 =	vadd.f32 v29, v28;
	[tilespmem:s19+$0xFFFFFFD0] =	vst v39;
	v38 =	vld.idx.msk [tilespmem:v4+s5+$0x0 ss:$0x1], $0xffff  }
0x578: {  	v43 =	vld.idx.msk [tilespmem:v3+s12+$0x0 ss:$0x1], $0xffff  }
0x579: {  	s20 =	sor.u32 $0x1C60, s2;
	[tilespmem:s19+$0x3D0] =	vst v36;
	v44 =	vld.idx.msk [tilespmem:v4+s12+$0x0 ss:$0x1], $0xffff  }
0x57a: {  	v42 =	vadd.f32 v35, v34;
	v40 =	vld.idx.msk [tilespmem:v3+s20+$0x0 ss:$0x1], $0xffff  }
0x57b: {  	v41 =	vld.idx.msk [tilespmem:v4+s20+$0x0 ss:$0x1], $0xffff  }
0x57c: {  	s21 =	sor.u32 $0x1C60, s0;
	[tilespmem:s17+$0x3D0] =	vst v42;
	v45 =	vadd.f32 v38, v37  }
0x57d: {  	v46 =	vld.idx.msk [tilespmem:v3+s21+$0x0 ss:$0x1], $0xffff  }
0x57e: {  	v47 =	vld.idx.msk [tilespmem:v4+s21+$0x0 ss:$0x1], $0xffff;
	[tilespmem:s17+$0xFFFFFFD0] =	vst v45  }
0x57f: {  	v51 =	vadd.f32 v44, v43;
	v49 =	vld.idx.msk [tilespmem:v3+s4+$0x0 ss:$0x1], $0xffff  }
0x580: {  	v48 =	vadd.f32 v41, v40;
	v50 =	vld.idx.msk [tilespmem:v4+s4+$0x0 ss:$0x1], $0xffff  }
0x581: {  	[tilespmem:s19+$0xFFFFFFE0] =	vst v51  }
0x582: {  	s22 =	sor.u32 $0x1C70, s2;
	[tilespmem:s19+$0x3E0] =	vst v48;
	v55 =	vld.idx.msk [tilespmem:v3+s9+$0x0 ss:$0x1], $0xffff  }
0x583: {  	v54 =	vadd.f32 v47, v46;
	v52 =	vld.idx.msk [tilespmem:v3+s22+$0x0 ss:$0x1], $0xffff  }
0x584: {  	v53 =	vld.idx.msk [tilespmem:v4+s22+$0x0 ss:$0x1], $0xffff  }
0x585: {  	s0 =	sor.u32 $0x1C70, s0;
	v56 =	vld.idx.msk [tilespmem:v4+s9+$0x0 ss:$0x1], $0xffff;
	[tilespmem:s17+$0x3E0] =	vst v54;
	v57 =	vadd.f32 v50, v49  }
0x586: {  	v58 =	vld.idx.msk [tilespmem:v3+s0+$0x0 ss:$0x1], $0xffff  }
0x587: {  	v59 =	vld.idx.msk [tilespmem:v4+s0+$0x0 ss:$0x1], $0xffff;
	[tilespmem:s17+$0xFFFFFFE0] =	vst v57  }
0x588: {  	v5 =	vadd.f32 v6, v5;
	v3 =	vld.idx.msk [tilespmem:v3+s3+$0x0 ss:$0x1], $0xffff  }
0x589: {  	v61 =	vadd.f32 v53, v52;
	v60 =	vld.idx.msk [tilespmem:v4+s3+$0x0 ss:$0x1], $0xffff  }
0x58a: {  	[tilespmem:s18+$0xFFFFFFF0] =	vst v5  }
0x58b: {  	[tilespmem:s19+$0x3F0] =	vst v61  }
0x58c: {  	v62 =	vadd.f32 v56, v55;
	s23 =	sld [smem:$0x7E6]  }
0x58d: {  	v63 =	vadd.f32 v59, v58;
	s24 =	sld [smem:$0x7F4]  }
0x58e: {  	s25 =	sld [smem:$0x7E7];
	[tilespmem:s19+$0xFFFFFFF0] =	vst v62;
	v3 =	vadd.f32 v60, v3  }
0x58f: {  	[tilespmem:s17+$0x3F0] =	vst v63  }
0x590: {  	[tilespmem:s17+$0xFFFFFFF0] =	vst v3  }
0x591: {  	s31 =	sld [smem:$0x7E8];
	_ =	sdelay $0x2  }
0x592: {  	s26 =	rddreg [dreg:$0x3];
	s7 =	sadd.s32 $0x1, s31  }
0x593: {  	s0 =	sshll.u32 s23, $0x14;
	s1 =	sadd.s32 s24, s25;
	p1 =	sne.s32 s7, $0x40  }
.Ltmp5:
0x594: {  	s2 =	sshll.u32 s25, $0x4;
	s1 =	sshll.u32 s1, $0xB;
	(pc) =	sbr.rel @p1 .LBB2_2-.Ltmp5, $4  }
0x595: {  	s2 =	sand.u32 $0x70, s2;
	s0 =	sadd.s32 s26, s0;
	s30 =	sld [smem:$0x7E9]  }
0x596: {  	p0 =	por !p0, !p0;
	s0 =	sadd.s32 s2, s0;
	s1 =	sand.u32 $0xFFFC000, s1  }
0x597: {  	s28 =	simm.s32 $0x400;
	s29 =	simm.s32 $0x80;
	s0 =	sadd.s32 s1, s0  }
0x598: {  	[hbm4b:s0+s29] =	stream.strided.scatter [tilespmem:s30], [sflag:$0x3], $0x4000, s28, s29, $0x38;
	[tilespmem:$0x1C400] =	vst v63  }
0x599: {  	s1 =	simm.s32 $0x3  }
0x59a: {  	_ =	swait.ge [sflag:s1], $0x4000  }
0x59b: {  	[sflag:s1] =	ssyncset.done $0x0  }
0x59c: {  	[sflag:s1] =	ssyncadd.s32 $0xFFFFC000  }
0x59d: {  	_ =	swait.ge [sflag:s1], $0x4000  }
0x59e: {  	s2 =	sld [smem:$0x7F3]  }
0x59f: {  	s0 =	sld [smem:$0x7FD];
	_ =	sdelay $0x1  }
0x5a0: {  	s2 =	sadd.s32 $0x1, s2  }
0x5a1: {  	p0 =	sne.s32 s2, s0  }
.Ltmp6:
0x5a2: {  	_ = 	snop;
	(pc) =	sbr.rel @p0 .LBB2_1-.Ltmp6, $3  }
0x5a3: {  	_ =	sdelay $0x1  }
0x5a4: {  	[sflag:s1] =	ssyncset.done $0x0  }
0x5a5: {  	[sflag:s1] =	ssyncadd.s32 $0xFFFFC000  }
0x5a6: {  	_ =	sfence.sel $0x180000  }
0x5a7: {  	[bflag:$0x0] =	sbarrier.arrive $0xFFFF  }
0x5a8: {  	_ =	strace $0x90000047  }
0x5a9: {  	s0 =	stileid.u32;
	[bflag:$0x2] =	sbarrier.arrive $0xFFFF  }
0x5aa: {  	p0 =	sne.s32 s0, $0x0;
	s0 =	rddreg [dreg:$0x4]  }
0x5ab: {  	s0 =	sadd.s32 @!p0 $0x100000, s0  }
0x5ac: {  	[sflag:s0] =	ssyncadd.tile.s32 @!p0 $0x1;
	_ =	shalt  }
.Lfunc_end2:
_tile_overlayer_lowered:
.L_overlay_start_2:
0x5ad: {  	(tag) =	ssettag $0x2  }
0x5ae: {  	s0 =	rddreg [dreg:$0x0];
	s2 =	stileid.u32  }
0x5af: {  	s1 =	rddreg [dreg:$0x1];
	p0 =	sne.s32 s2, $0x0  }
0x5b0: {  	s3 =	rddreg [dreg:$0x2];
	[bflag:$0x3] =	sbarrier.arrive $0xFFFF;
	s2 =	simm.s32 @!p0 $0x1C04  }
0x5b1: {  	[timem:s3], [sflag:s2] =	dma.local @!p0 [hbm:s0], s1  }
0x5b2: {  	s0 =	simm.s32 @!p0 $0x4  }
0x5b3: {  	_ =	swait.ge @!p0 [sflag:s0], s1  }
0x5b4: {  	s1 =	ssub.s32 @!p0 $0x0, s1;
	[sflag:s0] =	ssyncset.done @!p0 $0x0  }
0x5b5: {  	[sflag:s0] =	ssyncadd.s32 @!p0 s1  }
0x5b6: {  	[bflag:$0x3] =	sbarrier.arrive $0xFFFF  }
0x5b7: {  	_ =	shalt  }

</sc_bundles>
